<compile_context>
chip_gen: v7x
topology: tpu7x:2x2x1
jax: 0.10.2.dev20260603
libtpu: 0.0.44.dev20260713+nightly
codegen_flags: <defaults>
</compile_context>

<pallas_src>
import functools

import jax
import jax.numpy as jnp
from jax import lax
from jax.experimental import pallas as pl
from jax.experimental.pallas import tpu as pltpu
from jax.experimental.pallas import tpu_sc as plsc

F32 = jnp.float32
I32 = jnp.int32
_H = 128
_CH = 128
_NT = 16
_NW = 32

_NPAD = 10240
_BK = _NPAD // _NW
_EPAD = 321536
_PCH = 1024
_NCHP = _EPAD // _PCH
_CAP = 11904




def _full(shape):
    return pl.BlockSpec(shape, lambda i: tuple(0 for _ in shape))


def _mlp_body(x_ref, w1_ref, b1_ref, w2_ref, b2_ref, o_ref):
    h = jnp.dot(x_ref[...], w1_ref[...], preferred_element_type=F32) + b1_ref[...]
    h = jnp.maximum(h, 0.0)
    o_ref[...] = jnp.dot(h, w2_ref[...], preferred_element_type=F32) + b2_ref[...]


def _tc_mlp(x, w1, b1, w2, b2, br):
    r, din = x.shape
    dh = w1.shape[1]
    dout = w2.shape[1]
    return pl.pallas_call(
        _mlp_body,
        grid=(r // br,),
        in_specs=[
            pl.BlockSpec((br, din), lambda i: (i, 0)),
            _full((din, dh)),
            _full((1, dh)),
            _full((dh, dout)),
            _full((1, dout)),
        ],
        out_specs=pl.BlockSpec((br, dout), lambda i: (i, 0)),
        out_shape=jax.ShapeDtypeStruct((r, dout), F32),
    )(x, w1, b1, w2, b2)


def _lin_body(x_ref, w_ref, b_ref, o_ref):
    o_ref[...] = jnp.dot(x_ref[...], w_ref[...], preferred_element_type=F32) + b_ref[...]


def _tc_lin(x, w, b, br):
    r, din = x.shape
    dout = w.shape[1]
    return pl.pallas_call(
        _lin_body,
        grid=(r // br,),
        in_specs=[
            pl.BlockSpec((br, din), lambda i: (i, 0)),
            _full((din, dout)),
            _full((1, dout)),
        ],
        out_specs=pl.BlockSpec((br, dout), lambda i: (i, 0)),
        out_shape=jax.ShapeDtypeStruct((r, dout), F32),
    )(x, w, b)


def _pre_body(h_ref, wa_ref, wb_ref, g_ref, f_ref):
    hb = h_ref[...]
    g_ref[...] = jnp.dot(hb, wa_ref[...], preferred_element_type=F32)
    f_ref[...] = jnp.dot(hb, wb_ref[...], preferred_element_type=F32)


def _tc_pre(h, wa, wb, br):
    r, d = h.shape
    return pl.pallas_call(
        _pre_body,
        grid=(r // br,),
        in_specs=[
            pl.BlockSpec((br, d), lambda i: (i, 0)),
            _full((d, _H)),
            _full((d, _H)),
        ],
        out_specs=[
            pl.BlockSpec((br, _H), lambda i: (i, 0)),
            pl.BlockSpec((br, _H), lambda i: (i, 0)),
        ],
        out_shape=[
            jax.ShapeDtypeStruct((r, _H), F32),
            jax.ShapeDtypeStruct((r, _H), F32),
        ],
    )(h, wa, wb)


def _post_body(h_ref, s_ref, w2_ref, nwa_ref, nwb_ref,
               nb1_ref, nw2_ref, nb2_ref, lg_ref, lb_ref, o_ref):
    agg = jnp.dot(s_ref[...], w2_ref[...], preferred_element_type=F32)
    h = h_ref[...]
    hh = (jnp.dot(h, nwa_ref[...], preferred_element_type=F32)
          + jnp.dot(agg, nwb_ref[...], preferred_element_type=F32) + nb1_ref[...])
    hh = jnp.maximum(hh, 0.0)
    t = h + jnp.dot(hh, nw2_ref[...], preferred_element_type=F32) + nb2_ref[...]
    m = jnp.mean(t, axis=-1, keepdims=True)
    v = jnp.mean((t - m) ** 2, axis=-1, keepdims=True)
    o_ref[...] = (t - m) * lax.rsqrt(v + 1e-5) * lg_ref[...] + lb_ref[...]


def _tc_post(h, s, w2, nwa, nwb, nb1, nw2, nb2, lg, lb, br):
    r, d = h.shape
    return pl.pallas_call(
        _post_body,
        grid=(r // br,),
        in_specs=[
            pl.BlockSpec((br, d), lambda i: (i, 0)),
            pl.BlockSpec((br, d), lambda i: (i, 0)),
            _full((d, d)),
            _full((d, d)),
            _full((d, d)),
            _full((1, d)),
            _full((d, d)),
            _full((1, d)),
            _full((1, d)),
            _full((1, d)),
        ],
        out_specs=pl.BlockSpec((br, d), lambda i: (i, 0)),
        out_shape=jax.ShapeDtypeStruct((r, d), F32),
    )(h, s, w2, nwa, nwb, nb1, nw2, nb2, lg, lb)




def _partition_sc(src, dst):
    mesh = plsc.VectorSubcoreMesh(core_axis_name="c", subcore_axis_name="s")

    @functools.partial(
        pl.kernel,
        out_type=(
            jax.ShapeDtypeStruct((_NW, 8, _CAP), I32),
            jax.ShapeDtypeStruct((_NW, 8, _CAP), I32),
            jax.ShapeDtypeStruct((_NW, 8, _CAP), I32),
            jax.ShapeDtypeStruct((_NW, 8, 16), I32),
        ),
        mesh=mesh,
        compiler_params=pltpu.CompilerParams(needs_layout_passes=False),
        scratch_types=[
            pltpu.VMEM((_PCH,), I32),
            pltpu.VMEM((_PCH,), I32),
            pltpu.VMEM((_CAP,), I32),
            pltpu.VMEM((_CAP,), I32),
            pltpu.VMEM((_CAP,), I32),
            pltpu.VMEM((16,), I32),
            pltpu.SemaphoreType.DMA,
            pltpu.SemaphoreType.DMA,
        ],
    )
    def body(src_hbm, dst_hbm, osrc, odstl, oeid, ocnt,
             srcv, dstv, bsrc, bdstl, beid, cntb, psem0, psem1):
        cid = lax.axis_index("c")
        sid = lax.axis_index("s")
        w = cid * _NT + sid
        zi = jnp.zeros((16,), I32)
        dumv = jnp.full((16,), _BK, I32)

        def pre(r, carry):
            sl = pl.ds(r * 16, 16)
            bsrc[sl] = zi
            beid[sl] = zi
            bdstl[sl] = dumv
            return carry

        lax.fori_loop(0, _CAP // 16, pre, 0)
        lo = w * _BK
        lanes = lax.iota(I32, 16)
        limit = _CAP - 16

        def chunk(i, off):
            base = i * _PCH
            pc0 = pltpu.async_copy(src_hbm.at[pl.ds(base, _PCH)], srcv, psem0)
            pc1 = pltpu.async_copy(dst_hbm.at[pl.ds(base, _PCH)], dstv, psem1)
            pc0.wait()
            pc1.wait()

            def slc(j, off2):
                sl = pl.ds(j * 16, 16)
                sv = srcv[sl]
                dv = dstv[sl]
                eid = base + j * 16 + lanes
                msk = (dv >= lo) & (dv < lo + _BK)
                pos = plsc.cumsum(msk.astype(I32))
                idx = jnp.minimum(off2 + pos - 1, limit)
                plsc.store_scatter(bsrc, [idx], sv, mask=msk)
                plsc.store_scatter(bdstl, [idx], dv - lo, mask=msk)
                plsc.store_scatter(beid, [idx], eid, mask=msk)
                return jnp.minimum(off2 + jnp.max(pos), limit)

            return lax.fori_loop(0, _PCH // 16, slc, off)

        off = lax.fori_loop(0, _NCHP, chunk, 0)
        nch = (off + _CH - 1) // _CH
        cntb[...] = zi + nch
        pltpu.sync_copy(bsrc, osrc.at[w, 0])
        pltpu.sync_copy(bdstl, odstl.at[w, 0])
        pltpu.sync_copy(beid, oeid.at[w, 0])
        pltpu.sync_copy(cntb, ocnt.at[w, 0])

    return body(src, dst)


def _edge_sc(g, f, c, psrc, pdstl, peid, pcnt):
    mesh = plsc.VectorSubcoreMesh(core_axis_name="c", subcore_axis_name="s")

    @functools.partial(
        pl.kernel,
        out_type=jax.ShapeDtypeStruct((_NPAD, _H), F32),
        mesh=mesh,
        compiler_params=pltpu.CompilerParams(needs_layout_passes=False),
        scratch_types=[
            pltpu.VMEM((16,), I32),
            pltpu.VMEM((_CH,), I32),
            pltpu.VMEM((_CH,), I32),
            pltpu.VMEM((_CH + 16,), I32),
            pltpu.VMEM((_CH,), I32),
            pltpu.VMEM((_CH, _H), F32),
            pltpu.VMEM((_CH, _H), F32),
            pltpu.VMEM((_CH, _H), F32),
            pltpu.VMEM((_BK + 8, _H), F32),
            pltpu.SemaphoreType.DMA,
            pltpu.SemaphoreType.DMA,
            pltpu.SemaphoreType.DMA,
        ],
    )
    def body(g_hbm, f_hbm, c_hbm, psrc_hbm, pdstl_hbm, peid_hbm,
             pcnt_hbm, s_out,
             cntv, srcv, gidv, dstlv, eidv, gv, fv, cv, acc,
             sem0, sem1, sem2):
        cid = lax.axis_index("c")
        sid = lax.axis_index("s")
        w = cid * _NT + sid
        zv = jnp.zeros((16,), F32)

        def initr(r, carry):
            for j in range(_H // 16):
                acc[r, pl.ds(j * 16, 16)] = zv
            return carry

        lax.fori_loop(0, _BK + 8, initr, 0)
        row0 = w * _BK
        pltpu.sync_copy(pcnt_hbm.at[w, 0], cntv)
        nch = cntv[pl.ds(0, 16)][0]

        def chunk(i, carry):
            base = i * _CH
            ci0 = pltpu.async_copy(psrc_hbm.at[w, 0, pl.ds(base, _CH)], srcv, sem0)
            ci1 = pltpu.async_copy(pdstl_hbm.at[w, 0, pl.ds(base, _CH)],
                                   dstlv.at[pl.ds(0, _CH)], sem1)
            ci2 = pltpu.async_copy(peid_hbm.at[w, 0, pl.ds(base, _CH)], eidv, sem2)
            ci0.wait()
            ci1.wait()
            ci2.wait()

            def gidr(j, carry2):
                sl = pl.ds(j * 16, 16)
                gidv[sl] = jnp.minimum(dstlv[sl] + row0, _NPAD - 1)
                return carry2

            lax.fori_loop(0, _CH // 16, gidr, 0)
            cpg = pltpu.async_copy(g_hbm.at[srcv], gv, sem0)
            cpf = pltpu.async_copy(f_hbm.at[gidv], fv, sem1)
            cpc = pltpu.async_copy(c_hbm.at[eidv], cv, sem2)
            cpg.wait()
            cpf.wait()
            cpc.wait()

            def rowb(r2, rc):
                ra = r2 * 2
                rb = ra + 1
                rowa = dstlv[pl.ds(ra, 16)][0]
                rowb_ = dstlv[pl.ds(rb, 16)][0]
                for j in range(_H // 16):
                    sl = pl.ds(j * 16, 16)
                    hida = jnp.maximum(gv[ra, sl] + fv[ra, sl] + cv[ra, sl], 0.0)
                    hidb = jnp.maximum(gv[rb, sl] + fv[rb, sl] + cv[rb, sl], 0.0)
                    plsc.addupdate(acc.at[rowa, sl], hida)
                    plsc.addupdate(acc.at[rowb_, sl], hidb)
                return rc

            lax.fori_loop(0, _CH // 2, rowb, 0)
            return carry

        lax.fori_loop(0, nch, chunk, 0)
        for r0, nr in ((0, 160), (160, 160)):
            pltpu.sync_copy(acc.at[pl.ds(r0, nr)], s_out.at[pl.ds(row0 + r0, nr)])

    return body(g, f, c, psrc, pdstl, peid, pcnt)




def kernel(x, edge_index, edge_attr, params):
    n, d = x.shape
    e = edge_index.shape[1]

    src = edge_index[0]
    dst = edge_index[1]
    src_p = jnp.concatenate([src, jnp.zeros((_EPAD - e,), I32)])
    dst_p = jnp.concatenate([dst, jnp.full((_EPAD - e,), n, I32)])
    ea_p = jnp.concatenate([edge_attr, jnp.zeros((_EPAD - e, edge_attr.shape[1]), F32)])
    x_p = jnp.concatenate([x, jnp.zeros((_NPAD - n, d), F32)])

    def r2(b):
        return b.reshape(1, -1)

    enc = params['enc']
    h = _tc_mlp(x_p, enc['W1'], r2(enc['b1']), enc['W2'], r2(enc['b2']), br=2048)
    psrc, pdstl, peid, pcnt = _partition_sc(src_p, dst_p)

    for lp in params['layers']:
        ew1 = lp['edge']['W1']
        w1a, w1b, w1c = ew1[:_H], ew1[_H:2 * _H], ew1[2 * _H:]
        c = _tc_lin(ea_p, w1c, r2(lp['edge']['b1']), br=2048)
        g, f = _tc_pre(h, w1a, w1b, br=2048)
        s = _edge_sc(g, f, c, psrc, pdstl, peid, pcnt)
        nw1 = lp['node']['W1']
        h = _tc_post(h, s, lp['edge']['W2'],
                     nw1[:_H], nw1[_H:], r2(lp['node']['b1']),
                     lp['node']['W2'], r2(lp['node']['b2']),
                     r2(lp['ln']['g']), r2(lp['ln']['b']), br=2048)

    hd = params['head']
    hw2 = jnp.zeros((_H, _H), F32).at[:, :1].set(hd['W2'])
    hb2 = jnp.zeros((1, _H), F32).at[0, 0].set(hd['b2'][0])
    out = _tc_mlp(h, hd['W1'], r2(hd['b1']), hw2, hb2, br=2048)
    return out[:n, :1]

# --- scband reference (transcript-rebuilt; emitter-appended) ---
"""Pipeline reference for scband-track-graph-regressor-gnn-7799660609778 (READ-ONLY COPY).

The authoritative reference and input builder live on the scoring server;
editing this copy changes nothing except your own understanding.
"""

import jax, jax.numpy as jnp
import numpy as np

N = 10000
E = 320000
D = 128
ED = 16
H = 128
L = 3


def _mlp(p, x):
    h = jax.nn.relu(jnp.dot(x, p['W1']) + p['b1'])
    return jnp.dot(h, p['W2']) + p['b2']


def _layernorm(p, x, eps=1e-5):
    m = x.mean(axis=-1, keepdims=True)
    v = ((x - m) ** 2).mean(axis=-1, keepdims=True)
    return (x - m) / jnp.sqrt(v + eps) * p['g'] + p['b']


def _mk_mlp(key, din, dh, dout):
    k1, k2 = jax.random.split(key)
    return {
        'W1': jax.random.normal(k1, (din, dh), dtype=jnp.float32) / np.sqrt(din),
        'b1': jnp.zeros((dh,), dtype=jnp.float32),
        'W2': jax.random.normal(k2, (dh, dout), dtype=jnp.float32) / np.sqrt(dh),
        'b2': jnp.zeros((dout,), dtype=jnp.float32),
    }


def setup_inputs(seed: int = 0) -> dict:
    key = jax.random.key(seed)
    ks = jax.random.split(key, 4 + 2 * L)
    x = jax.random.normal(ks[0], (N, D), dtype=jnp.float32)
    edge_index = jax.random.randint(ks[1], (2, E), 0, N, dtype=jnp.int32)
    edge_attr = jax.random.normal(ks[2], (E, ED), dtype=jnp.float32)
    layers = []
    for i in range(L):
        layers.append({
            'edge': _mk_mlp(ks[4 + 2 * i], 2 * H + ED, 128, H),
            'node': _mk_mlp(ks[5 + 2 * i], 2 * H, 128, H),
            'ln': {'g': jnp.ones((H,), dtype=jnp.float32), 'b': jnp.zeros((H,), dtype=jnp.float32)},
        })
    params = {
        'enc': _mk_mlp(ks[3], D, H, H),
        'layers': layers,
        'head': _mk_mlp(jax.random.fold_in(key, 99), H, H, 1),
    }
    return {'x': x, 'edge_index': edge_index, 'edge_attr': edge_attr, 'params': params}


def reference(x, edge_index, edge_attr, params):
    src = edge_index[0]
    dst = edge_index[1]
    h = _mlp(params['enc'], x)
    for lp in params['layers']:
        h_src = jnp.take(h, src, axis=0)
        h_dst = jnp.take(h, dst, axis=0)
        m_in = jnp.concatenate([h_src, h_dst, edge_attr], axis=1)
        m = _mlp(lp['edge'], m_in)
        agg = jax.ops.segment_sum(m, dst, num_segments=h.shape[0])
        h_upd = _mlp(lp['node'], jnp.concatenate([h, agg], axis=1))
        h = _layernorm(lp['ln'], h + h_upd)
    out = _mlp(params['head'], h)
    return out

if __name__ == "__main__":
    import jax
    _d = setup_inputs()
    print(jax.jit(kernel)(*tuple(_d.values())))

</pallas_src>

<mosaic_0001>
#map = affine_map<(d0, d1) -> (0)>
#map1 = affine_map<(d0, d1) -> (0, 0, 0)>
module attributes {stable_mosaic.version = 14 : i64} {
  func.func @body(%arg0: i32, %arg1: i32, %arg2: memref<321536xi32, #tpu.memory_space<hbm>>, %arg3: memref<321536xi32, #tpu.memory_space<hbm>>, %arg4: memref<32x8x11904xi32, #tpu.memory_space<hbm>>, %arg5: memref<32x8x11904xi32, #tpu.memory_space<hbm>>, %arg6: memref<32x8x11904xi32, #tpu.memory_space<hbm>>, %arg7: memref<32x8x16xi32, #tpu.memory_space<hbm>>, %arg8: memref<1024xi32, #tpu.memory_space<vmem>>, %arg9: memref<1024xi32, #tpu.memory_space<vmem>>, %arg10: memref<11904xi32, #tpu.memory_space<vmem>>, %arg11: memref<11904xi32, #tpu.memory_space<vmem>>, %arg12: memref<11904xi32, #tpu.memory_space<vmem>>, %arg13: memref<16xi32, #tpu.memory_space<vmem>>, %arg14: memref<!tpu.dma_semaphore, #tpu.memory_space<semaphore_mem>>, %arg15: memref<!tpu.dma_semaphore, #tpu.memory_space<semaphore_mem>>) attributes {dimension_semantics = [#tpu.dimension_semantics<core_parallel>, #tpu.dimension_semantics<subcore_parallel>], iteration_bounds = array<i64: 2, 16>, scalar_prefetch = 0 : i64, scratch_operands = 8 : i64, tpu.core_type = #tpu.core_type<sc_vector_subcore>, window_params = [{transform_indices = #map}, {transform_indices = #map}, {transform_indices = #map1}, {transform_indices = #map1}, {transform_indices = #map1}, {transform_indices = #map1}]} {
    %mul3A = arith.constant 16 : i32
    %mul3A_0 = arith.muli %arg0, %mul3A : i32
    %add3A = arith.addi %mul3A_0, %arg1 : i32
    %broadcast_in_dim3A = arith.constant 0 : i32
    %broadcast_in_dim3A_1 = vector.broadcast %broadcast_in_dim3A : i32 to vector<16xi32>
    %broadcast_in_dim3A_2 = arith.constant 320 : i32
    %broadcast_in_dim3A_3 = vector.broadcast %broadcast_in_dim3A_2 : i32 to vector<16xi32>
    %scan3A = arith.constant 0 : i32
    %scan3A_4 = arith.constant 0 : i32
    %scan3A_5 = arith.constant 744 : i32
    %scan3A_6 = arith.addi %scan3A_4, %scan3A_5 : i32
    %scan3A_7 = arith.constant 1 : i32
    scf.for %scan3A_44 = %scan3A_4 to %scan3A_6 step %scan3A_7  : i32 {
      %mul3A_45 = arith.constant 16 : i32
      %mul3A_46 = arith.muli %scan3A_44, %mul3A_45 : i32
      %swap3A_47 = arith.index_cast %mul3A_46 : i32 to index
      %swap3A_48 = tpu.vector_load %arg10[%swap3A_47] {strides = array<i32>} : memref<11904xi32, #tpu.memory_space<vmem>>, vector<16xi32>,
      tpu.vector_store %arg10[%swap3A_47], %broadcast_in_dim3A_1 {strides = array<i32>} : memref<11904xi32, #tpu.memory_space<vmem>>, vector<16xi32>,
      %swap3A_49 = arith.index_cast %mul3A_46 : i32 to index
      %swap3A_50 = tpu.vector_load %arg12[%swap3A_49] {strides = array<i32>} : memref<11904xi32, #tpu.memory_space<vmem>>, vector<16xi32>,
      tpu.vector_store %arg12[%swap3A_49], %broadcast_in_dim3A_1 {strides = array<i32>} : memref<11904xi32, #tpu.memory_space<vmem>>, vector<16xi32>,
      %swap3A_51 = arith.index_cast %mul3A_46 : i32 to index
      %swap3A_52 = tpu.vector_load %arg11[%swap3A_51] {strides = array<i32>} : memref<11904xi32, #tpu.memory_space<vmem>>, vector<16xi32>,
      tpu.vector_store %arg11[%swap3A_51], %broadcast_in_dim3A_3 {strides = array<i32>} : memref<11904xi32, #tpu.memory_space<vmem>>, vector<16xi32>,
    }
    %scan3A_8 = arith.constant 744 : i32
    %mul3A_9 = arith.constant 320 : i32
    %mul3A_10 = arith.muli %add3A, %mul3A_9 : i32
    %iota3A = tpu.iota {dimensions = array<i32: 0>} : vector<16xi32>
    %scan3A_11 = arith.constant 0 : i32
    %scan3A_12 = arith.constant 0 : i32
    %scan3A_13 = arith.constant 314 : i32
    %scan3A_14 = arith.addi %scan3A_12, %scan3A_13 : i32
    %scan3A_15 = arith.constant 1 : i32
    %scan3A_16 = scf.for %scan3A_44 = %scan3A_12 to %scan3A_14 step %scan3A_15 iter_args(%scan3A_45 = %scan3A_11) -> (i32)  : i32 {
      %mul3A_46 = arith.constant 1024 : i32
      %mul3A_47 = arith.muli %scan3A_44, %mul3A_46 : i32
      %dma_start3A = tpu.memref_slice %arg2[%mul3A_47] : memref<321536xi32, #tpu.memory_space<hbm>> -> memref<1024xi32, #tpu.memory_space<hbm>>
      %dma_start3A_48 = tpu.memref_slice %arg2[%mul3A_47] : memref<321536xi32, #tpu.memory_space<hbm>> -> memref<1024xi32, #tpu.memory_space<hbm>>
      tpu.enqueue_dma source(%dma_start3A_48 : memref<1024xi32, #tpu.memory_space<hbm>>) target(%arg8 : memref<1024xi32, #tpu.memory_space<vmem>>) target_semaphore(%arg14 : memref<!tpu.dma_semaphore, #tpu.memory_space<semaphore_mem>>)
      %dma_start3A_49 = tpu.memref_slice %arg3[%mul3A_47] : memref<321536xi32, #tpu.memory_space<hbm>> -> memref<1024xi32, #tpu.memory_space<hbm>>
      %dma_start3A_50 = tpu.memref_slice %arg3[%mul3A_47] : memref<321536xi32, #tpu.memory_space<hbm>> -> memref<1024xi32, #tpu.memory_space<hbm>>
      tpu.enqueue_dma source(%dma_start3A_50 : memref<1024xi32, #tpu.memory_space<hbm>>) target(%arg9 : memref<1024xi32, #tpu.memory_space<vmem>>) target_semaphore(%arg15 : memref<!tpu.dma_semaphore, #tpu.memory_space<semaphore_mem>>)
      %dma_wait3A = tpu.memref_slice %arg2[%mul3A_47] : memref<321536xi32, #tpu.memory_space<hbm>> -> memref<1024xi32, #tpu.memory_space<hbm>>
      %dma_wait3A_51 = tpu.memref_slice %arg2[%mul3A_47] : memref<321536xi32, #tpu.memory_space<hbm>> -> memref<1024xi32, #tpu.memory_space<hbm>>
      tpu.wait_dma2 semaphore(%arg14 : memref<!tpu.dma_semaphore, #tpu.memory_space<semaphore_mem>>) src(%dma_wait3A_51 : memref<1024xi32, #tpu.memory_space<hbm>>) dst(%arg8 : memref<1024xi32, #tpu.memory_space<vmem>>)
      %dma_wait3A_52 = tpu.memref_slice %arg3[%mul3A_47] : memref<321536xi32, #tpu.memory_space<hbm>> -> memref<1024xi32, #tpu.memory_space<hbm>>
      %dma_wait3A_53 = tpu.memref_slice %arg3[%mul3A_47] : memref<321536xi32, #tpu.memory_space<hbm>> -> memref<1024xi32, #tpu.memory_space<hbm>>
      tpu.wait_dma2 semaphore(%arg15 : memref<!tpu.dma_semaphore, #tpu.memory_space<semaphore_mem>>) src(%dma_wait3A_53 : memref<1024xi32, #tpu.memory_space<hbm>>) dst(%arg9 : memref<1024xi32, #tpu.memory_space<vmem>>)
      %scan3A_54 = arith.constant 0 : i32
      %scan3A_55 = arith.constant 64 : i32
      %scan3A_56 = arith.addi %scan3A_54, %scan3A_55 : i32
      %scan3A_57 = arith.constant 1 : i32
      %scan3A_58 = scf.for %scan3A_60 = %scan3A_54 to %scan3A_56 step %scan3A_57 iter_args(%scan3A_61 = %scan3A_45) -> (i32)  : i32 {
        %mul3A_62 = arith.constant 16 : i32
        %mul3A_63 = arith.muli %scan3A_60, %mul3A_62 : i32
        %get3A = arith.index_cast %mul3A_63 : i32 to index
        %get3A_64 = tpu.vector_load %arg8[%get3A] {strides = array<i32>} : memref<1024xi32, #tpu.memory_space<vmem>>, vector<16xi32>,
        %get3A_65 = arith.index_cast %mul3A_63 : i32 to index
        %get3A_66 = tpu.vector_load %arg9[%get3A_65] {strides = array<i32>} : memref<1024xi32, #tpu.memory_space<vmem>>, vector<16xi32>,
        %mul3A_67 = arith.constant 16 : i32
        %mul3A_68 = arith.muli %scan3A_60, %mul3A_67 : i32
        %add3A_69 = arith.addi %mul3A_47, %mul3A_68 : i32
        %add3A_70 = vector.broadcast %add3A_69 : i32 to vector<16xi32>
        %add3A_71 = arith.addi %add3A_70, %iota3A : vector<16xi32>
        %ge3A = vector.broadcast %mul3A_10 : i32 to vector<16xi32>
        %ge3A_72 = arith.cmpi sge, %get3A_66, %ge3A : vector<16xi32>
        %add3A_73 = arith.constant 320 : i32
        %add3A_74 = arith.addi %mul3A_10, %add3A_73 : i32
        %lt3A = vector.broadcast %add3A_74 : i32 to vector<16xi32>
        %lt3A_75 = arith.cmpi slt, %get3A_66, %lt3A : vector<16xi32>
        %and3A_76 = arith.andi %ge3A_72, %lt3A_75 : vector<16xi1>
        %convert_element_type3A = arith.extui %and3A_76 : vector<16xi1> to vector<16xi32>
        %broadcast_in_dim3A_77 = arith.constant true
        %broadcast_in_dim3A_78 = vector.broadcast %broadcast_in_dim3A_77 : i1 to vector<16xi1>
        %masked_cumsum3A = tpu.scan <sum>, %convert_element_type3A masked %broadcast_in_dim3A_78 : vector<16xi32>, vector<16xi1> -> vector<16xi32>
        %add3A_79 = vector.broadcast %scan3A_61 : i32 to vector<16xi32>
        %add3A_80 = arith.addi %add3A_79, %masked_cumsum3A : vector<16xi32>
        %sub3A_81 = arith.constant 1 : i32
        %sub3A_82 = vector.broadcast %sub3A_81 : i32 to vector<16xi32>
        %sub3A_83 = arith.subi %add3A_80, %sub3A_82 : vector<16xi32>
        %min3A = arith.constant 11888 : i32
        %min3A_84 = vector.broadcast %min3A : i32 to vector<16xi32>
        %min3A_85 = arith.minsi %sub3A_83, %min3A_84 : vector<16xi32>
        tpu.vector_store_idx %arg10[%min3A_85], %get3A_64 masked %and3A_76 : memref<11904xi32, #tpu.memory_space<vmem>>[vector<16xi32>], vector<16xi32>, vector<16xi1>
        %sub3A_86 = vector.broadcast %mul3A_10 : i32 to vector<16xi32>
        %sub3A_87 = arith.subi %get3A_66, %sub3A_86 : vector<16xi32>
        tpu.vector_store_idx %arg11[%min3A_85], %sub3A_87 masked %and3A_76 : memref<11904xi32, #tpu.memory_space<vmem>>[vector<16xi32>], vector<16xi32>, vector<16xi1>
        tpu.vector_store_idx %arg12[%min3A_85], %add3A_71 masked %and3A_76 : memref<11904xi32, #tpu.memory_space<vmem>>[vector<16xi32>], vector<16xi32>, vector<16xi1>
        %reduce_max3A = arith.constant true
        %reduce_max3A_88 = vector.broadcast %reduce_max3A : i1 to vector<16xi1>
        %reduce_max3A_89 = arith.constant -2147483648 : i32
        %reduce_max3A_90 = vector.broadcast %reduce_max3A_89 : i32 to vector<16xi32>
        %reduce_max3A_91 = arith.xori %masked_cumsum3A, %reduce_max3A_90 : vector<16xi32>
        %reduce_max3A_92 = tpu.scan <max>, %reduce_max3A_91 masked %reduce_max3A_88 : vector<16xi32>, vector<16xi1> -> vector<16xi32>
        %reduce_max3A_93 = arith.xori %reduce_max3A_92, %reduce_max3A_90 : vector<16xi32>
        %reduce_max3A_94 = vector.extract %reduce_max3A_93[15] : i32 from vector<16xi32>
        %add3A_95 = arith.addi %scan3A_61, %reduce_max3A_94 : i32
        %min3A_96 = arith.constant 11888 : i32
        %min3A_97 = arith.minsi %add3A_95, %min3A_96 : i32
        scf.yield %min3A_97 : i32
      }
      %scan3A_59 = arith.constant 64 : i32
      scf.yield %scan3A_58 : i32
    }
    %scan3A_17 = arith.constant 314 : i32
    %add3A_18 = arith.constant 128 : i32
    %add3A_19 = arith.addi %scan3A_16, %add3A_18 : i32
    %sub3A = arith.constant 1 : i32
    %sub3A_20 = arith.subi %add3A_19, %sub3A : i32
    %jit3A = arith.constant 128 : i32
    %div3A = arith.divsi %sub3A_20, %jit3A : i32
    %sign3A = arith.constant 0 : i32
    %sign3A_21 = arith.cmpi sgt, %sub3A_20, %sign3A : i32
    %sign3A_22 = arith.extui %sign3A_21 : i1 to i32
    %sign3A_23 = arith.constant 0 : i32
    %sign3A_24 = arith.cmpi slt, %sub3A_20, %sign3A_23 : i32
    %sign3A_25 = arith.extui %sign3A_24 : i1 to i32
    %sign3A_26 = arith.subi %sign3A_22, %sign3A_25 : i32
    %sign3A_27 = arith.constant 0 : i32
    %sign3A_28 = arith.cmpi sgt, %jit3A, %sign3A_27 : i32
    %sign3A_29 = arith.extui %sign3A_28 : i1 to i32
    %sign3A_30 = arith.constant 0 : i32
    %sign3A_31 = arith.cmpi slt, %jit3A, %sign3A_30 : i32
    %sign3A_32 = arith.extui %sign3A_31 : i1 to i32
    %sign3A_33 = arith.subi %sign3A_29, %sign3A_32 : i32
    %ne3A = arith.cmpi ne, %sign3A_26, %sign3A_33 : i32
    %rem3A = arith.remsi %sub3A_20, %jit3A : i32
    %ne3A_34 = arith.constant 0 : i32
    %ne3A_35 = arith.cmpi ne, %rem3A, %ne3A_34 : i32
    %and3A = arith.andi %ne3A, %ne3A_35 : i1
    %sub3A_36 = arith.constant 1 : i32
    %sub3A_37 = arith.subi %div3A, %sub3A_36 : i32
    %select_n3A = arith.select %and3A, %sub3A_37, %div3A : i32
    %add3A_38 = vector.broadcast %select_n3A : i32 to vector<16xi32>
    %add3A_39 = arith.addi %broadcast_in_dim3A_1, %add3A_38 : vector<16xi32>
    %swap3A = arith.constant 0 : index
    %swap3A_40 = tpu.vector_load %arg13[%swap3A] {strides = array<i32>} : memref<16xi32, #tpu.memory_space<vmem>>, vector<16xi32>,
    tpu.vector_store %arg13[%swap3A], %add3A_39 {strides = array<i32>} : memref<16xi32, #tpu.memory_space<vmem>>, vector<16xi32>,
    %run_scoped3A = arith.constant 0 : i32
    "tpu.region"() ({
      %run_scoped3A_44 = tpu.sem_alloc : memref<!tpu.dma_semaphore, #tpu.memory_space<semaphore_mem>>
      %dma_start3A = arith.constant 0 : i32
      %dma_start3A_45 = tpu.memref_slice %arg4[%add3A, %run_scoped3A, %dma_start3A] : memref<32x8x11904xi32, #tpu.memory_space<hbm>> -> memref<1x1x11904xi32, #tpu.memory_space<hbm>>
      %dma_start3A_46 = tpu.memref_squeeze %dma_start3A_45 : memref<1x1x11904xi32, #tpu.memory_space<hbm>> -> memref<11904xi32, #tpu.memory_space<hbm>>
      %dma_start3A_47 = arith.constant 0 : i32
      %dma_start3A_48 = tpu.memref_slice %arg4[%add3A, %run_scoped3A, %dma_start3A_47] : memref<32x8x11904xi32, #tpu.memory_space<hbm>> -> memref<1x1x11904xi32, #tpu.memory_space<hbm>>
      %dma_start3A_49 = tpu.memref_squeeze %dma_start3A_48 : memref<1x1x11904xi32, #tpu.memory_space<hbm>> -> memref<11904xi32, #tpu.memory_space<hbm>>
      tpu.enqueue_dma source(%arg10 : memref<11904xi32, #tpu.memory_space<vmem>>) target(%dma_start3A_49 : memref<11904xi32, #tpu.memory_space<hbm>>) target_semaphore(%run_scoped3A_44 : memref<!tpu.dma_semaphore, #tpu.memory_space<semaphore_mem>>)
      %dma_wait3A = arith.constant 0 : i32
      %dma_wait3A_50 = tpu.memref_slice %arg4[%add3A, %run_scoped3A, %dma_wait3A] : memref<32x8x11904xi32, #tpu.memory_space<hbm>> -> memref<1x1x11904xi32, #tpu.memory_space<hbm>>
      %dma_wait3A_51 = tpu.memref_squeeze %dma_wait3A_50 : memref<1x1x11904xi32, #tpu.memory_space<hbm>> -> memref<11904xi32, #tpu.memory_space<hbm>>
      %dma_wait3A_52 = arith.constant 0 : i32
      %dma_wait3A_53 = tpu.memref_slice %arg4[%add3A, %run_scoped3A, %dma_wait3A_52] : memref<32x8x11904xi32, #tpu.memory_space<hbm>> -> memref<1x1x11904xi32, #tpu.memory_space<hbm>>
      %dma_wait3A_54 = tpu.memref_squeeze %dma_wait3A_53 : memref<1x1x11904xi32, #tpu.memory_space<hbm>> -> memref<11904xi32, #tpu.memory_space<hbm>>
      tpu.wait_dma2 semaphore(%run_scoped3A_44 : memref<!tpu.dma_semaphore, #tpu.memory_space<semaphore_mem>>) src(%arg10 : memref<11904xi32, #tpu.memory_space<vmem>>) dst(%dma_wait3A_54 : memref<11904xi32, #tpu.memory_space<hbm>>)
      tpu.yield
    }) : () -> ()
    %run_scoped3A_41 = arith.constant 0 : i32
    "tpu.region"() ({
      %run_scoped3A_44 = tpu.sem_alloc : memref<!tpu.dma_semaphore, #tpu.memory_space<semaphore_mem>>
      %dma_start3A = arith.constant 0 : i32
      %dma_start3A_45 = tpu.memref_slice %arg5[%add3A, %run_scoped3A_41, %dma_start3A] : memref<32x8x11904xi32, #tpu.memory_space<hbm>> -> memref<1x1x11904xi32, #tpu.memory_space<hbm>>
      %dma_start3A_46 = tpu.memref_squeeze %dma_start3A_45 : memref<1x1x11904xi32, #tpu.memory_space<hbm>> -> memref<11904xi32, #tpu.memory_space<hbm>>
      %dma_start3A_47 = arith.constant 0 : i32
      %dma_start3A_48 = tpu.memref_slice %arg5[%add3A, %run_scoped3A_41, %dma_start3A_47] : memref<32x8x11904xi32, #tpu.memory_space<hbm>> -> memref<1x1x11904xi32, #tpu.memory_space<hbm>>
      %dma_start3A_49 = tpu.memref_squeeze %dma_start3A_48 : memref<1x1x11904xi32, #tpu.memory_space<hbm>> -> memref<11904xi32, #tpu.memory_space<hbm>>
      tpu.enqueue_dma source(%arg11 : memref<11904xi32, #tpu.memory_space<vmem>>) target(%dma_start3A_49 : memref<11904xi32, #tpu.memory_space<hbm>>) target_semaphore(%run_scoped3A_44 : memref<!tpu.dma_semaphore, #tpu.memory_space<semaphore_mem>>)
      %dma_wait3A = arith.constant 0 : i32
      %dma_wait3A_50 = tpu.memref_slice %arg5[%add3A, %run_scoped3A_41, %dma_wait3A] : memref<32x8x11904xi32, #tpu.memory_space<hbm>> -> memref<1x1x11904xi32, #tpu.memory_space<hbm>>
      %dma_wait3A_51 = tpu.memref_squeeze %dma_wait3A_50 : memref<1x1x11904xi32, #tpu.memory_space<hbm>> -> memref<11904xi32, #tpu.memory_space<hbm>>
      %dma_wait3A_52 = arith.constant 0 : i32
      %dma_wait3A_53 = tpu.memref_slice %arg5[%add3A, %run_scoped3A_41, %dma_wait3A_52] : memref<32x8x11904xi32, #tpu.memory_space<hbm>> -> memref<1x1x11904xi32, #tpu.memory_space<hbm>>
      %dma_wait3A_54 = tpu.memref_squeeze %dma_wait3A_53 : memref<1x1x11904xi32, #tpu.memory_space<hbm>> -> memref<11904xi32, #tpu.memory_space<hbm>>
      tpu.wait_dma2 semaphore(%run_scoped3A_44 : memref<!tpu.dma_semaphore, #tpu.memory_space<semaphore_mem>>) src(%arg11 : memref<11904xi32, #tpu.memory_space<vmem>>) dst(%dma_wait3A_54 : memref<11904xi32, #tpu.memory_space<hbm>>)
      tpu.yield
    }) : () -> ()
    %run_scoped3A_42 = arith.constant 0 : i32
    "tpu.region"() ({
      %run_scoped3A_44 = tpu.sem_alloc : memref<!tpu.dma_semaphore, #tpu.memory_space<semaphore_mem>>
      %dma_start3A = arith.constant 0 : i32
      %dma_start3A_45 = tpu.memref_slice %arg6[%add3A, %run_scoped3A_42, %dma_start3A] : memref<32x8x11904xi32, #tpu.memory_space<hbm>> -> memref<1x1x11904xi32, #tpu.memory_space<hbm>>
      %dma_start3A_46 = tpu.memref_squeeze %dma_start3A_45 : memref<1x1x11904xi32, #tpu.memory_space<hbm>> -> memref<11904xi32, #tpu.memory_space<hbm>>
      %dma_start3A_47 = arith.constant 0 : i32
      %dma_start3A_48 = tpu.memref_slice %arg6[%add3A, %run_scoped3A_42, %dma_start3A_47] : memref<32x8x11904xi32, #tpu.memory_space<hbm>> -> memref<1x1x11904xi32, #tpu.memory_space<hbm>>
      %dma_start3A_49 = tpu.memref_squeeze %dma_start3A_48 : memref<1x1x11904xi32, #tpu.memory_space<hbm>> -> memref<11904xi32, #tpu.memory_space<hbm>>
      tpu.enqueue_dma source(%arg12 : memref<11904xi32, #tpu.memory_space<vmem>>) target(%dma_start3A_49 : memref<11904xi32, #tpu.memory_space<hbm>>) target_semaphore(%run_scoped3A_44 : memref<!tpu.dma_semaphore, #tpu.memory_space<semaphore_mem>>)
      %dma_wait3A = arith.constant 0 : i32
      %dma_wait3A_50 = tpu.memref_slice %arg6[%add3A, %run_scoped3A_42, %dma_wait3A] : memref<32x8x11904xi32, #tpu.memory_space<hbm>> -> memref<1x1x11904xi32, #tpu.memory_space<hbm>>
      %dma_wait3A_51 = tpu.memref_squeeze %dma_wait3A_50 : memref<1x1x11904xi32, #tpu.memory_space<hbm>> -> memref<11904xi32, #tpu.memory_space<hbm>>
      %dma_wait3A_52 = arith.constant 0 : i32
      %dma_wait3A_53 = tpu.memref_slice %arg6[%add3A, %run_scoped3A_42, %dma_wait3A_52] : memref<32x8x11904xi32, #tpu.memory_space<hbm>> -> memref<1x1x11904xi32, #tpu.memory_space<hbm>>
      %dma_wait3A_54 = tpu.memref_squeeze %dma_wait3A_53 : memref<1x1x11904xi32, #tpu.memory_space<hbm>> -> memref<11904xi32, #tpu.memory_space<hbm>>
      tpu.wait_dma2 semaphore(%run_scoped3A_44 : memref<!tpu.dma_semaphore, #tpu.memory_space<semaphore_mem>>) src(%arg12 : memref<11904xi32, #tpu.memory_space<vmem>>) dst(%dma_wait3A_54 : memref<11904xi32, #tpu.memory_space<hbm>>)
      tpu.yield
    }) : () -> ()
    %run_scoped3A_43 = arith.constant 0 : i32
    "tpu.region"() ({
      %run_scoped3A_44 = tpu.sem_alloc : memref<!tpu.dma_semaphore, #tpu.memory_space<semaphore_mem>>
      %dma_start3A = arith.constant 0 : i32
      %dma_start3A_45 = tpu.memref_slice %arg7[%add3A, %run_scoped3A_43, %dma_start3A] : memref<32x8x16xi32, #tpu.memory_space<hbm>> -> memref<1x1x16xi32, #tpu.memory_space<hbm>>
      %dma_start3A_46 = tpu.memref_squeeze %dma_start3A_45 : memref<1x1x16xi32, #tpu.memory_space<hbm>> -> memref<16xi32, #tpu.memory_space<hbm>>
      %dma_start3A_47 = arith.constant 0 : i32
      %dma_start3A_48 = tpu.memref_slice %arg7[%add3A, %run_scoped3A_43, %dma_start3A_47] : memref<32x8x16xi32, #tpu.memory_space<hbm>> -> memref<1x1x16xi32, #tpu.memory_space<hbm>>
      %dma_start3A_49 = tpu.memref_squeeze %dma_start3A_48 : memref<1x1x16xi32, #tpu.memory_space<hbm>> -> memref<16xi32, #tpu.memory_space<hbm>>
      tpu.enqueue_dma source(%arg13 : memref<16xi32, #tpu.memory_space<vmem>>) target(%dma_start3A_49 : memref<16xi32, #tpu.memory_space<hbm>>) target_semaphore(%run_scoped3A_44 : memref<!tpu.dma_semaphore, #tpu.memory_space<semaphore_mem>>)
      %dma_wait3A = arith.constant 0 : i32
      %dma_wait3A_50 = tpu.memref_slice %arg7[%add3A, %run_scoped3A_43, %dma_wait3A] : memref<32x8x16xi32, #tpu.memory_space<hbm>> -> memref<1x1x16xi32, #tpu.memory_space<hbm>>
      %dma_wait3A_51 = tpu.memref_squeeze %dma_wait3A_50 : memref<1x1x16xi32, #tpu.memory_space<hbm>> -> memref<16xi32, #tpu.memory_space<hbm>>
      %dma_wait3A_52 = arith.constant 0 : i32
      %dma_wait3A_53 = tpu.memref_slice %arg7[%add3A, %run_scoped3A_43, %dma_wait3A_52] : memref<32x8x16xi32, #tpu.memory_space<hbm>> -> memref<1x1x16xi32, #tpu.memory_space<hbm>>
      %dma_wait3A_54 = tpu.memref_squeeze %dma_wait3A_53 : memref<1x1x16xi32, #tpu.memory_space<hbm>> -> memref<16xi32, #tpu.memory_space<hbm>>
      tpu.wait_dma2 semaphore(%run_scoped3A_44 : memref<!tpu.dma_semaphore, #tpu.memory_space<semaphore_mem>>) src(%arg13 : memref<16xi32, #tpu.memory_space<vmem>>) dst(%dma_wait3A_54 : memref<16xi32, #tpu.memory_space<hbm>>)
      tpu.yield
    }) : () -> ()
    return
  }
}

#map = affine_map<(d0, d1) -> (0, 0)>
#map1 = affine_map<(d0, d1) -> (0, 0, 0)>
module attributes {stable_mosaic.version = 14 : i64} {
  func.func @body(%arg0: i32, %arg1: i32, %arg2: memref<10240x128xf32, #tpu.memory_space<hbm>>, %arg3: memref<10240x128xf32, #tpu.memory_space<hbm>>, %arg4: memref<321536x128xf32, #tpu.memory_space<hbm>>, %arg5: memref<32x8x11904xi32, #tpu.memory_space<hbm>>, %arg6: memref<32x8x11904xi32, #tpu.memory_space<hbm>>, %arg7: memref<32x8x11904xi32, #tpu.memory_space<hbm>>, %arg8: memref<32x8x16xi32, #tpu.memory_space<hbm>>, %arg9: memref<10240x128xf32, #tpu.memory_space<hbm>>, %arg10: memref<16xi32, #tpu.memory_space<vmem>>, %arg11: memref<128xi32, #tpu.memory_space<vmem>>, %arg12: memref<128xi32, #tpu.memory_space<vmem>>, %arg13: memref<144xi32, #tpu.memory_space<vmem>>, %arg14: memref<128xi32, #tpu.memory_space<vmem>>, %arg15: memref<128x128xf32, #tpu.memory_space<vmem>>, %arg16: memref<128x128xf32, #tpu.memory_space<vmem>>, %arg17: memref<128x128xf32, #tpu.memory_space<vmem>>, %arg18: memref<328x128xf32, #tpu.memory_space<vmem>>, %arg19: memref<!tpu.dma_semaphore, #tpu.memory_space<semaphore_mem>>, %arg20: memref<!tpu.dma_semaphore, #tpu.memory_space<semaphore_mem>>, %arg21: memref<!tpu.dma_semaphore, #tpu.memory_space<semaphore_mem>>) attributes {dimension_semantics = [#tpu.dimension_semantics<core_parallel>, #tpu.dimension_semantics<subcore_parallel>], iteration_bounds = array<i64: 2, 16>, scalar_prefetch = 0 : i64, scratch_operands = 12 : i64, tpu.core_type = #tpu.core_type<sc_vector_subcore>, window_params = [{transform_indices = #map}, {transform_indices = #map}, {transform_indices = #map}, {transform_indices = #map1}, {transform_indices = #map1}, {transform_indices = #map1}, {transform_indices = #map1}, {transform_indices = #map}]} {
    %mul3A = arith.constant 16 : i32
    %mul3A_0 = arith.muli %arg0, %mul3A : i32
    %add3A = arith.addi %mul3A_0, %arg1 : i32
    %broadcast_in_dim3A = arith.constant 0.000000e+00 : f32
    %broadcast_in_dim3A_1 = vector.broadcast %broadcast_in_dim3A : f32 to vector<16xf32>
    %scan3A = arith.constant 0 : i32
    %scan3A_2 = arith.constant 0 : i32
    %scan3A_3 = arith.constant 328 : i32
    %scan3A_4 = arith.addi %scan3A_2, %scan3A_3 : i32
    %scan3A_5 = arith.constant 1 : i32
    scf.for %scan3A_23 = %scan3A_2 to %scan3A_4 step %scan3A_5  : i32 {
      %swap3A = arith.index_cast %scan3A_23 : i32 to index
      %swap3A_24 = arith.constant 0 : index
      %swap3A_25 = tpu.vector_load %arg18[%swap3A, %swap3A_24] {strides = array<i32>} : memref<328x128xf32, #tpu.memory_space<vmem>>, vector<16xf32>,
      tpu.vector_store %arg18[%swap3A, %swap3A_24], %broadcast_in_dim3A_1 {strides = array<i32>} : memref<328x128xf32, #tpu.memory_space<vmem>>, vector<16xf32>,
      %swap3A_26 = arith.index_cast %scan3A_23 : i32 to index
      %swap3A_27 = arith.constant 16 : index
      %swap3A_28 = tpu.vector_load %arg18[%swap3A_26, %swap3A_27] {strides = array<i32>} : memref<328x128xf32, #tpu.memory_space<vmem>>, vector<16xf32>,
      tpu.vector_store %arg18[%swap3A_26, %swap3A_27], %broadcast_in_dim3A_1 {strides = array<i32>} : memref<328x128xf32, #tpu.memory_space<vmem>>, vector<16xf32>,
      %swap3A_29 = arith.index_cast %scan3A_23 : i32 to index
      %swap3A_30 = arith.constant 32 : index
      %swap3A_31 = tpu.vector_load %arg18[%swap3A_29, %swap3A_30] {strides = array<i32>} : memref<328x128xf32, #tpu.memory_space<vmem>>, vector<16xf32>,
      tpu.vector_store %arg18[%swap3A_29, %swap3A_30], %broadcast_in_dim3A_1 {strides = array<i32>} : memref<328x128xf32, #tpu.memory_space<vmem>>, vector<16xf32>,
      %swap3A_32 = arith.index_cast %scan3A_23 : i32 to index
      %swap3A_33 = arith.constant 48 : index
      %swap3A_34 = tpu.vector_load %arg18[%swap3A_32, %swap3A_33] {strides = array<i32>} : memref<328x128xf32, #tpu.memory_space<vmem>>, vector<16xf32>,
      tpu.vector_store %arg18[%swap3A_32, %swap3A_33], %broadcast_in_dim3A_1 {strides = array<i32>} : memref<328x128xf32, #tpu.memory_space<vmem>>, vector<16xf32>,
      %swap3A_35 = arith.index_cast %scan3A_23 : i32 to index
      %swap3A_36 = arith.constant 64 : index
      %swap3A_37 = tpu.vector_load %arg18[%swap3A_35, %swap3A_36] {strides = array<i32>} : memref<328x128xf32, #tpu.memory_space<vmem>>, vector<16xf32>,
      tpu.vector_store %arg18[%swap3A_35, %swap3A_36], %broadcast_in_dim3A_1 {strides = array<i32>} : memref<328x128xf32, #tpu.memory_space<vmem>>, vector<16xf32>,
      %swap3A_38 = arith.index_cast %scan3A_23 : i32 to index
      %swap3A_39 = arith.constant 80 : index
      %swap3A_40 = tpu.vector_load %arg18[%swap3A_38, %swap3A_39] {strides = array<i32>} : memref<328x128xf32, #tpu.memory_space<vmem>>, vector<16xf32>,
      tpu.vector_store %arg18[%swap3A_38, %swap3A_39], %broadcast_in_dim3A_1 {strides = array<i32>} : memref<328x128xf32, #tpu.memory_space<vmem>>, vector<16xf32>,
      %swap3A_41 = arith.index_cast %scan3A_23 : i32 to index
      %swap3A_42 = arith.constant 96 : index
      %swap3A_43 = tpu.vector_load %arg18[%swap3A_41, %swap3A_42] {strides = array<i32>} : memref<328x128xf32, #tpu.memory_space<vmem>>, vector<16xf32>,
      tpu.vector_store %arg18[%swap3A_41, %swap3A_42], %broadcast_in_dim3A_1 {strides = array<i32>} : memref<328x128xf32, #tpu.memory_space<vmem>>, vector<16xf32>,
      %swap3A_44 = arith.index_cast %scan3A_23 : i32 to index
      %swap3A_45 = arith.constant 112 : index
      %swap3A_46 = tpu.vector_load %arg18[%swap3A_44, %swap3A_45] {strides = array<i32>} : memref<328x128xf32, #tpu.memory_space<vmem>>, vector<16xf32>,
      tpu.vector_store %arg18[%swap3A_44, %swap3A_45], %broadcast_in_dim3A_1 {strides = array<i32>} : memref<328x128xf32, #tpu.memory_space<vmem>>, vector<16xf32>,
    }
    %scan3A_6 = arith.constant 328 : i32
    %mul3A_7 = arith.constant 320 : i32
    %mul3A_8 = arith.muli %add3A, %mul3A_7 : i32
    %run_scoped3A = arith.constant 0 : i32
    "tpu.region"() ({
      %run_scoped3A_23 = tpu.sem_alloc : memref<!tpu.dma_semaphore, #tpu.memory_space<semaphore_mem>>
      %dma_start3A = arith.constant 0 : i32
      %dma_start3A_24 = tpu.memref_slice %arg8[%add3A, %run_scoped3A, %dma_start3A] : memref<32x8x16xi32, #tpu.memory_space<hbm>> -> memref<1x1x16xi32, #tpu.memory_space<hbm>>
      %dma_start3A_25 = tpu.memref_squeeze %dma_start3A_24 : memref<1x1x16xi32, #tpu.memory_space<hbm>> -> memref<16xi32, #tpu.memory_space<hbm>>
      %dma_start3A_26 = arith.constant 0 : i32
      %dma_start3A_27 = tpu.memref_slice %arg8[%add3A, %run_scoped3A, %dma_start3A_26] : memref<32x8x16xi32, #tpu.memory_space<hbm>> -> memref<1x1x16xi32, #tpu.memory_space<hbm>>
      %dma_start3A_28 = tpu.memref_squeeze %dma_start3A_27 : memref<1x1x16xi32, #tpu.memory_space<hbm>> -> memref<16xi32, #tpu.memory_space<hbm>>
      tpu.enqueue_dma source(%dma_start3A_28 : memref<16xi32, #tpu.memory_space<hbm>>) target(%arg10 : memref<16xi32, #tpu.memory_space<vmem>>) target_semaphore(%run_scoped3A_23 : memref<!tpu.dma_semaphore, #tpu.memory_space<semaphore_mem>>)
      %dma_wait3A = arith.constant 0 : i32
      %dma_wait3A_29 = tpu.memref_slice %arg8[%add3A, %run_scoped3A, %dma_wait3A] : memref<32x8x16xi32, #tpu.memory_space<hbm>> -> memref<1x1x16xi32, #tpu.memory_space<hbm>>
      %dma_wait3A_30 = tpu.memref_squeeze %dma_wait3A_29 : memref<1x1x16xi32, #tpu.memory_space<hbm>> -> memref<16xi32, #tpu.memory_space<hbm>>
      %dma_wait3A_31 = arith.constant 0 : i32
      %dma_wait3A_32 = tpu.memref_slice %arg8[%add3A, %run_scoped3A, %dma_wait3A_31] : memref<32x8x16xi32, #tpu.memory_space<hbm>> -> memref<1x1x16xi32, #tpu.memory_space<hbm>>
      %dma_wait3A_33 = tpu.memref_squeeze %dma_wait3A_32 : memref<1x1x16xi32, #tpu.memory_space<hbm>> -> memref<16xi32, #tpu.memory_space<hbm>>
      tpu.wait_dma2 semaphore(%run_scoped3A_23 : memref<!tpu.dma_semaphore, #tpu.memory_space<semaphore_mem>>) src(%dma_wait3A_33 : memref<16xi32, #tpu.memory_space<hbm>>) dst(%arg10 : memref<16xi32, #tpu.memory_space<vmem>>)
      tpu.yield
    }) : () -> ()
    %get3A = arith.constant 0 : index
    %get3A_9 = tpu.vector_load %arg10[%get3A] {strides = array<i32>} : memref<16xi32, #tpu.memory_space<vmem>>, vector<16xi32>,
    %slice3A = vector.extract_strided_slice %get3A_9 {offsets = [0], sizes = [1], strides = [1]} : vector<16xi32> to vector<1xi32>
    %squeeze3A = vector.extract %slice3A[0] : i32 from vector<1xi32>
    %while3A = arith.constant 0 : i32
    %while3A_10 = arith.constant 0 : i32
    %while3A_11 = arith.subi %squeeze3A, %while3A_10 : i32
    %while3A_12 = arith.addi %while3A_10, %while3A_11 : i32
    %while3A_13 = arith.constant 1 : i32
    %while3A_14 = arith.divsi %while3A_11, %while3A_13 : i32
    %while3A_15 = arith.muli %while3A_14, %while3A_13 : i32
    %while3A_16 = arith.addi %while3A_10, %while3A_15 : i32
    %while3A_17 = arith.constant 1 : i32
    scf.for %while3A_23 = %while3A_10 to %while3A_16 step %while3A_17  : i32 {
      %mul3A_24 = arith.constant 128 : i32
      %mul3A_25 = arith.muli %while3A_23, %mul3A_24 : i32
      %dma_start3A = arith.constant 0 : i32
      %dma_start3A_26 = tpu.memref_slice %arg5[%add3A, %dma_start3A, %mul3A_25] : memref<32x8x11904xi32, #tpu.memory_space<hbm>> -> memref<1x1x128xi32, #tpu.memory_space<hbm>>
      %dma_start3A_27 = tpu.memref_squeeze %dma_start3A_26 : memref<1x1x128xi32, #tpu.memory_space<hbm>> -> memref<128xi32, #tpu.memory_space<hbm>>
      %dma_start3A_28 = tpu.memref_slice %arg5[%add3A, %dma_start3A, %mul3A_25] : memref<32x8x11904xi32, #tpu.memory_space<hbm>> -> memref<1x1x128xi32, #tpu.memory_space<hbm>>
      %dma_start3A_29 = tpu.memref_squeeze %dma_start3A_28 : memref<1x1x128xi32, #tpu.memory_space<hbm>> -> memref<128xi32, #tpu.memory_space<hbm>>
      tpu.enqueue_dma source(%dma_start3A_29 : memref<128xi32, #tpu.memory_space<hbm>>) target(%arg11 : memref<128xi32, #tpu.memory_space<vmem>>) target_semaphore(%arg19 : memref<!tpu.dma_semaphore, #tpu.memory_space<semaphore_mem>>)
      %dma_start3A_30 = arith.constant 0 : i32
      %dma_start3A_31 = arith.constant 0 : i32
      %dma_start3A_32 = tpu.memref_slice %arg13[%dma_start3A_31] : memref<144xi32, #tpu.memory_space<vmem>> -> memref<128xi32, #tpu.memory_space<vmem>>
      %dma_start3A_33 = tpu.memref_slice %arg6[%add3A, %dma_start3A_30, %mul3A_25] : memref<32x8x11904xi32, #tpu.memory_space<hbm>> -> memref<1x1x128xi32, #tpu.memory_space<hbm>>
      %dma_start3A_34 = tpu.memref_squeeze %dma_start3A_33 : memref<1x1x128xi32, #tpu.memory_space<hbm>> -> memref<128xi32, #tpu.memory_space<hbm>>
      %dma_start3A_35 = arith.constant 0 : i32
      %dma_start3A_36 = tpu.memref_slice %arg13[%dma_start3A_35] : memref<144xi32, #tpu.memory_space<vmem>> -> memref<128xi32, #tpu.memory_space<vmem>>
      %dma_start3A_37 = tpu.memref_slice %arg6[%add3A, %dma_start3A_30, %mul3A_25] : memref<32x8x11904xi32, #tpu.memory_space<hbm>> -> memref<1x1x128xi32, #tpu.memory_space<hbm>>
      %dma_start3A_38 = tpu.memref_squeeze %dma_start3A_37 : memref<1x1x128xi32, #tpu.memory_space<hbm>> -> memref<128xi32, #tpu.memory_space<hbm>>
      tpu.enqueue_dma source(%dma_start3A_38 : memref<128xi32, #tpu.memory_space<hbm>>) target(%dma_start3A_36 : memref<128xi32, #tpu.memory_space<vmem>>) target_semaphore(%arg20 : memref<!tpu.dma_semaphore, #tpu.memory_space<semaphore_mem>>)
      %dma_start3A_39 = arith.constant 0 : i32
      %dma_start3A_40 = tpu.memref_slice %arg7[%add3A, %dma_start3A_39, %mul3A_25] : memref<32x8x11904xi32, #tpu.memory_space<hbm>> -> memref<1x1x128xi32, #tpu.memory_space<hbm>>
      %dma_start3A_41 = tpu.memref_squeeze %dma_start3A_40 : memref<1x1x128xi32, #tpu.memory_space<hbm>> -> memref<128xi32, #tpu.memory_space<hbm>>
      %dma_start3A_42 = tpu.memref_slice %arg7[%add3A, %dma_start3A_39, %mul3A_25] : memref<32x8x11904xi32, #tpu.memory_space<hbm>> -> memref<1x1x128xi32, #tpu.memory_space<hbm>>
      %dma_start3A_43 = tpu.memref_squeeze %dma_start3A_42 : memref<1x1x128xi32, #tpu.memory_space<hbm>> -> memref<128xi32, #tpu.memory_space<hbm>>
      tpu.enqueue_dma source(%dma_start3A_43 : memref<128xi32, #tpu.memory_space<hbm>>) target(%arg14 : memref<128xi32, #tpu.memory_space<vmem>>) target_semaphore(%arg21 : memref<!tpu.dma_semaphore, #tpu.memory_space<semaphore_mem>>)
      %dma_wait3A = arith.constant 0 : i32
      %dma_wait3A_44 = tpu.memref_slice %arg5[%add3A, %dma_wait3A, %mul3A_25] : memref<32x8x11904xi32, #tpu.memory_space<hbm>> -> memref<1x1x128xi32, #tpu.memory_space<hbm>>
      %dma_wait3A_45 = tpu.memref_squeeze %dma_wait3A_44 : memref<1x1x128xi32, #tpu.memory_space<hbm>> -> memref<128xi32, #tpu.memory_space<hbm>>
      %dma_wait3A_46 = tpu.memref_slice %arg5[%add3A, %dma_wait3A, %mul3A_25] : memref<32x8x11904xi32, #tpu.memory_space<hbm>> -> memref<1x1x128xi32, #tpu.memory_space<hbm>>
      %dma_wait3A_47 = tpu.memref_squeeze %dma_wait3A_46 : memref<1x1x128xi32, #tpu.memory_space<hbm>> -> memref<128xi32, #tpu.memory_space<hbm>>
      tpu.wait_dma2 semaphore(%arg19 : memref<!tpu.dma_semaphore, #tpu.memory_space<semaphore_mem>>) src(%dma_wait3A_47 : memref<128xi32, #tpu.memory_space<hbm>>) dst(%arg11 : memref<128xi32, #tpu.memory_space<vmem>>)
      %dma_wait3A_48 = arith.constant 0 : i32
      %dma_wait3A_49 = arith.constant 0 : i32
      %dma_wait3A_50 = tpu.memref_slice %arg13[%dma_wait3A_49] : memref<144xi32, #tpu.memory_space<vmem>> -> memref<128xi32, #tpu.memory_space<vmem>>
      %dma_wait3A_51 = tpu.memref_slice %arg6[%add3A, %dma_wait3A_48, %mul3A_25] : memref<32x8x11904xi32, #tpu.memory_space<hbm>> -> memref<1x1x128xi32, #tpu.memory_space<hbm>>
      %dma_wait3A_52 = tpu.memref_squeeze %dma_wait3A_51 : memref<1x1x128xi32, #tpu.memory_space<hbm>> -> memref<128xi32, #tpu.memory_space<hbm>>
      %dma_wait3A_53 = arith.constant 0 : i32
      %dma_wait3A_54 = tpu.memref_slice %arg13[%dma_wait3A_53] : memref<144xi32, #tpu.memory_space<vmem>> -> memref<128xi32, #tpu.memory_space<vmem>>
      %dma_wait3A_55 = tpu.memref_slice %arg6[%add3A, %dma_wait3A_48, %mul3A_25] : memref<32x8x11904xi32, #tpu.memory_space<hbm>> -> memref<1x1x128xi32, #tpu.memory_space<hbm>>
      %dma_wait3A_56 = tpu.memref_squeeze %dma_wait3A_55 : memref<1x1x128xi32, #tpu.memory_space<hbm>> -> memref<128xi32, #tpu.memory_space<hbm>>
      tpu.wait_dma2 semaphore(%arg20 : memref<!tpu.dma_semaphore, #tpu.memory_space<semaphore_mem>>) src(%dma_wait3A_56 : memref<128xi32, #tpu.memory_space<hbm>>) dst(%dma_wait3A_54 : memref<128xi32, #tpu.memory_space<vmem>>)
      %dma_wait3A_57 = arith.constant 0 : i32
      %dma_wait3A_58 = tpu.memref_slice %arg7[%add3A, %dma_wait3A_57, %mul3A_25] : memref<32x8x11904xi32, #tpu.memory_space<hbm>> -> memref<1x1x128xi32, #tpu.memory_space<hbm>>
      %dma_wait3A_59 = tpu.memref_squeeze %dma_wait3A_58 : memref<1x1x128xi32, #tpu.memory_space<hbm>> -> memref<128xi32, #tpu.memory_space<hbm>>
      %dma_wait3A_60 = tpu.memref_slice %arg7[%add3A, %dma_wait3A_57, %mul3A_25] : memref<32x8x11904xi32, #tpu.memory_space<hbm>> -> memref<1x1x128xi32, #tpu.memory_space<hbm>>
      %dma_wait3A_61 = tpu.memref_squeeze %dma_wait3A_60 : memref<1x1x128xi32, #tpu.memory_space<hbm>> -> memref<128xi32, #tpu.memory_space<hbm>>
      tpu.wait_dma2 semaphore(%arg21 : memref<!tpu.dma_semaphore, #tpu.memory_space<semaphore_mem>>) src(%dma_wait3A_61 : memref<128xi32, #tpu.memory_space<hbm>>) dst(%arg14 : memref<128xi32, #tpu.memory_space<vmem>>)
      %scan3A_62 = arith.constant 0 : i32
      %scan3A_63 = arith.constant 0 : i32
      %scan3A_64 = arith.constant 8 : i32
      %scan3A_65 = arith.addi %scan3A_63, %scan3A_64 : i32
      %scan3A_66 = arith.constant 1 : i32
      scf.for %scan3A_92 = %scan3A_63 to %scan3A_65 step %scan3A_66  : i32 {
        %mul3A_93 = arith.constant 16 : i32
        %mul3A_94 = arith.muli %scan3A_92, %mul3A_93 : i32
        %get3A_95 = arith.index_cast %mul3A_94 : i32 to index
        %get3A_96 = tpu.vector_load %arg13[%get3A_95] {strides = array<i32>} : memref<144xi32, #tpu.memory_space<vmem>>, vector<16xi32>,
        %add3A_97 = vector.broadcast %mul3A_8 : i32 to vector<16xi32>
        %add3A_98 = arith.addi %get3A_96, %add3A_97 : vector<16xi32>
        %min3A = arith.constant 10239 : i32
        %min3A_99 = vector.broadcast %min3A : i32 to vector<16xi32>
        %min3A_100 = arith.minsi %add3A_98, %min3A_99 : vector<16xi32>
        %swap3A = arith.index_cast %mul3A_94 : i32 to index
        %swap3A_101 = tpu.vector_load %arg12[%swap3A] {strides = array<i32>} : memref<128xi32, #tpu.memory_space<vmem>>, vector<16xi32>,
        tpu.vector_store %arg12[%swap3A], %min3A_100 {strides = array<i32>} : memref<128xi32, #tpu.memory_space<vmem>>, vector<16xi32>,
      }
      %scan3A_67 = arith.constant 8 : i32
      %dma_start3A_68 = arith.constant 0 : i32
      %dma_start3A_69 = arith.constant 0 : i32
      %dma_start3A_70 = tpu.memref_slice %arg2[%dma_start3A_68, %dma_start3A_69] : memref<10240x128xf32, #tpu.memory_space<hbm>> -> memref<10240x128xf32, #tpu.memory_space<hbm>>
      tpu.enqueue_indirect_dma source(%dma_start3A_70 : memref<10240x128xf32, #tpu.memory_space<hbm>>) target(%arg15 : memref<128x128xf32, #tpu.memory_space<vmem>>) offsets(%arg11 : memref<128xi32, #tpu.memory_space<vmem>>) semaphore(%arg19 : memref<!tpu.dma_semaphore, #tpu.memory_space<semaphore_mem>>)
      %dma_start3A_71 = arith.constant 0 : i32
      %dma_start3A_72 = arith.constant 0 : i32
      %dma_start3A_73 = tpu.memref_slice %arg3[%dma_start3A_71, %dma_start3A_72] : memref<10240x128xf32, #tpu.memory_space<hbm>> -> memref<10240x128xf32, #tpu.memory_space<hbm>>
      tpu.enqueue_indirect_dma source(%dma_start3A_73 : memref<10240x128xf32, #tpu.memory_space<hbm>>) target(%arg16 : memref<128x128xf32, #tpu.memory_space<vmem>>) offsets(%arg12 : memref<128xi32, #tpu.memory_space<vmem>>) semaphore(%arg20 : memref<!tpu.dma_semaphore, #tpu.memory_space<semaphore_mem>>)
      %dma_start3A_74 = arith.constant 0 : i32
      %dma_start3A_75 = arith.constant 0 : i32
      %dma_start3A_76 = tpu.memref_slice %arg4[%dma_start3A_74, %dma_start3A_75] : memref<321536x128xf32, #tpu.memory_space<hbm>> -> memref<321536x128xf32, #tpu.memory_space<hbm>>
      tpu.enqueue_indirect_dma source(%dma_start3A_76 : memref<321536x128xf32, #tpu.memory_space<hbm>>) target(%arg17 : memref<128x128xf32, #tpu.memory_space<vmem>>) offsets(%arg14 : memref<128xi32, #tpu.memory_space<vmem>>) semaphore(%arg21 : memref<!tpu.dma_semaphore, #tpu.memory_space<semaphore_mem>>)
      %dma_wait3A_77 = arith.constant 0 : i32
      %dma_wait3A_78 = arith.constant 0 : i32
      %dma_wait3A_79 = tpu.memref_slice %arg2[%dma_wait3A_77, %dma_wait3A_78] : memref<10240x128xf32, #tpu.memory_space<hbm>> -> memref<10240x128xf32, #tpu.memory_space<hbm>>
      tpu.wait_indirect_dma semaphore(%arg19 : memref<!tpu.dma_semaphore, #tpu.memory_space<semaphore_mem>>) src(%dma_wait3A_79 : memref<10240x128xf32, #tpu.memory_space<hbm>>) dst(%arg15 : memref<128x128xf32, #tpu.memory_space<vmem>>)
      %dma_wait3A_80 = arith.constant 0 : i32
      %dma_wait3A_81 = arith.constant 0 : i32
      %dma_wait3A_82 = tpu.memref_slice %arg3[%dma_wait3A_80, %dma_wait3A_81] : memref<10240x128xf32, #tpu.memory_space<hbm>> -> memref<10240x128xf32, #tpu.memory_space<hbm>>
      tpu.wait_indirect_dma semaphore(%arg20 : memref<!tpu.dma_semaphore, #tpu.memory_space<semaphore_mem>>) src(%dma_wait3A_82 : memref<10240x128xf32, #tpu.memory_space<hbm>>) dst(%arg16 : memref<128x128xf32, #tpu.memory_space<vmem>>)
      %dma_wait3A_83 = arith.constant 0 : i32
      %dma_wait3A_84 = arith.constant 0 : i32
      %dma_wait3A_85 = tpu.memref_slice %arg4[%dma_wait3A_83, %dma_wait3A_84] : memref<321536x128xf32, #tpu.memory_space<hbm>> -> memref<321536x128xf32, #tpu.memory_space<hbm>>
      tpu.wait_indirect_dma semaphore(%arg21 : memref<!tpu.dma_semaphore, #tpu.memory_space<semaphore_mem>>) src(%dma_wait3A_85 : memref<321536x128xf32, #tpu.memory_space<hbm>>) dst(%arg17 : memref<128x128xf32, #tpu.memory_space<vmem>>)
      %scan3A_86 = arith.constant 0 : i32
      %scan3A_87 = arith.constant 0 : i32
      %scan3A_88 = arith.constant 64 : i32
      %scan3A_89 = arith.addi %scan3A_87, %scan3A_88 : i32
      %scan3A_90 = arith.constant 1 : i32
      scf.for %scan3A_92 = %scan3A_87 to %scan3A_89 step %scan3A_90  : i32 {
        %mul3A_93 = arith.constant 2 : i32
        %mul3A_94 = arith.muli %scan3A_92, %mul3A_93 : i32
        %add3A_95 = arith.constant 1 : i32
        %add3A_96 = arith.addi %mul3A_94, %add3A_95 : i32
        %get3A_97 = arith.index_cast %mul3A_94 : i32 to index
        %get3A_98 = tpu.vector_load %arg13[%get3A_97] {strides = array<i32>} : memref<144xi32, #tpu.memory_space<vmem>>, vector<16xi32>,
        %slice3A_99 = vector.extract_strided_slice %get3A_98 {offsets = [0], sizes = [1], strides = [1]} : vector<16xi32> to vector<1xi32>
        %squeeze3A_100 = vector.extract %slice3A_99[0] : i32 from vector<1xi32>
        %get3A_101 = arith.index_cast %add3A_96 : i32 to index
        %get3A_102 = tpu.vector_load %arg13[%get3A_101] {strides = array<i32>} : memref<144xi32, #tpu.memory_space<vmem>>, vector<16xi32>,
        %slice3A_103 = vector.extract_strided_slice %get3A_102 {offsets = [0], sizes = [1], strides = [1]} : vector<16xi32> to vector<1xi32>
        %squeeze3A_104 = vector.extract %slice3A_103[0] : i32 from vector<1xi32>
        %get3A_105 = arith.index_cast %mul3A_94 : i32 to index
        %get3A_106 = arith.constant 0 : index
        %get3A_107 = tpu.vector_load %arg15[%get3A_105, %get3A_106] {strides = array<i32>} : memref<128x128xf32, #tpu.memory_space<vmem>>, vector<16xf32>,
        %get3A_108 = arith.index_cast %mul3A_94 : i32 to index
        %get3A_109 = arith.constant 0 : index
        %get3A_110 = tpu.vector_load %arg16[%get3A_108, %get3A_109] {strides = array<i32>} : memref<128x128xf32, #tpu.memory_space<vmem>>, vector<16xf32>,
        %add3A_111 = arith.addf %get3A_107, %get3A_110 : vector<16xf32>
        %get3A_112 = arith.index_cast %mul3A_94 : i32 to index
        %get3A_113 = arith.constant 0 : index
        %get3A_114 = tpu.vector_load %arg17[%get3A_112, %get3A_113] {strides = array<i32>} : memref<128x128xf32, #tpu.memory_space<vmem>>, vector<16xf32>,
        %add3A_115 = arith.addf %add3A_111, %get3A_114 : vector<16xf32>
        %max3A = arith.constant 0.000000e+00 : f32
        %max3A_116 = vector.broadcast %max3A : f32 to vector<16xf32>
        %max3A_117 = arith.maximumf %add3A_115, %max3A_116 : vector<16xf32>
        %get3A_118 = arith.index_cast %add3A_96 : i32 to index
        %get3A_119 = arith.constant 0 : index
        %get3A_120 = tpu.vector_load %arg15[%get3A_118, %get3A_119] {strides = array<i32>} : memref<128x128xf32, #tpu.memory_space<vmem>>, vector<16xf32>,
        %get3A_121 = arith.index_cast %add3A_96 : i32 to index
        %get3A_122 = arith.constant 0 : index
        %get3A_123 = tpu.vector_load %arg16[%get3A_121, %get3A_122] {strides = array<i32>} : memref<128x128xf32, #tpu.memory_space<vmem>>, vector<16xf32>,
        %add3A_124 = arith.addf %get3A_120, %get3A_123 : vector<16xf32>
        %get3A_125 = arith.index_cast %add3A_96 : i32 to index
        %get3A_126 = arith.constant 0 : index
        %get3A_127 = tpu.vector_load %arg17[%get3A_125, %get3A_126] {strides = array<i32>} : memref<128x128xf32, #tpu.memory_space<vmem>>, vector<16xf32>,
        %add3A_128 = arith.addf %add3A_124, %get3A_127 : vector<16xf32>
        %max3A_129 = arith.constant 0.000000e+00 : f32
        %max3A_130 = vector.broadcast %max3A_129 : f32 to vector<16xf32>
        %max3A_131 = arith.maximumf %add3A_128, %max3A_130 : vector<16xf32>
        %swap3A = arith.index_cast %squeeze3A_100 : i32 to index
        %swap3A_132 = arith.constant 0 : index
        %swap3A_133 = tpu.vector_load %arg18[%swap3A, %swap3A_132] {strides = array<i32>} : memref<328x128xf32, #tpu.memory_space<vmem>>, vector<16xf32>,
        tpu.vector_store %arg18[%swap3A, %swap3A_132], %max3A_117 {add = true, strides = array<i32>} : memref<328x128xf32, #tpu.memory_space<vmem>>, vector<16xf32>,
        %swap3A_134 = arith.index_cast %squeeze3A_104 : i32 to index
        %swap3A_135 = arith.constant 0 : index
        %swap3A_136 = tpu.vector_load %arg18[%swap3A_134, %swap3A_135] {strides = array<i32>} : memref<328x128xf32, #tpu.memory_space<vmem>>, vector<16xf32>,
        tpu.vector_store %arg18[%swap3A_134, %swap3A_135], %max3A_131 {add = true, strides = array<i32>} : memref<328x128xf32, #tpu.memory_space<vmem>>, vector<16xf32>,
        %get3A_137 = arith.index_cast %mul3A_94 : i32 to index
        %get3A_138 = arith.constant 16 : index
        %get3A_139 = tpu.vector_load %arg15[%get3A_137, %get3A_138] {strides = array<i32>} : memref<128x128xf32, #tpu.memory_space<vmem>>, vector<16xf32>,
        %get3A_140 = arith.index_cast %mul3A_94 : i32 to index
        %get3A_141 = arith.constant 16 : index
        %get3A_142 = tpu.vector_load %arg16[%get3A_140, %get3A_141] {strides = array<i32>} : memref<128x128xf32, #tpu.memory_space<vmem>>, vector<16xf32>,
        %add3A_143 = arith.addf %get3A_139, %get3A_142 : vector<16xf32>
        %get3A_144 = arith.index_cast %mul3A_94 : i32 to index
        %get3A_145 = arith.constant 16 : index
        %get3A_146 = tpu.vector_load %arg17[%get3A_144, %get3A_145] {strides = array<i32>} : memref<128x128xf32, #tpu.memory_space<vmem>>, vector<16xf32>,
        %add3A_147 = arith.addf %add3A_143, %get3A_146 : vector<16xf32>
        %max3A_148 = arith.constant 0.000000e+00 : f32
        %max3A_149 = vector.broadcast %max3A_148 : f32 to vector<16xf32>
        %max3A_150 = arith.maximumf %add3A_147, %max3A_149 : vector<16xf32>
        %get3A_151 = arith.index_cast %add3A_96 : i32 to index
        %get3A_152 = arith.constant 16 : index
        %get3A_153 = tpu.vector_load %arg15[%get3A_151, %get3A_152] {strides = array<i32>} : memref<128x128xf32, #tpu.memory_space<vmem>>, vector<16xf32>,
        %get3A_154 = arith.index_cast %add3A_96 : i32 to index
        %get3A_155 = arith.constant 16 : index
        %get3A_156 = tpu.vector_load %arg16[%get3A_154, %get3A_155] {strides = array<i32>} : memref<128x128xf32, #tpu.memory_space<vmem>>, vector<16xf32>,
        %add3A_157 = arith.addf %get3A_153, %get3A_156 : vector<16xf32>
        %get3A_158 = arith.index_cast %add3A_96 : i32 to index
        %get3A_159 = arith.constant 16 : index
        %get3A_160 = tpu.vector_load %arg17[%get3A_158, %get3A_159] {strides = array<i32>} : memref<128x128xf32, #tpu.memory_space<vmem>>, vector<16xf32>,
        %add3A_161 = arith.addf %add3A_157, %get3A_160 : vector<16xf32>
        %max3A_162 = arith.constant 0.000000e+00 : f32
        %max3A_163 = vector.broadcast %max3A_162 : f32 to vector<16xf32>
        %max3A_164 = arith.maximumf %add3A_161, %max3A_163 : vector<16xf32>
        %swap3A_165 = arith.index_cast %squeeze3A_100 : i32 to index
        %swap3A_166 = arith.constant 16 : index
        %swap3A_167 = tpu.vector_load %arg18[%swap3A_165, %swap3A_166] {strides = array<i32>} : memref<328x128xf32, #tpu.memory_space<vmem>>, vector<16xf32>,
        tpu.vector_store %arg18[%swap3A_165, %swap3A_166], %max3A_150 {add = true, strides = array<i32>} : memref<328x128xf32, #tpu.memory_space<vmem>>, vector<16xf32>,
        %swap3A_168 = arith.index_cast %squeeze3A_104 : i32 to index
        %swap3A_169 = arith.constant 16 : index
        %swap3A_170 = tpu.vector_load %arg18[%swap3A_168, %swap3A_169] {strides = array<i32>} : memref<328x128xf32, #tpu.memory_space<vmem>>, vector<16xf32>,
        tpu.vector_store %arg18[%swap3A_168, %swap3A_169], %max3A_164 {add = true, strides = array<i32>} : memref<328x128xf32, #tpu.memory_space<vmem>>, vector<16xf32>,
        %get3A_171 = arith.index_cast %mul3A_94 : i32 to index
        %get3A_172 = arith.constant 32 : index
        %get3A_173 = tpu.vector_load %arg15[%get3A_171, %get3A_172] {strides = array<i32>} : memref<128x128xf32, #tpu.memory_space<vmem>>, vector<16xf32>,
        %get3A_174 = arith.index_cast %mul3A_94 : i32 to index
        %get3A_175 = arith.constant 32 : index
        %get3A_176 = tpu.vector_load %arg16[%get3A_174, %get3A_175] {strides = array<i32>} : memref<128x128xf32, #tpu.memory_space<vmem>>, vector<16xf32>,
        %add3A_177 = arith.addf %get3A_173, %get3A_176 : vector<16xf32>
        %get3A_178 = arith.index_cast %mul3A_94 : i32 to index
        %get3A_179 = arith.constant 32 : index
        %get3A_180 = tpu.vector_load %arg17[%get3A_178, %get3A_179] {strides = array<i32>} : memref<128x128xf32, #tpu.memory_space<vmem>>, vector<16xf32>,
        %add3A_181 = arith.addf %add3A_177, %get3A_180 : vector<16xf32>
        %max3A_182 = arith.constant 0.000000e+00 : f32
        %max3A_183 = vector.broadcast %max3A_182 : f32 to vector<16xf32>
        %max3A_184 = arith.maximumf %add3A_181, %max3A_183 : vector<16xf32>
        %get3A_185 = arith.index_cast %add3A_96 : i32 to index
        %get3A_186 = arith.constant 32 : index
        %get3A_187 = tpu.vector_load %arg15[%get3A_185, %get3A_186] {strides = array<i32>} : memref<128x128xf32, #tpu.memory_space<vmem>>, vector<16xf32>,
        %get3A_188 = arith.index_cast %add3A_96 : i32 to index
        %get3A_189 = arith.constant 32 : index
        %get3A_190 = tpu.vector_load %arg16[%get3A_188, %get3A_189] {strides = array<i32>} : memref<128x128xf32, #tpu.memory_space<vmem>>, vector<16xf32>,
        %add3A_191 = arith.addf %get3A_187, %get3A_190 : vector<16xf32>
        %get3A_192 = arith.index_cast %add3A_96 : i32 to index
        %get3A_193 = arith.constant 32 : index
        %get3A_194 = tpu.vector_load %arg17[%get3A_192, %get3A_193] {strides = array<i32>} : memref<128x128xf32, #tpu.memory_space<vmem>>, vector<16xf32>,
        %add3A_195 = arith.addf %add3A_191, %get3A_194 : vector<16xf32>
        %max3A_196 = arith.constant 0.000000e+00 : f32
        %max3A_197 = vector.broadcast %max3A_196 : f32 to vector<16xf32>
        %max3A_198 = arith.maximumf %add3A_195, %max3A_197 : vector<16xf32>
        %swap3A_199 = arith.index_cast %squeeze3A_100 : i32 to index
        %swap3A_200 = arith.constant 32 : index
        %swap3A_201 = tpu.vector_load %arg18[%swap3A_199, %swap3A_200] {strides = array<i32>} : memref<328x128xf32, #tpu.memory_space<vmem>>, vector<16xf32>,
        tpu.vector_store %arg18[%swap3A_199, %swap3A_200], %max3A_184 {add = true, strides = array<i32>} : memref<328x128xf32, #tpu.memory_space<vmem>>, vector<16xf32>,
        %swap3A_202 = arith.index_cast %squeeze3A_104 : i32 to index
        %swap3A_203 = arith.constant 32 : index
        %swap3A_204 = tpu.vector_load %arg18[%swap3A_202, %swap3A_203] {strides = array<i32>} : memref<328x128xf32, #tpu.memory_space<vmem>>, vector<16xf32>,
        tpu.vector_store %arg18[%swap3A_202, %swap3A_203], %max3A_198 {add = true, strides = array<i32>} : memref<328x128xf32, #tpu.memory_space<vmem>>, vector<16xf32>,
        %get3A_205 = arith.index_cast %mul3A_94 : i32 to index
        %get3A_206 = arith.constant 48 : index
        %get3A_207 = tpu.vector_load %arg15[%get3A_205, %get3A_206] {strides = array<i32>} : memref<128x128xf32, #tpu.memory_space<vmem>>, vector<16xf32>,
        %get3A_208 = arith.index_cast %mul3A_94 : i32 to index
        %get3A_209 = arith.constant 48 : index
        %get3A_210 = tpu.vector_load %arg16[%get3A_208, %get3A_209] {strides = array<i32>} : memref<128x128xf32, #tpu.memory_space<vmem>>, vector<16xf32>,
        %add3A_211 = arith.addf %get3A_207, %get3A_210 : vector<16xf32>
        %get3A_212 = arith.index_cast %mul3A_94 : i32 to index
        %get3A_213 = arith.constant 48 : index
        %get3A_214 = tpu.vector_load %arg17[%get3A_212, %get3A_213] {strides = array<i32>} : memref<128x128xf32, #tpu.memory_space<vmem>>, vector<16xf32>,
        %add3A_215 = arith.addf %add3A_211, %get3A_214 : vector<16xf32>
        %max3A_216 = arith.constant 0.000000e+00 : f32
        %max3A_217 = vector.broadcast %max3A_216 : f32 to vector<16xf32>
        %max3A_218 = arith.maximumf %add3A_215, %max3A_217 : vector<16xf32>
        %get3A_219 = arith.index_cast %add3A_96 : i32 to index
        %get3A_220 = arith.constant 48 : index
        %get3A_221 = tpu.vector_load %arg15[%get3A_219, %get3A_220] {strides = array<i32>} : memref<128x128xf32, #tpu.memory_space<vmem>>, vector<16xf32>,
        %get3A_222 = arith.index_cast %add3A_96 : i32 to index
        %get3A_223 = arith.constant 48 : index
        %get3A_224 = tpu.vector_load %arg16[%get3A_222, %get3A_223] {strides = array<i32>} : memref<128x128xf32, #tpu.memory_space<vmem>>, vector<16xf32>,
        %add3A_225 = arith.addf %get3A_221, %get3A_224 : vector<16xf32>
        %get3A_226 = arith.index_cast %add3A_96 : i32 to index
        %get3A_227 = arith.constant 48 : index
        %get3A_228 = tpu.vector_load %arg17[%get3A_226, %get3A_227] {strides = array<i32>} : memref<128x128xf32, #tpu.memory_space<vmem>>, vector<16xf32>,
        %add3A_229 = arith.addf %add3A_225, %get3A_228 : vector<16xf32>
        %max3A_230 = arith.constant 0.000000e+00 : f32
        %max3A_231 = vector.broadcast %max3A_230 : f32 to vector<16xf32>
        %max3A_232 = arith.maximumf %add3A_229, %max3A_231 : vector<16xf32>
        %swap3A_233 = arith.index_cast %squeeze3A_100 : i32 to index
        %swap3A_234 = arith.constant 48 : index
        %swap3A_235 = tpu.vector_load %arg18[%swap3A_233, %swap3A_234] {strides = array<i32>} : memref<328x128xf32, #tpu.memory_space<vmem>>, vector<16xf32>,
        tpu.vector_store %arg18[%swap3A_233, %swap3A_234], %max3A_218 {add = true, strides = array<i32>} : memref<328x128xf32, #tpu.memory_space<vmem>>, vector<16xf32>,
        %swap3A_236 = arith.index_cast %squeeze3A_104 : i32 to index
        %swap3A_237 = arith.constant 48 : index
        %swap3A_238 = tpu.vector_load %arg18[%swap3A_236, %swap3A_237] {strides = array<i32>} : memref<328x128xf32, #tpu.memory_space<vmem>>, vector<16xf32>,
        tpu.vector_store %arg18[%swap3A_236, %swap3A_237], %max3A_232 {add = true, strides = array<i32>} : memref<328x128xf32, #tpu.memory_space<vmem>>, vector<16xf32>,
        %get3A_239 = arith.index_cast %mul3A_94 : i32 to index
        %get3A_240 = arith.constant 64 : index
        %get3A_241 = tpu.vector_load %arg15[%get3A_239, %get3A_240] {strides = array<i32>} : memref<128x128xf32, #tpu.memory_space<vmem>>, vector<16xf32>,
        %get3A_242 = arith.index_cast %mul3A_94 : i32 to index
        %get3A_243 = arith.constant 64 : index
        %get3A_244 = tpu.vector_load %arg16[%get3A_242, %get3A_243] {strides = array<i32>} : memref<128x128xf32, #tpu.memory_space<vmem>>, vector<16xf32>,
        %add3A_245 = arith.addf %get3A_241, %get3A_244 : vector<16xf32>
        %get3A_246 = arith.index_cast %mul3A_94 : i32 to index
        %get3A_247 = arith.constant 64 : index
        %get3A_248 = tpu.vector_load %arg17[%get3A_246, %get3A_247] {strides = array<i32>} : memref<128x128xf32, #tpu.memory_space<vmem>>, vector<16xf32>,
        %add3A_249 = arith.addf %add3A_245, %get3A_248 : vector<16xf32>
        %max3A_250 = arith.constant 0.000000e+00 : f32
        %max3A_251 = vector.broadcast %max3A_250 : f32 to vector<16xf32>
        %max3A_252 = arith.maximumf %add3A_249, %max3A_251 : vector<16xf32>
        %get3A_253 = arith.index_cast %add3A_96 : i32 to index
        %get3A_254 = arith.constant 64 : index
        %get3A_255 = tpu.vector_load %arg15[%get3A_253, %get3A_254] {strides = array<i32>} : memref<128x128xf32, #tpu.memory_space<vmem>>, vector<16xf32>,
        %get3A_256 = arith.index_cast %add3A_96 : i32 to index
        %get3A_257 = arith.constant 64 : index
        %get3A_258 = tpu.vector_load %arg16[%get3A_256, %get3A_257] {strides = array<i32>} : memref<128x128xf32, #tpu.memory_space<vmem>>, vector<16xf32>,
        %add3A_259 = arith.addf %get3A_255, %get3A_258 : vector<16xf32>
        %get3A_260 = arith.index_cast %add3A_96 : i32 to index
        %get3A_261 = arith.constant 64 : index
        %get3A_262 = tpu.vector_load %arg17[%get3A_260, %get3A_261] {strides = array<i32>} : memref<128x128xf32, #tpu.memory_space<vmem>>, vector<16xf32>,
        %add3A_263 = arith.addf %add3A_259, %get3A_262 : vector<16xf32>
        %max3A_264 = arith.constant 0.000000e+00 : f32
        %max3A_265 = vector.broadcast %max3A_264 : f32 to vector<16xf32>
        %max3A_266 = arith.maximumf %add3A_263, %max3A_265 : vector<16xf32>
        %swap3A_267 = arith.index_cast %squeeze3A_100 : i32 to index
        %swap3A_268 = arith.constant 64 : index
        %swap3A_269 = tpu.vector_load %arg18[%swap3A_267, %swap3A_268] {strides = array<i32>} : memref<328x128xf32, #tpu.memory_space<vmem>>, vector<16xf32>,
        tpu.vector_store %arg18[%swap3A_267, %swap3A_268], %max3A_252 {add = true, strides = array<i32>} : memref<328x128xf32, #tpu.memory_space<vmem>>, vector<16xf32>,
        %swap3A_270 = arith.index_cast %squeeze3A_104 : i32 to index
        %swap3A_271 = arith.constant 64 : index
        %swap3A_272 = tpu.vector_load %arg18[%swap3A_270, %swap3A_271] {strides = array<i32>} : memref<328x128xf32, #tpu.memory_space<vmem>>, vector<16xf32>,
        tpu.vector_store %arg18[%swap3A_270, %swap3A_271], %max3A_266 {add = true, strides = array<i32>} : memref<328x128xf32, #tpu.memory_space<vmem>>, vector<16xf32>,
        %get3A_273 = arith.index_cast %mul3A_94 : i32 to index
        %get3A_274 = arith.constant 80 : index
        %get3A_275 = tpu.vector_load %arg15[%get3A_273, %get3A_274] {strides = array<i32>} : memref<128x128xf32, #tpu.memory_space<vmem>>, vector<16xf32>,
        %get3A_276 = arith.index_cast %mul3A_94 : i32 to index
        %get3A_277 = arith.constant 80 : index
        %get3A_278 = tpu.vector_load %arg16[%get3A_276, %get3A_277] {strides = array<i32>} : memref<128x128xf32, #tpu.memory_space<vmem>>, vector<16xf32>,
        %add3A_279 = arith.addf %get3A_275, %get3A_278 : vector<16xf32>
        %get3A_280 = arith.index_cast %mul3A_94 : i32 to index
        %get3A_281 = arith.constant 80 : index
        %get3A_282 = tpu.vector_load %arg17[%get3A_280, %get3A_281] {strides = array<i32>} : memref<128x128xf32, #tpu.memory_space<vmem>>, vector<16xf32>,
        %add3A_283 = arith.addf %add3A_279, %get3A_282 : vector<16xf32>
        %max3A_284 = arith.constant 0.000000e+00 : f32
        %max3A_285 = vector.broadcast %max3A_284 : f32 to vector<16xf32>
        %max3A_286 = arith.maximumf %add3A_283, %max3A_285 : vector<16xf32>
        %get3A_287 = arith.index_cast %add3A_96 : i32 to index
        %get3A_288 = arith.constant 80 : index
        %get3A_289 = tpu.vector_load %arg15[%get3A_287, %get3A_288] {strides = array<i32>} : memref<128x128xf32, #tpu.memory_space<vmem>>, vector<16xf32>,
        %get3A_290 = arith.index_cast %add3A_96 : i32 to index
        %get3A_291 = arith.constant 80 : index
        %get3A_292 = tpu.vector_load %arg16[%get3A_290, %get3A_291] {strides = array<i32>} : memref<128x128xf32, #tpu.memory_space<vmem>>, vector<16xf32>,
        %add3A_293 = arith.addf %get3A_289, %get3A_292 : vector<16xf32>
        %get3A_294 = arith.index_cast %add3A_96 : i32 to index
        %get3A_295 = arith.constant 80 : index
        %get3A_296 = tpu.vector_load %arg17[%get3A_294, %get3A_295] {strides = array<i32>} : memref<128x128xf32, #tpu.memory_space<vmem>>, vector<16xf32>,
        %add3A_297 = arith.addf %add3A_293, %get3A_296 : vector<16xf32>
        %max3A_298 = arith.constant 0.000000e+00 : f32
        %max3A_299 = vector.broadcast %max3A_298 : f32 to vector<16xf32>
        %max3A_300 = arith.maximumf %add3A_297, %max3A_299 : vector<16xf32>
        %swap3A_301 = arith.index_cast %squeeze3A_100 : i32 to index
        %swap3A_302 = arith.constant 80 : index
        %swap3A_303 = tpu.vector_load %arg18[%swap3A_301, %swap3A_302] {strides = array<i32>} : memref<328x128xf32, #tpu.memory_space<vmem>>, vector<16xf32>,
        tpu.vector_store %arg18[%swap3A_301, %swap3A_302], %max3A_286 {add = true, strides = array<i32>} : memref<328x128xf32, #tpu.memory_space<vmem>>, vector<16xf32>,
        %swap3A_304 = arith.index_cast %squeeze3A_104 : i32 to index
        %swap3A_305 = arith.constant 80 : index
        %swap3A_306 = tpu.vector_load %arg18[%swap3A_304, %swap3A_305] {strides = array<i32>} : memref<328x128xf32, #tpu.memory_space<vmem>>, vector<16xf32>,
        tpu.vector_store %arg18[%swap3A_304, %swap3A_305], %max3A_300 {add = true, strides = array<i32>} : memref<328x128xf32, #tpu.memory_space<vmem>>, vector<16xf32>,
        %get3A_307 = arith.index_cast %mul3A_94 : i32 to index
        %get3A_308 = arith.constant 96 : index
        %get3A_309 = tpu.vector_load %arg15[%get3A_307, %get3A_308] {strides = array<i32>} : memref<128x128xf32, #tpu.memory_space<vmem>>, vector<16xf32>,
        %get3A_310 = arith.index_cast %mul3A_94 : i32 to index
        %get3A_311 = arith.constant 96 : index
        %get3A_312 = tpu.vector_load %arg16[%get3A_310, %get3A_311] {strides = array<i32>} : memref<128x128xf32, #tpu.memory_space<vmem>>, vector<16xf32>,
        %add3A_313 = arith.addf %get3A_309, %get3A_312 : vector<16xf32>
        %get3A_314 = arith.index_cast %mul3A_94 : i32 to index
        %get3A_315 = arith.constant 96 : index
        %get3A_316 = tpu.vector_load %arg17[%get3A_314, %get3A_315] {strides = array<i32>} : memref<128x128xf32, #tpu.memory_space<vmem>>, vector<16xf32>,
        %add3A_317 = arith.addf %add3A_313, %get3A_316 : vector<16xf32>
        %max3A_318 = arith.constant 0.000000e+00 : f32
        %max3A_319 = vector.broadcast %max3A_318 : f32 to vector<16xf32>
        %max3A_320 = arith.maximumf %add3A_317, %max3A_319 : vector<16xf32>
        %get3A_321 = arith.index_cast %add3A_96 : i32 to index
        %get3A_322 = arith.constant 96 : index
        %get3A_323 = tpu.vector_load %arg15[%get3A_321, %get3A_322] {strides = array<i32>} : memref<128x128xf32, #tpu.memory_space<vmem>>, vector<16xf32>,
        %get3A_324 = arith.index_cast %add3A_96 : i32 to index
        %get3A_325 = arith.constant 96 : index
        %get3A_326 = tpu.vector_load %arg16[%get3A_324, %get3A_325] {strides = array<i32>} : memref<128x128xf32, #tpu.memory_space<vmem>>, vector<16xf32>,
        %add3A_327 = arith.addf %get3A_323, %get3A_326 : vector<16xf32>
        %get3A_328 = arith.index_cast %add3A_96 : i32 to index
        %get3A_329 = arith.constant 96 : index
        %get3A_330 = tpu.vector_load %arg17[%get3A_328, %get3A_329] {strides = array<i32>} : memref<128x128xf32, #tpu.memory_space<vmem>>, vector<16xf32>,
        %add3A_331 = arith.addf %add3A_327, %get3A_330 : vector<16xf32>
        %max3A_332 = arith.constant 0.000000e+00 : f32
        %max3A_333 = vector.broadcast %max3A_332 : f32 to vector<16xf32>
        %max3A_334 = arith.maximumf %add3A_331, %max3A_333 : vector<16xf32>
        %swap3A_335 = arith.index_cast %squeeze3A_100 : i32 to index
        %swap3A_336 = arith.constant 96 : index
        %swap3A_337 = tpu.vector_load %arg18[%swap3A_335, %swap3A_336] {strides = array<i32>} : memref<328x128xf32, #tpu.memory_space<vmem>>, vector<16xf32>,
        tpu.vector_store %arg18[%swap3A_335, %swap3A_336], %max3A_320 {add = true, strides = array<i32>} : memref<328x128xf32, #tpu.memory_space<vmem>>, vector<16xf32>,
        %swap3A_338 = arith.index_cast %squeeze3A_104 : i32 to index
        %swap3A_339 = arith.constant 96 : index
        %swap3A_340 = tpu.vector_load %arg18[%swap3A_338, %swap3A_339] {strides = array<i32>} : memref<328x128xf32, #tpu.memory_space<vmem>>, vector<16xf32>,
        tpu.vector_store %arg18[%swap3A_338, %swap3A_339], %max3A_334 {add = true, strides = array<i32>} : memref<328x128xf32, #tpu.memory_space<vmem>>, vector<16xf32>,
        %get3A_341 = arith.index_cast %mul3A_94 : i32 to index
        %get3A_342 = arith.constant 112 : index
        %get3A_343 = tpu.vector_load %arg15[%get3A_341, %get3A_342] {strides = array<i32>} : memref<128x128xf32, #tpu.memory_space<vmem>>, vector<16xf32>,
        %get3A_344 = arith.index_cast %mul3A_94 : i32 to index
        %get3A_345 = arith.constant 112 : index
        %get3A_346 = tpu.vector_load %arg16[%get3A_344, %get3A_345] {strides = array<i32>} : memref<128x128xf32, #tpu.memory_space<vmem>>, vector<16xf32>,
        %add3A_347 = arith.addf %get3A_343, %get3A_346 : vector<16xf32>
        %get3A_348 = arith.index_cast %mul3A_94 : i32 to index
        %get3A_349 = arith.constant 112 : index
        %get3A_350 = tpu.vector_load %arg17[%get3A_348, %get3A_349] {strides = array<i32>} : memref<128x128xf32, #tpu.memory_space<vmem>>, vector<16xf32>,
        %add3A_351 = arith.addf %add3A_347, %get3A_350 : vector<16xf32>
        %max3A_352 = arith.constant 0.000000e+00 : f32
        %max3A_353 = vector.broadcast %max3A_352 : f32 to vector<16xf32>
        %max3A_354 = arith.maximumf %add3A_351, %max3A_353 : vector<16xf32>
        %get3A_355 = arith.index_cast %add3A_96 : i32 to index
        %get3A_356 = arith.constant 112 : index
        %get3A_357 = tpu.vector_load %arg15[%get3A_355, %get3A_356] {strides = array<i32>} : memref<128x128xf32, #tpu.memory_space<vmem>>, vector<16xf32>,
        %get3A_358 = arith.index_cast %add3A_96 : i32 to index
        %get3A_359 = arith.constant 112 : index
        %get3A_360 = tpu.vector_load %arg16[%get3A_358, %get3A_359] {strides = array<i32>} : memref<128x128xf32, #tpu.memory_space<vmem>>, vector<16xf32>,
        %add3A_361 = arith.addf %get3A_357, %get3A_360 : vector<16xf32>
        %get3A_362 = arith.index_cast %add3A_96 : i32 to index
        %get3A_363 = arith.constant 112 : index
        %get3A_364 = tpu.vector_load %arg17[%get3A_362, %get3A_363] {strides = array<i32>} : memref<128x128xf32, #tpu.memory_space<vmem>>, vector<16xf32>,
        %add3A_365 = arith.addf %add3A_361, %get3A_364 : vector<16xf32>
        %max3A_366 = arith.constant 0.000000e+00 : f32
        %max3A_367 = vector.broadcast %max3A_366 : f32 to vector<16xf32>
        %max3A_368 = arith.maximumf %add3A_365, %max3A_367 : vector<16xf32>
        %swap3A_369 = arith.index_cast %squeeze3A_100 : i32 to index
        %swap3A_370 = arith.constant 112 : index
        %swap3A_371 = tpu.vector_load %arg18[%swap3A_369, %swap3A_370] {strides = array<i32>} : memref<328x128xf32, #tpu.memory_space<vmem>>, vector<16xf32>,
        tpu.vector_store %arg18[%swap3A_369, %swap3A_370], %max3A_354 {add = true, strides = array<i32>} : memref<328x128xf32, #tpu.memory_space<vmem>>, vector<16xf32>,
        %swap3A_372 = arith.index_cast %squeeze3A_104 : i32 to index
        %swap3A_373 = arith.constant 112 : index
        %swap3A_374 = tpu.vector_load %arg18[%swap3A_372, %swap3A_373] {strides = array<i32>} : memref<328x128xf32, #tpu.memory_space<vmem>>, vector<16xf32>,
        tpu.vector_store %arg18[%swap3A_372, %swap3A_373], %max3A_368 {add = true, strides = array<i32>} : memref<328x128xf32, #tpu.memory_space<vmem>>, vector<16xf32>,
      }
      %scan3A_91 = arith.constant 64 : i32
    }
    %while3A_18 = arith.constant 1 : i32
    scf.for %while3A_23 = %while3A_16 to %while3A_12 step %while3A_18  : i32 {
      %mul3A_24 = arith.constant 128 : i32
      %mul3A_25 = arith.muli %while3A_23, %mul3A_24 : i32
      %dma_start3A = arith.constant 0 : i32
      %dma_start3A_26 = tpu.memref_slice %arg5[%add3A, %dma_start3A, %mul3A_25] : memref<32x8x11904xi32, #tpu.memory_space<hbm>> -> memref<1x1x128xi32, #tpu.memory_space<hbm>>
      %dma_start3A_27 = tpu.memref_squeeze %dma_start3A_26 : memref<1x1x128xi32, #tpu.memory_space<hbm>> -> memref<128xi32, #tpu.memory_space<hbm>>
      %dma_start3A_28 = tpu.memref_slice %arg5[%add3A, %dma_start3A, %mul3A_25] : memref<32x8x11904xi32, #tpu.memory_space<hbm>> -> memref<1x1x128xi32, #tpu.memory_space<hbm>>
      %dma_start3A_29 = tpu.memref_squeeze %dma_start3A_28 : memref<1x1x128xi32, #tpu.memory_space<hbm>> -> memref<128xi32, #tpu.memory_space<hbm>>
      tpu.enqueue_dma source(%dma_start3A_29 : memref<128xi32, #tpu.memory_space<hbm>>) target(%arg11 : memref<128xi32, #tpu.memory_space<vmem>>) target_semaphore(%arg19 : memref<!tpu.dma_semaphore, #tpu.memory_space<semaphore_mem>>)
      %dma_start3A_30 = arith.constant 0 : i32
      %dma_start3A_31 = arith.constant 0 : i32
      %dma_start3A_32 = tpu.memref_slice %arg13[%dma_start3A_31] : memref<144xi32, #tpu.memory_space<vmem>> -> memref<128xi32, #tpu.memory_space<vmem>>
      %dma_start3A_33 = tpu.memref_slice %arg6[%add3A, %dma_start3A_30, %mul3A_25] : memref<32x8x11904xi32, #tpu.memory_space<hbm>> -> memref<1x1x128xi32, #tpu.memory_space<hbm>>
      %dma_start3A_34 = tpu.memref_squeeze %dma_start3A_33 : memref<1x1x128xi32, #tpu.memory_space<hbm>> -> memref<128xi32, #tpu.memory_space<hbm>>
      %dma_start3A_35 = arith.constant 0 : i32
      %dma_start3A_36 = tpu.memref_slice %arg13[%dma_start3A_35] : memref<144xi32, #tpu.memory_space<vmem>> -> memref<128xi32, #tpu.memory_space<vmem>>
      %dma_start3A_37 = tpu.memref_slice %arg6[%add3A, %dma_start3A_30, %mul3A_25] : memref<32x8x11904xi32, #tpu.memory_space<hbm>> -> memref<1x1x128xi32, #tpu.memory_space<hbm>>
      %dma_start3A_38 = tpu.memref_squeeze %dma_start3A_37 : memref<1x1x128xi32, #tpu.memory_space<hbm>> -> memref<128xi32, #tpu.memory_space<hbm>>
      tpu.enqueue_dma source(%dma_start3A_38 : memref<128xi32, #tpu.memory_space<hbm>>) target(%dma_start3A_36 : memref<128xi32, #tpu.memory_space<vmem>>) target_semaphore(%arg20 : memref<!tpu.dma_semaphore, #tpu.memory_space<semaphore_mem>>)
      %dma_start3A_39 = arith.constant 0 : i32
      %dma_start3A_40 = tpu.memref_slice %arg7[%add3A, %dma_start3A_39, %mul3A_25] : memref<32x8x11904xi32, #tpu.memory_space<hbm>> -> memref<1x1x128xi32, #tpu.memory_space<hbm>>
      %dma_start3A_41 = tpu.memref_squeeze %dma_start3A_40 : memref<1x1x128xi32, #tpu.memory_space<hbm>> -> memref<128xi32, #tpu.memory_space<hbm>>
      %dma_start3A_42 = tpu.memref_slice %arg7[%add3A, %dma_start3A_39, %mul3A_25] : memref<32x8x11904xi32, #tpu.memory_space<hbm>> -> memref<1x1x128xi32, #tpu.memory_space<hbm>>
      %dma_start3A_43 = tpu.memref_squeeze %dma_start3A_42 : memref<1x1x128xi32, #tpu.memory_space<hbm>> -> memref<128xi32, #tpu.memory_space<hbm>>
      tpu.enqueue_dma source(%dma_start3A_43 : memref<128xi32, #tpu.memory_space<hbm>>) target(%arg14 : memref<128xi32, #tpu.memory_space<vmem>>) target_semaphore(%arg21 : memref<!tpu.dma_semaphore, #tpu.memory_space<semaphore_mem>>)
      %dma_wait3A = arith.constant 0 : i32
      %dma_wait3A_44 = tpu.memref_slice %arg5[%add3A, %dma_wait3A, %mul3A_25] : memref<32x8x11904xi32, #tpu.memory_space<hbm>> -> memref<1x1x128xi32, #tpu.memory_space<hbm>>
      %dma_wait3A_45 = tpu.memref_squeeze %dma_wait3A_44 : memref<1x1x128xi32, #tpu.memory_space<hbm>> -> memref<128xi32, #tpu.memory_space<hbm>>
      %dma_wait3A_46 = tpu.memref_slice %arg5[%add3A, %dma_wait3A, %mul3A_25] : memref<32x8x11904xi32, #tpu.memory_space<hbm>> -> memref<1x1x128xi32, #tpu.memory_space<hbm>>
      %dma_wait3A_47 = tpu.memref_squeeze %dma_wait3A_46 : memref<1x1x128xi32, #tpu.memory_space<hbm>> -> memref<128xi32, #tpu.memory_space<hbm>>
      tpu.wait_dma2 semaphore(%arg19 : memref<!tpu.dma_semaphore, #tpu.memory_space<semaphore_mem>>) src(%dma_wait3A_47 : memref<128xi32, #tpu.memory_space<hbm>>) dst(%arg11 : memref<128xi32, #tpu.memory_space<vmem>>)
      %dma_wait3A_48 = arith.constant 0 : i32
      %dma_wait3A_49 = arith.constant 0 : i32
      %dma_wait3A_50 = tpu.memref_slice %arg13[%dma_wait3A_49] : memref<144xi32, #tpu.memory_space<vmem>> -> memref<128xi32, #tpu.memory_space<vmem>>
      %dma_wait3A_51 = tpu.memref_slice %arg6[%add3A, %dma_wait3A_48, %mul3A_25] : memref<32x8x11904xi32, #tpu.memory_space<hbm>> -> memref<1x1x128xi32, #tpu.memory_space<hbm>>
      %dma_wait3A_52 = tpu.memref_squeeze %dma_wait3A_51 : memref<1x1x128xi32, #tpu.memory_space<hbm>> -> memref<128xi32, #tpu.memory_space<hbm>>
      %dma_wait3A_53 = arith.constant 0 : i32
      %dma_wait3A_54 = tpu.memref_slice %arg13[%dma_wait3A_53] : memref<144xi32, #tpu.memory_space<vmem>> -> memref<128xi32, #tpu.memory_space<vmem>>
      %dma_wait3A_55 = tpu.memref_slice %arg6[%add3A, %dma_wait3A_48, %mul3A_25] : memref<32x8x11904xi32, #tpu.memory_space<hbm>> -> memref<1x1x128xi32, #tpu.memory_space<hbm>>
      %dma_wait3A_56 = tpu.memref_squeeze %dma_wait3A_55 : memref<1x1x128xi32, #tpu.memory_space<hbm>> -> memref<128xi32, #tpu.memory_space<hbm>>
      tpu.wait_dma2 semaphore(%arg20 : memref<!tpu.dma_semaphore, #tpu.memory_space<semaphore_mem>>) src(%dma_wait3A_56 : memref<128xi32, #tpu.memory_space<hbm>>) dst(%dma_wait3A_54 : memref<128xi32, #tpu.memory_space<vmem>>)
      %dma_wait3A_57 = arith.constant 0 : i32
      %dma_wait3A_58 = tpu.memref_slice %arg7[%add3A, %dma_wait3A_57, %mul3A_25] : memref<32x8x11904xi32, #tpu.memory_space<hbm>> -> memref<1x1x128xi32, #tpu.memory_space<hbm>>
      %dma_wait3A_59 = tpu.memref_squeeze %dma_wait3A_58 : memref<1x1x128xi32, #tpu.memory_space<hbm>> -> memref<128xi32, #tpu.memory_space<hbm>>
      %dma_wait3A_60 = tpu.memref_slice %arg7[%add3A, %dma_wait3A_57, %mul3A_25] : memref<32x8x11904xi32, #tpu.memory_space<hbm>> -> memref<1x1x128xi32, #tpu.memory_space<hbm>>
      %dma_wait3A_61 = tpu.memref_squeeze %dma_wait3A_60 : memref<1x1x128xi32, #tpu.memory_space<hbm>> -> memref<128xi32, #tpu.memory_space<hbm>>
      tpu.wait_dma2 semaphore(%arg21 : memref<!tpu.dma_semaphore, #tpu.memory_space<semaphore_mem>>) src(%dma_wait3A_61 : memref<128xi32, #tpu.memory_space<hbm>>) dst(%arg14 : memref<128xi32, #tpu.memory_space<vmem>>)
      %scan3A_62 = arith.constant 0 : i32
      %scan3A_63 = arith.constant 0 : i32
      %scan3A_64 = arith.constant 8 : i32
      %scan3A_65 = arith.addi %scan3A_63, %scan3A_64 : i32
      %scan3A_66 = arith.constant 1 : i32
      scf.for %scan3A_92 = %scan3A_63 to %scan3A_65 step %scan3A_66  : i32 {
        %mul3A_93 = arith.constant 16 : i32
        %mul3A_94 = arith.muli %scan3A_92, %mul3A_93 : i32
        %get3A_95 = arith.index_cast %mul3A_94 : i32 to index
        %get3A_96 = tpu.vector_load %arg13[%get3A_95] {strides = array<i32>} : memref<144xi32, #tpu.memory_space<vmem>>, vector<16xi32>,
        %add3A_97 = vector.broadcast %mul3A_8 : i32 to vector<16xi32>
        %add3A_98 = arith.addi %get3A_96, %add3A_97 : vector<16xi32>
        %min3A = arith.constant 10239 : i32
        %min3A_99 = vector.broadcast %min3A : i32 to vector<16xi32>
        %min3A_100 = arith.minsi %add3A_98, %min3A_99 : vector<16xi32>
        %swap3A = arith.index_cast %mul3A_94 : i32 to index
        %swap3A_101 = tpu.vector_load %arg12[%swap3A] {strides = array<i32>} : memref<128xi32, #tpu.memory_space<vmem>>, vector<16xi32>,
        tpu.vector_store %arg12[%swap3A], %min3A_100 {strides = array<i32>} : memref<128xi32, #tpu.memory_space<vmem>>, vector<16xi32>,
      }
      %scan3A_67 = arith.constant 8 : i32
      %dma_start3A_68 = arith.constant 0 : i32
      %dma_start3A_69 = arith.constant 0 : i32
      %dma_start3A_70 = tpu.memref_slice %arg2[%dma_start3A_68, %dma_start3A_69] : memref<10240x128xf32, #tpu.memory_space<hbm>> -> memref<10240x128xf32, #tpu.memory_space<hbm>>
      tpu.enqueue_indirect_dma source(%dma_start3A_70 : memref<10240x128xf32, #tpu.memory_space<hbm>>) target(%arg15 : memref<128x128xf32, #tpu.memory_space<vmem>>) offsets(%arg11 : memref<128xi32, #tpu.memory_space<vmem>>) semaphore(%arg19 : memref<!tpu.dma_semaphore, #tpu.memory_space<semaphore_mem>>)
      %dma_start3A_71 = arith.constant 0 : i32
      %dma_start3A_72 = arith.constant 0 : i32
      %dma_start3A_73 = tpu.memref_slice %arg3[%dma_start3A_71, %dma_start3A_72] : memref<10240x128xf32, #tpu.memory_space<hbm>> -> memref<10240x128xf32, #tpu.memory_space<hbm>>
      tpu.enqueue_indirect_dma source(%dma_start3A_73 : memref<10240x128xf32, #tpu.memory_space<hbm>>) target(%arg16 : memref<128x128xf32, #tpu.memory_space<vmem>>) offsets(%arg12 : memref<128xi32, #tpu.memory_space<vmem>>) semaphore(%arg20 : memref<!tpu.dma_semaphore, #tpu.memory_space<semaphore_mem>>)
      %dma_start3A_74 = arith.constant 0 : i32
      %dma_start3A_75 = arith.constant 0 : i32
      %dma_start3A_76 = tpu.memref_slice %arg4[%dma_start3A_74, %dma_start3A_75] : memref<321536x128xf32, #tpu.memory_space<hbm>> -> memref<321536x128xf32, #tpu.memory_space<hbm>>
      tpu.enqueue_indirect_dma source(%dma_start3A_76 : memref<321536x128xf32, #tpu.memory_space<hbm>>) target(%arg17 : memref<128x128xf32, #tpu.memory_space<vmem>>) offsets(%arg14 : memref<128xi32, #tpu.memory_space<vmem>>) semaphore(%arg21 : memref<!tpu.dma_semaphore, #tpu.memory_space<semaphore_mem>>)
      %dma_wait3A_77 = arith.constant 0 : i32
      %dma_wait3A_78 = arith.constant 0 : i32
      %dma_wait3A_79 = tpu.memref_slice %arg2[%dma_wait3A_77, %dma_wait3A_78] : memref<10240x128xf32, #tpu.memory_space<hbm>> -> memref<10240x128xf32, #tpu.memory_space<hbm>>
      tpu.wait_indirect_dma semaphore(%arg19 : memref<!tpu.dma_semaphore, #tpu.memory_space<semaphore_mem>>) src(%dma_wait3A_79 : memref<10240x128xf32, #tpu.memory_space<hbm>>) dst(%arg15 : memref<128x128xf32, #tpu.memory_space<vmem>>)
      %dma_wait3A_80 = arith.constant 0 : i32
      %dma_wait3A_81 = arith.constant 0 : i32
      %dma_wait3A_82 = tpu.memref_slice %arg3[%dma_wait3A_80, %dma_wait3A_81] : memref<10240x128xf32, #tpu.memory_space<hbm>> -> memref<10240x128xf32, #tpu.memory_space<hbm>>
      tpu.wait_indirect_dma semaphore(%arg20 : memref<!tpu.dma_semaphore, #tpu.memory_space<semaphore_mem>>) src(%dma_wait3A_82 : memref<10240x128xf32, #tpu.memory_space<hbm>>) dst(%arg16 : memref<128x128xf32, #tpu.memory_space<vmem>>)
      %dma_wait3A_83 = arith.constant 0 : i32
      %dma_wait3A_84 = arith.constant 0 : i32
      %dma_wait3A_85 = tpu.memref_slice %arg4[%dma_wait3A_83, %dma_wait3A_84] : memref<321536x128xf32, #tpu.memory_space<hbm>> -> memref<321536x128xf32, #tpu.memory_space<hbm>>
      tpu.wait_indirect_dma semaphore(%arg21 : memref<!tpu.dma_semaphore, #tpu.memory_space<semaphore_mem>>) src(%dma_wait3A_85 : memref<321536x128xf32, #tpu.memory_space<hbm>>) dst(%arg17 : memref<128x128xf32, #tpu.memory_space<vmem>>)
      %scan3A_86 = arith.constant 0 : i32
      %scan3A_87 = arith.constant 0 : i32
      %scan3A_88 = arith.constant 64 : i32
      %scan3A_89 = arith.addi %scan3A_87, %scan3A_88 : i32
      %scan3A_90 = arith.constant 1 : i32
      scf.for %scan3A_92 = %scan3A_87 to %scan3A_89 step %scan3A_90  : i32 {
        %mul3A_93 = arith.constant 2 : i32
        %mul3A_94 = arith.muli %scan3A_92, %mul3A_93 : i32
        %add3A_95 = arith.constant 1 : i32
        %add3A_96 = arith.addi %mul3A_94, %add3A_95 : i32
        %get3A_97 = arith.index_cast %mul3A_94 : i32 to index
        %get3A_98 = tpu.vector_load %arg13[%get3A_97] {strides = array<i32>} : memref<144xi32, #tpu.memory_space<vmem>>, vector<16xi32>,
        %slice3A_99 = vector.extract_strided_slice %get3A_98 {offsets = [0], sizes = [1], strides = [1]} : vector<16xi32> to vector<1xi32>
        %squeeze3A_100 = vector.extract %slice3A_99[0] : i32 from vector<1xi32>
        %get3A_101 = arith.index_cast %add3A_96 : i32 to index
        %get3A_102 = tpu.vector_load %arg13[%get3A_101] {strides = array<i32>} : memref<144xi32, #tpu.memory_space<vmem>>, vector<16xi32>,
        %slice3A_103 = vector.extract_strided_slice %get3A_102 {offsets = [0], sizes = [1], strides = [1]} : vector<16xi32> to vector<1xi32>
        %squeeze3A_104 = vector.extract %slice3A_103[0] : i32 from vector<1xi32>
        %get3A_105 = arith.index_cast %mul3A_94 : i32 to index
        %get3A_106 = arith.constant 0 : index
        %get3A_107 = tpu.vector_load %arg15[%get3A_105, %get3A_106] {strides = array<i32>} : memref<128x128xf32, #tpu.memory_space<vmem>>, vector<16xf32>,
        %get3A_108 = arith.index_cast %mul3A_94 : i32 to index
        %get3A_109 = arith.constant 0 : index
        %get3A_110 = tpu.vector_load %arg16[%get3A_108, %get3A_109] {strides = array<i32>} : memref<128x128xf32, #tpu.memory_space<vmem>>, vector<16xf32>,
        %add3A_111 = arith.addf %get3A_107, %get3A_110 : vector<16xf32>
        %get3A_112 = arith.index_cast %mul3A_94 : i32 to index
        %get3A_113 = arith.constant 0 : index
        %get3A_114 = tpu.vector_load %arg17[%get3A_112, %get3A_113] {strides = array<i32>} : memref<128x128xf32, #tpu.memory_space<vmem>>, vector<16xf32>,
        %add3A_115 = arith.addf %add3A_111, %get3A_114 : vector<16xf32>
        %max3A = arith.constant 0.000000e+00 : f32
        %max3A_116 = vector.broadcast %max3A : f32 to vector<16xf32>
        %max3A_117 = arith.maximumf %add3A_115, %max3A_116 : vector<16xf32>
        %get3A_118 = arith.index_cast %add3A_96 : i32 to index
        %get3A_119 = arith.constant 0 : index
        %get3A_120 = tpu.vector_load %arg15[%get3A_118, %get3A_119] {strides = array<i32>} : memref<128x128xf32, #tpu.memory_space<vmem>>, vector<16xf32>,
        %get3A_121 = arith.index_cast %add3A_96 : i32 to index
        %get3A_122 = arith.constant 0 : index
        %get3A_123 = tpu.vector_load %arg16[%get3A_121, %get3A_122] {strides = array<i32>} : memref<128x128xf32, #tpu.memory_space<vmem>>, vector<16xf32>,
        %add3A_124 = arith.addf %get3A_120, %get3A_123 : vector<16xf32>
        %get3A_125 = arith.index_cast %add3A_96 : i32 to index
        %get3A_126 = arith.constant 0 : index
        %get3A_127 = tpu.vector_load %arg17[%get3A_125, %get3A_126] {strides = array<i32>} : memref<128x128xf32, #tpu.memory_space<vmem>>, vector<16xf32>,
        %add3A_128 = arith.addf %add3A_124, %get3A_127 : vector<16xf32>
        %max3A_129 = arith.constant 0.000000e+00 : f32
        %max3A_130 = vector.broadcast %max3A_129 : f32 to vector<16xf32>
        %max3A_131 = arith.maximumf %add3A_128, %max3A_130 : vector<16xf32>
        %swap3A = arith.index_cast %squeeze3A_100 : i32 to index
        %swap3A_132 = arith.constant 0 : index
        %swap3A_133 = tpu.vector_load %arg18[%swap3A, %swap3A_132] {strides = array<i32>} : memref<328x128xf32, #tpu.memory_space<vmem>>, vector<16xf32>,
        tpu.vector_store %arg18[%swap3A, %swap3A_132], %max3A_117 {add = true, strides = array<i32>} : memref<328x128xf32, #tpu.memory_space<vmem>>, vector<16xf32>,
        %swap3A_134 = arith.index_cast %squeeze3A_104 : i32 to index
        %swap3A_135 = arith.constant 0 : index
        %swap3A_136 = tpu.vector_load %arg18[%swap3A_134, %swap3A_135] {strides = array<i32>} : memref<328x128xf32, #tpu.memory_space<vmem>>, vector<16xf32>,
        tpu.vector_store %arg18[%swap3A_134, %swap3A_135], %max3A_131 {add = true, strides = array<i32>} : memref<328x128xf32, #tpu.memory_space<vmem>>, vector<16xf32>,
        %get3A_137 = arith.index_cast %mul3A_94 : i32 to index
        %get3A_138 = arith.constant 16 : index
        %get3A_139 = tpu.vector_load %arg15[%get3A_137, %get3A_138] {strides = array<i32>} : memref<128x128xf32, #tpu.memory_space<vmem>>, vector<16xf32>,
        %get3A_140 = arith.index_cast %mul3A_94 : i32 to index
        %get3A_141 = arith.constant 16 : index
        %get3A_142 = tpu.vector_load %arg16[%get3A_140, %get3A_141] {strides = array<i32>} : memref<128x128xf32, #tpu.memory_space<vmem>>, vector<16xf32>,
        %add3A_143 = arith.addf %get3A_139, %get3A_142 : vector<16xf32>
        %get3A_144 = arith.index_cast %mul3A_94 : i32 to index
        %get3A_145 = arith.constant 16 : index
        %get3A_146 = tpu.vector_load %arg17[%get3A_144, %get3A_145] {strides = array<i32>} : memref<128x128xf32, #tpu.memory_space<vmem>>, vector<16xf32>,
        %add3A_147 = arith.addf %add3A_143, %get3A_146 : vector<16xf32>
        %max3A_148 = arith.constant 0.000000e+00 : f32
        %max3A_149 = vector.broadcast %max3A_148 : f32 to vector<16xf32>
        %max3A_150 = arith.maximumf %add3A_147, %max3A_149 : vector<16xf32>
        %get3A_151 = arith.index_cast %add3A_96 : i32 to index
        %get3A_152 = arith.constant 16 : index
        %get3A_153 = tpu.vector_load %arg15[%get3A_151, %get3A_152] {strides = array<i32>} : memref<128x128xf32, #tpu.memory_space<vmem>>, vector<16xf32>,
        %get3A_154 = arith.index_cast %add3A_96 : i32 to index
        %get3A_155 = arith.constant 16 : index
        %get3A_156 = tpu.vector_load %arg16[%get3A_154, %get3A_155] {strides = array<i32>} : memref<128x128xf32, #tpu.memory_space<vmem>>, vector<16xf32>,
        %add3A_157 = arith.addf %get3A_153, %get3A_156 : vector<16xf32>
        %get3A_158 = arith.index_cast %add3A_96 : i32 to index
        %get3A_159 = arith.constant 16 : index
        %get3A_160 = tpu.vector_load %arg17[%get3A_158, %get3A_159] {strides = array<i32>} : memref<128x128xf32, #tpu.memory_space<vmem>>, vector<16xf32>,
        %add3A_161 = arith.addf %add3A_157, %get3A_160 : vector<16xf32>
        %max3A_162 = arith.constant 0.000000e+00 : f32
        %max3A_163 = vector.broadcast %max3A_162 : f32 to vector<16xf32>
        %max3A_164 = arith.maximumf %add3A_161, %max3A_163 : vector<16xf32>
        %swap3A_165 = arith.index_cast %squeeze3A_100 : i32 to index
        %swap3A_166 = arith.constant 16 : index
        %swap3A_167 = tpu.vector_load %arg18[%swap3A_165, %swap3A_166] {strides = array<i32>} : memref<328x128xf32, #tpu.memory_space<vmem>>, vector<16xf32>,
        tpu.vector_store %arg18[%swap3A_165, %swap3A_166], %max3A_150 {add = true, strides = array<i32>} : memref<328x128xf32, #tpu.memory_space<vmem>>, vector<16xf32>,
        %swap3A_168 = arith.index_cast %squeeze3A_104 : i32 to index
        %swap3A_169 = arith.constant 16 : index
        %swap3A_170 = tpu.vector_load %arg18[%swap3A_168, %swap3A_169] {strides = array<i32>} : memref<328x128xf32, #tpu.memory_space<vmem>>, vector<16xf32>,
        tpu.vector_store %arg18[%swap3A_168, %swap3A_169], %max3A_164 {add = true, strides = array<i32>} : memref<328x128xf32, #tpu.memory_space<vmem>>, vector<16xf32>,
        %get3A_171 = arith.index_cast %mul3A_94 : i32 to index
        %get3A_172 = arith.constant 32 : index
        %get3A_173 = tpu.vector_load %arg15[%get3A_171, %get3A_172] {strides = array<i32>} : memref<128x128xf32, #tpu.memory_space<vmem>>, vector<16xf32>,
        %get3A_174 = arith.index_cast %mul3A_94 : i32 to index
        %get3A_175 = arith.constant 32 : index
        %get3A_176 = tpu.vector_load %arg16[%get3A_174, %get3A_175] {strides = array<i32>} : memref<128x128xf32, #tpu.memory_space<vmem>>, vector<16xf32>,
        %add3A_177 = arith.addf %get3A_173, %get3A_176 : vector<16xf32>
        %get3A_178 = arith.index_cast %mul3A_94 : i32 to index
        %get3A_179 = arith.constant 32 : index
        %get3A_180 = tpu.vector_load %arg17[%get3A_178, %get3A_179] {strides = array<i32>} : memref<128x128xf32, #tpu.memory_space<vmem>>, vector<16xf32>,
        %add3A_181 = arith.addf %add3A_177, %get3A_180 : vector<16xf32>
        %max3A_182 = arith.constant 0.000000e+00 : f32
        %max3A_183 = vector.broadcast %max3A_182 : f32 to vector<16xf32>
        %max3A_184 = arith.maximumf %add3A_181, %max3A_183 : vector<16xf32>
        %get3A_185 = arith.index_cast %add3A_96 : i32 to index
        %get3A_186 = arith.constant 32 : index
        %get3A_187 = tpu.vector_load %arg15[%get3A_185, %get3A_186] {strides = array<i32>} : memref<128x128xf32, #tpu.memory_space<vmem>>, vector<16xf32>,
        %get3A_188 = arith.index_cast %add3A_96 : i32 to index
        %get3A_189 = arith.constant 32 : index
        %get3A_190 = tpu.vector_load %arg16[%get3A_188, %get3A_189] {strides = array<i32>} : memref<128x128xf32, #tpu.memory_space<vmem>>, vector<16xf32>,
        %add3A_191 = arith.addf %get3A_187, %get3A_190 : vector<16xf32>
        %get3A_192 = arith.index_cast %add3A_96 : i32 to index
        %get3A_193 = arith.constant 32 : index
        %get3A_194 = tpu.vector_load %arg17[%get3A_192, %get3A_193] {strides = array<i32>} : memref<128x128xf32, #tpu.memory_space<vmem>>, vector<16xf32>,
        %add3A_195 = arith.addf %add3A_191, %get3A_194 : vector<16xf32>
        %max3A_196 = arith.constant 0.000000e+00 : f32
        %max3A_197 = vector.broadcast %max3A_196 : f32 to vector<16xf32>
        %max3A_198 = arith.maximumf %add3A_195, %max3A_197 : vector<16xf32>
        %swap3A_199 = arith.index_cast %squeeze3A_100 : i32 to index
        %swap3A_200 = arith.constant 32 : index
        %swap3A_201 = tpu.vector_load %arg18[%swap3A_199, %swap3A_200] {strides = array<i32>} : memref<328x128xf32, #tpu.memory_space<vmem>>, vector<16xf32>,
        tpu.vector_store %arg18[%swap3A_199, %swap3A_200], %max3A_184 {add = true, strides = array<i32>} : memref<328x128xf32, #tpu.memory_space<vmem>>, vector<16xf32>,
        %swap3A_202 = arith.index_cast %squeeze3A_104 : i32 to index
        %swap3A_203 = arith.constant 32 : index
        %swap3A_204 = tpu.vector_load %arg18[%swap3A_202, %swap3A_203] {strides = array<i32>} : memref<328x128xf32, #tpu.memory_space<vmem>>, vector<16xf32>,
        tpu.vector_store %arg18[%swap3A_202, %swap3A_203], %max3A_198 {add = true, strides = array<i32>} : memref<328x128xf32, #tpu.memory_space<vmem>>, vector<16xf32>,
        %get3A_205 = arith.index_cast %mul3A_94 : i32 to index
        %get3A_206 = arith.constant 48 : index
        %get3A_207 = tpu.vector_load %arg15[%get3A_205, %get3A_206] {strides = array<i32>} : memref<128x128xf32, #tpu.memory_space<vmem>>, vector<16xf32>,
        %get3A_208 = arith.index_cast %mul3A_94 : i32 to index
        %get3A_209 = arith.constant 48 : index
        %get3A_210 = tpu.vector_load %arg16[%get3A_208, %get3A_209] {strides = array<i32>} : memref<128x128xf32, #tpu.memory_space<vmem>>, vector<16xf32>,
        %add3A_211 = arith.addf %get3A_207, %get3A_210 : vector<16xf32>
        %get3A_212 = arith.index_cast %mul3A_94 : i32 to index
        %get3A_213 = arith.constant 48 : index
        %get3A_214 = tpu.vector_load %arg17[%get3A_212, %get3A_213] {strides = array<i32>} : memref<128x128xf32, #tpu.memory_space<vmem>>, vector<16xf32>,
        %add3A_215 = arith.addf %add3A_211, %get3A_214 : vector<16xf32>
        %max3A_216 = arith.constant 0.000000e+00 : f32
        %max3A_217 = vector.broadcast %max3A_216 : f32 to vector<16xf32>
        %max3A_218 = arith.maximumf %add3A_215, %max3A_217 : vector<16xf32>
        %get3A_219 = arith.index_cast %add3A_96 : i32 to index
        %get3A_220 = arith.constant 48 : index
        %get3A_221 = tpu.vector_load %arg15[%get3A_219, %get3A_220] {strides = array<i32>} : memref<128x128xf32, #tpu.memory_space<vmem>>, vector<16xf32>,
        %get3A_222 = arith.index_cast %add3A_96 : i32 to index
        %get3A_223 = arith.constant 48 : index
        %get3A_224 = tpu.vector_load %arg16[%get3A_222, %get3A_223] {strides = array<i32>} : memref<128x128xf32, #tpu.memory_space<vmem>>, vector<16xf32>,
        %add3A_225 = arith.addf %get3A_221, %get3A_224 : vector<16xf32>
        %get3A_226 = arith.index_cast %add3A_96 : i32 to index
        %get3A_227 = arith.constant 48 : index
        %get3A_228 = tpu.vector_load %arg17[%get3A_226, %get3A_227] {strides = array<i32>} : memref<128x128xf32, #tpu.memory_space<vmem>>, vector<16xf32>,
        %add3A_229 = arith.addf %add3A_225, %get3A_228 : vector<16xf32>
        %max3A_230 = arith.constant 0.000000e+00 : f32
        %max3A_231 = vector.broadcast %max3A_230 : f32 to vector<16xf32>
        %max3A_232 = arith.maximumf %add3A_229, %max3A_231 : vector<16xf32>
        %swap3A_233 = arith.index_cast %squeeze3A_100 : i32 to index
        %swap3A_234 = arith.constant 48 : index
        %swap3A_235 = tpu.vector_load %arg18[%swap3A_233, %swap3A_234] {strides = array<i32>} : memref<328x128xf32, #tpu.memory_space<vmem>>, vector<16xf32>,
        tpu.vector_store %arg18[%swap3A_233, %swap3A_234], %max3A_218 {add = true, strides = array<i32>} : memref<328x128xf32, #tpu.memory_space<vmem>>, vector<16xf32>,
        %swap3A_236 = arith.index_cast %squeeze3A_104 : i32 to index
        %swap3A_237 = arith.constant 48 : index
        %swap3A_238 = tpu.vector_load %arg18[%swap3A_236, %swap3A_237] {strides = array<i32>} : memref<328x128xf32, #tpu.memory_space<vmem>>, vector<16xf32>,
        tpu.vector_store %arg18[%swap3A_236, %swap3A_237], %max3A_232 {add = true, strides = array<i32>} : memref<328x128xf32, #tpu.memory_space<vmem>>, vector<16xf32>,
        %get3A_239 = arith.index_cast %mul3A_94 : i32 to index
        %get3A_240 = arith.constant 64 : index
        %get3A_241 = tpu.vector_load %arg15[%get3A_239, %get3A_240] {strides = array<i32>} : memref<128x128xf32, #tpu.memory_space<vmem>>, vector<16xf32>,
        %get3A_242 = arith.index_cast %mul3A_94 : i32 to index
        %get3A_243 = arith.constant 64 : index
        %get3A_244 = tpu.vector_load %arg16[%get3A_242, %get3A_243] {strides = array<i32>} : memref<128x128xf32, #tpu.memory_space<vmem>>, vector<16xf32>,
        %add3A_245 = arith.addf %get3A_241, %get3A_244 : vector<16xf32>
        %get3A_246 = arith.index_cast %mul3A_94 : i32 to index
        %get3A_247 = arith.constant 64 : index
        %get3A_248 = tpu.vector_load %arg17[%get3A_246, %get3A_247] {strides = array<i32>} : memref<128x128xf32, #tpu.memory_space<vmem>>, vector<16xf32>,
        %add3A_249 = arith.addf %add3A_245, %get3A_248 : vector<16xf32>
        %max3A_250 = arith.constant 0.000000e+00 : f32
        %max3A_251 = vector.broadcast %max3A_250 : f32 to vector<16xf32>
        %max3A_252 = arith.maximumf %add3A_249, %max3A_251 : vector<16xf32>
        %get3A_253 = arith.index_cast %add3A_96 : i32 to index
        %get3A_254 = arith.constant 64 : index
        %get3A_255 = tpu.vector_load %arg15[%get3A_253, %get3A_254] {strides = array<i32>} : memref<128x128xf32, #tpu.memory_space<vmem>>, vector<16xf32>,
        %get3A_256 = arith.index_cast %add3A_96 : i32 to index
        %get3A_257 = arith.constant 64 : index
        %get3A_258 = tpu.vector_load %arg16[%get3A_256, %get3A_257] {strides = array<i32>} : memref<128x128xf32, #tpu.memory_space<vmem>>, vector<16xf32>,
        %add3A_259 = arith.addf %get3A_255, %get3A_258 : vector<16xf32>
        %get3A_260 = arith.index_cast %add3A_96 : i32 to index
        %get3A_261 = arith.constant 64 : index
        %get3A_262 = tpu.vector_load %arg17[%get3A_260, %get3A_261] {strides = array<i32>} : memref<128x128xf32, #tpu.memory_space<vmem>>, vector<16xf32>,
        %add3A_263 = arith.addf %add3A_259, %get3A_262 : vector<16xf32>
        %max3A_264 = arith.constant 0.000000e+00 : f32
        %max3A_265 = vector.broadcast %max3A_264 : f32 to vector<16xf32>
        %max3A_266 = arith.maximumf %add3A_263, %max3A_265 : vector<16xf32>
        %swap3A_267 = arith.index_cast %squeeze3A_100 : i32 to index
        %swap3A_268 = arith.constant 64 : index
        %swap3A_269 = tpu.vector_load %arg18[%swap3A_267, %swap3A_268] {strides = array<i32>} : memref<328x128xf32, #tpu.memory_space<vmem>>, vector<16xf32>,
        tpu.vector_store %arg18[%swap3A_267, %swap3A_268], %max3A_252 {add = true, strides = array<i32>} : memref<328x128xf32, #tpu.memory_space<vmem>>, vector<16xf32>,
        %swap3A_270 = arith.index_cast %squeeze3A_104 : i32 to index
        %swap3A_271 = arith.constant 64 : index
        %swap3A_272 = tpu.vector_load %arg18[%swap3A_270, %swap3A_271] {strides = array<i32>} : memref<328x128xf32, #tpu.memory_space<vmem>>, vector<16xf32>,
        tpu.vector_store %arg18[%swap3A_270, %swap3A_271], %max3A_266 {add = true, strides = array<i32>} : memref<328x128xf32, #tpu.memory_space<vmem>>, vector<16xf32>,
        %get3A_273 = arith.index_cast %mul3A_94 : i32 to index
        %get3A_274 = arith.constant 80 : index
        %get3A_275 = tpu.vector_load %arg15[%get3A_273, %get3A_274] {strides = array<i32>} : memref<128x128xf32, #tpu.memory_space<vmem>>, vector<16xf32>,
        %get3A_276 = arith.index_cast %mul3A_94 : i32 to index
        %get3A_277 = arith.constant 80 : index
        %get3A_278 = tpu.vector_load %arg16[%get3A_276, %get3A_277] {strides = array<i32>} : memref<128x128xf32, #tpu.memory_space<vmem>>, vector<16xf32>,
        %add3A_279 = arith.addf %get3A_275, %get3A_278 : vector<16xf32>
        %get3A_280 = arith.index_cast %mul3A_94 : i32 to index
        %get3A_281 = arith.constant 80 : index
        %get3A_282 = tpu.vector_load %arg17[%get3A_280, %get3A_281] {strides = array<i32>} : memref<128x128xf32, #tpu.memory_space<vmem>>, vector<16xf32>,
        %add3A_283 = arith.addf %add3A_279, %get3A_282 : vector<16xf32>
        %max3A_284 = arith.constant 0.000000e+00 : f32
        %max3A_285 = vector.broadcast %max3A_284 : f32 to vector<16xf32>
        %max3A_286 = arith.maximumf %add3A_283, %max3A_285 : vector<16xf32>
        %get3A_287 = arith.index_cast %add3A_96 : i32 to index
        %get3A_288 = arith.constant 80 : index
        %get3A_289 = tpu.vector_load %arg15[%get3A_287, %get3A_288] {strides = array<i32>} : memref<128x128xf32, #tpu.memory_space<vmem>>, vector<16xf32>,
        %get3A_290 = arith.index_cast %add3A_96 : i32 to index
        %get3A_291 = arith.constant 80 : index
        %get3A_292 = tpu.vector_load %arg16[%get3A_290, %get3A_291] {strides = array<i32>} : memref<128x128xf32, #tpu.memory_space<vmem>>, vector<16xf32>,
        %add3A_293 = arith.addf %get3A_289, %get3A_292 : vector<16xf32>
        %get3A_294 = arith.index_cast %add3A_96 : i32 to index
        %get3A_295 = arith.constant 80 : index
        %get3A_296 = tpu.vector_load %arg17[%get3A_294, %get3A_295] {strides = array<i32>} : memref<128x128xf32, #tpu.memory_space<vmem>>, vector<16xf32>,
        %add3A_297 = arith.addf %add3A_293, %get3A_296 : vector<16xf32>
        %max3A_298 = arith.constant 0.000000e+00 : f32
        %max3A_299 = vector.broadcast %max3A_298 : f32 to vector<16xf32>
        %max3A_300 = arith.maximumf %add3A_297, %max3A_299 : vector<16xf32>
        %swap3A_301 = arith.index_cast %squeeze3A_100 : i32 to index
        %swap3A_302 = arith.constant 80 : index
        %swap3A_303 = tpu.vector_load %arg18[%swap3A_301, %swap3A_302] {strides = array<i32>} : memref<328x128xf32, #tpu.memory_space<vmem>>, vector<16xf32>,
        tpu.vector_store %arg18[%swap3A_301, %swap3A_302], %max3A_286 {add = true, strides = array<i32>} : memref<328x128xf32, #tpu.memory_space<vmem>>, vector<16xf32>,
        %swap3A_304 = arith.index_cast %squeeze3A_104 : i32 to index
        %swap3A_305 = arith.constant 80 : index
        %swap3A_306 = tpu.vector_load %arg18[%swap3A_304, %swap3A_305] {strides = array<i32>} : memref<328x128xf32, #tpu.memory_space<vmem>>, vector<16xf32>,
        tpu.vector_store %arg18[%swap3A_304, %swap3A_305], %max3A_300 {add = true, strides = array<i32>} : memref<328x128xf32, #tpu.memory_space<vmem>>, vector<16xf32>,
        %get3A_307 = arith.index_cast %mul3A_94 : i32 to index
        %get3A_308 = arith.constant 96 : index
        %get3A_309 = tpu.vector_load %arg15[%get3A_307, %get3A_308] {strides = array<i32>} : memref<128x128xf32, #tpu.memory_space<vmem>>, vector<16xf32>,
        %get3A_310 = arith.index_cast %mul3A_94 : i32 to index
        %get3A_311 = arith.constant 96 : index
        %get3A_312 = tpu.vector_load %arg16[%get3A_310, %get3A_311] {strides = array<i32>} : memref<128x128xf32, #tpu.memory_space<vmem>>, vector<16xf32>,
        %add3A_313 = arith.addf %get3A_309, %get3A_312 : vector<16xf32>
        %get3A_314 = arith.index_cast %mul3A_94 : i32 to index
        %get3A_315 = arith.constant 96 : index
        %get3A_316 = tpu.vector_load %arg17[%get3A_314, %get3A_315] {strides = array<i32>} : memref<128x128xf32, #tpu.memory_space<vmem>>, vector<16xf32>,
        %add3A_317 = arith.addf %add3A_313, %get3A_316 : vector<16xf32>
        %max3A_318 = arith.constant 0.000000e+00 : f32
        %max3A_319 = vector.broadcast %max3A_318 : f32 to vector<16xf32>
        %max3A_320 = arith.maximumf %add3A_317, %max3A_319 : vector<16xf32>
        %get3A_321 = arith.index_cast %add3A_96 : i32 to index
        %get3A_322 = arith.constant 96 : index
        %get3A_323 = tpu.vector_load %arg15[%get3A_321, %get3A_322] {strides = array<i32>} : memref<128x128xf32, #tpu.memory_space<vmem>>, vector<16xf32>,
        %get3A_324 = arith.index_cast %add3A_96 : i32 to index
        %get3A_325 = arith.constant 96 : index
        %get3A_326 = tpu.vector_load %arg16[%get3A_324, %get3A_325] {strides = array<i32>} : memref<128x128xf32, #tpu.memory_space<vmem>>, vector<16xf32>,
        %add3A_327 = arith.addf %get3A_323, %get3A_326 : vector<16xf32>
        %get3A_328 = arith.index_cast %add3A_96 : i32 to index
        %get3A_329 = arith.constant 96 : index
        %get3A_330 = tpu.vector_load %arg17[%get3A_328, %get3A_329] {strides = array<i32>} : memref<128x128xf32, #tpu.memory_space<vmem>>, vector<16xf32>,
        %add3A_331 = arith.addf %add3A_327, %get3A_330 : vector<16xf32>
        %max3A_332 = arith.constant 0.000000e+00 : f32
        %max3A_333 = vector.broadcast %max3A_332 : f32 to vector<16xf32>
        %max3A_334 = arith.maximumf %add3A_331, %max3A_333 : vector<16xf32>
        %swap3A_335 = arith.index_cast %squeeze3A_100 : i32 to index
        %swap3A_336 = arith.constant 96 : index
        %swap3A_337 = tpu.vector_load %arg18[%swap3A_335, %swap3A_336] {strides = array<i32>} : memref<328x128xf32, #tpu.memory_space<vmem>>, vector<16xf32>,
        tpu.vector_store %arg18[%swap3A_335, %swap3A_336], %max3A_320 {add = true, strides = array<i32>} : memref<328x128xf32, #tpu.memory_space<vmem>>, vector<16xf32>,
        %swap3A_338 = arith.index_cast %squeeze3A_104 : i32 to index
        %swap3A_339 = arith.constant 96 : index
        %swap3A_340 = tpu.vector_load %arg18[%swap3A_338, %swap3A_339] {strides = array<i32>} : memref<328x128xf32, #tpu.memory_space<vmem>>, vector<16xf32>,
        tpu.vector_store %arg18[%swap3A_338, %swap3A_339], %max3A_334 {add = true, strides = array<i32>} : memref<328x128xf32, #tpu.memory_space<vmem>>, vector<16xf32>,
        %get3A_341 = arith.index_cast %mul3A_94 : i32 to index
        %get3A_342 = arith.constant 112 : index
        %get3A_343 = tpu.vector_load %arg15[%get3A_341, %get3A_342] {strides = array<i32>} : memref<128x128xf32, #tpu.memory_space<vmem>>, vector<16xf32>,
        %get3A_344 = arith.index_cast %mul3A_94 : i32 to index
        %get3A_345 = arith.constant 112 : index
        %get3A_346 = tpu.vector_load %arg16[%get3A_344, %get3A_345] {strides = array<i32>} : memref<128x128xf32, #tpu.memory_space<vmem>>, vector<16xf32>,
        %add3A_347 = arith.addf %get3A_343, %get3A_346 : vector<16xf32>
        %get3A_348 = arith.index_cast %mul3A_94 : i32 to index
        %get3A_349 = arith.constant 112 : index
        %get3A_350 = tpu.vector_load %arg17[%get3A_348, %get3A_349] {strides = array<i32>} : memref<128x128xf32, #tpu.memory_space<vmem>>, vector<16xf32>,
        %add3A_351 = arith.addf %add3A_347, %get3A_350 : vector<16xf32>
        %max3A_352 = arith.constant 0.000000e+00 : f32
        %max3A_353 = vector.broadcast %max3A_352 : f32 to vector<16xf32>
        %max3A_354 = arith.maximumf %add3A_351, %max3A_353 : vector<16xf32>
        %get3A_355 = arith.index_cast %add3A_96 : i32 to index
        %get3A_356 = arith.constant 112 : index
        %get3A_357 = tpu.vector_load %arg15[%get3A_355, %get3A_356] {strides = array<i32>} : memref<128x128xf32, #tpu.memory_space<vmem>>, vector<16xf32>,
        %get3A_358 = arith.index_cast %add3A_96 : i32 to index
        %get3A_359 = arith.constant 112 : index
        %get3A_360 = tpu.vector_load %arg16[%get3A_358, %get3A_359] {strides = array<i32>} : memref<128x128xf32, #tpu.memory_space<vmem>>, vector<16xf32>,
        %add3A_361 = arith.addf %get3A_357, %get3A_360 : vector<16xf32>
        %get3A_362 = arith.index_cast %add3A_96 : i32 to index
        %get3A_363 = arith.constant 112 : index
        %get3A_364 = tpu.vector_load %arg17[%get3A_362, %get3A_363] {strides = array<i32>} : memref<128x128xf32, #tpu.memory_space<vmem>>, vector<16xf32>,
        %add3A_365 = arith.addf %add3A_361, %get3A_364 : vector<16xf32>
        %max3A_366 = arith.constant 0.000000e+00 : f32
        %max3A_367 = vector.broadcast %max3A_366 : f32 to vector<16xf32>
        %max3A_368 = arith.maximumf %add3A_365, %max3A_367 : vector<16xf32>
        %swap3A_369 = arith.index_cast %squeeze3A_100 : i32 to index
        %swap3A_370 = arith.constant 112 : index
        %swap3A_371 = tpu.vector_load %arg18[%swap3A_369, %swap3A_370] {strides = array<i32>} : memref<328x128xf32, #tpu.memory_space<vmem>>, vector<16xf32>,
        tpu.vector_store %arg18[%swap3A_369, %swap3A_370], %max3A_354 {add = true, strides = array<i32>} : memref<328x128xf32, #tpu.memory_space<vmem>>, vector<16xf32>,
        %swap3A_372 = arith.index_cast %squeeze3A_104 : i32 to index
        %swap3A_373 = arith.constant 112 : index
        %swap3A_374 = tpu.vector_load %arg18[%swap3A_372, %swap3A_373] {strides = array<i32>} : memref<328x128xf32, #tpu.memory_space<vmem>>, vector<16xf32>,
        tpu.vector_store %arg18[%swap3A_372, %swap3A_373], %max3A_368 {add = true, strides = array<i32>} : memref<328x128xf32, #tpu.memory_space<vmem>>, vector<16xf32>,
      }
      %scan3A_91 = arith.constant 64 : i32
    }
    %add3A_19 = arith.constant 0 : i32
    %add3A_20 = arith.addi %mul3A_8, %add3A_19 : i32
    "tpu.region"() ({
      %run_scoped3A_23 = tpu.sem_alloc : memref<!tpu.dma_semaphore, #tpu.memory_space<semaphore_mem>>
      %dma_start3A = arith.constant 0 : i32
      %dma_start3A_24 = arith.constant 0 : i32
      %dma_start3A_25 = tpu.memref_slice %arg18[%dma_start3A, %dma_start3A_24] : memref<328x128xf32, #tpu.memory_space<vmem>> -> memref<160x128xf32, #tpu.memory_space<vmem>>
      %dma_start3A_26 = arith.constant 0 : i32
      %dma_start3A_27 = tpu.memref_slice %arg9[%add3A_20, %dma_start3A_26] : memref<10240x128xf32, #tpu.memory_space<hbm>> -> memref<160x128xf32, #tpu.memory_space<hbm>>
      %dma_start3A_28 = arith.constant 0 : i32
      %dma_start3A_29 = tpu.memref_slice %arg9[%add3A_20, %dma_start3A_28] : memref<10240x128xf32, #tpu.memory_space<hbm>> -> memref<160x128xf32, #tpu.memory_space<hbm>>
      %dma_start3A_30 = arith.constant 0 : i32
      %dma_start3A_31 = arith.constant 0 : i32
      %dma_start3A_32 = tpu.memref_slice %arg18[%dma_start3A_30, %dma_start3A_31] : memref<328x128xf32, #tpu.memory_space<vmem>> -> memref<160x128xf32, #tpu.memory_space<vmem>>
      tpu.enqueue_dma source(%dma_start3A_32 : memref<160x128xf32, #tpu.memory_space<vmem>>) target(%dma_start3A_29 : memref<160x128xf32, #tpu.memory_space<hbm>>) target_semaphore(%run_scoped3A_23 : memref<!tpu.dma_semaphore, #tpu.memory_space<semaphore_mem>>)
      %dma_wait3A = arith.constant 0 : i32
      %dma_wait3A_33 = arith.constant 0 : i32
      %dma_wait3A_34 = tpu.memref_slice %arg18[%dma_wait3A, %dma_wait3A_33] : memref<328x128xf32, #tpu.memory_space<vmem>> -> memref<160x128xf32, #tpu.memory_space<vmem>>
      %dma_wait3A_35 = arith.constant 0 : i32
      %dma_wait3A_36 = tpu.memref_slice %arg9[%add3A_20, %dma_wait3A_35] : memref<10240x128xf32, #tpu.memory_space<hbm>> -> memref<160x128xf32, #tpu.memory_space<hbm>>
      %dma_wait3A_37 = arith.constant 0 : i32
      %dma_wait3A_38 = tpu.memref_slice %arg9[%add3A_20, %dma_wait3A_37] : memref<10240x128xf32, #tpu.memory_space<hbm>> -> memref<160x128xf32, #tpu.memory_space<hbm>>
      %dma_wait3A_39 = arith.constant 0 : i32
      %dma_wait3A_40 = arith.constant 0 : i32
      %dma_wait3A_41 = tpu.memref_slice %arg18[%dma_wait3A_39, %dma_wait3A_40] : memref<328x128xf32, #tpu.memory_space<vmem>> -> memref<160x128xf32, #tpu.memory_space<vmem>>
      tpu.wait_dma2 semaphore(%run_scoped3A_23 : memref<!tpu.dma_semaphore, #tpu.memory_space<semaphore_mem>>) src(%dma_wait3A_41 : memref<160x128xf32, #tpu.memory_space<vmem>>) dst(%dma_wait3A_38 : memref<160x128xf32, #tpu.memory_space<hbm>>)
      tpu.yield
    }) : () -> ()
    %add3A_21 = arith.constant 160 : i32
    %add3A_22 = arith.addi %mul3A_8, %add3A_21 : i32
    "tpu.region"() ({
      %run_scoped3A_23 = tpu.sem_alloc : memref<!tpu.dma_semaphore, #tpu.memory_space<semaphore_mem>>
      %dma_start3A = arith.constant 160 : i32
      %dma_start3A_24 = arith.constant 0 : i32
      %dma_start3A_25 = tpu.memref_slice %arg18[%dma_start3A, %dma_start3A_24] : memref<328x128xf32, #tpu.memory_space<vmem>> -> memref<160x128xf32, #tpu.memory_space<vmem>>
      %dma_start3A_26 = arith.constant 0 : i32
      %dma_start3A_27 = tpu.memref_slice %arg9[%add3A_22, %dma_start3A_26] : memref<10240x128xf32, #tpu.memory_space<hbm>> -> memref<160x128xf32, #tpu.memory_space<hbm>>
      %dma_start3A_28 = arith.constant 0 : i32
      %dma_start3A_29 = tpu.memref_slice %arg9[%add3A_22, %dma_start3A_28] : memref<10240x128xf32, #tpu.memory_space<hbm>> -> memref<160x128xf32, #tpu.memory_space<hbm>>
      %dma_start3A_30 = arith.constant 160 : i32
      %dma_start3A_31 = arith.constant 0 : i32
      %dma_start3A_32 = tpu.memref_slice %arg18[%dma_start3A_30, %dma_start3A_31] : memref<328x128xf32, #tpu.memory_space<vmem>> -> memref<160x128xf32, #tpu.memory_space<vmem>>
      tpu.enqueue_dma source(%dma_start3A_32 : memref<160x128xf32, #tpu.memory_space<vmem>>) target(%dma_start3A_29 : memref<160x128xf32, #tpu.memory_space<hbm>>) target_semaphore(%run_scoped3A_23 : memref<!tpu.dma_semaphore, #tpu.memory_space<semaphore_mem>>)
      %dma_wait3A = arith.constant 160 : i32
      %dma_wait3A_33 = arith.constant 0 : i32
      %dma_wait3A_34 = tpu.memref_slice %arg18[%dma_wait3A, %dma_wait3A_33] : memref<328x128xf32, #tpu.memory_space<vmem>> -> memref<160x128xf32, #tpu.memory_space<vmem>>
      %dma_wait3A_35 = arith.constant 0 : i32
      %dma_wait3A_36 = tpu.memref_slice %arg9[%add3A_22, %dma_wait3A_35] : memref<10240x128xf32, #tpu.memory_space<hbm>> -> memref<160x128xf32, #tpu.memory_space<hbm>>
      %dma_wait3A_37 = arith.constant 0 : i32
      %dma_wait3A_38 = tpu.memref_slice %arg9[%add3A_22, %dma_wait3A_37] : memref<10240x128xf32, #tpu.memory_space<hbm>> -> memref<160x128xf32, #tpu.memory_space<hbm>>
      %dma_wait3A_39 = arith.constant 160 : i32
      %dma_wait3A_40 = arith.constant 0 : i32
      %dma_wait3A_41 = tpu.memref_slice %arg18[%dma_wait3A_39, %dma_wait3A_40] : memref<328x128xf32, #tpu.memory_space<vmem>> -> memref<160x128xf32, #tpu.memory_space<vmem>>
      tpu.wait_dma2 semaphore(%run_scoped3A_23 : memref<!tpu.dma_semaphore, #tpu.memory_space<semaphore_mem>>) src(%dma_wait3A_41 : memref<160x128xf32, #tpu.memory_space<vmem>>) dst(%dma_wait3A_38 : memref<160x128xf32, #tpu.memory_space<hbm>>)
      tpu.yield
    }) : () -> ()
    return
  }
}

#map = affine_map<(d0, d1) -> (0, 0)>
#map1 = affine_map<(d0, d1) -> (0, 0, 0)>
module attributes {stable_mosaic.version = 14 : i64} {
  func.func @body(%arg0: i32, %arg1: i32, %arg2: memref<10240x128xf32, #tpu.memory_space<hbm>>, %arg3: memref<10240x128xf32, #tpu.memory_space<hbm>>, %arg4: memref<321536x128xf32, #tpu.memory_space<hbm>>, %arg5: memref<32x8x11904xi32, #tpu.memory_space<hbm>>, %arg6: memref<32x8x11904xi32, #tpu.memory_space<hbm>>, %arg7: memref<32x8x11904xi32, #tpu.memory_space<hbm>>, %arg8: memref<32x8x16xi32, #tpu.memory_space<hbm>>, %arg9: memref<10240x128xf32, #tpu.memory_space<hbm>>, %arg10: memref<16xi32, #tpu.memory_space<vmem>>, %arg11: memref<128xi32, #tpu.memory_space<vmem>>, %arg12: memref<128xi32, #tpu.memory_space<vmem>>, %arg13: memref<144xi32, #tpu.memory_space<vmem>>, %arg14: memref<128xi32, #tpu.memory_space<vmem>>, %arg15: memref<128x128xf32, #tpu.memory_space<vmem>>, %arg16: memref<128x128xf32, #tpu.memory_space<vmem>>, %arg17: memref<128x128xf32, #tpu.memory_space<vmem>>, %arg18: memref<328x128xf32, #tpu.memory_space<vmem>>, %arg19: memref<!tpu.dma_semaphore, #tpu.memory_space<semaphore_mem>>, %arg20: memref<!tpu.dma_semaphore, #tpu.memory_space<semaphore_mem>>, %arg21: memref<!tpu.dma_semaphore, #tpu.memory_space<semaphore_mem>>) attributes {dimension_semantics = [#tpu.dimension_semantics<core_parallel>, #tpu.dimension_semantics<subcore_parallel>], iteration_bounds = array<i64: 2, 16>, scalar_prefetch = 0 : i64, scratch_operands = 12 : i64, tpu.core_type = #tpu.core_type<sc_vector_subcore>, window_params = [{transform_indices = #map}, {transform_indices = #map}, {transform_indices = #map}, {transform_indices = #map1}, {transform_indices = #map1}, {transform_indices = #map1}, {transform_indices = #map1}, {transform_indices = #map}]} {
    %mul3A = arith.constant 16 : i32
    %mul3A_0 = arith.muli %arg0, %mul3A : i32
    %add3A = arith.addi %mul3A_0, %arg1 : i32
    %broadcast_in_dim3A = arith.constant 0.000000e+00 : f32
    %broadcast_in_dim3A_1 = vector.broadcast %broadcast_in_dim3A : f32 to vector<16xf32>
    %scan3A = arith.constant 0 : i32
    %scan3A_2 = arith.constant 0 : i32
    %scan3A_3 = arith.constant 328 : i32
    %scan3A_4 = arith.addi %scan3A_2, %scan3A_3 : i32
    %scan3A_5 = arith.constant 1 : i32
    scf.for %scan3A_23 = %scan3A_2 to %scan3A_4 step %scan3A_5  : i32 {
      %swap3A = arith.index_cast %scan3A_23 : i32 to index
      %swap3A_24 = arith.constant 0 : index
      %swap3A_25 = tpu.vector_load %arg18[%swap3A, %swap3A_24] {strides = array<i32>} : memref<328x128xf32, #tpu.memory_space<vmem>>, vector<16xf32>,
      tpu.vector_store %arg18[%swap3A, %swap3A_24], %broadcast_in_dim3A_1 {strides = array<i32>} : memref<328x128xf32, #tpu.memory_space<vmem>>, vector<16xf32>,
      %swap3A_26 = arith.index_cast %scan3A_23 : i32 to index
      %swap3A_27 = arith.constant 16 : index
      %swap3A_28 = tpu.vector_load %arg18[%swap3A_26, %swap3A_27] {strides = array<i32>} : memref<328x128xf32, #tpu.memory_space<vmem>>, vector<16xf32>,
      tpu.vector_store %arg18[%swap3A_26, %swap3A_27], %broadcast_in_dim3A_1 {strides = array<i32>} : memref<328x128xf32, #tpu.memory_space<vmem>>, vector<16xf32>,
      %swap3A_29 = arith.index_cast %scan3A_23 : i32 to index
      %swap3A_30 = arith.constant 32 : index
      %swap3A_31 = tpu.vector_load %arg18[%swap3A_29, %swap3A_30] {strides = array<i32>} : memref<328x128xf32, #tpu.memory_space<vmem>>, vector<16xf32>,
      tpu.vector_store %arg18[%swap3A_29, %swap3A_30], %broadcast_in_dim3A_1 {strides = array<i32>} : memref<328x128xf32, #tpu.memory_space<vmem>>, vector<16xf32>,
      %swap3A_32 = arith.index_cast %scan3A_23 : i32 to index
      %swap3A_33 = arith.constant 48 : index
      %swap3A_34 = tpu.vector_load %arg18[%swap3A_32, %swap3A_33] {strides = array<i32>} : memref<328x128xf32, #tpu.memory_space<vmem>>, vector<16xf32>,
      tpu.vector_store %arg18[%swap3A_32, %swap3A_33], %broadcast_in_dim3A_1 {strides = array<i32>} : memref<328x128xf32, #tpu.memory_space<vmem>>, vector<16xf32>,
      %swap3A_35 = arith.index_cast %scan3A_23 : i32 to index
      %swap3A_36 = arith.constant 64 : index
      %swap3A_37 = tpu.vector_load %arg18[%swap3A_35, %swap3A_36] {strides = array<i32>} : memref<328x128xf32, #tpu.memory_space<vmem>>, vector<16xf32>,
      tpu.vector_store %arg18[%swap3A_35, %swap3A_36], %broadcast_in_dim3A_1 {strides = array<i32>} : memref<328x128xf32, #tpu.memory_space<vmem>>, vector<16xf32>,
      %swap3A_38 = arith.index_cast %scan3A_23 : i32 to index
      %swap3A_39 = arith.constant 80 : index
      %swap3A_40 = tpu.vector_load %arg18[%swap3A_38, %swap3A_39] {strides = array<i32>} : memref<328x128xf32, #tpu.memory_space<vmem>>, vector<16xf32>,
      tpu.vector_store %arg18[%swap3A_38, %swap3A_39], %broadcast_in_dim3A_1 {strides = array<i32>} : memref<328x128xf32, #tpu.memory_space<vmem>>, vector<16xf32>,
      %swap3A_41 = arith.index_cast %scan3A_23 : i32 to index
      %swap3A_42 = arith.constant 96 : index
      %swap3A_43 = tpu.vector_load %arg18[%swap3A_41, %swap3A_42] {strides = array<i32>} : memref<328x128xf32, #tpu.memory_space<vmem>>, vector<16xf32>,
      tpu.vector_store %arg18[%swap3A_41, %swap3A_42], %broadcast_in_dim3A_1 {strides = array<i32>} : memref<328x128xf32, #tpu.memory_space<vmem>>, vector<16xf32>,
      %swap3A_44 = arith.index_cast %scan3A_23 : i32 to index
      %swap3A_45 = arith.constant 112 : index
      %swap3A_46 = tpu.vector_load %arg18[%swap3A_44, %swap3A_45] {strides = array<i32>} : memref<328x128xf32, #tpu.memory_space<vmem>>, vector<16xf32>,
      tpu.vector_store %arg18[%swap3A_44, %swap3A_45], %broadcast_in_dim3A_1 {strides = array<i32>} : memref<328x128xf32, #tpu.memory_space<vmem>>, vector<16xf32>,
    }
    %scan3A_6 = arith.constant 328 : i32
    %mul3A_7 = arith.constant 320 : i32
    %mul3A_8 = arith.muli %add3A, %mul3A_7 : i32
    %run_scoped3A = arith.constant 0 : i32
    "tpu.region"() ({
      %run_scoped3A_23 = tpu.sem_alloc : memref<!tpu.dma_semaphore, #tpu.memory_space<semaphore_mem>>
      %dma_start3A = arith.constant 0 : i32
      %dma_start3A_24 = tpu.memref_slice %arg8[%add3A, %run_scoped3A, %dma_start3A] : memref<32x8x16xi32, #tpu.memory_space<hbm>> -> memref<1x1x16xi32, #tpu.memory_space<hbm>>
      %dma_start3A_25 = tpu.memref_squeeze %dma_start3A_24 : memref<1x1x16xi32, #tpu.memory_space<hbm>> -> memref<16xi32, #tpu.memory_space<hbm>>
      %dma_start3A_26 = arith.constant 0 : i32
      %dma_start3A_27 = tpu.memref_slice %arg8[%add3A, %run_scoped3A, %dma_start3A_26] : memref<32x8x16xi32, #tpu.memory_space<hbm>> -> memref<1x1x16xi32, #tpu.memory_space<hbm>>
      %dma_start3A_28 = tpu.memref_squeeze %dma_start3A_27 : memref<1x1x16xi32, #tpu.memory_space<hbm>> -> memref<16xi32, #tpu.memory_space<hbm>>
      tpu.enqueue_dma source(%dma_start3A_28 : memref<16xi32, #tpu.memory_space<hbm>>) target(%arg10 : memref<16xi32, #tpu.memory_space<vmem>>) target_semaphore(%run_scoped3A_23 : memref<!tpu.dma_semaphore, #tpu.memory_space<semaphore_mem>>)
      %dma_wait3A = arith.constant 0 : i32
      %dma_wait3A_29 = tpu.memref_slice %arg8[%add3A, %run_scoped3A, %dma_wait3A] : memref<32x8x16xi32, #tpu.memory_space<hbm>> -> memref<1x1x16xi32, #tpu.memory_space<hbm>>
      %dma_wait3A_30 = tpu.memref_squeeze %dma_wait3A_29 : memref<1x1x16xi32, #tpu.memory_space<hbm>> -> memref<16xi32, #tpu.memory_space<hbm>>
      %dma_wait3A_31 = arith.constant 0 : i32
      %dma_wait3A_32 = tpu.memref_slice %arg8[%add3A, %run_scoped3A, %dma_wait3A_31] : memref<32x8x16xi32, #tpu.memory_space<hbm>> -> memref<1x1x16xi32, #tpu.memory_space<hbm>>
      %dma_wait3A_33 = tpu.memref_squeeze %dma_wait3A_32 : memref<1x1x16xi32, #tpu.memory_space<hbm>> -> memref<16xi32, #tpu.memory_space<hbm>>
      tpu.wait_dma2 semaphore(%run_scoped3A_23 : memref<!tpu.dma_semaphore, #tpu.memory_space<semaphore_mem>>) src(%dma_wait3A_33 : memref<16xi32, #tpu.memory_space<hbm>>) dst(%arg10 : memref<16xi32, #tpu.memory_space<vmem>>)
      tpu.yield
    }) : () -> ()
    %get3A = arith.constant 0 : index
    %get3A_9 = tpu.vector_load %arg10[%get3A] {strides = array<i32>} : memref<16xi32, #tpu.memory_space<vmem>>, vector<16xi32>,
    %slice3A = vector.extract_strided_slice %get3A_9 {offsets = [0], sizes = [1], strides = [1]} : vector<16xi32> to vector<1xi32>
    %squeeze3A = vector.extract %slice3A[0] : i32 from vector<1xi32>
    %while3A = arith.constant 0 : i32
    %while3A_10 = arith.constant 0 : i32
    %while3A_11 = arith.subi %squeeze3A, %while3A_10 : i32
    %while3A_12 = arith.addi %while3A_10, %while3A_11 : i32
    %while3A_13 = arith.constant 1 : i32
    %while3A_14 = arith.divsi %while3A_11, %while3A_13 : i32
    %while3A_15 = arith.muli %while3A_14, %while3A_13 : i32
    %while3A_16 = arith.addi %while3A_10, %while3A_15 : i32
    %while3A_17 = arith.constant 1 : i32
    scf.for %while3A_23 = %while3A_10 to %while3A_16 step %while3A_17  : i32 {
      %mul3A_24 = arith.constant 128 : i32
      %mul3A_25 = arith.muli %while3A_23, %mul3A_24 : i32
      %dma_start3A = arith.constant 0 : i32
      %dma_start3A_26 = tpu.memref_slice %arg5[%add3A, %dma_start3A, %mul3A_25] : memref<32x8x11904xi32, #tpu.memory_space<hbm>> -> memref<1x1x128xi32, #tpu.memory_space<hbm>>
      %dma_start3A_27 = tpu.memref_squeeze %dma_start3A_26 : memref<1x1x128xi32, #tpu.memory_space<hbm>> -> memref<128xi32, #tpu.memory_space<hbm>>
      %dma_start3A_28 = tpu.memref_slice %arg5[%add3A, %dma_start3A, %mul3A_25] : memref<32x8x11904xi32, #tpu.memory_space<hbm>> -> memref<1x1x128xi32, #tpu.memory_space<hbm>>
      %dma_start3A_29 = tpu.memref_squeeze %dma_start3A_28 : memref<1x1x128xi32, #tpu.memory_space<hbm>> -> memref<128xi32, #tpu.memory_space<hbm>>
      tpu.enqueue_dma source(%dma_start3A_29 : memref<128xi32, #tpu.memory_space<hbm>>) target(%arg11 : memref<128xi32, #tpu.memory_space<vmem>>) target_semaphore(%arg19 : memref<!tpu.dma_semaphore, #tpu.memory_space<semaphore_mem>>)
      %dma_start3A_30 = arith.constant 0 : i32
      %dma_start3A_31 = arith.constant 0 : i32
      %dma_start3A_32 = tpu.memref_slice %arg13[%dma_start3A_31] : memref<144xi32, #tpu.memory_space<vmem>> -> memref<128xi32, #tpu.memory_space<vmem>>
      %dma_start3A_33 = tpu.memref_slice %arg6[%add3A, %dma_start3A_30, %mul3A_25] : memref<32x8x11904xi32, #tpu.memory_space<hbm>> -> memref<1x1x128xi32, #tpu.memory_space<hbm>>
      %dma_start3A_34 = tpu.memref_squeeze %dma_start3A_33 : memref<1x1x128xi32, #tpu.memory_space<hbm>> -> memref<128xi32, #tpu.memory_space<hbm>>
      %dma_start3A_35 = arith.constant 0 : i32
      %dma_start3A_36 = tpu.memref_slice %arg13[%dma_start3A_35] : memref<144xi32, #tpu.memory_space<vmem>> -> memref<128xi32, #tpu.memory_space<vmem>>
      %dma_start3A_37 = tpu.memref_slice %arg6[%add3A, %dma_start3A_30, %mul3A_25] : memref<32x8x11904xi32, #tpu.memory_space<hbm>> -> memref<1x1x128xi32, #tpu.memory_space<hbm>>
      %dma_start3A_38 = tpu.memref_squeeze %dma_start3A_37 : memref<1x1x128xi32, #tpu.memory_space<hbm>> -> memref<128xi32, #tpu.memory_space<hbm>>
      tpu.enqueue_dma source(%dma_start3A_38 : memref<128xi32, #tpu.memory_space<hbm>>) target(%dma_start3A_36 : memref<128xi32, #tpu.memory_space<vmem>>) target_semaphore(%arg20 : memref<!tpu.dma_semaphore, #tpu.memory_space<semaphore_mem>>)
      %dma_start3A_39 = arith.constant 0 : i32
      %dma_start3A_40 = tpu.memref_slice %arg7[%add3A, %dma_start3A_39, %mul3A_25] : memref<32x8x11904xi32, #tpu.memory_space<hbm>> -> memref<1x1x128xi32, #tpu.memory_space<hbm>>
      %dma_start3A_41 = tpu.memref_squeeze %dma_start3A_40 : memref<1x1x128xi32, #tpu.memory_space<hbm>> -> memref<128xi32, #tpu.memory_space<hbm>>
      %dma_start3A_42 = tpu.memref_slice %arg7[%add3A, %dma_start3A_39, %mul3A_25] : memref<32x8x11904xi32, #tpu.memory_space<hbm>> -> memref<1x1x128xi32, #tpu.memory_space<hbm>>
      %dma_start3A_43 = tpu.memref_squeeze %dma_start3A_42 : memref<1x1x128xi32, #tpu.memory_space<hbm>> -> memref<128xi32, #tpu.memory_space<hbm>>
      tpu.enqueue_dma source(%dma_start3A_43 : memref<128xi32, #tpu.memory_space<hbm>>) target(%arg14 : memref<128xi32, #tpu.memory_space<vmem>>) target_semaphore(%arg21 : memref<!tpu.dma_semaphore, #tpu.memory_space<semaphore_mem>>)
      %dma_wait3A = arith.constant 0 : i32
      %dma_wait3A_44 = tpu.memref_slice %arg5[%add3A, %dma_wait3A, %mul3A_25] : memref<32x8x11904xi32, #tpu.memory_space<hbm>> -> memref<1x1x128xi32, #tpu.memory_space<hbm>>
      %dma_wait3A_45 = tpu.memref_squeeze %dma_wait3A_44 : memref<1x1x128xi32, #tpu.memory_space<hbm>> -> memref<128xi32, #tpu.memory_space<hbm>>
      %dma_wait3A_46 = tpu.memref_slice %arg5[%add3A, %dma_wait3A, %mul3A_25] : memref<32x8x11904xi32, #tpu.memory_space<hbm>> -> memref<1x1x128xi32, #tpu.memory_space<hbm>>
      %dma_wait3A_47 = tpu.memref_squeeze %dma_wait3A_46 : memref<1x1x128xi32, #tpu.memory_space<hbm>> -> memref<128xi32, #tpu.memory_space<hbm>>
      tpu.wait_dma2 semaphore(%arg19 : memref<!tpu.dma_semaphore, #tpu.memory_space<semaphore_mem>>) src(%dma_wait3A_47 : memref<128xi32, #tpu.memory_space<hbm>>) dst(%arg11 : memref<128xi32, #tpu.memory_space<vmem>>)
      %dma_wait3A_48 = arith.constant 0 : i32
      %dma_wait3A_49 = arith.constant 0 : i32
      %dma_wait3A_50 = tpu.memref_slice %arg13[%dma_wait3A_49] : memref<144xi32, #tpu.memory_space<vmem>> -> memref<128xi32, #tpu.memory_space<vmem>>
      %dma_wait3A_51 = tpu.memref_slice %arg6[%add3A, %dma_wait3A_48, %mul3A_25] : memref<32x8x11904xi32, #tpu.memory_space<hbm>> -> memref<1x1x128xi32, #tpu.memory_space<hbm>>
      %dma_wait3A_52 = tpu.memref_squeeze %dma_wait3A_51 : memref<1x1x128xi32, #tpu.memory_space<hbm>> -> memref<128xi32, #tpu.memory_space<hbm>>
      %dma_wait3A_53 = arith.constant 0 : i32
      %dma_wait3A_54 = tpu.memref_slice %arg13[%dma_wait3A_53] : memref<144xi32, #tpu.memory_space<vmem>> -> memref<128xi32, #tpu.memory_space<vmem>>
      %dma_wait3A_55 = tpu.memref_slice %arg6[%add3A, %dma_wait3A_48, %mul3A_25] : memref<32x8x11904xi32, #tpu.memory_space<hbm>> -> memref<1x1x128xi32, #tpu.memory_space<hbm>>
      %dma_wait3A_56 = tpu.memref_squeeze %dma_wait3A_55 : memref<1x1x128xi32, #tpu.memory_space<hbm>> -> memref<128xi32, #tpu.memory_space<hbm>>
      tpu.wait_dma2 semaphore(%arg20 : memref<!tpu.dma_semaphore, #tpu.memory_space<semaphore_mem>>) src(%dma_wait3A_56 : memref<128xi32, #tpu.memory_space<hbm>>) dst(%dma_wait3A_54 : memref<128xi32, #tpu.memory_space<vmem>>)
      %dma_wait3A_57 = arith.constant 0 : i32
      %dma_wait3A_58 = tpu.memref_slice %arg7[%add3A, %dma_wait3A_57, %mul3A_25] : memref<32x8x11904xi32, #tpu.memory_space<hbm>> -> memref<1x1x128xi32, #tpu.memory_space<hbm>>
      %dma_wait3A_59 = tpu.memref_squeeze %dma_wait3A_58 : memref<1x1x128xi32, #tpu.memory_space<hbm>> -> memref<128xi32, #tpu.memory_space<hbm>>
      %dma_wait3A_60 = tpu.memref_slice %arg7[%add3A, %dma_wait3A_57, %mul3A_25] : memref<32x8x11904xi32, #tpu.memory_space<hbm>> -> memref<1x1x128xi32, #tpu.memory_space<hbm>>
      %dma_wait3A_61 = tpu.memref_squeeze %dma_wait3A_60 : memref<1x1x128xi32, #tpu.memory_space<hbm>> -> memref<128xi32, #tpu.memory_space<hbm>>
      tpu.wait_dma2 semaphore(%arg21 : memref<!tpu.dma_semaphore, #tpu.memory_space<semaphore_mem>>) src(%dma_wait3A_61 : memref<128xi32, #tpu.memory_space<hbm>>) dst(%arg14 : memref<128xi32, #tpu.memory_space<vmem>>)
      %scan3A_62 = arith.constant 0 : i32
      %scan3A_63 = arith.constant 0 : i32
      %scan3A_64 = arith.constant 8 : i32
      %scan3A_65 = arith.addi %scan3A_63, %scan3A_64 : i32
      %scan3A_66 = arith.constant 1 : i32
      scf.for %scan3A_92 = %scan3A_63 to %scan3A_65 step %scan3A_66  : i32 {
        %mul3A_93 = arith.constant 16 : i32
        %mul3A_94 = arith.muli %scan3A_92, %mul3A_93 : i32
        %get3A_95 = arith.index_cast %mul3A_94 : i32 to index
        %get3A_96 = tpu.vector_load %arg13[%get3A_95] {strides = array<i32>} : memref<144xi32, #tpu.memory_space<vmem>>, vector<16xi32>,
        %add3A_97 = vector.broadcast %mul3A_8 : i32 to vector<16xi32>
        %add3A_98 = arith.addi %get3A_96, %add3A_97 : vector<16xi32>
        %min3A = arith.constant 10239 : i32
        %min3A_99 = vector.broadcast %min3A : i32 to vector<16xi32>
        %min3A_100 = arith.minsi %add3A_98, %min3A_99 : vector<16xi32>
        %swap3A = arith.index_cast %mul3A_94 : i32 to index
        %swap3A_101 = tpu.vector_load %arg12[%swap3A] {strides = array<i32>} : memref<128xi32, #tpu.memory_space<vmem>>, vector<16xi32>,
        tpu.vector_store %arg12[%swap3A], %min3A_100 {strides = array<i32>} : memref<128xi32, #tpu.memory_space<vmem>>, vector<16xi32>,
      }
      %scan3A_67 = arith.constant 8 : i32
      %dma_start3A_68 = arith.constant 0 : i32
      %dma_start3A_69 = arith.constant 0 : i32
      %dma_start3A_70 = tpu.memref_slice %arg2[%dma_start3A_68, %dma_start3A_69] : memref<10240x128xf32, #tpu.memory_space<hbm>> -> memref<10240x128xf32, #tpu.memory_space<hbm>>
      tpu.enqueue_indirect_dma source(%dma_start3A_70 : memref<10240x128xf32, #tpu.memory_space<hbm>>) target(%arg15 : memref<128x128xf32, #tpu.memory_space<vmem>>) offsets(%arg11 : memref<128xi32, #tpu.memory_space<vmem>>) semaphore(%arg19 : memref<!tpu.dma_semaphore, #tpu.memory_space<semaphore_mem>>)
      %dma_start3A_71 = arith.constant 0 : i32
      %dma_start3A_72 = arith.constant 0 : i32
      %dma_start3A_73 = tpu.memref_slice %arg3[%dma_start3A_71, %dma_start3A_72] : memref<10240x128xf32, #tpu.memory_space<hbm>> -> memref<10240x128xf32, #tpu.memory_space<hbm>>
      tpu.enqueue_indirect_dma source(%dma_start3A_73 : memref<10240x128xf32, #tpu.memory_space<hbm>>) target(%arg16 : memref<128x128xf32, #tpu.memory_space<vmem>>) offsets(%arg12 : memref<128xi32, #tpu.memory_space<vmem>>) semaphore(%arg20 : memref<!tpu.dma_semaphore, #tpu.memory_space<semaphore_mem>>)
      %dma_start3A_74 = arith.constant 0 : i32
      %dma_start3A_75 = arith.constant 0 : i32
      %dma_start3A_76 = tpu.memref_slice %arg4[%dma_start3A_74, %dma_start3A_75] : memref<321536x128xf32, #tpu.memory_space<hbm>> -> memref<321536x128xf32, #tpu.memory_space<hbm>>
      tpu.enqueue_indirect_dma source(%dma_start3A_76 : memref<321536x128xf32, #tpu.memory_space<hbm>>) target(%arg17 : memref<128x128xf32, #tpu.memory_space<vmem>>) offsets(%arg14 : memref<128xi32, #tpu.memory_space<vmem>>) semaphore(%arg21 : memref<!tpu.dma_semaphore, #tpu.memory_space<semaphore_mem>>)
      %dma_wait3A_77 = arith.constant 0 : i32
      %dma_wait3A_78 = arith.constant 0 : i32
      %dma_wait3A_79 = tpu.memref_slice %arg2[%dma_wait3A_77, %dma_wait3A_78] : memref<10240x128xf32, #tpu.memory_space<hbm>> -> memref<10240x128xf32, #tpu.memory_space<hbm>>
      tpu.wait_indirect_dma semaphore(%arg19 : memref<!tpu.dma_semaphore, #tpu.memory_space<semaphore_mem>>) src(%dma_wait3A_79 : memref<10240x128xf32, #tpu.memory_space<hbm>>) dst(%arg15 : memref<128x128xf32, #tpu.memory_space<vmem>>)
      %dma_wait3A_80 = arith.constant 0 : i32
      %dma_wait3A_81 = arith.constant 0 : i32
      %dma_wait3A_82 = tpu.memref_slice %arg3[%dma_wait3A_80, %dma_wait3A_81] : memref<10240x128xf32, #tpu.memory_space<hbm>> -> memref<10240x128xf32, #tpu.memory_space<hbm>>
      tpu.wait_indirect_dma semaphore(%arg20 : memref<!tpu.dma_semaphore, #tpu.memory_space<semaphore_mem>>) src(%dma_wait3A_82 : memref<10240x128xf32, #tpu.memory_space<hbm>>) dst(%arg16 : memref<128x128xf32, #tpu.memory_space<vmem>>)
      %dma_wait3A_83 = arith.constant 0 : i32
      %dma_wait3A_84 = arith.constant 0 : i32
      %dma_wait3A_85 = tpu.memref_slice %arg4[%dma_wait3A_83, %dma_wait3A_84] : memref<321536x128xf32, #tpu.memory_space<hbm>> -> memref<321536x128xf32, #tpu.memory_space<hbm>>
      tpu.wait_indirect_dma semaphore(%arg21 : memref<!tpu.dma_semaphore, #tpu.memory_space<semaphore_mem>>) src(%dma_wait3A_85 : memref<321536x128xf32, #tpu.memory_space<hbm>>) dst(%arg17 : memref<128x128xf32, #tpu.memory_space<vmem>>)
      %scan3A_86 = arith.constant 0 : i32
      %scan3A_87 = arith.constant 0 : i32
      %scan3A_88 = arith.constant 64 : i32
      %scan3A_89 = arith.addi %scan3A_87, %scan3A_88 : i32
      %scan3A_90 = arith.constant 1 : i32
      scf.for %scan3A_92 = %scan3A_87 to %scan3A_89 step %scan3A_90  : i32 {
        %mul3A_93 = arith.constant 2 : i32
        %mul3A_94 = arith.muli %scan3A_92, %mul3A_93 : i32
        %add3A_95 = arith.constant 1 : i32
        %add3A_96 = arith.addi %mul3A_94, %add3A_95 : i32
        %get3A_97 = arith.index_cast %mul3A_94 : i32 to index
        %get3A_98 = tpu.vector_load %arg13[%get3A_97] {strides = array<i32>} : memref<144xi32, #tpu.memory_space<vmem>>, vector<16xi32>,
        %slice3A_99 = vector.extract_strided_slice %get3A_98 {offsets = [0], sizes = [1], strides = [1]} : vector<16xi32> to vector<1xi32>
        %squeeze3A_100 = vector.extract %slice3A_99[0] : i32 from vector<1xi32>
        %get3A_101 = arith.index_cast %add3A_96 : i32 to index
        %get3A_102 = tpu.vector_load %arg13[%get3A_101] {strides = array<i32>} : memref<144xi32, #tpu.memory_space<vmem>>, vector<16xi32>,
        %slice3A_103 = vector.extract_strided_slice %get3A_102 {offsets = [0], sizes = [1], strides = [1]} : vector<16xi32> to vector<1xi32>
        %squeeze3A_104 = vector.extract %slice3A_103[0] : i32 from vector<1xi32>
        %get3A_105 = arith.index_cast %mul3A_94 : i32 to index
        %get3A_106 = arith.constant 0 : index
        %get3A_107 = tpu.vector_load %arg15[%get3A_105, %get3A_106] {strides = array<i32>} : memref<128x128xf32, #tpu.memory_space<vmem>>, vector<16xf32>,
        %get3A_108 = arith.index_cast %mul3A_94 : i32 to index
        %get3A_109 = arith.constant 0 : index
        %get3A_110 = tpu.vector_load %arg16[%get3A_108, %get3A_109] {strides = array<i32>} : memref<128x128xf32, #tpu.memory_space<vmem>>, vector<16xf32>,
        %add3A_111 = arith.addf %get3A_107, %get3A_110 : vector<16xf32>
        %get3A_112 = arith.index_cast %mul3A_94 : i32 to index
        %get3A_113 = arith.constant 0 : index
        %get3A_114 = tpu.vector_load %arg17[%get3A_112, %get3A_113] {strides = array<i32>} : memref<128x128xf32, #tpu.memory_space<vmem>>, vector<16xf32>,
        %add3A_115 = arith.addf %add3A_111, %get3A_114 : vector<16xf32>
        %max3A = arith.constant 0.000000e+00 : f32
        %max3A_116 = vector.broadcast %max3A : f32 to vector<16xf32>
        %max3A_117 = arith.maximumf %add3A_115, %max3A_116 : vector<16xf32>
        %get3A_118 = arith.index_cast %add3A_96 : i32 to index
        %get3A_119 = arith.constant 0 : index
        %get3A_120 = tpu.vector_load %arg15[%get3A_118, %get3A_119] {strides = array<i32>} : memref<128x128xf32, #tpu.memory_space<vmem>>, vector<16xf32>,
        %get3A_121 = arith.index_cast %add3A_96 : i32 to index
        %get3A_122 = arith.constant 0 : index
        %get3A_123 = tpu.vector_load %arg16[%get3A_121, %get3A_122] {strides = array<i32>} : memref<128x128xf32, #tpu.memory_space<vmem>>, vector<16xf32>,
        %add3A_124 = arith.addf %get3A_120, %get3A_123 : vector<16xf32>
        %get3A_125 = arith.index_cast %add3A_96 : i32 to index
        %get3A_126 = arith.constant 0 : index
        %get3A_127 = tpu.vector_load %arg17[%get3A_125, %get3A_126] {strides = array<i32>} : memref<128x128xf32, #tpu.memory_space<vmem>>, vector<16xf32>,
        %add3A_128 = arith.addf %add3A_124, %get3A_127 : vector<16xf32>
        %max3A_129 = arith.constant 0.000000e+00 : f32
        %max3A_130 = vector.broadcast %max3A_129 : f32 to vector<16xf32>
        %max3A_131 = arith.maximumf %add3A_128, %max3A_130 : vector<16xf32>
        %swap3A = arith.index_cast %squeeze3A_100 : i32 to index
        %swap3A_132 = arith.constant 0 : index
        %swap3A_133 = tpu.vector_load %arg18[%swap3A, %swap3A_132] {strides = array<i32>} : memref<328x128xf32, #tpu.memory_space<vmem>>, vector<16xf32>,
        tpu.vector_store %arg18[%swap3A, %swap3A_132], %max3A_117 {add = true, strides = array<i32>} : memref<328x128xf32, #tpu.memory_space<vmem>>, vector<16xf32>,
        %swap3A_134 = arith.index_cast %squeeze3A_104 : i32 to index
        %swap3A_135 = arith.constant 0 : index
        %swap3A_136 = tpu.vector_load %arg18[%swap3A_134, %swap3A_135] {strides = array<i32>} : memref<328x128xf32, #tpu.memory_space<vmem>>, vector<16xf32>,
        tpu.vector_store %arg18[%swap3A_134, %swap3A_135], %max3A_131 {add = true, strides = array<i32>} : memref<328x128xf32, #tpu.memory_space<vmem>>, vector<16xf32>,
        %get3A_137 = arith.index_cast %mul3A_94 : i32 to index
        %get3A_138 = arith.constant 16 : index
        %get3A_139 = tpu.vector_load %arg15[%get3A_137, %get3A_138] {strides = array<i32>} : memref<128x128xf32, #tpu.memory_space<vmem>>, vector<16xf32>,
        %get3A_140 = arith.index_cast %mul3A_94 : i32 to index
        %get3A_141 = arith.constant 16 : index
        %get3A_142 = tpu.vector_load %arg16[%get3A_140, %get3A_141] {strides = array<i32>} : memref<128x128xf32, #tpu.memory_space<vmem>>, vector<16xf32>,
        %add3A_143 = arith.addf %get3A_139, %get3A_142 : vector<16xf32>
        %get3A_144 = arith.index_cast %mul3A_94 : i32 to index
        %get3A_145 = arith.constant 16 : index
        %get3A_146 = tpu.vector_load %arg17[%get3A_144, %get3A_145] {strides = array<i32>} : memref<128x128xf32, #tpu.memory_space<vmem>>, vector<16xf32>,
        %add3A_147 = arith.addf %add3A_143, %get3A_146 : vector<16xf32>
        %max3A_148 = arith.constant 0.000000e+00 : f32
        %max3A_149 = vector.broadcast %max3A_148 : f32 to vector<16xf32>
        %max3A_150 = arith.maximumf %add3A_147, %max3A_149 : vector<16xf32>
        %get3A_151 = arith.index_cast %add3A_96 : i32 to index
        %get3A_152 = arith.constant 16 : index
        %get3A_153 = tpu.vector_load %arg15[%get3A_151, %get3A_152] {strides = array<i32>} : memref<128x128xf32, #tpu.memory_space<vmem>>, vector<16xf32>,
        %get3A_154 = arith.index_cast %add3A_96 : i32 to index
        %get3A_155 = arith.constant 16 : index
        %get3A_156 = tpu.vector_load %arg16[%get3A_154, %get3A_155] {strides = array<i32>} : memref<128x128xf32, #tpu.memory_space<vmem>>, vector<16xf32>,
        %add3A_157 = arith.addf %get3A_153, %get3A_156 : vector<16xf32>
        %get3A_158 = arith.index_cast %add3A_96 : i32 to index
        %get3A_159 = arith.constant 16 : index
        %get3A_160 = tpu.vector_load %arg17[%get3A_158, %get3A_159] {strides = array<i32>} : memref<128x128xf32, #tpu.memory_space<vmem>>, vector<16xf32>,
        %add3A_161 = arith.addf %add3A_157, %get3A_160 : vector<16xf32>
        %max3A_162 = arith.constant 0.000000e+00 : f32
        %max3A_163 = vector.broadcast %max3A_162 : f32 to vector<16xf32>
        %max3A_164 = arith.maximumf %add3A_161, %max3A_163 : vector<16xf32>
        %swap3A_165 = arith.index_cast %squeeze3A_100 : i32 to index
        %swap3A_166 = arith.constant 16 : index
        %swap3A_167 = tpu.vector_load %arg18[%swap3A_165, %swap3A_166] {strides = array<i32>} : memref<328x128xf32, #tpu.memory_space<vmem>>, vector<16xf32>,
        tpu.vector_store %arg18[%swap3A_165, %swap3A_166], %max3A_150 {add = true, strides = array<i32>} : memref<328x128xf32, #tpu.memory_space<vmem>>, vector<16xf32>,
        %swap3A_168 = arith.index_cast %squeeze3A_104 : i32 to index
        %swap3A_169 = arith.constant 16 : index
        %swap3A_170 = tpu.vector_load %arg18[%swap3A_168, %swap3A_169] {strides = array<i32>} : memref<328x128xf32, #tpu.memory_space<vmem>>, vector<16xf32>,
        tpu.vector_store %arg18[%swap3A_168, %swap3A_169], %max3A_164 {add = true, strides = array<i32>} : memref<328x128xf32, #tpu.memory_space<vmem>>, vector<16xf32>,
        %get3A_171 = arith.index_cast %mul3A_94 : i32 to index
        %get3A_172 = arith.constant 32 : index
        %get3A_173 = tpu.vector_load %arg15[%get3A_171, %get3A_172] {strides = array<i32>} : memref<128x128xf32, #tpu.memory_space<vmem>>, vector<16xf32>,
        %get3A_174 = arith.index_cast %mul3A_94 : i32 to index
        %get3A_175 = arith.constant 32 : index
        %get3A_176 = tpu.vector_load %arg16[%get3A_174, %get3A_175] {strides = array<i32>} : memref<128x128xf32, #tpu.memory_space<vmem>>, vector<16xf32>,
        %add3A_177 = arith.addf %get3A_173, %get3A_176 : vector<16xf32>
        %get3A_178 = arith.index_cast %mul3A_94 : i32 to index
        %get3A_179 = arith.constant 32 : index
        %get3A_180 = tpu.vector_load %arg17[%get3A_178, %get3A_179] {strides = array<i32>} : memref<128x128xf32, #tpu.memory_space<vmem>>, vector<16xf32>,
        %add3A_181 = arith.addf %add3A_177, %get3A_180 : vector<16xf32>
        %max3A_182 = arith.constant 0.000000e+00 : f32
        %max3A_183 = vector.broadcast %max3A_182 : f32 to vector<16xf32>
        %max3A_184 = arith.maximumf %add3A_181, %max3A_183 : vector<16xf32>
        %get3A_185 = arith.index_cast %add3A_96 : i32 to index
        %get3A_186 = arith.constant 32 : index
        %get3A_187 = tpu.vector_load %arg15[%get3A_185, %get3A_186] {strides = array<i32>} : memref<128x128xf32, #tpu.memory_space<vmem>>, vector<16xf32>,
        %get3A_188 = arith.index_cast %add3A_96 : i32 to index
        %get3A_189 = arith.constant 32 : index
        %get3A_190 = tpu.vector_load %arg16[%get3A_188, %get3A_189] {strides = array<i32>} : memref<128x128xf32, #tpu.memory_space<vmem>>, vector<16xf32>,
        %add3A_191 = arith.addf %get3A_187, %get3A_190 : vector<16xf32>
        %get3A_192 = arith.index_cast %add3A_96 : i32 to index
        %get3A_193 = arith.constant 32 : index
        %get3A_194 = tpu.vector_load %arg17[%get3A_192, %get3A_193] {strides = array<i32>} : memref<128x128xf32, #tpu.memory_space<vmem>>, vector<16xf32>,
        %add3A_195 = arith.addf %add3A_191, %get3A_194 : vector<16xf32>
        %max3A_196 = arith.constant 0.000000e+00 : f32
        %max3A_197 = vector.broadcast %max3A_196 : f32 to vector<16xf32>
        %max3A_198 = arith.maximumf %add3A_195, %max3A_197 : vector<16xf32>
        %swap3A_199 = arith.index_cast %squeeze3A_100 : i32 to index
        %swap3A_200 = arith.constant 32 : index
        %swap3A_201 = tpu.vector_load %arg18[%swap3A_199, %swap3A_200] {strides = array<i32>} : memref<328x128xf32, #tpu.memory_space<vmem>>, vector<16xf32>,
        tpu.vector_store %arg18[%swap3A_199, %swap3A_200], %max3A_184 {add = true, strides = array<i32>} : memref<328x128xf32, #tpu.memory_space<vmem>>, vector<16xf32>,
        %swap3A_202 = arith.index_cast %squeeze3A_104 : i32 to index
        %swap3A_203 = arith.constant 32 : index
        %swap3A_204 = tpu.vector_load %arg18[%swap3A_202, %swap3A_203] {strides = array<i32>} : memref<328x128xf32, #tpu.memory_space<vmem>>, vector<16xf32>,
        tpu.vector_store %arg18[%swap3A_202, %swap3A_203], %max3A_198 {add = true, strides = array<i32>} : memref<328x128xf32, #tpu.memory_space<vmem>>, vector<16xf32>,
        %get3A_205 = arith.index_cast %mul3A_94 : i32 to index
        %get3A_206 = arith.constant 48 : index
        %get3A_207 = tpu.vector_load %arg15[%get3A_205, %get3A_206] {strides = array<i32>} : memref<128x128xf32, #tpu.memory_space<vmem>>, vector<16xf32>,
        %get3A_208 = arith.index_cast %mul3A_94 : i32 to index
        %get3A_209 = arith.constant 48 : index
        %get3A_210 = tpu.vector_load %arg16[%get3A_208, %get3A_209] {strides = array<i32>} : memref<128x128xf32, #tpu.memory_space<vmem>>, vector<16xf32>,
        %add3A_211 = arith.addf %get3A_207, %get3A_210 : vector<16xf32>
        %get3A_212 = arith.index_cast %mul3A_94 : i32 to index
        %get3A_213 = arith.constant 48 : index
        %get3A_214 = tpu.vector_load %arg17[%get3A_212, %get3A_213] {strides = array<i32>} : memref<128x128xf32, #tpu.memory_space<vmem>>, vector<16xf32>,
        %add3A_215 = arith.addf %add3A_211, %get3A_214 : vector<16xf32>
        %max3A_216 = arith.constant 0.000000e+00 : f32
        %max3A_217 = vector.broadcast %max3A_216 : f32 to vector<16xf32>
        %max3A_218 = arith.maximumf %add3A_215, %max3A_217 : vector<16xf32>
        %get3A_219 = arith.index_cast %add3A_96 : i32 to index
        %get3A_220 = arith.constant 48 : index
        %get3A_221 = tpu.vector_load %arg15[%get3A_219, %get3A_220] {strides = array<i32>} : memref<128x128xf32, #tpu.memory_space<vmem>>, vector<16xf32>,
        %get3A_222 = arith.index_cast %add3A_96 : i32 to index
        %get3A_223 = arith.constant 48 : index
        %get3A_224 = tpu.vector_load %arg16[%get3A_222, %get3A_223] {strides = array<i32>} : memref<128x128xf32, #tpu.memory_space<vmem>>, vector<16xf32>,
        %add3A_225 = arith.addf %get3A_221, %get3A_224 : vector<16xf32>
        %get3A_226 = arith.index_cast %add3A_96 : i32 to index
        %get3A_227 = arith.constant 48 : index
        %get3A_228 = tpu.vector_load %arg17[%get3A_226, %get3A_227] {strides = array<i32>} : memref<128x128xf32, #tpu.memory_space<vmem>>, vector<16xf32>,
        %add3A_229 = arith.addf %add3A_225, %get3A_228 : vector<16xf32>
        %max3A_230 = arith.constant 0.000000e+00 : f32
        %max3A_231 = vector.broadcast %max3A_230 : f32 to vector<16xf32>
        %max3A_232 = arith.maximumf %add3A_229, %max3A_231 : vector<16xf32>
        %swap3A_233 = arith.index_cast %squeeze3A_100 : i32 to index
        %swap3A_234 = arith.constant 48 : index
        %swap3A_235 = tpu.vector_load %arg18[%swap3A_233, %swap3A_234] {strides = array<i32>} : memref<328x128xf32, #tpu.memory_space<vmem>>, vector<16xf32>,
        tpu.vector_store %arg18[%swap3A_233, %swap3A_234], %max3A_218 {add = true, strides = array<i32>} : memref<328x128xf32, #tpu.memory_space<vmem>>, vector<16xf32>,
        %swap3A_236 = arith.index_cast %squeeze3A_104 : i32 to index
        %swap3A_237 = arith.constant 48 : index
        %swap3A_238 = tpu.vector_load %arg18[%swap3A_236, %swap3A_237] {strides = array<i32>} : memref<328x128xf32, #tpu.memory_space<vmem>>, vector<16xf32>,
        tpu.vector_store %arg18[%swap3A_236, %swap3A_237], %max3A_232 {add = true, strides = array<i32>} : memref<328x128xf32, #tpu.memory_space<vmem>>, vector<16xf32>,
        %get3A_239 = arith.index_cast %mul3A_94 : i32 to index
        %get3A_240 = arith.constant 64 : index
        %get3A_241 = tpu.vector_load %arg15[%get3A_239, %get3A_240] {strides = array<i32>} : memref<128x128xf32, #tpu.memory_space<vmem>>, vector<16xf32>,
        %get3A_242 = arith.index_cast %mul3A_94 : i32 to index
        %get3A_243 = arith.constant 64 : index
        %get3A_244 = tpu.vector_load %arg16[%get3A_242, %get3A_243] {strides = array<i32>} : memref<128x128xf32, #tpu.memory_space<vmem>>, vector<16xf32>,
        %add3A_245 = arith.addf %get3A_241, %get3A_244 : vector<16xf32>
        %get3A_246 = arith.index_cast %mul3A_94 : i32 to index
        %get3A_247 = arith.constant 64 : index
        %get3A_248 = tpu.vector_load %arg17[%get3A_246, %get3A_247] {strides = array<i32>} : memref<128x128xf32, #tpu.memory_space<vmem>>, vector<16xf32>,
        %add3A_249 = arith.addf %add3A_245, %get3A_248 : vector<16xf32>
        %max3A_250 = arith.constant 0.000000e+00 : f32
        %max3A_251 = vector.broadcast %max3A_250 : f32 to vector<16xf32>
        %max3A_252 = arith.maximumf %add3A_249, %max3A_251 : vector<16xf32>
        %get3A_253 = arith.index_cast %add3A_96 : i32 to index
        %get3A_254 = arith.constant 64 : index
        %get3A_255 = tpu.vector_load %arg15[%get3A_253, %get3A_254] {strides = array<i32>} : memref<128x128xf32, #tpu.memory_space<vmem>>, vector<16xf32>,
        %get3A_256 = arith.index_cast %add3A_96 : i32 to index
        %get3A_257 = arith.constant 64 : index
        %get3A_258 = tpu.vector_load %arg16[%get3A_256, %get3A_257] {strides = array<i32>} : memref<128x128xf32, #tpu.memory_space<vmem>>, vector<16xf32>,
        %add3A_259 = arith.addf %get3A_255, %get3A_258 : vector<16xf32>
        %get3A_260 = arith.index_cast %add3A_96 : i32 to index
        %get3A_261 = arith.constant 64 : index
        %get3A_262 = tpu.vector_load %arg17[%get3A_260, %get3A_261] {strides = array<i32>} : memref<128x128xf32, #tpu.memory_space<vmem>>, vector<16xf32>,
        %add3A_263 = arith.addf %add3A_259, %get3A_262 : vector<16xf32>
        %max3A_264 = arith.constant 0.000000e+00 : f32
        %max3A_265 = vector.broadcast %max3A_264 : f32 to vector<16xf32>
        %max3A_266 = arith.maximumf %add3A_263, %max3A_265 : vector<16xf32>
        %swap3A_267 = arith.index_cast %squeeze3A_100 : i32 to index
        %swap3A_268 = arith.constant 64 : index
        %swap3A_269 = tpu.vector_load %arg18[%swap3A_267, %swap3A_268] {strides = array<i32>} : memref<328x128xf32, #tpu.memory_space<vmem>>, vector<16xf32>,
        tpu.vector_store %arg18[%swap3A_267, %swap3A_268], %max3A_252 {add = true, strides = array<i32>} : memref<328x128xf32, #tpu.memory_space<vmem>>, vector<16xf32>,
        %swap3A_270 = arith.index_cast %squeeze3A_104 : i32 to index
        %swap3A_271 = arith.constant 64 : index
        %swap3A_272 = tpu.vector_load %arg18[%swap3A_270, %swap3A_271] {strides = array<i32>} : memref<328x128xf32, #tpu.memory_space<vmem>>, vector<16xf32>,
        tpu.vector_store %arg18[%swap3A_270, %swap3A_271], %max3A_266 {add = true, strides = array<i32>} : memref<328x128xf32, #tpu.memory_space<vmem>>, vector<16xf32>,
        %get3A_273 = arith.index_cast %mul3A_94 : i32 to index
        %get3A_274 = arith.constant 80 : index
        %get3A_275 = tpu.vector_load %arg15[%get3A_273, %get3A_274] {strides = array<i32>} : memref<128x128xf32, #tpu.memory_space<vmem>>, vector<16xf32>,
        %get3A_276 = arith.index_cast %mul3A_94 : i32 to index
        %get3A_277 = arith.constant 80 : index
        %get3A_278 = tpu.vector_load %arg16[%get3A_276, %get3A_277] {strides = array<i32>} : memref<128x128xf32, #tpu.memory_space<vmem>>, vector<16xf32>,
        %add3A_279 = arith.addf %get3A_275, %get3A_278 : vector<16xf32>
        %get3A_280 = arith.index_cast %mul3A_94 : i32 to index
        %get3A_281 = arith.constant 80 : index
        %get3A_282 = tpu.vector_load %arg17[%get3A_280, %get3A_281] {strides = array<i32>} : memref<128x128xf32, #tpu.memory_space<vmem>>, vector<16xf32>,
        %add3A_283 = arith.addf %add3A_279, %get3A_282 : vector<16xf32>
        %max3A_284 = arith.constant 0.000000e+00 : f32
        %max3A_285 = vector.broadcast %max3A_284 : f32 to vector<16xf32>
        %max3A_286 = arith.maximumf %add3A_283, %max3A_285 : vector<16xf32>
        %get3A_287 = arith.index_cast %add3A_96 : i32 to index
        %get3A_288 = arith.constant 80 : index
        %get3A_289 = tpu.vector_load %arg15[%get3A_287, %get3A_288] {strides = array<i32>} : memref<128x128xf32, #tpu.memory_space<vmem>>, vector<16xf32>,
        %get3A_290 = arith.index_cast %add3A_96 : i32 to index
        %get3A_291 = arith.constant 80 : index
        %get3A_292 = tpu.vector_load %arg16[%get3A_290, %get3A_291] {strides = array<i32>} : memref<128x128xf32, #tpu.memory_space<vmem>>, vector<16xf32>,
        %add3A_293 = arith.addf %get3A_289, %get3A_292 : vector<16xf32>
        %get3A_294 = arith.index_cast %add3A_96 : i32 to index
        %get3A_295 = arith.constant 80 : index
        %get3A_296 = tpu.vector_load %arg17[%get3A_294, %get3A_295] {strides = array<i32>} : memref<128x128xf32, #tpu.memory_space<vmem>>, vector<16xf32>,
        %add3A_297 = arith.addf %add3A_293, %get3A_296 : vector<16xf32>
        %max3A_298 = arith.constant 0.000000e+00 : f32
        %max3A_299 = vector.broadcast %max3A_298 : f32 to vector<16xf32>
        %max3A_300 = arith.maximumf %add3A_297, %max3A_299 : vector<16xf32>
        %swap3A_301 = arith.index_cast %squeeze3A_100 : i32 to index
        %swap3A_302 = arith.constant 80 : index
        %swap3A_303 = tpu.vector_load %arg18[%swap3A_301, %swap3A_302] {strides = array<i32>} : memref<328x128xf32, #tpu.memory_space<vmem>>, vector<16xf32>,
        tpu.vector_store %arg18[%swap3A_301, %swap3A_302], %max3A_286 {add = true, strides = array<i32>} : memref<328x128xf32, #tpu.memory_space<vmem>>, vector<16xf32>,
        %swap3A_304 = arith.index_cast %squeeze3A_104 : i32 to index
        %swap3A_305 = arith.constant 80 : index
        %swap3A_306 = tpu.vector_load %arg18[%swap3A_304, %swap3A_305] {strides = array<i32>} : memref<328x128xf32, #tpu.memory_space<vmem>>, vector<16xf32>,
        tpu.vector_store %arg18[%swap3A_304, %swap3A_305], %max3A_300 {add = true, strides = array<i32>} : memref<328x128xf32, #tpu.memory_space<vmem>>, vector<16xf32>,
        %get3A_307 = arith.index_cast %mul3A_94 : i32 to index
        %get3A_308 = arith.constant 96 : index
        %get3A_309 = tpu.vector_load %arg15[%get3A_307, %get3A_308] {strides = array<i32>} : memref<128x128xf32, #tpu.memory_space<vmem>>, vector<16xf32>,
        %get3A_310 = arith.index_cast %mul3A_94 : i32 to index
        %get3A_311 = arith.constant 96 : index
        %get3A_312 = tpu.vector_load %arg16[%get3A_310, %get3A_311] {strides = array<i32>} : memref<128x128xf32, #tpu.memory_space<vmem>>, vector<16xf32>,
        %add3A_313 = arith.addf %get3A_309, %get3A_312 : vector<16xf32>
        %get3A_314 = arith.index_cast %mul3A_94 : i32 to index
        %get3A_315 = arith.constant 96 : index
        %get3A_316 = tpu.vector_load %arg17[%get3A_314, %get3A_315] {strides = array<i32>} : memref<128x128xf32, #tpu.memory_space<vmem>>, vector<16xf32>,
        %add3A_317 = arith.addf %add3A_313, %get3A_316 : vector<16xf32>
        %max3A_318 = arith.constant 0.000000e+00 : f32
        %max3A_319 = vector.broadcast %max3A_318 : f32 to vector<16xf32>
        %max3A_320 = arith.maximumf %add3A_317, %max3A_319 : vector<16xf32>
        %get3A_321 = arith.index_cast %add3A_96 : i32 to index
        %get3A_322 = arith.constant 96 : index
        %get3A_323 = tpu.vector_load %arg15[%get3A_321, %get3A_322] {strides = array<i32>} : memref<128x128xf32, #tpu.memory_space<vmem>>, vector<16xf32>,
        %get3A_324 = arith.index_cast %add3A_96 : i32 to index
        %get3A_325 = arith.constant 96 : index
        %get3A_326 = tpu.vector_load %arg16[%get3A_324, %get3A_325] {strides = array<i32>} : memref<128x128xf32, #tpu.memory_space<vmem>>, vector<16xf32>,
        %add3A_327 = arith.addf %get3A_323, %get3A_326 : vector<16xf32>
        %get3A_328 = arith.index_cast %add3A_96 : i32 to index
        %get3A_329 = arith.constant 96 : index
        %get3A_330 = tpu.vector_load %arg17[%get3A_328, %get3A_329] {strides = array<i32>} : memref<128x128xf32, #tpu.memory_space<vmem>>, vector<16xf32>,
        %add3A_331 = arith.addf %add3A_327, %get3A_330 : vector<16xf32>
        %max3A_332 = arith.constant 0.000000e+00 : f32
        %max3A_333 = vector.broadcast %max3A_332 : f32 to vector<16xf32>
        %max3A_334 = arith.maximumf %add3A_331, %max3A_333 : vector<16xf32>
        %swap3A_335 = arith.index_cast %squeeze3A_100 : i32 to index
        %swap3A_336 = arith.constant 96 : index
        %swap3A_337 = tpu.vector_load %arg18[%swap3A_335, %swap3A_336] {strides = array<i32>} : memref<328x128xf32, #tpu.memory_space<vmem>>, vector<16xf32>,
        tpu.vector_store %arg18[%swap3A_335, %swap3A_336], %max3A_320 {add = true, strides = array<i32>} : memref<328x128xf32, #tpu.memory_space<vmem>>, vector<16xf32>,
        %swap3A_338 = arith.index_cast %squeeze3A_104 : i32 to index
        %swap3A_339 = arith.constant 96 : index
        %swap3A_340 = tpu.vector_load %arg18[%swap3A_338, %swap3A_339] {strides = array<i32>} : memref<328x128xf32, #tpu.memory_space<vmem>>, vector<16xf32>,
        tpu.vector_store %arg18[%swap3A_338, %swap3A_339], %max3A_334 {add = true, strides = array<i32>} : memref<328x128xf32, #tpu.memory_space<vmem>>, vector<16xf32>,
        %get3A_341 = arith.index_cast %mul3A_94 : i32 to index
        %get3A_342 = arith.constant 112 : index
        %get3A_343 = tpu.vector_load %arg15[%get3A_341, %get3A_342] {strides = array<i32>} : memref<128x128xf32, #tpu.memory_space<vmem>>, vector<16xf32>,
        %get3A_344 = arith.index_cast %mul3A_94 : i32 to index
        %get3A_345 = arith.constant 112 : index
        %get3A_346 = tpu.vector_load %arg16[%get3A_344, %get3A_345] {strides = array<i32>} : memref<128x128xf32, #tpu.memory_space<vmem>>, vector<16xf32>,
        %add3A_347 = arith.addf %get3A_343, %get3A_346 : vector<16xf32>
        %get3A_348 = arith.index_cast %mul3A_94 : i32 to index
        %get3A_349 = arith.constant 112 : index
        %get3A_350 = tpu.vector_load %arg17[%get3A_348, %get3A_349] {strides = array<i32>} : memref<128x128xf32, #tpu.memory_space<vmem>>, vector<16xf32>,
        %add3A_351 = arith.addf %add3A_347, %get3A_350 : vector<16xf32>
        %max3A_352 = arith.constant 0.000000e+00 : f32
        %max3A_353 = vector.broadcast %max3A_352 : f32 to vector<16xf32>
        %max3A_354 = arith.maximumf %add3A_351, %max3A_353 : vector<16xf32>
        %get3A_355 = arith.index_cast %add3A_96 : i32 to index
        %get3A_356 = arith.constant 112 : index
        %get3A_357 = tpu.vector_load %arg15[%get3A_355, %get3A_356] {strides = array<i32>} : memref<128x128xf32, #tpu.memory_space<vmem>>, vector<16xf32>,
        %get3A_358 = arith.index_cast %add3A_96 : i32 to index
        %get3A_359 = arith.constant 112 : index
        %get3A_360 = tpu.vector_load %arg16[%get3A_358, %get3A_359] {strides = array<i32>} : memref<128x128xf32, #tpu.memory_space<vmem>>, vector<16xf32>,
        %add3A_361 = arith.addf %get3A_357, %get3A_360 : vector<16xf32>
        %get3A_362 = arith.index_cast %add3A_96 : i32 to index
        %get3A_363 = arith.constant 112 : index
        %get3A_364 = tpu.vector_load %arg17[%get3A_362, %get3A_363] {strides = array<i32>} : memref<128x128xf32, #tpu.memory_space<vmem>>, vector<16xf32>,
        %add3A_365 = arith.addf %add3A_361, %get3A_364 : vector<16xf32>
        %max3A_366 = arith.constant 0.000000e+00 : f32
        %max3A_367 = vector.broadcast %max3A_366 : f32 to vector<16xf32>
        %max3A_368 = arith.maximumf %add3A_365, %max3A_367 : vector<16xf32>
        %swap3A_369 = arith.index_cast %squeeze3A_100 : i32 to index
        %swap3A_370 = arith.constant 112 : index
        %swap3A_371 = tpu.vector_load %arg18[%swap3A_369, %swap3A_370] {strides = array<i32>} : memref<328x128xf32, #tpu.memory_space<vmem>>, vector<16xf32>,
        tpu.vector_store %arg18[%swap3A_369, %swap3A_370], %max3A_354 {add = true, strides = array<i32>} : memref<328x128xf32, #tpu.memory_space<vmem>>, vector<16xf32>,
        %swap3A_372 = arith.index_cast %squeeze3A_104 : i32 to index
        %swap3A_373 = arith.constant 112 : index
        %swap3A_374 = tpu.vector_load %arg18[%swap3A_372, %swap3A_373] {strides = array<i32>} : memref<328x128xf32, #tpu.memory_space<vmem>>, vector<16xf32>,
        tpu.vector_store %arg18[%swap3A_372, %swap3A_373], %max3A_368 {add = true, strides = array<i32>} : memref<328x128xf32, #tpu.memory_space<vmem>>, vector<16xf32>,
      }
      %scan3A_91 = arith.constant 64 : i32
    }
    %while3A_18 = arith.constant 1 : i32
    scf.for %while3A_23 = %while3A_16 to %while3A_12 step %while3A_18  : i32 {
      %mul3A_24 = arith.constant 128 : i32
      %mul3A_25 = arith.muli %while3A_23, %mul3A_24 : i32
      %dma_start3A = arith.constant 0 : i32
      %dma_start3A_26 = tpu.memref_slice %arg5[%add3A, %dma_start3A, %mul3A_25] : memref<32x8x11904xi32, #tpu.memory_space<hbm>> -> memref<1x1x128xi32, #tpu.memory_space<hbm>>
      %dma_start3A_27 = tpu.memref_squeeze %dma_start3A_26 : memref<1x1x128xi32, #tpu.memory_space<hbm>> -> memref<128xi32, #tpu.memory_space<hbm>>
      %dma_start3A_28 = tpu.memref_slice %arg5[%add3A, %dma_start3A, %mul3A_25] : memref<32x8x11904xi32, #tpu.memory_space<hbm>> -> memref<1x1x128xi32, #tpu.memory_space<hbm>>
      %dma_start3A_29 = tpu.memref_squeeze %dma_start3A_28 : memref<1x1x128xi32, #tpu.memory_space<hbm>> -> memref<128xi32, #tpu.memory_space<hbm>>
      tpu.enqueue_dma source(%dma_start3A_29 : memref<128xi32, #tpu.memory_space<hbm>>) target(%arg11 : memref<128xi32, #tpu.memory_space<vmem>>) target_semaphore(%arg19 : memref<!tpu.dma_semaphore, #tpu.memory_space<semaphore_mem>>)
      %dma_start3A_30 = arith.constant 0 : i32
      %dma_start3A_31 = arith.constant 0 : i32
      %dma_start3A_32 = tpu.memref_slice %arg13[%dma_start3A_31] : memref<144xi32, #tpu.memory_space<vmem>> -> memref<128xi32, #tpu.memory_space<vmem>>
      %dma_start3A_33 = tpu.memref_slice %arg6[%add3A, %dma_start3A_30, %mul3A_25] : memref<32x8x11904xi32, #tpu.memory_space<hbm>> -> memref<1x1x128xi32, #tpu.memory_space<hbm>>
      %dma_start3A_34 = tpu.memref_squeeze %dma_start3A_33 : memref<1x1x128xi32, #tpu.memory_space<hbm>> -> memref<128xi32, #tpu.memory_space<hbm>>
      %dma_start3A_35 = arith.constant 0 : i32
      %dma_start3A_36 = tpu.memref_slice %arg13[%dma_start3A_35] : memref<144xi32, #tpu.memory_space<vmem>> -> memref<128xi32, #tpu.memory_space<vmem>>
      %dma_start3A_37 = tpu.memref_slice %arg6[%add3A, %dma_start3A_30, %mul3A_25] : memref<32x8x11904xi32, #tpu.memory_space<hbm>> -> memref<1x1x128xi32, #tpu.memory_space<hbm>>
      %dma_start3A_38 = tpu.memref_squeeze %dma_start3A_37 : memref<1x1x128xi32, #tpu.memory_space<hbm>> -> memref<128xi32, #tpu.memory_space<hbm>>
      tpu.enqueue_dma source(%dma_start3A_38 : memref<128xi32, #tpu.memory_space<hbm>>) target(%dma_start3A_36 : memref<128xi32, #tpu.memory_space<vmem>>) target_semaphore(%arg20 : memref<!tpu.dma_semaphore, #tpu.memory_space<semaphore_mem>>)
      %dma_start3A_39 = arith.constant 0 : i32
      %dma_start3A_40 = tpu.memref_slice %arg7[%add3A, %dma_start3A_39, %mul3A_25] : memref<32x8x11904xi32, #tpu.memory_space<hbm>> -> memref<1x1x128xi32, #tpu.memory_space<hbm>>
      %dma_start3A_41 = tpu.memref_squeeze %dma_start3A_40 : memref<1x1x128xi32, #tpu.memory_space<hbm>> -> memref<128xi32, #tpu.memory_space<hbm>>
      %dma_start3A_42 = tpu.memref_slice %arg7[%add3A, %dma_start3A_39, %mul3A_25] : memref<32x8x11904xi32, #tpu.memory_space<hbm>> -> memref<1x1x128xi32, #tpu.memory_space<hbm>>
      %dma_start3A_43 = tpu.memref_squeeze %dma_start3A_42 : memref<1x1x128xi32, #tpu.memory_space<hbm>> -> memref<128xi32, #tpu.memory_space<hbm>>
      tpu.enqueue_dma source(%dma_start3A_43 : memref<128xi32, #tpu.memory_space<hbm>>) target(%arg14 : memref<128xi32, #tpu.memory_space<vmem>>) target_semaphore(%arg21 : memref<!tpu.dma_semaphore, #tpu.memory_space<semaphore_mem>>)
      %dma_wait3A = arith.constant 0 : i32
      %dma_wait3A_44 = tpu.memref_slice %arg5[%add3A, %dma_wait3A, %mul3A_25] : memref<32x8x11904xi32, #tpu.memory_space<hbm>> -> memref<1x1x128xi32, #tpu.memory_space<hbm>>
      %dma_wait3A_45 = tpu.memref_squeeze %dma_wait3A_44 : memref<1x1x128xi32, #tpu.memory_space<hbm>> -> memref<128xi32, #tpu.memory_space<hbm>>
      %dma_wait3A_46 = tpu.memref_slice %arg5[%add3A, %dma_wait3A, %mul3A_25] : memref<32x8x11904xi32, #tpu.memory_space<hbm>> -> memref<1x1x128xi32, #tpu.memory_space<hbm>>
      %dma_wait3A_47 = tpu.memref_squeeze %dma_wait3A_46 : memref<1x1x128xi32, #tpu.memory_space<hbm>> -> memref<128xi32, #tpu.memory_space<hbm>>
      tpu.wait_dma2 semaphore(%arg19 : memref<!tpu.dma_semaphore, #tpu.memory_space<semaphore_mem>>) src(%dma_wait3A_47 : memref<128xi32, #tpu.memory_space<hbm>>) dst(%arg11 : memref<128xi32, #tpu.memory_space<vmem>>)
      %dma_wait3A_48 = arith.constant 0 : i32
      %dma_wait3A_49 = arith.constant 0 : i32
      %dma_wait3A_50 = tpu.memref_slice %arg13[%dma_wait3A_49] : memref<144xi32, #tpu.memory_space<vmem>> -> memref<128xi32, #tpu.memory_space<vmem>>
      %dma_wait3A_51 = tpu.memref_slice %arg6[%add3A, %dma_wait3A_48, %mul3A_25] : memref<32x8x11904xi32, #tpu.memory_space<hbm>> -> memref<1x1x128xi32, #tpu.memory_space<hbm>>
      %dma_wait3A_52 = tpu.memref_squeeze %dma_wait3A_51 : memref<1x1x128xi32, #tpu.memory_space<hbm>> -> memref<128xi32, #tpu.memory_space<hbm>>
      %dma_wait3A_53 = arith.constant 0 : i32
      %dma_wait3A_54 = tpu.memref_slice %arg13[%dma_wait3A_53] : memref<144xi32, #tpu.memory_space<vmem>> -> memref<128xi32, #tpu.memory_space<vmem>>
      %dma_wait3A_55 = tpu.memref_slice %arg6[%add3A, %dma_wait3A_48, %mul3A_25] : memref<32x8x11904xi32, #tpu.memory_space<hbm>> -> memref<1x1x128xi32, #tpu.memory_space<hbm>>
      %dma_wait3A_56 = tpu.memref_squeeze %dma_wait3A_55 : memref<1x1x128xi32, #tpu.memory_space<hbm>> -> memref<128xi32, #tpu.memory_space<hbm>>
      tpu.wait_dma2 semaphore(%arg20 : memref<!tpu.dma_semaphore, #tpu.memory_space<semaphore_mem>>) src(%dma_wait3A_56 : memref<128xi32, #tpu.memory_space<hbm>>) dst(%dma_wait3A_54 : memref<128xi32, #tpu.memory_space<vmem>>)
      %dma_wait3A_57 = arith.constant 0 : i32
      %dma_wait3A_58 = tpu.memref_slice %arg7[%add3A, %dma_wait3A_57, %mul3A_25] : memref<32x8x11904xi32, #tpu.memory_space<hbm>> -> memref<1x1x128xi32, #tpu.memory_space<hbm>>
      %dma_wait3A_59 = tpu.memref_squeeze %dma_wait3A_58 : memref<1x1x128xi32, #tpu.memory_space<hbm>> -> memref<128xi32, #tpu.memory_space<hbm>>
      %dma_wait3A_60 = tpu.memref_slice %arg7[%add3A, %dma_wait3A_57, %mul3A_25] : memref<32x8x11904xi32, #tpu.memory_space<hbm>> -> memref<1x1x128xi32, #tpu.memory_space<hbm>>
      %dma_wait3A_61 = tpu.memref_squeeze %dma_wait3A_60 : memref<1x1x128xi32, #tpu.memory_space<hbm>> -> memref<128xi32, #tpu.memory_space<hbm>>
      tpu.wait_dma2 semaphore(%arg21 : memref<!tpu.dma_semaphore, #tpu.memory_space<semaphore_mem>>) src(%dma_wait3A_61 : memref<128xi32, #tpu.memory_space<hbm>>) dst(%arg14 : memref<128xi32, #tpu.memory_space<vmem>>)
      %scan3A_62 = arith.constant 0 : i32
      %scan3A_63 = arith.constant 0 : i32
      %scan3A_64 = arith.constant 8 : i32
      %scan3A_65 = arith.addi %scan3A_63, %scan3A_64 : i32
      %scan3A_66 = arith.constant 1 : i32
      scf.for %scan3A_92 = %scan3A_63 to %scan3A_65 step %scan3A_66  : i32 {
        %mul3A_93 = arith.constant 16 : i32
        %mul3A_94 = arith.muli %scan3A_92, %mul3A_93 : i32
        %get3A_95 = arith.index_cast %mul3A_94 : i32 to index
        %get3A_96 = tpu.vector_load %arg13[%get3A_95] {strides = array<i32>} : memref<144xi32, #tpu.memory_space<vmem>>, vector<16xi32>,
        %add3A_97 = vector.broadcast %mul3A_8 : i32 to vector<16xi32>
        %add3A_98 = arith.addi %get3A_96, %add3A_97 : vector<16xi32>
        %min3A = arith.constant 10239 : i32
        %min3A_99 = vector.broadcast %min3A : i32 to vector<16xi32>
        %min3A_100 = arith.minsi %add3A_98, %min3A_99 : vector<16xi32>
        %swap3A = arith.index_cast %mul3A_94 : i32 to index
        %swap3A_101 = tpu.vector_load %arg12[%swap3A] {strides = array<i32>} : memref<128xi32, #tpu.memory_space<vmem>>, vector<16xi32>,
        tpu.vector_store %arg12[%swap3A], %min3A_100 {strides = array<i32>} : memref<128xi32, #tpu.memory_space<vmem>>, vector<16xi32>,
      }
      %scan3A_67 = arith.constant 8 : i32
      %dma_start3A_68 = arith.constant 0 : i32
      %dma_start3A_69 = arith.constant 0 : i32
      %dma_start3A_70 = tpu.memref_slice %arg2[%dma_start3A_68, %dma_start3A_69] : memref<10240x128xf32, #tpu.memory_space<hbm>> -> memref<10240x128xf32, #tpu.memory_space<hbm>>
      tpu.enqueue_indirect_dma source(%dma_start3A_70 : memref<10240x128xf32, #tpu.memory_space<hbm>>) target(%arg15 : memref<128x128xf32, #tpu.memory_space<vmem>>) offsets(%arg11 : memref<128xi32, #tpu.memory_space<vmem>>) semaphore(%arg19 : memref<!tpu.dma_semaphore, #tpu.memory_space<semaphore_mem>>)
      %dma_start3A_71 = arith.constant 0 : i32
      %dma_start3A_72 = arith.constant 0 : i32
      %dma_start3A_73 = tpu.memref_slice %arg3[%dma_start3A_71, %dma_start3A_72] : memref<10240x128xf32, #tpu.memory_space<hbm>> -> memref<10240x128xf32, #tpu.memory_space<hbm>>
      tpu.enqueue_indirect_dma source(%dma_start3A_73 : memref<10240x128xf32, #tpu.memory_space<hbm>>) target(%arg16 : memref<128x128xf32, #tpu.memory_space<vmem>>) offsets(%arg12 : memref<128xi32, #tpu.memory_space<vmem>>) semaphore(%arg20 : memref<!tpu.dma_semaphore, #tpu.memory_space<semaphore_mem>>)
      %dma_start3A_74 = arith.constant 0 : i32
      %dma_start3A_75 = arith.constant 0 : i32
      %dma_start3A_76 = tpu.memref_slice %arg4[%dma_start3A_74, %dma_start3A_75] : memref<321536x128xf32, #tpu.memory_space<hbm>> -> memref<321536x128xf32, #tpu.memory_space<hbm>>
      tpu.enqueue_indirect_dma source(%dma_start3A_76 : memref<321536x128xf32, #tpu.memory_space<hbm>>) target(%arg17 : memref<128x128xf32, #tpu.memory_space<vmem>>) offsets(%arg14 : memref<128xi32, #tpu.memory_space<vmem>>) semaphore(%arg21 : memref<!tpu.dma_semaphore, #tpu.memory_space<semaphore_mem>>)
      %dma_wait3A_77 = arith.constant 0 : i32
      %dma_wait3A_78 = arith.constant 0 : i32
      %dma_wait3A_79 = tpu.memref_slice %arg2[%dma_wait3A_77, %dma_wait3A_78] : memref<10240x128xf32, #tpu.memory_space<hbm>> -> memref<10240x128xf32, #tpu.memory_space<hbm>>
      tpu.wait_indirect_dma semaphore(%arg19 : memref<!tpu.dma_semaphore, #tpu.memory_space<semaphore_mem>>) src(%dma_wait3A_79 : memref<10240x128xf32, #tpu.memory_space<hbm>>) dst(%arg15 : memref<128x128xf32, #tpu.memory_space<vmem>>)
      %dma_wait3A_80 = arith.constant 0 : i32
      %dma_wait3A_81 = arith.constant 0 : i32
      %dma_wait3A_82 = tpu.memref_slice %arg3[%dma_wait3A_80, %dma_wait3A_81] : memref<10240x128xf32, #tpu.memory_space<hbm>> -> memref<10240x128xf32, #tpu.memory_space<hbm>>
      tpu.wait_indirect_dma semaphore(%arg20 : memref<!tpu.dma_semaphore, #tpu.memory_space<semaphore_mem>>) src(%dma_wait3A_82 : memref<10240x128xf32, #tpu.memory_space<hbm>>) dst(%arg16 : memref<128x128xf32, #tpu.memory_space<vmem>>)
      %dma_wait3A_83 = arith.constant 0 : i32
      %dma_wait3A_84 = arith.constant 0 : i32
      %dma_wait3A_85 = tpu.memref_slice %arg4[%dma_wait3A_83, %dma_wait3A_84] : memref<321536x128xf32, #tpu.memory_space<hbm>> -> memref<321536x128xf32, #tpu.memory_space<hbm>>
      tpu.wait_indirect_dma semaphore(%arg21 : memref<!tpu.dma_semaphore, #tpu.memory_space<semaphore_mem>>) src(%dma_wait3A_85 : memref<321536x128xf32, #tpu.memory_space<hbm>>) dst(%arg17 : memref<128x128xf32, #tpu.memory_space<vmem>>)
      %scan3A_86 = arith.constant 0 : i32
      %scan3A_87 = arith.constant 0 : i32
      %scan3A_88 = arith.constant 64 : i32
      %scan3A_89 = arith.addi %scan3A_87, %scan3A_88 : i32
      %scan3A_90 = arith.constant 1 : i32
      scf.for %scan3A_92 = %scan3A_87 to %scan3A_89 step %scan3A_90  : i32 {
        %mul3A_93 = arith.constant 2 : i32
        %mul3A_94 = arith.muli %scan3A_92, %mul3A_93 : i32
        %add3A_95 = arith.constant 1 : i32
        %add3A_96 = arith.addi %mul3A_94, %add3A_95 : i32
        %get3A_97 = arith.index_cast %mul3A_94 : i32 to index
        %get3A_98 = tpu.vector_load %arg13[%get3A_97] {strides = array<i32>} : memref<144xi32, #tpu.memory_space<vmem>>, vector<16xi32>,
        %slice3A_99 = vector.extract_strided_slice %get3A_98 {offsets = [0], sizes = [1], strides = [1]} : vector<16xi32> to vector<1xi32>
        %squeeze3A_100 = vector.extract %slice3A_99[0] : i32 from vector<1xi32>
        %get3A_101 = arith.index_cast %add3A_96 : i32 to index
        %get3A_102 = tpu.vector_load %arg13[%get3A_101] {strides = array<i32>} : memref<144xi32, #tpu.memory_space<vmem>>, vector<16xi32>,
        %slice3A_103 = vector.extract_strided_slice %get3A_102 {offsets = [0], sizes = [1], strides = [1]} : vector<16xi32> to vector<1xi32>
        %squeeze3A_104 = vector.extract %slice3A_103[0] : i32 from vector<1xi32>
        %get3A_105 = arith.index_cast %mul3A_94 : i32 to index
        %get3A_106 = arith.constant 0 : index
        %get3A_107 = tpu.vector_load %arg15[%get3A_105, %get3A_106] {strides = array<i32>} : memref<128x128xf32, #tpu.memory_space<vmem>>, vector<16xf32>,
        %get3A_108 = arith.index_cast %mul3A_94 : i32 to index
        %get3A_109 = arith.constant 0 : index
        %get3A_110 = tpu.vector_load %arg16[%get3A_108, %get3A_109] {strides = array<i32>} : memref<128x128xf32, #tpu.memory_space<vmem>>, vector<16xf32>,
        %add3A_111 = arith.addf %get3A_107, %get3A_110 : vector<16xf32>
        %get3A_112 = arith.index_cast %mul3A_94 : i32 to index
        %get3A_113 = arith.constant 0 : index
        %get3A_114 = tpu.vector_load %arg17[%get3A_112, %get3A_113] {strides = array<i32>} : memref<128x128xf32, #tpu.memory_space<vmem>>, vector<16xf32>,
        %add3A_115 = arith.addf %add3A_111, %get3A_114 : vector<16xf32>
        %max3A = arith.constant 0.000000e+00 : f32
        %max3A_116 = vector.broadcast %max3A : f32 to vector<16xf32>
        %max3A_117 = arith.maximumf %add3A_115, %max3A_116 : vector<16xf32>
        %get3A_118 = arith.index_cast %add3A_96 : i32 to index
        %get3A_119 = arith.constant 0 : index
        %get3A_120 = tpu.vector_load %arg15[%get3A_118, %get3A_119] {strides = array<i32>} : memref<128x128xf32, #tpu.memory_space<vmem>>, vector<16xf32>,
        %get3A_121 = arith.index_cast %add3A_96 : i32 to index
        %get3A_122 = arith.constant 0 : index
        %get3A_123 = tpu.vector_load %arg16[%get3A_121, %get3A_122] {strides = array<i32>} : memref<128x128xf32, #tpu.memory_space<vmem>>, vector<16xf32>,
        %add3A_124 = arith.addf %get3A_120, %get3A_123 : vector<16xf32>
        %get3A_125 = arith.index_cast %add3A_96 : i32 to index
        %get3A_126 = arith.constant 0 : index
        %get3A_127 = tpu.vector_load %arg17[%get3A_125, %get3A_126] {strides = array<i32>} : memref<128x128xf32, #tpu.memory_space<vmem>>, vector<16xf32>,
        %add3A_128 = arith.addf %add3A_124, %get3A_127 : vector<16xf32>
        %max3A_129 = arith.constant 0.000000e+00 : f32
        %max3A_130 = vector.broadcast %max3A_129 : f32 to vector<16xf32>
        %max3A_131 = arith.maximumf %add3A_128, %max3A_130 : vector<16xf32>
        %swap3A = arith.index_cast %squeeze3A_100 : i32 to index
        %swap3A_132 = arith.constant 0 : index
        %swap3A_133 = tpu.vector_load %arg18[%swap3A, %swap3A_132] {strides = array<i32>} : memref<328x128xf32, #tpu.memory_space<vmem>>, vector<16xf32>,
        tpu.vector_store %arg18[%swap3A, %swap3A_132], %max3A_117 {add = true, strides = array<i32>} : memref<328x128xf32, #tpu.memory_space<vmem>>, vector<16xf32>,
        %swap3A_134 = arith.index_cast %squeeze3A_104 : i32 to index
        %swap3A_135 = arith.constant 0 : index
        %swap3A_136 = tpu.vector_load %arg18[%swap3A_134, %swap3A_135] {strides = array<i32>} : memref<328x128xf32, #tpu.memory_space<vmem>>, vector<16xf32>,
        tpu.vector_store %arg18[%swap3A_134, %swap3A_135], %max3A_131 {add = true, strides = array<i32>} : memref<328x128xf32, #tpu.memory_space<vmem>>, vector<16xf32>,
        %get3A_137 = arith.index_cast %mul3A_94 : i32 to index
        %get3A_138 = arith.constant 16 : index
        %get3A_139 = tpu.vector_load %arg15[%get3A_137, %get3A_138] {strides = array<i32>} : memref<128x128xf32, #tpu.memory_space<vmem>>, vector<16xf32>,
        %get3A_140 = arith.index_cast %mul3A_94 : i32 to index
        %get3A_141 = arith.constant 16 : index
        %get3A_142 = tpu.vector_load %arg16[%get3A_140, %get3A_141] {strides = array<i32>} : memref<128x128xf32, #tpu.memory_space<vmem>>, vector<16xf32>,
        %add3A_143 = arith.addf %get3A_139, %get3A_142 : vector<16xf32>
        %get3A_144 = arith.index_cast %mul3A_94 : i32 to index
        %get3A_145 = arith.constant 16 : index
        %get3A_146 = tpu.vector_load %arg17[%get3A_144, %get3A_145] {strides = array<i32>} : memref<128x128xf32, #tpu.memory_space<vmem>>, vector<16xf32>,
        %add3A_147 = arith.addf %add3A_143, %get3A_146 : vector<16xf32>
        %max3A_148 = arith.constant 0.000000e+00 : f32
        %max3A_149 = vector.broadcast %max3A_148 : f32 to vector<16xf32>
        %max3A_150 = arith.maximumf %add3A_147, %max3A_149 : vector<16xf32>
        %get3A_151 = arith.index_cast %add3A_96 : i32 to index
        %get3A_152 = arith.constant 16 : index
        %get3A_153 = tpu.vector_load %arg15[%get3A_151, %get3A_152] {strides = array<i32>} : memref<128x128xf32, #tpu.memory_space<vmem>>, vector<16xf32>,
        %get3A_154 = arith.index_cast %add3A_96 : i32 to index
        %get3A_155 = arith.constant 16 : index
        %get3A_156 = tpu.vector_load %arg16[%get3A_154, %get3A_155] {strides = array<i32>} : memref<128x128xf32, #tpu.memory_space<vmem>>, vector<16xf32>,
        %add3A_157 = arith.addf %get3A_153, %get3A_156 : vector<16xf32>
        %get3A_158 = arith.index_cast %add3A_96 : i32 to index
        %get3A_159 = arith.constant 16 : index
        %get3A_160 = tpu.vector_load %arg17[%get3A_158, %get3A_159] {strides = array<i32>} : memref<128x128xf32, #tpu.memory_space<vmem>>, vector<16xf32>,
        %add3A_161 = arith.addf %add3A_157, %get3A_160 : vector<16xf32>
        %max3A_162 = arith.constant 0.000000e+00 : f32
        %max3A_163 = vector.broadcast %max3A_162 : f32 to vector<16xf32>
        %max3A_164 = arith.maximumf %add3A_161, %max3A_163 : vector<16xf32>
        %swap3A_165 = arith.index_cast %squeeze3A_100 : i32 to index
        %swap3A_166 = arith.constant 16 : index
        %swap3A_167 = tpu.vector_load %arg18[%swap3A_165, %swap3A_166] {strides = array<i32>} : memref<328x128xf32, #tpu.memory_space<vmem>>, vector<16xf32>,
        tpu.vector_store %arg18[%swap3A_165, %swap3A_166], %max3A_150 {add = true, strides = array<i32>} : memref<328x128xf32, #tpu.memory_space<vmem>>, vector<16xf32>,
        %swap3A_168 = arith.index_cast %squeeze3A_104 : i32 to index
        %swap3A_169 = arith.constant 16 : index
        %swap3A_170 = tpu.vector_load %arg18[%swap3A_168, %swap3A_169] {strides = array<i32>} : memref<328x128xf32, #tpu.memory_space<vmem>>, vector<16xf32>,
        tpu.vector_store %arg18[%swap3A_168, %swap3A_169], %max3A_164 {add = true, strides = array<i32>} : memref<328x128xf32, #tpu.memory_space<vmem>>, vector<16xf32>,
        %get3A_171 = arith.index_cast %mul3A_94 : i32 to index
        %get3A_172 = arith.constant 32 : index
        %get3A_173 = tpu.vector_load %arg15[%get3A_171, %get3A_172] {strides = array<i32>} : memref<128x128xf32, #tpu.memory_space<vmem>>, vector<16xf32>,
        %get3A_174 = arith.index_cast %mul3A_94 : i32 to index
        %get3A_175 = arith.constant 32 : index
        %get3A_176 = tpu.vector_load %arg16[%get3A_174, %get3A_175] {strides = array<i32>} : memref<128x128xf32, #tpu.memory_space<vmem>>, vector<16xf32>,
        %add3A_177 = arith.addf %get3A_173, %get3A_176 : vector<16xf32>
        %get3A_178 = arith.index_cast %mul3A_94 : i32 to index
        %get3A_179 = arith.constant 32 : index
        %get3A_180 = tpu.vector_load %arg17[%get3A_178, %get3A_179] {strides = array<i32>} : memref<128x128xf32, #tpu.memory_space<vmem>>, vector<16xf32>,
        %add3A_181 = arith.addf %add3A_177, %get3A_180 : vector<16xf32>
        %max3A_182 = arith.constant 0.000000e+00 : f32
        %max3A_183 = vector.broadcast %max3A_182 : f32 to vector<16xf32>
        %max3A_184 = arith.maximumf %add3A_181, %max3A_183 : vector<16xf32>
        %get3A_185 = arith.index_cast %add3A_96 : i32 to index
        %get3A_186 = arith.constant 32 : index
        %get3A_187 = tpu.vector_load %arg15[%get3A_185, %get3A_186] {strides = array<i32>} : memref<128x128xf32, #tpu.memory_space<vmem>>, vector<16xf32>,
        %get3A_188 = arith.index_cast %add3A_96 : i32 to index
        %get3A_189 = arith.constant 32 : index
        %get3A_190 = tpu.vector_load %arg16[%get3A_188, %get3A_189] {strides = array<i32>} : memref<128x128xf32, #tpu.memory_space<vmem>>, vector<16xf32>,
        %add3A_191 = arith.addf %get3A_187, %get3A_190 : vector<16xf32>
        %get3A_192 = arith.index_cast %add3A_96 : i32 to index
        %get3A_193 = arith.constant 32 : index
        %get3A_194 = tpu.vector_load %arg17[%get3A_192, %get3A_193] {strides = array<i32>} : memref<128x128xf32, #tpu.memory_space<vmem>>, vector<16xf32>,
        %add3A_195 = arith.addf %add3A_191, %get3A_194 : vector<16xf32>
        %max3A_196 = arith.constant 0.000000e+00 : f32
        %max3A_197 = vector.broadcast %max3A_196 : f32 to vector<16xf32>
        %max3A_198 = arith.maximumf %add3A_195, %max3A_197 : vector<16xf32>
        %swap3A_199 = arith.index_cast %squeeze3A_100 : i32 to index
        %swap3A_200 = arith.constant 32 : index
        %swap3A_201 = tpu.vector_load %arg18[%swap3A_199, %swap3A_200] {strides = array<i32>} : memref<328x128xf32, #tpu.memory_space<vmem>>, vector<16xf32>,
        tpu.vector_store %arg18[%swap3A_199, %swap3A_200], %max3A_184 {add = true, strides = array<i32>} : memref<328x128xf32, #tpu.memory_space<vmem>>, vector<16xf32>,
        %swap3A_202 = arith.index_cast %squeeze3A_104 : i32 to index
        %swap3A_203 = arith.constant 32 : index
        %swap3A_204 = tpu.vector_load %arg18[%swap3A_202, %swap3A_203] {strides = array<i32>} : memref<328x128xf32, #tpu.memory_space<vmem>>, vector<16xf32>,
        tpu.vector_store %arg18[%swap3A_202, %swap3A_203], %max3A_198 {add = true, strides = array<i32>} : memref<328x128xf32, #tpu.memory_space<vmem>>, vector<16xf32>,
        %get3A_205 = arith.index_cast %mul3A_94 : i32 to index
        %get3A_206 = arith.constant 48 : index
        %get3A_207 = tpu.vector_load %arg15[%get3A_205, %get3A_206] {strides = array<i32>} : memref<128x128xf32, #tpu.memory_space<vmem>>, vector<16xf32>,
        %get3A_208 = arith.index_cast %mul3A_94 : i32 to index
        %get3A_209 = arith.constant 48 : index
        %get3A_210 = tpu.vector_load %arg16[%get3A_208, %get3A_209] {strides = array<i32>} : memref<128x128xf32, #tpu.memory_space<vmem>>, vector<16xf32>,
        %add3A_211 = arith.addf %get3A_207, %get3A_210 : vector<16xf32>
        %get3A_212 = arith.index_cast %mul3A_94 : i32 to index
        %get3A_213 = arith.constant 48 : index
        %get3A_214 = tpu.vector_load %arg17[%get3A_212, %get3A_213] {strides = array<i32>} : memref<128x128xf32, #tpu.memory_space<vmem>>, vector<16xf32>,
        %add3A_215 = arith.addf %add3A_211, %get3A_214 : vector<16xf32>
        %max3A_216 = arith.constant 0.000000e+00 : f32
        %max3A_217 = vector.broadcast %max3A_216 : f32 to vector<16xf32>
        %max3A_218 = arith.maximumf %add3A_215, %max3A_217 : vector<16xf32>
        %get3A_219 = arith.index_cast %add3A_96 : i32 to index
        %get3A_220 = arith.constant 48 : index
        %get3A_221 = tpu.vector_load %arg15[%get3A_219, %get3A_220] {strides = array<i32>} : memref<128x128xf32, #tpu.memory_space<vmem>>, vector<16xf32>,
        %get3A_222 = arith.index_cast %add3A_96 : i32 to index
        %get3A_223 = arith.constant 48 : index
        %get3A_224 = tpu.vector_load %arg16[%get3A_222, %get3A_223] {strides = array<i32>} : memref<128x128xf32, #tpu.memory_space<vmem>>, vector<16xf32>,
        %add3A_225 = arith.addf %get3A_221, %get3A_224 : vector<16xf32>
        %get3A_226 = arith.index_cast %add3A_96 : i32 to index
        %get3A_227 = arith.constant 48 : index
        %get3A_228 = tpu.vector_load %arg17[%get3A_226, %get3A_227] {strides = array<i32>} : memref<128x128xf32, #tpu.memory_space<vmem>>, vector<16xf32>,
        %add3A_229 = arith.addf %add3A_225, %get3A_228 : vector<16xf32>
        %max3A_230 = arith.constant 0.000000e+00 : f32
        %max3A_231 = vector.broadcast %max3A_230 : f32 to vector<16xf32>
        %max3A_232 = arith.maximumf %add3A_229, %max3A_231 : vector<16xf32>
        %swap3A_233 = arith.index_cast %squeeze3A_100 : i32 to index
        %swap3A_234 = arith.constant 48 : index
        %swap3A_235 = tpu.vector_load %arg18[%swap3A_233, %swap3A_234] {strides = array<i32>} : memref<328x128xf32, #tpu.memory_space<vmem>>, vector<16xf32>,
        tpu.vector_store %arg18[%swap3A_233, %swap3A_234], %max3A_218 {add = true, strides = array<i32>} : memref<328x128xf32, #tpu.memory_space<vmem>>, vector<16xf32>,
        %swap3A_236 = arith.index_cast %squeeze3A_104 : i32 to index
        %swap3A_237 = arith.constant 48 : index
        %swap3A_238 = tpu.vector_load %arg18[%swap3A_236, %swap3A_237] {strides = array<i32>} : memref<328x128xf32, #tpu.memory_space<vmem>>, vector<16xf32>,
        tpu.vector_store %arg18[%swap3A_236, %swap3A_237], %max3A_232 {add = true, strides = array<i32>} : memref<328x128xf32, #tpu.memory_space<vmem>>, vector<16xf32>,
        %get3A_239 = arith.index_cast %mul3A_94 : i32 to index
        %get3A_240 = arith.constant 64 : index
        %get3A_241 = tpu.vector_load %arg15[%get3A_239, %get3A_240] {strides = array<i32>} : memref<128x128xf32, #tpu.memory_space<vmem>>, vector<16xf32>,
        %get3A_242 = arith.index_cast %mul3A_94 : i32 to index
        %get3A_243 = arith.constant 64 : index
        %get3A_244 = tpu.vector_load %arg16[%get3A_242, %get3A_243] {strides = array<i32>} : memref<128x128xf32, #tpu.memory_space<vmem>>, vector<16xf32>,
        %add3A_245 = arith.addf %get3A_241, %get3A_244 : vector<16xf32>
        %get3A_246 = arith.index_cast %mul3A_94 : i32 to index
        %get3A_247 = arith.constant 64 : index
        %get3A_248 = tpu.vector_load %arg17[%get3A_246, %get3A_247] {strides = array<i32>} : memref<128x128xf32, #tpu.memory_space<vmem>>, vector<16xf32>,
        %add3A_249 = arith.addf %add3A_245, %get3A_248 : vector<16xf32>
        %max3A_250 = arith.constant 0.000000e+00 : f32
        %max3A_251 = vector.broadcast %max3A_250 : f32 to vector<16xf32>
        %max3A_252 = arith.maximumf %add3A_249, %max3A_251 : vector<16xf32>
        %get3A_253 = arith.index_cast %add3A_96 : i32 to index
        %get3A_254 = arith.constant 64 : index
        %get3A_255 = tpu.vector_load %arg15[%get3A_253, %get3A_254] {strides = array<i32>} : memref<128x128xf32, #tpu.memory_space<vmem>>, vector<16xf32>,
        %get3A_256 = arith.index_cast %add3A_96 : i32 to index
        %get3A_257 = arith.constant 64 : index
        %get3A_258 = tpu.vector_load %arg16[%get3A_256, %get3A_257] {strides = array<i32>} : memref<128x128xf32, #tpu.memory_space<vmem>>, vector<16xf32>,
        %add3A_259 = arith.addf %get3A_255, %get3A_258 : vector<16xf32>
        %get3A_260 = arith.index_cast %add3A_96 : i32 to index
        %get3A_261 = arith.constant 64 : index
        %get3A_262 = tpu.vector_load %arg17[%get3A_260, %get3A_261] {strides = array<i32>} : memref<128x128xf32, #tpu.memory_space<vmem>>, vector<16xf32>,
        %add3A_263 = arith.addf %add3A_259, %get3A_262 : vector<16xf32>
        %max3A_264 = arith.constant 0.000000e+00 : f32
        %max3A_265 = vector.broadcast %max3A_264 : f32 to vector<16xf32>
        %max3A_266 = arith.maximumf %add3A_263, %max3A_265 : vector<16xf32>
        %swap3A_267 = arith.index_cast %squeeze3A_100 : i32 to index
        %swap3A_268 = arith.constant 64 : index
        %swap3A_269 = tpu.vector_load %arg18[%swap3A_267, %swap3A_268] {strides = array<i32>} : memref<328x128xf32, #tpu.memory_space<vmem>>, vector<16xf32>,
        tpu.vector_store %arg18[%swap3A_267, %swap3A_268], %max3A_252 {add = true, strides = array<i32>} : memref<328x128xf32, #tpu.memory_space<vmem>>, vector<16xf32>,
        %swap3A_270 = arith.index_cast %squeeze3A_104 : i32 to index
        %swap3A_271 = arith.constant 64 : index
        %swap3A_272 = tpu.vector_load %arg18[%swap3A_270, %swap3A_271] {strides = array<i32>} : memref<328x128xf32, #tpu.memory_space<vmem>>, vector<16xf32>,
        tpu.vector_store %arg18[%swap3A_270, %swap3A_271], %max3A_266 {add = true, strides = array<i32>} : memref<328x128xf32, #tpu.memory_space<vmem>>, vector<16xf32>,
        %get3A_273 = arith.index_cast %mul3A_94 : i32 to index
        %get3A_274 = arith.constant 80 : index
        %get3A_275 = tpu.vector_load %arg15[%get3A_273, %get3A_274] {strides = array<i32>} : memref<128x128xf32, #tpu.memory_space<vmem>>, vector<16xf32>,
        %get3A_276 = arith.index_cast %mul3A_94 : i32 to index
        %get3A_277 = arith.constant 80 : index
        %get3A_278 = tpu.vector_load %arg16[%get3A_276, %get3A_277] {strides = array<i32>} : memref<128x128xf32, #tpu.memory_space<vmem>>, vector<16xf32>,
        %add3A_279 = arith.addf %get3A_275, %get3A_278 : vector<16xf32>
        %get3A_280 = arith.index_cast %mul3A_94 : i32 to index
        %get3A_281 = arith.constant 80 : index
        %get3A_282 = tpu.vector_load %arg17[%get3A_280, %get3A_281] {strides = array<i32>} : memref<128x128xf32, #tpu.memory_space<vmem>>, vector<16xf32>,
        %add3A_283 = arith.addf %add3A_279, %get3A_282 : vector<16xf32>
        %max3A_284 = arith.constant 0.000000e+00 : f32
        %max3A_285 = vector.broadcast %max3A_284 : f32 to vector<16xf32>
        %max3A_286 = arith.maximumf %add3A_283, %max3A_285 : vector<16xf32>
        %get3A_287 = arith.index_cast %add3A_96 : i32 to index
        %get3A_288 = arith.constant 80 : index
        %get3A_289 = tpu.vector_load %arg15[%get3A_287, %get3A_288] {strides = array<i32>} : memref<128x128xf32, #tpu.memory_space<vmem>>, vector<16xf32>,
        %get3A_290 = arith.index_cast %add3A_96 : i32 to index
        %get3A_291 = arith.constant 80 : index
        %get3A_292 = tpu.vector_load %arg16[%get3A_290, %get3A_291] {strides = array<i32>} : memref<128x128xf32, #tpu.memory_space<vmem>>, vector<16xf32>,
        %add3A_293 = arith.addf %get3A_289, %get3A_292 : vector<16xf32>
        %get3A_294 = arith.index_cast %add3A_96 : i32 to index
        %get3A_295 = arith.constant 80 : index
        %get3A_296 = tpu.vector_load %arg17[%get3A_294, %get3A_295] {strides = array<i32>} : memref<128x128xf32, #tpu.memory_space<vmem>>, vector<16xf32>,
        %add3A_297 = arith.addf %add3A_293, %get3A_296 : vector<16xf32>
        %max3A_298 = arith.constant 0.000000e+00 : f32
        %max3A_299 = vector.broadcast %max3A_298 : f32 to vector<16xf32>
        %max3A_300 = arith.maximumf %add3A_297, %max3A_299 : vector<16xf32>
        %swap3A_301 = arith.index_cast %squeeze3A_100 : i32 to index
        %swap3A_302 = arith.constant 80 : index
        %swap3A_303 = tpu.vector_load %arg18[%swap3A_301, %swap3A_302] {strides = array<i32>} : memref<328x128xf32, #tpu.memory_space<vmem>>, vector<16xf32>,
        tpu.vector_store %arg18[%swap3A_301, %swap3A_302], %max3A_286 {add = true, strides = array<i32>} : memref<328x128xf32, #tpu.memory_space<vmem>>, vector<16xf32>,
        %swap3A_304 = arith.index_cast %squeeze3A_104 : i32 to index
        %swap3A_305 = arith.constant 80 : index
        %swap3A_306 = tpu.vector_load %arg18[%swap3A_304, %swap3A_305] {strides = array<i32>} : memref<328x128xf32, #tpu.memory_space<vmem>>, vector<16xf32>,
        tpu.vector_store %arg18[%swap3A_304, %swap3A_305], %max3A_300 {add = true, strides = array<i32>} : memref<328x128xf32, #tpu.memory_space<vmem>>, vector<16xf32>,
        %get3A_307 = arith.index_cast %mul3A_94 : i32 to index
        %get3A_308 = arith.constant 96 : index
        %get3A_309 = tpu.vector_load %arg15[%get3A_307, %get3A_308] {strides = array<i32>} : memref<128x128xf32, #tpu.memory_space<vmem>>, vector<16xf32>,
        %get3A_310 = arith.index_cast %mul3A_94 : i32 to index
        %get3A_311 = arith.constant 96 : index
        %get3A_312 = tpu.vector_load %arg16[%get3A_310, %get3A_311] {strides = array<i32>} : memref<128x128xf32, #tpu.memory_space<vmem>>, vector<16xf32>,
        %add3A_313 = arith.addf %get3A_309, %get3A_312 : vector<16xf32>
        %get3A_314 = arith.index_cast %mul3A_94 : i32 to index
        %get3A_315 = arith.constant 96 : index
        %get3A_316 = tpu.vector_load %arg17[%get3A_314, %get3A_315] {strides = array<i32>} : memref<128x128xf32, #tpu.memory_space<vmem>>, vector<16xf32>,
        %add3A_317 = arith.addf %add3A_313, %get3A_316 : vector<16xf32>
        %max3A_318 = arith.constant 0.000000e+00 : f32
        %max3A_319 = vector.broadcast %max3A_318 : f32 to vector<16xf32>
        %max3A_320 = arith.maximumf %add3A_317, %max3A_319 : vector<16xf32>
        %get3A_321 = arith.index_cast %add3A_96 : i32 to index
        %get3A_322 = arith.constant 96 : index
        %get3A_323 = tpu.vector_load %arg15[%get3A_321, %get3A_322] {strides = array<i32>} : memref<128x128xf32, #tpu.memory_space<vmem>>, vector<16xf32>,
        %get3A_324 = arith.index_cast %add3A_96 : i32 to index
        %get3A_325 = arith.constant 96 : index
        %get3A_326 = tpu.vector_load %arg16[%get3A_324, %get3A_325] {strides = array<i32>} : memref<128x128xf32, #tpu.memory_space<vmem>>, vector<16xf32>,
        %add3A_327 = arith.addf %get3A_323, %get3A_326 : vector<16xf32>
        %get3A_328 = arith.index_cast %add3A_96 : i32 to index
        %get3A_329 = arith.constant 96 : index
        %get3A_330 = tpu.vector_load %arg17[%get3A_328, %get3A_329] {strides = array<i32>} : memref<128x128xf32, #tpu.memory_space<vmem>>, vector<16xf32>,
        %add3A_331 = arith.addf %add3A_327, %get3A_330 : vector<16xf32>
        %max3A_332 = arith.constant 0.000000e+00 : f32
        %max3A_333 = vector.broadcast %max3A_332 : f32 to vector<16xf32>
        %max3A_334 = arith.maximumf %add3A_331, %max3A_333 : vector<16xf32>
        %swap3A_335 = arith.index_cast %squeeze3A_100 : i32 to index
        %swap3A_336 = arith.constant 96 : index
        %swap3A_337 = tpu.vector_load %arg18[%swap3A_335, %swap3A_336] {strides = array<i32>} : memref<328x128xf32, #tpu.memory_space<vmem>>, vector<16xf32>,
        tpu.vector_store %arg18[%swap3A_335, %swap3A_336], %max3A_320 {add = true, strides = array<i32>} : memref<328x128xf32, #tpu.memory_space<vmem>>, vector<16xf32>,
        %swap3A_338 = arith.index_cast %squeeze3A_104 : i32 to index
        %swap3A_339 = arith.constant 96 : index
        %swap3A_340 = tpu.vector_load %arg18[%swap3A_338, %swap3A_339] {strides = array<i32>} : memref<328x128xf32, #tpu.memory_space<vmem>>, vector<16xf32>,
        tpu.vector_store %arg18[%swap3A_338, %swap3A_339], %max3A_334 {add = true, strides = array<i32>} : memref<328x128xf32, #tpu.memory_space<vmem>>, vector<16xf32>,
        %get3A_341 = arith.index_cast %mul3A_94 : i32 to index
        %get3A_342 = arith.constant 112 : index
        %get3A_343 = tpu.vector_load %arg15[%get3A_341, %get3A_342] {strides = array<i32>} : memref<128x128xf32, #tpu.memory_space<vmem>>, vector<16xf32>,
        %get3A_344 = arith.index_cast %mul3A_94 : i32 to index
        %get3A_345 = arith.constant 112 : index
        %get3A_346 = tpu.vector_load %arg16[%get3A_344, %get3A_345] {strides = array<i32>} : memref<128x128xf32, #tpu.memory_space<vmem>>, vector<16xf32>,
        %add3A_347 = arith.addf %get3A_343, %get3A_346 : vector<16xf32>
        %get3A_348 = arith.index_cast %mul3A_94 : i32 to index
        %get3A_349 = arith.constant 112 : index
        %get3A_350 = tpu.vector_load %arg17[%get3A_348, %get3A_349] {strides = array<i32>} : memref<128x128xf32, #tpu.memory_space<vmem>>, vector<16xf32>,
        %add3A_351 = arith.addf %add3A_347, %get3A_350 : vector<16xf32>
        %max3A_352 = arith.constant 0.000000e+00 : f32
        %max3A_353 = vector.broadcast %max3A_352 : f32 to vector<16xf32>
        %max3A_354 = arith.maximumf %add3A_351, %max3A_353 : vector<16xf32>
        %get3A_355 = arith.index_cast %add3A_96 : i32 to index
        %get3A_356 = arith.constant 112 : index
        %get3A_357 = tpu.vector_load %arg15[%get3A_355, %get3A_356] {strides = array<i32>} : memref<128x128xf32, #tpu.memory_space<vmem>>, vector<16xf32>,
        %get3A_358 = arith.index_cast %add3A_96 : i32 to index
        %get3A_359 = arith.constant 112 : index
        %get3A_360 = tpu.vector_load %arg16[%get3A_358, %get3A_359] {strides = array<i32>} : memref<128x128xf32, #tpu.memory_space<vmem>>, vector<16xf32>,
        %add3A_361 = arith.addf %get3A_357, %get3A_360 : vector<16xf32>
        %get3A_362 = arith.index_cast %add3A_96 : i32 to index
        %get3A_363 = arith.constant 112 : index
        %get3A_364 = tpu.vector_load %arg17[%get3A_362, %get3A_363] {strides = array<i32>} : memref<128x128xf32, #tpu.memory_space<vmem>>, vector<16xf32>,
        %add3A_365 = arith.addf %add3A_361, %get3A_364 : vector<16xf32>
        %max3A_366 = arith.constant 0.000000e+00 : f32
        %max3A_367 = vector.broadcast %max3A_366 : f32 to vector<16xf32>
        %max3A_368 = arith.maximumf %add3A_365, %max3A_367 : vector<16xf32>
        %swap3A_369 = arith.index_cast %squeeze3A_100 : i32 to index
        %swap3A_370 = arith.constant 112 : index
        %swap3A_371 = tpu.vector_load %arg18[%swap3A_369, %swap3A_370] {strides = array<i32>} : memref<328x128xf32, #tpu.memory_space<vmem>>, vector<16xf32>,
        tpu.vector_store %arg18[%swap3A_369, %swap3A_370], %max3A_354 {add = true, strides = array<i32>} : memref<328x128xf32, #tpu.memory_space<vmem>>, vector<16xf32>,
        %swap3A_372 = arith.index_cast %squeeze3A_104 : i32 to index
        %swap3A_373 = arith.constant 112 : index
        %swap3A_374 = tpu.vector_load %arg18[%swap3A_372, %swap3A_373] {strides = array<i32>} : memref<328x128xf32, #tpu.memory_space<vmem>>, vector<16xf32>,
        tpu.vector_store %arg18[%swap3A_372, %swap3A_373], %max3A_368 {add = true, strides = array<i32>} : memref<328x128xf32, #tpu.memory_space<vmem>>, vector<16xf32>,
      }
      %scan3A_91 = arith.constant 64 : i32
    }
    %add3A_19 = arith.constant 0 : i32
    %add3A_20 = arith.addi %mul3A_8, %add3A_19 : i32
    "tpu.region"() ({
      %run_scoped3A_23 = tpu.sem_alloc : memref<!tpu.dma_semaphore, #tpu.memory_space<semaphore_mem>>
      %dma_start3A = arith.constant 0 : i32
      %dma_start3A_24 = arith.constant 0 : i32
      %dma_start3A_25 = tpu.memref_slice %arg18[%dma_start3A, %dma_start3A_24] : memref<328x128xf32, #tpu.memory_space<vmem>> -> memref<160x128xf32, #tpu.memory_space<vmem>>
      %dma_start3A_26 = arith.constant 0 : i32
      %dma_start3A_27 = tpu.memref_slice %arg9[%add3A_20, %dma_start3A_26] : memref<10240x128xf32, #tpu.memory_space<hbm>> -> memref<160x128xf32, #tpu.memory_space<hbm>>
      %dma_start3A_28 = arith.constant 0 : i32
      %dma_start3A_29 = tpu.memref_slice %arg9[%add3A_20, %dma_start3A_28] : memref<10240x128xf32, #tpu.memory_space<hbm>> -> memref<160x128xf32, #tpu.memory_space<hbm>>
      %dma_start3A_30 = arith.constant 0 : i32
      %dma_start3A_31 = arith.constant 0 : i32
      %dma_start3A_32 = tpu.memref_slice %arg18[%dma_start3A_30, %dma_start3A_31] : memref<328x128xf32, #tpu.memory_space<vmem>> -> memref<160x128xf32, #tpu.memory_space<vmem>>
      tpu.enqueue_dma source(%dma_start3A_32 : memref<160x128xf32, #tpu.memory_space<vmem>>) target(%dma_start3A_29 : memref<160x128xf32, #tpu.memory_space<hbm>>) target_semaphore(%run_scoped3A_23 : memref<!tpu.dma_semaphore, #tpu.memory_space<semaphore_mem>>)
      %dma_wait3A = arith.constant 0 : i32
      %dma_wait3A_33 = arith.constant 0 : i32
      %dma_wait3A_34 = tpu.memref_slice %arg18[%dma_wait3A, %dma_wait3A_33] : memref<328x128xf32, #tpu.memory_space<vmem>> -> memref<160x128xf32, #tpu.memory_space<vmem>>
      %dma_wait3A_35 = arith.constant 0 : i32
      %dma_wait3A_36 = tpu.memref_slice %arg9[%add3A_20, %dma_wait3A_35] : memref<10240x128xf32, #tpu.memory_space<hbm>> -> memref<160x128xf32, #tpu.memory_space<hbm>>
      %dma_wait3A_37 = arith.constant 0 : i32
      %dma_wait3A_38 = tpu.memref_slice %arg9[%add3A_20, %dma_wait3A_37] : memref<10240x128xf32, #tpu.memory_space<hbm>> -> memref<160x128xf32, #tpu.memory_space<hbm>>
      %dma_wait3A_39 = arith.constant 0 : i32
      %dma_wait3A_40 = arith.constant 0 : i32
      %dma_wait3A_41 = tpu.memref_slice %arg18[%dma_wait3A_39, %dma_wait3A_40] : memref<328x128xf32, #tpu.memory_space<vmem>> -> memref<160x128xf32, #tpu.memory_space<vmem>>
      tpu.wait_dma2 semaphore(%run_scoped3A_23 : memref<!tpu.dma_semaphore, #tpu.memory_space<semaphore_mem>>) src(%dma_wait3A_41 : memref<160x128xf32, #tpu.memory_space<vmem>>) dst(%dma_wait3A_38 : memref<160x128xf32, #tpu.memory_space<hbm>>)
      tpu.yield
    }) : () -> ()
    %add3A_21 = arith.constant 160 : i32
    %add3A_22 = arith.addi %mul3A_8, %add3A_21 : i32
    "tpu.region"() ({
      %run_scoped3A_23 = tpu.sem_alloc : memref<!tpu.dma_semaphore, #tpu.memory_space<semaphore_mem>>
      %dma_start3A = arith.constant 160 : i32
      %dma_start3A_24 = arith.constant 0 : i32
      %dma_start3A_25 = tpu.memref_slice %arg18[%dma_start3A, %dma_start3A_24] : memref<328x128xf32, #tpu.memory_space<vmem>> -> memref<160x128xf32, #tpu.memory_space<vmem>>
      %dma_start3A_26 = arith.constant 0 : i32
      %dma_start3A_27 = tpu.memref_slice %arg9[%add3A_22, %dma_start3A_26] : memref<10240x128xf32, #tpu.memory_space<hbm>> -> memref<160x128xf32, #tpu.memory_space<hbm>>
      %dma_start3A_28 = arith.constant 0 : i32
      %dma_start3A_29 = tpu.memref_slice %arg9[%add3A_22, %dma_start3A_28] : memref<10240x128xf32, #tpu.memory_space<hbm>> -> memref<160x128xf32, #tpu.memory_space<hbm>>
      %dma_start3A_30 = arith.constant 160 : i32
      %dma_start3A_31 = arith.constant 0 : i32
      %dma_start3A_32 = tpu.memref_slice %arg18[%dma_start3A_30, %dma_start3A_31] : memref<328x128xf32, #tpu.memory_space<vmem>> -> memref<160x128xf32, #tpu.memory_space<vmem>>
      tpu.enqueue_dma source(%dma_start3A_32 : memref<160x128xf32, #tpu.memory_space<vmem>>) target(%dma_start3A_29 : memref<160x128xf32, #tpu.memory_space<hbm>>) target_semaphore(%run_scoped3A_23 : memref<!tpu.dma_semaphore, #tpu.memory_space<semaphore_mem>>)
      %dma_wait3A = arith.constant 160 : i32
      %dma_wait3A_33 = arith.constant 0 : i32
      %dma_wait3A_34 = tpu.memref_slice %arg18[%dma_wait3A, %dma_wait3A_33] : memref<328x128xf32, #tpu.memory_space<vmem>> -> memref<160x128xf32, #tpu.memory_space<vmem>>
      %dma_wait3A_35 = arith.constant 0 : i32
      %dma_wait3A_36 = tpu.memref_slice %arg9[%add3A_22, %dma_wait3A_35] : memref<10240x128xf32, #tpu.memory_space<hbm>> -> memref<160x128xf32, #tpu.memory_space<hbm>>
      %dma_wait3A_37 = arith.constant 0 : i32
      %dma_wait3A_38 = tpu.memref_slice %arg9[%add3A_22, %dma_wait3A_37] : memref<10240x128xf32, #tpu.memory_space<hbm>> -> memref<160x128xf32, #tpu.memory_space<hbm>>
      %dma_wait3A_39 = arith.constant 160 : i32
      %dma_wait3A_40 = arith.constant 0 : i32
      %dma_wait3A_41 = tpu.memref_slice %arg18[%dma_wait3A_39, %dma_wait3A_40] : memref<328x128xf32, #tpu.memory_space<vmem>> -> memref<160x128xf32, #tpu.memory_space<vmem>>
      tpu.wait_dma2 semaphore(%run_scoped3A_23 : memref<!tpu.dma_semaphore, #tpu.memory_space<semaphore_mem>>) src(%dma_wait3A_41 : memref<160x128xf32, #tpu.memory_space<vmem>>) dst(%dma_wait3A_38 : memref<160x128xf32, #tpu.memory_space<hbm>>)
      tpu.yield
    }) : () -> ()
    return
  }
}

#map = affine_map<(d0, d1) -> (0, 0)>
#map1 = affine_map<(d0, d1) -> (0, 0, 0)>
module attributes {stable_mosaic.version = 14 : i64} {
  func.func @body(%arg0: i32, %arg1: i32, %arg2: memref<10240x128xf32, #tpu.memory_space<hbm>>, %arg3: memref<10240x128xf32, #tpu.memory_space<hbm>>, %arg4: memref<321536x128xf32, #tpu.memory_space<hbm>>, %arg5: memref<32x8x11904xi32, #tpu.memory_space<hbm>>, %arg6: memref<32x8x11904xi32, #tpu.memory_space<hbm>>, %arg7: memref<32x8x11904xi32, #tpu.memory_space<hbm>>, %arg8: memref<32x8x16xi32, #tpu.memory_space<hbm>>, %arg9: memref<10240x128xf32, #tpu.memory_space<hbm>>, %arg10: memref<16xi32, #tpu.memory_space<vmem>>, %arg11: memref<128xi32, #tpu.memory_space<vmem>>, %arg12: memref<128xi32, #tpu.memory_space<vmem>>, %arg13: memref<144xi32, #tpu.memory_space<vmem>>, %arg14: memref<128xi32, #tpu.memory_space<vmem>>, %arg15: memref<128x128xf32, #tpu.memory_space<vmem>>, %arg16: memref<128x128xf32, #tpu.memory_space<vmem>>, %arg17: memref<128x128xf32, #tpu.memory_space<vmem>>, %arg18: memref<328x128xf32, #tpu.memory_space<vmem>>, %arg19: memref<!tpu.dma_semaphore, #tpu.memory_space<semaphore_mem>>, %arg20: memref<!tpu.dma_semaphore, #tpu.memory_space<semaphore_mem>>, %arg21: memref<!tpu.dma_semaphore, #tpu.memory_space<semaphore_mem>>) attributes {dimension_semantics = [#tpu.dimension_semantics<core_parallel>, #tpu.dimension_semantics<subcore_parallel>], iteration_bounds = array<i64: 2, 16>, scalar_prefetch = 0 : i64, scratch_operands = 12 : i64, tpu.core_type = #tpu.core_type<sc_vector_subcore>, window_params = [{transform_indices = #map}, {transform_indices = #map}, {transform_indices = #map}, {transform_indices = #map1}, {transform_indices = #map1}, {transform_indices = #map1}, {transform_indices = #map1}, {transform_indices = #map}]} {
    %mul3A = arith.constant 16 : i32
    %mul3A_0 = arith.muli %arg0, %mul3A : i32
    %add3A = arith.addi %mul3A_0, %arg1 : i32
    %broadcast_in_dim3A = arith.constant 0.000000e+00 : f32
    %broadcast_in_dim3A_1 = vector.broadcast %broadcast_in_dim3A : f32 to vector<16xf32>
    %scan3A = arith.constant 0 : i32
    %scan3A_2 = arith.constant 0 : i32
    %scan3A_3 = arith.constant 328 : i32
    %scan3A_4 = arith.addi %scan3A_2, %scan3A_3 : i32
    %scan3A_5 = arith.constant 1 : i32
    scf.for %scan3A_23 = %scan3A_2 to %scan3A_4 step %scan3A_5  : i32 {
      %swap3A = arith.index_cast %scan3A_23 : i32 to index
      %swap3A_24 = arith.constant 0 : index
      %swap3A_25 = tpu.vector_load %arg18[%swap3A, %swap3A_24] {strides = array<i32>} : memref<328x128xf32, #tpu.memory_space<vmem>>, vector<16xf32>,
      tpu.vector_store %arg18[%swap3A, %swap3A_24], %broadcast_in_dim3A_1 {strides = array<i32>} : memref<328x128xf32, #tpu.memory_space<vmem>>, vector<16xf32>,
      %swap3A_26 = arith.index_cast %scan3A_23 : i32 to index
      %swap3A_27 = arith.constant 16 : index
      %swap3A_28 = tpu.vector_load %arg18[%swap3A_26, %swap3A_27] {strides = array<i32>} : memref<328x128xf32, #tpu.memory_space<vmem>>, vector<16xf32>,
      tpu.vector_store %arg18[%swap3A_26, %swap3A_27], %broadcast_in_dim3A_1 {strides = array<i32>} : memref<328x128xf32, #tpu.memory_space<vmem>>, vector<16xf32>,
      %swap3A_29 = arith.index_cast %scan3A_23 : i32 to index
      %swap3A_30 = arith.constant 32 : index
      %swap3A_31 = tpu.vector_load %arg18[%swap3A_29, %swap3A_30] {strides = array<i32>} : memref<328x128xf32, #tpu.memory_space<vmem>>, vector<16xf32>,
      tpu.vector_store %arg18[%swap3A_29, %swap3A_30], %broadcast_in_dim3A_1 {strides = array<i32>} : memref<328x128xf32, #tpu.memory_space<vmem>>, vector<16xf32>,
      %swap3A_32 = arith.index_cast %scan3A_23 : i32 to index
      %swap3A_33 = arith.constant 48 : index
      %swap3A_34 = tpu.vector_load %arg18[%swap3A_32, %swap3A_33] {strides = array<i32>} : memref<328x128xf32, #tpu.memory_space<vmem>>, vector<16xf32>,
      tpu.vector_store %arg18[%swap3A_32, %swap3A_33], %broadcast_in_dim3A_1 {strides = array<i32>} : memref<328x128xf32, #tpu.memory_space<vmem>>, vector<16xf32>,
      %swap3A_35 = arith.index_cast %scan3A_23 : i32 to index
      %swap3A_36 = arith.constant 64 : index
      %swap3A_37 = tpu.vector_load %arg18[%swap3A_35, %swap3A_36] {strides = array<i32>} : memref<328x128xf32, #tpu.memory_space<vmem>>, vector<16xf32>,
      tpu.vector_store %arg18[%swap3A_35, %swap3A_36], %broadcast_in_dim3A_1 {strides = array<i32>} : memref<328x128xf32, #tpu.memory_space<vmem>>, vector<16xf32>,
      %swap3A_38 = arith.index_cast %scan3A_23 : i32 to index
      %swap3A_39 = arith.constant 80 : index
      %swap3A_40 = tpu.vector_load %arg18[%swap3A_38, %swap3A_39] {strides = array<i32>} : memref<328x128xf32, #tpu.memory_space<vmem>>, vector<16xf32>,
      tpu.vector_store %arg18[%swap3A_38, %swap3A_39], %broadcast_in_dim3A_1 {strides = array<i32>} : memref<328x128xf32, #tpu.memory_space<vmem>>, vector<16xf32>,
      %swap3A_41 = arith.index_cast %scan3A_23 : i32 to index
      %swap3A_42 = arith.constant 96 : index
      %swap3A_43 = tpu.vector_load %arg18[%swap3A_41, %swap3A_42] {strides = array<i32>} : memref<328x128xf32, #tpu.memory_space<vmem>>, vector<16xf32>,
      tpu.vector_store %arg18[%swap3A_41, %swap3A_42], %broadcast_in_dim3A_1 {strides = array<i32>} : memref<328x128xf32, #tpu.memory_space<vmem>>, vector<16xf32>,
      %swap3A_44 = arith.index_cast %scan3A_23 : i32 to index
      %swap3A_45 = arith.constant 112 : index
      %swap3A_46 = tpu.vector_load %arg18[%swap3A_44, %swap3A_45] {strides = array<i32>} : memref<328x128xf32, #tpu.memory_space<vmem>>, vector<16xf32>,
      tpu.vector_store %arg18[%swap3A_44, %swap3A_45], %broadcast_in_dim3A_1 {strides = array<i32>} : memref<328x128xf32, #tpu.memory_space<vmem>>, vector<16xf32>,
    }
    %scan3A_6 = arith.constant 328 : i32
    %mul3A_7 = arith.constant 320 : i32
    %mul3A_8 = arith.muli %add3A, %mul3A_7 : i32
    %run_scoped3A = arith.constant 0 : i32
    "tpu.region"() ({
      %run_scoped3A_23 = tpu.sem_alloc : memref<!tpu.dma_semaphore, #tpu.memory_space<semaphore_mem>>
      %dma_start3A = arith.constant 0 : i32
      %dma_start3A_24 = tpu.memref_slice %arg8[%add3A, %run_scoped3A, %dma_start3A] : memref<32x8x16xi32, #tpu.memory_space<hbm>> -> memref<1x1x16xi32, #tpu.memory_space<hbm>>
      %dma_start3A_25 = tpu.memref_squeeze %dma_start3A_24 : memref<1x1x16xi32, #tpu.memory_space<hbm>> -> memref<16xi32, #tpu.memory_space<hbm>>
      %dma_start3A_26 = arith.constant 0 : i32
      %dma_start3A_27 = tpu.memref_slice %arg8[%add3A, %run_scoped3A, %dma_start3A_26] : memref<32x8x16xi32, #tpu.memory_space<hbm>> -> memref<1x1x16xi32, #tpu.memory_space<hbm>>
      %dma_start3A_28 = tpu.memref_squeeze %dma_start3A_27 : memref<1x1x16xi32, #tpu.memory_space<hbm>> -> memref<16xi32, #tpu.memory_space<hbm>>
      tpu.enqueue_dma source(%dma_start3A_28 : memref<16xi32, #tpu.memory_space<hbm>>) target(%arg10 : memref<16xi32, #tpu.memory_space<vmem>>) target_semaphore(%run_scoped3A_23 : memref<!tpu.dma_semaphore, #tpu.memory_space<semaphore_mem>>)
      %dma_wait3A = arith.constant 0 : i32
      %dma_wait3A_29 = tpu.memref_slice %arg8[%add3A, %run_scoped3A, %dma_wait3A] : memref<32x8x16xi32, #tpu.memory_space<hbm>> -> memref<1x1x16xi32, #tpu.memory_space<hbm>>
      %dma_wait3A_30 = tpu.memref_squeeze %dma_wait3A_29 : memref<1x1x16xi32, #tpu.memory_space<hbm>> -> memref<16xi32, #tpu.memory_space<hbm>>
      %dma_wait3A_31 = arith.constant 0 : i32
      %dma_wait3A_32 = tpu.memref_slice %arg8[%add3A, %run_scoped3A, %dma_wait3A_31] : memref<32x8x16xi32, #tpu.memory_space<hbm>> -> memref<1x1x16xi32, #tpu.memory_space<hbm>>
      %dma_wait3A_33 = tpu.memref_squeeze %dma_wait3A_32 : memref<1x1x16xi32, #tpu.memory_space<hbm>> -> memref<16xi32, #tpu.memory_space<hbm>>
      tpu.wait_dma2 semaphore(%run_scoped3A_23 : memref<!tpu.dma_semaphore, #tpu.memory_space<semaphore_mem>>) src(%dma_wait3A_33 : memref<16xi32, #tpu.memory_space<hbm>>) dst(%arg10 : memref<16xi32, #tpu.memory_space<vmem>>)
      tpu.yield
    }) : () -> ()
    %get3A = arith.constant 0 : index
    %get3A_9 = tpu.vector_load %arg10[%get3A] {strides = array<i32>} : memref<16xi32, #tpu.memory_space<vmem>>, vector<16xi32>,
    %slice3A = vector.extract_strided_slice %get3A_9 {offsets = [0], sizes = [1], strides = [1]} : vector<16xi32> to vector<1xi32>
    %squeeze3A = vector.extract %slice3A[0] : i32 from vector<1xi32>
    %while3A = arith.constant 0 : i32
    %while3A_10 = arith.constant 0 : i32
    %while3A_11 = arith.subi %squeeze3A, %while3A_10 : i32
    %while3A_12 = arith.addi %while3A_10, %while3A_11 : i32
    %while3A_13 = arith.constant 1 : i32
    %while3A_14 = arith.divsi %while3A_11, %while3A_13 : i32
    %while3A_15 = arith.muli %while3A_14, %while3A_13 : i32
    %while3A_16 = arith.addi %while3A_10, %while3A_15 : i32
    %while3A_17 = arith.constant 1 : i32
    scf.for %while3A_23 = %while3A_10 to %while3A_16 step %while3A_17  : i32 {
      %mul3A_24 = arith.constant 128 : i32
      %mul3A_25 = arith.muli %while3A_23, %mul3A_24 : i32
      %dma_start3A = arith.constant 0 : i32
      %dma_start3A_26 = tpu.memref_slice %arg5[%add3A, %dma_start3A, %mul3A_25] : memref<32x8x11904xi32, #tpu.memory_space<hbm>> -> memref<1x1x128xi32, #tpu.memory_space<hbm>>
      %dma_start3A_27 = tpu.memref_squeeze %dma_start3A_26 : memref<1x1x128xi32, #tpu.memory_space<hbm>> -> memref<128xi32, #tpu.memory_space<hbm>>
      %dma_start3A_28 = tpu.memref_slice %arg5[%add3A, %dma_start3A, %mul3A_25] : memref<32x8x11904xi32, #tpu.memory_space<hbm>> -> memref<1x1x128xi32, #tpu.memory_space<hbm>>
      %dma_start3A_29 = tpu.memref_squeeze %dma_start3A_28 : memref<1x1x128xi32, #tpu.memory_space<hbm>> -> memref<128xi32, #tpu.memory_space<hbm>>
      tpu.enqueue_dma source(%dma_start3A_29 : memref<128xi32, #tpu.memory_space<hbm>>) target(%arg11 : memref<128xi32, #tpu.memory_space<vmem>>) target_semaphore(%arg19 : memref<!tpu.dma_semaphore, #tpu.memory_space<semaphore_mem>>)
      %dma_start3A_30 = arith.constant 0 : i32
      %dma_start3A_31 = arith.constant 0 : i32
      %dma_start3A_32 = tpu.memref_slice %arg13[%dma_start3A_31] : memref<144xi32, #tpu.memory_space<vmem>> -> memref<128xi32, #tpu.memory_space<vmem>>
      %dma_start3A_33 = tpu.memref_slice %arg6[%add3A, %dma_start3A_30, %mul3A_25] : memref<32x8x11904xi32, #tpu.memory_space<hbm>> -> memref<1x1x128xi32, #tpu.memory_space<hbm>>
      %dma_start3A_34 = tpu.memref_squeeze %dma_start3A_33 : memref<1x1x128xi32, #tpu.memory_space<hbm>> -> memref<128xi32, #tpu.memory_space<hbm>>
      %dma_start3A_35 = arith.constant 0 : i32
      %dma_start3A_36 = tpu.memref_slice %arg13[%dma_start3A_35] : memref<144xi32, #tpu.memory_space<vmem>> -> memref<128xi32, #tpu.memory_space<vmem>>
      %dma_start3A_37 = tpu.memref_slice %arg6[%add3A, %dma_start3A_30, %mul3A_25] : memref<32x8x11904xi32, #tpu.memory_space<hbm>> -> memref<1x1x128xi32, #tpu.memory_space<hbm>>
      %dma_start3A_38 = tpu.memref_squeeze %dma_start3A_37 : memref<1x1x128xi32, #tpu.memory_space<hbm>> -> memref<128xi32, #tpu.memory_space<hbm>>
      tpu.enqueue_dma source(%dma_start3A_38 : memref<128xi32, #tpu.memory_space<hbm>>) target(%dma_start3A_36 : memref<128xi32, #tpu.memory_space<vmem>>) target_semaphore(%arg20 : memref<!tpu.dma_semaphore, #tpu.memory_space<semaphore_mem>>)
      %dma_start3A_39 = arith.constant 0 : i32
      %dma_start3A_40 = tpu.memref_slice %arg7[%add3A, %dma_start3A_39, %mul3A_25] : memref<32x8x11904xi32, #tpu.memory_space<hbm>> -> memref<1x1x128xi32, #tpu.memory_space<hbm>>
      %dma_start3A_41 = tpu.memref_squeeze %dma_start3A_40 : memref<1x1x128xi32, #tpu.memory_space<hbm>> -> memref<128xi32, #tpu.memory_space<hbm>>
      %dma_start3A_42 = tpu.memref_slice %arg7[%add3A, %dma_start3A_39, %mul3A_25] : memref<32x8x11904xi32, #tpu.memory_space<hbm>> -> memref<1x1x128xi32, #tpu.memory_space<hbm>>
      %dma_start3A_43 = tpu.memref_squeeze %dma_start3A_42 : memref<1x1x128xi32, #tpu.memory_space<hbm>> -> memref<128xi32, #tpu.memory_space<hbm>>
      tpu.enqueue_dma source(%dma_start3A_43 : memref<128xi32, #tpu.memory_space<hbm>>) target(%arg14 : memref<128xi32, #tpu.memory_space<vmem>>) target_semaphore(%arg21 : memref<!tpu.dma_semaphore, #tpu.memory_space<semaphore_mem>>)
      %dma_wait3A = arith.constant 0 : i32
      %dma_wait3A_44 = tpu.memref_slice %arg5[%add3A, %dma_wait3A, %mul3A_25] : memref<32x8x11904xi32, #tpu.memory_space<hbm>> -> memref<1x1x128xi32, #tpu.memory_space<hbm>>
      %dma_wait3A_45 = tpu.memref_squeeze %dma_wait3A_44 : memref<1x1x128xi32, #tpu.memory_space<hbm>> -> memref<128xi32, #tpu.memory_space<hbm>>
      %dma_wait3A_46 = tpu.memref_slice %arg5[%add3A, %dma_wait3A, %mul3A_25] : memref<32x8x11904xi32, #tpu.memory_space<hbm>> -> memref<1x1x128xi32, #tpu.memory_space<hbm>>
      %dma_wait3A_47 = tpu.memref_squeeze %dma_wait3A_46 : memref<1x1x128xi32, #tpu.memory_space<hbm>> -> memref<128xi32, #tpu.memory_space<hbm>>
      tpu.wait_dma2 semaphore(%arg19 : memref<!tpu.dma_semaphore, #tpu.memory_space<semaphore_mem>>) src(%dma_wait3A_47 : memref<128xi32, #tpu.memory_space<hbm>>) dst(%arg11 : memref<128xi32, #tpu.memory_space<vmem>>)
      %dma_wait3A_48 = arith.constant 0 : i32
      %dma_wait3A_49 = arith.constant 0 : i32
      %dma_wait3A_50 = tpu.memref_slice %arg13[%dma_wait3A_49] : memref<144xi32, #tpu.memory_space<vmem>> -> memref<128xi32, #tpu.memory_space<vmem>>
      %dma_wait3A_51 = tpu.memref_slice %arg6[%add3A, %dma_wait3A_48, %mul3A_25] : memref<32x8x11904xi32, #tpu.memory_space<hbm>> -> memref<1x1x128xi32, #tpu.memory_space<hbm>>
      %dma_wait3A_52 = tpu.memref_squeeze %dma_wait3A_51 : memref<1x1x128xi32, #tpu.memory_space<hbm>> -> memref<128xi32, #tpu.memory_space<hbm>>
      %dma_wait3A_53 = arith.constant 0 : i32
      %dma_wait3A_54 = tpu.memref_slice %arg13[%dma_wait3A_53] : memref<144xi32, #tpu.memory_space<vmem>> -> memref<128xi32, #tpu.memory_space<vmem>>
      %dma_wait3A_55 = tpu.memref_slice %arg6[%add3A, %dma_wait3A_48, %mul3A_25] : memref<32x8x11904xi32, #tpu.memory_space<hbm>> -> memref<1x1x128xi32, #tpu.memory_space<hbm>>
      %dma_wait3A_56 = tpu.memref_squeeze %dma_wait3A_55 : memref<1x1x128xi32, #tpu.memory_space<hbm>> -> memref<128xi32, #tpu.memory_space<hbm>>
      tpu.wait_dma2 semaphore(%arg20 : memref<!tpu.dma_semaphore, #tpu.memory_space<semaphore_mem>>) src(%dma_wait3A_56 : memref<128xi32, #tpu.memory_space<hbm>>) dst(%dma_wait3A_54 : memref<128xi32, #tpu.memory_space<vmem>>)
      %dma_wait3A_57 = arith.constant 0 : i32
      %dma_wait3A_58 = tpu.memref_slice %arg7[%add3A, %dma_wait3A_57, %mul3A_25] : memref<32x8x11904xi32, #tpu.memory_space<hbm>> -> memref<1x1x128xi32, #tpu.memory_space<hbm>>
      %dma_wait3A_59 = tpu.memref_squeeze %dma_wait3A_58 : memref<1x1x128xi32, #tpu.memory_space<hbm>> -> memref<128xi32, #tpu.memory_space<hbm>>
      %dma_wait3A_60 = tpu.memref_slice %arg7[%add3A, %dma_wait3A_57, %mul3A_25] : memref<32x8x11904xi32, #tpu.memory_space<hbm>> -> memref<1x1x128xi32, #tpu.memory_space<hbm>>
      %dma_wait3A_61 = tpu.memref_squeeze %dma_wait3A_60 : memref<1x1x128xi32, #tpu.memory_space<hbm>> -> memref<128xi32, #tpu.memory_space<hbm>>
      tpu.wait_dma2 semaphore(%arg21 : memref<!tpu.dma_semaphore, #tpu.memory_space<semaphore_mem>>) src(%dma_wait3A_61 : memref<128xi32, #tpu.memory_space<hbm>>) dst(%arg14 : memref<128xi32, #tpu.memory_space<vmem>>)
      %scan3A_62 = arith.constant 0 : i32
      %scan3A_63 = arith.constant 0 : i32
      %scan3A_64 = arith.constant 8 : i32
      %scan3A_65 = arith.addi %scan3A_63, %scan3A_64 : i32
      %scan3A_66 = arith.constant 1 : i32
      scf.for %scan3A_92 = %scan3A_63 to %scan3A_65 step %scan3A_66  : i32 {
        %mul3A_93 = arith.constant 16 : i32
        %mul3A_94 = arith.muli %scan3A_92, %mul3A_93 : i32
        %get3A_95 = arith.index_cast %mul3A_94 : i32 to index
        %get3A_96 = tpu.vector_load %arg13[%get3A_95] {strides = array<i32>} : memref<144xi32, #tpu.memory_space<vmem>>, vector<16xi32>,
        %add3A_97 = vector.broadcast %mul3A_8 : i32 to vector<16xi32>
        %add3A_98 = arith.addi %get3A_96, %add3A_97 : vector<16xi32>
        %min3A = arith.constant 10239 : i32
        %min3A_99 = vector.broadcast %min3A : i32 to vector<16xi32>
        %min3A_100 = arith.minsi %add3A_98, %min3A_99 : vector<16xi32>
        %swap3A = arith.index_cast %mul3A_94 : i32 to index
        %swap3A_101 = tpu.vector_load %arg12[%swap3A] {strides = array<i32>} : memref<128xi32, #tpu.memory_space<vmem>>, vector<16xi32>,
        tpu.vector_store %arg12[%swap3A], %min3A_100 {strides = array<i32>} : memref<128xi32, #tpu.memory_space<vmem>>, vector<16xi32>,
      }
      %scan3A_67 = arith.constant 8 : i32
      %dma_start3A_68 = arith.constant 0 : i32
      %dma_start3A_69 = arith.constant 0 : i32
      %dma_start3A_70 = tpu.memref_slice %arg2[%dma_start3A_68, %dma_start3A_69] : memref<10240x128xf32, #tpu.memory_space<hbm>> -> memref<10240x128xf32, #tpu.memory_space<hbm>>
      tpu.enqueue_indirect_dma source(%dma_start3A_70 : memref<10240x128xf32, #tpu.memory_space<hbm>>) target(%arg15 : memref<128x128xf32, #tpu.memory_space<vmem>>) offsets(%arg11 : memref<128xi32, #tpu.memory_space<vmem>>) semaphore(%arg19 : memref<!tpu.dma_semaphore, #tpu.memory_space<semaphore_mem>>)
      %dma_start3A_71 = arith.constant 0 : i32
      %dma_start3A_72 = arith.constant 0 : i32
      %dma_start3A_73 = tpu.memref_slice %arg3[%dma_start3A_71, %dma_start3A_72] : memref<10240x128xf32, #tpu.memory_space<hbm>> -> memref<10240x128xf32, #tpu.memory_space<hbm>>
      tpu.enqueue_indirect_dma source(%dma_start3A_73 : memref<10240x128xf32, #tpu.memory_space<hbm>>) target(%arg16 : memref<128x128xf32, #tpu.memory_space<vmem>>) offsets(%arg12 : memref<128xi32, #tpu.memory_space<vmem>>) semaphore(%arg20 : memref<!tpu.dma_semaphore, #tpu.memory_space<semaphore_mem>>)
      %dma_start3A_74 = arith.constant 0 : i32
      %dma_start3A_75 = arith.constant 0 : i32
      %dma_start3A_76 = tpu.memref_slice %arg4[%dma_start3A_74, %dma_start3A_75] : memref<321536x128xf32, #tpu.memory_space<hbm>> -> memref<321536x128xf32, #tpu.memory_space<hbm>>
      tpu.enqueue_indirect_dma source(%dma_start3A_76 : memref<321536x128xf32, #tpu.memory_space<hbm>>) target(%arg17 : memref<128x128xf32, #tpu.memory_space<vmem>>) offsets(%arg14 : memref<128xi32, #tpu.memory_space<vmem>>) semaphore(%arg21 : memref<!tpu.dma_semaphore, #tpu.memory_space<semaphore_mem>>)
      %dma_wait3A_77 = arith.constant 0 : i32
      %dma_wait3A_78 = arith.constant 0 : i32
      %dma_wait3A_79 = tpu.memref_slice %arg2[%dma_wait3A_77, %dma_wait3A_78] : memref<10240x128xf32, #tpu.memory_space<hbm>> -> memref<10240x128xf32, #tpu.memory_space<hbm>>
      tpu.wait_indirect_dma semaphore(%arg19 : memref<!tpu.dma_semaphore, #tpu.memory_space<semaphore_mem>>) src(%dma_wait3A_79 : memref<10240x128xf32, #tpu.memory_space<hbm>>) dst(%arg15 : memref<128x128xf32, #tpu.memory_space<vmem>>)
      %dma_wait3A_80 = arith.constant 0 : i32
      %dma_wait3A_81 = arith.constant 0 : i32
      %dma_wait3A_82 = tpu.memref_slice %arg3[%dma_wait3A_80, %dma_wait3A_81] : memref<10240x128xf32, #tpu.memory_space<hbm>> -> memref<10240x128xf32, #tpu.memory_space<hbm>>
      tpu.wait_indirect_dma semaphore(%arg20 : memref<!tpu.dma_semaphore, #tpu.memory_space<semaphore_mem>>) src(%dma_wait3A_82 : memref<10240x128xf32, #tpu.memory_space<hbm>>) dst(%arg16 : memref<128x128xf32, #tpu.memory_space<vmem>>)
      %dma_wait3A_83 = arith.constant 0 : i32
      %dma_wait3A_84 = arith.constant 0 : i32
      %dma_wait3A_85 = tpu.memref_slice %arg4[%dma_wait3A_83, %dma_wait3A_84] : memref<321536x128xf32, #tpu.memory_space<hbm>> -> memref<321536x128xf32, #tpu.memory_space<hbm>>
      tpu.wait_indirect_dma semaphore(%arg21 : memref<!tpu.dma_semaphore, #tpu.memory_space<semaphore_mem>>) src(%dma_wait3A_85 : memref<321536x128xf32, #tpu.memory_space<hbm>>) dst(%arg17 : memref<128x128xf32, #tpu.memory_space<vmem>>)
      %scan3A_86 = arith.constant 0 : i32
      %scan3A_87 = arith.constant 0 : i32
      %scan3A_88 = arith.constant 64 : i32
      %scan3A_89 = arith.addi %scan3A_87, %scan3A_88 : i32
      %scan3A_90 = arith.constant 1 : i32
      scf.for %scan3A_92 = %scan3A_87 to %scan3A_89 step %scan3A_90  : i32 {
        %mul3A_93 = arith.constant 2 : i32
        %mul3A_94 = arith.muli %scan3A_92, %mul3A_93 : i32
        %add3A_95 = arith.constant 1 : i32
        %add3A_96 = arith.addi %mul3A_94, %add3A_95 : i32
        %get3A_97 = arith.index_cast %mul3A_94 : i32 to index
        %get3A_98 = tpu.vector_load %arg13[%get3A_97] {strides = array<i32>} : memref<144xi32, #tpu.memory_space<vmem>>, vector<16xi32>,
        %slice3A_99 = vector.extract_strided_slice %get3A_98 {offsets = [0], sizes = [1], strides = [1]} : vector<16xi32> to vector<1xi32>
        %squeeze3A_100 = vector.extract %slice3A_99[0] : i32 from vector<1xi32>
        %get3A_101 = arith.index_cast %add3A_96 : i32 to index
        %get3A_102 = tpu.vector_load %arg13[%get3A_101] {strides = array<i32>} : memref<144xi32, #tpu.memory_space<vmem>>, vector<16xi32>,
        %slice3A_103 = vector.extract_strided_slice %get3A_102 {offsets = [0], sizes = [1], strides = [1]} : vector<16xi32> to vector<1xi32>
        %squeeze3A_104 = vector.extract %slice3A_103[0] : i32 from vector<1xi32>
        %get3A_105 = arith.index_cast %mul3A_94 : i32 to index
        %get3A_106 = arith.constant 0 : index
        %get3A_107 = tpu.vector_load %arg15[%get3A_105, %get3A_106] {strides = array<i32>} : memref<128x128xf32, #tpu.memory_space<vmem>>, vector<16xf32>,
        %get3A_108 = arith.index_cast %mul3A_94 : i32 to index
        %get3A_109 = arith.constant 0 : index
        %get3A_110 = tpu.vector_load %arg16[%get3A_108, %get3A_109] {strides = array<i32>} : memref<128x128xf32, #tpu.memory_space<vmem>>, vector<16xf32>,
        %add3A_111 = arith.addf %get3A_107, %get3A_110 : vector<16xf32>
        %get3A_112 = arith.index_cast %mul3A_94 : i32 to index
        %get3A_113 = arith.constant 0 : index
        %get3A_114 = tpu.vector_load %arg17[%get3A_112, %get3A_113] {strides = array<i32>} : memref<128x128xf32, #tpu.memory_space<vmem>>, vector<16xf32>,
        %add3A_115 = arith.addf %add3A_111, %get3A_114 : vector<16xf32>
        %max3A = arith.constant 0.000000e+00 : f32
        %max3A_116 = vector.broadcast %max3A : f32 to vector<16xf32>
        %max3A_117 = arith.maximumf %add3A_115, %max3A_116 : vector<16xf32>
        %get3A_118 = arith.index_cast %add3A_96 : i32 to index
        %get3A_119 = arith.constant 0 : index
        %get3A_120 = tpu.vector_load %arg15[%get3A_118, %get3A_119] {strides = array<i32>} : memref<128x128xf32, #tpu.memory_space<vmem>>, vector<16xf32>,
        %get3A_121 = arith.index_cast %add3A_96 : i32 to index
        %get3A_122 = arith.constant 0 : index
        %get3A_123 = tpu.vector_load %arg16[%get3A_121, %get3A_122] {strides = array<i32>} : memref<128x128xf32, #tpu.memory_space<vmem>>, vector<16xf32>,
        %add3A_124 = arith.addf %get3A_120, %get3A_123 : vector<16xf32>
        %get3A_125 = arith.index_cast %add3A_96 : i32 to index
        %get3A_126 = arith.constant 0 : index
        %get3A_127 = tpu.vector_load %arg17[%get3A_125, %get3A_126] {strides = array<i32>} : memref<128x128xf32, #tpu.memory_space<vmem>>, vector<16xf32>,
        %add3A_128 = arith.addf %add3A_124, %get3A_127 : vector<16xf32>
        %max3A_129 = arith.constant 0.000000e+00 : f32
        %max3A_130 = vector.broadcast %max3A_129 : f32 to vector<16xf32>
        %max3A_131 = arith.maximumf %add3A_128, %max3A_130 : vector<16xf32>
        %swap3A = arith.index_cast %squeeze3A_100 : i32 to index
        %swap3A_132 = arith.constant 0 : index
        %swap3A_133 = tpu.vector_load %arg18[%swap3A, %swap3A_132] {strides = array<i32>} : memref<328x128xf32, #tpu.memory_space<vmem>>, vector<16xf32>,
        tpu.vector_store %arg18[%swap3A, %swap3A_132], %max3A_117 {add = true, strides = array<i32>} : memref<328x128xf32, #tpu.memory_space<vmem>>, vector<16xf32>,
        %swap3A_134 = arith.index_cast %squeeze3A_104 : i32 to index
        %swap3A_135 = arith.constant 0 : index
        %swap3A_136 = tpu.vector_load %arg18[%swap3A_134, %swap3A_135] {strides = array<i32>} : memref<328x128xf32, #tpu.memory_space<vmem>>, vector<16xf32>,
        tpu.vector_store %arg18[%swap3A_134, %swap3A_135], %max3A_131 {add = true, strides = array<i32>} : memref<328x128xf32, #tpu.memory_space<vmem>>, vector<16xf32>,
        %get3A_137 = arith.index_cast %mul3A_94 : i32 to index
        %get3A_138 = arith.constant 16 : index
        %get3A_139 = tpu.vector_load %arg15[%get3A_137, %get3A_138] {strides = array<i32>} : memref<128x128xf32, #tpu.memory_space<vmem>>, vector<16xf32>,
        %get3A_140 = arith.index_cast %mul3A_94 : i32 to index
        %get3A_141 = arith.constant 16 : index
        %get3A_142 = tpu.vector_load %arg16[%get3A_140, %get3A_141] {strides = array<i32>} : memref<128x128xf32, #tpu.memory_space<vmem>>, vector<16xf32>,
        %add3A_143 = arith.addf %get3A_139, %get3A_142 : vector<16xf32>
        %get3A_144 = arith.index_cast %mul3A_94 : i32 to index
        %get3A_145 = arith.constant 16 : index
        %get3A_146 = tpu.vector_load %arg17[%get3A_144, %get3A_145] {strides = array<i32>} : memref<128x128xf32, #tpu.memory_space<vmem>>, vector<16xf32>,
        %add3A_147 = arith.addf %add3A_143, %get3A_146 : vector<16xf32>
        %max3A_148 = arith.constant 0.000000e+00 : f32
        %max3A_149 = vector.broadcast %max3A_148 : f32 to vector<16xf32>
        %max3A_150 = arith.maximumf %add3A_147, %max3A_149 : vector<16xf32>
        %get3A_151 = arith.index_cast %add3A_96 : i32 to index
        %get3A_152 = arith.constant 16 : index
        %get3A_153 = tpu.vector_load %arg15[%get3A_151, %get3A_152] {strides = array<i32>} : memref<128x128xf32, #tpu.memory_space<vmem>>, vector<16xf32>,
        %get3A_154 = arith.index_cast %add3A_96 : i32 to index
        %get3A_155 = arith.constant 16 : index
        %get3A_156 = tpu.vector_load %arg16[%get3A_154, %get3A_155] {strides = array<i32>} : memref<128x128xf32, #tpu.memory_space<vmem>>, vector<16xf32>,
        %add3A_157 = arith.addf %get3A_153, %get3A_156 : vector<16xf32>
        %get3A_158 = arith.index_cast %add3A_96 : i32 to index
        %get3A_159 = arith.constant 16 : index
        %get3A_160 = tpu.vector_load %arg17[%get3A_158, %get3A_159] {strides = array<i32>} : memref<128x128xf32, #tpu.memory_space<vmem>>, vector<16xf32>,
        %add3A_161 = arith.addf %add3A_157, %get3A_160 : vector<16xf32>
        %max3A_162 = arith.constant 0.000000e+00 : f32
        %max3A_163 = vector.broadcast %max3A_162 : f32 to vector<16xf32>
        %max3A_164 = arith.maximumf %add3A_161, %max3A_163 : vector<16xf32>
        %swap3A_165 = arith.index_cast %squeeze3A_100 : i32 to index
        %swap3A_166 = arith.constant 16 : index
        %swap3A_167 = tpu.vector_load %arg18[%swap3A_165, %swap3A_166] {strides = array<i32>} : memref<328x128xf32, #tpu.memory_space<vmem>>, vector<16xf32>,
        tpu.vector_store %arg18[%swap3A_165, %swap3A_166], %max3A_150 {add = true, strides = array<i32>} : memref<328x128xf32, #tpu.memory_space<vmem>>, vector<16xf32>,
        %swap3A_168 = arith.index_cast %squeeze3A_104 : i32 to index
        %swap3A_169 = arith.constant 16 : index
        %swap3A_170 = tpu.vector_load %arg18[%swap3A_168, %swap3A_169] {strides = array<i32>} : memref<328x128xf32, #tpu.memory_space<vmem>>, vector<16xf32>,
        tpu.vector_store %arg18[%swap3A_168, %swap3A_169], %max3A_164 {add = true, strides = array<i32>} : memref<328x128xf32, #tpu.memory_space<vmem>>, vector<16xf32>,
        %get3A_171 = arith.index_cast %mul3A_94 : i32 to index
        %get3A_172 = arith.constant 32 : index
        %get3A_173 = tpu.vector_load %arg15[%get3A_171, %get3A_172] {strides = array<i32>} : memref<128x128xf32, #tpu.memory_space<vmem>>, vector<16xf32>,
        %get3A_174 = arith.index_cast %mul3A_94 : i32 to index
        %get3A_175 = arith.constant 32 : index
        %get3A_176 = tpu.vector_load %arg16[%get3A_174, %get3A_175] {strides = array<i32>} : memref<128x128xf32, #tpu.memory_space<vmem>>, vector<16xf32>,
        %add3A_177 = arith.addf %get3A_173, %get3A_176 : vector<16xf32>
        %get3A_178 = arith.index_cast %mul3A_94 : i32 to index
        %get3A_179 = arith.constant 32 : index
        %get3A_180 = tpu.vector_load %arg17[%get3A_178, %get3A_179] {strides = array<i32>} : memref<128x128xf32, #tpu.memory_space<vmem>>, vector<16xf32>,
        %add3A_181 = arith.addf %add3A_177, %get3A_180 : vector<16xf32>
        %max3A_182 = arith.constant 0.000000e+00 : f32
        %max3A_183 = vector.broadcast %max3A_182 : f32 to vector<16xf32>
        %max3A_184 = arith.maximumf %add3A_181, %max3A_183 : vector<16xf32>
        %get3A_185 = arith.index_cast %add3A_96 : i32 to index
        %get3A_186 = arith.constant 32 : index
        %get3A_187 = tpu.vector_load %arg15[%get3A_185, %get3A_186] {strides = array<i32>} : memref<128x128xf32, #tpu.memory_space<vmem>>, vector<16xf32>,
        %get3A_188 = arith.index_cast %add3A_96 : i32 to index
        %get3A_189 = arith.constant 32 : index
        %get3A_190 = tpu.vector_load %arg16[%get3A_188, %get3A_189] {strides = array<i32>} : memref<128x128xf32, #tpu.memory_space<vmem>>, vector<16xf32>,
        %add3A_191 = arith.addf %get3A_187, %get3A_190 : vector<16xf32>
        %get3A_192 = arith.index_cast %add3A_96 : i32 to index
        %get3A_193 = arith.constant 32 : index
        %get3A_194 = tpu.vector_load %arg17[%get3A_192, %get3A_193] {strides = array<i32>} : memref<128x128xf32, #tpu.memory_space<vmem>>, vector<16xf32>,
        %add3A_195 = arith.addf %add3A_191, %get3A_194 : vector<16xf32>
        %max3A_196 = arith.constant 0.000000e+00 : f32
        %max3A_197 = vector.broadcast %max3A_196 : f32 to vector<16xf32>
        %max3A_198 = arith.maximumf %add3A_195, %max3A_197 : vector<16xf32>
        %swap3A_199 = arith.index_cast %squeeze3A_100 : i32 to index
        %swap3A_200 = arith.constant 32 : index
        %swap3A_201 = tpu.vector_load %arg18[%swap3A_199, %swap3A_200] {strides = array<i32>} : memref<328x128xf32, #tpu.memory_space<vmem>>, vector<16xf32>,
        tpu.vector_store %arg18[%swap3A_199, %swap3A_200], %max3A_184 {add = true, strides = array<i32>} : memref<328x128xf32, #tpu.memory_space<vmem>>, vector<16xf32>,
        %swap3A_202 = arith.index_cast %squeeze3A_104 : i32 to index
        %swap3A_203 = arith.constant 32 : index
        %swap3A_204 = tpu.vector_load %arg18[%swap3A_202, %swap3A_203] {strides = array<i32>} : memref<328x128xf32, #tpu.memory_space<vmem>>, vector<16xf32>,
        tpu.vector_store %arg18[%swap3A_202, %swap3A_203], %max3A_198 {add = true, strides = array<i32>} : memref<328x128xf32, #tpu.memory_space<vmem>>, vector<16xf32>,
        %get3A_205 = arith.index_cast %mul3A_94 : i32 to index
        %get3A_206 = arith.constant 48 : index
        %get3A_207 = tpu.vector_load %arg15[%get3A_205, %get3A_206] {strides = array<i32>} : memref<128x128xf32, #tpu.memory_space<vmem>>, vector<16xf32>,
        %get3A_208 = arith.index_cast %mul3A_94 : i32 to index
        %get3A_209 = arith.constant 48 : index
        %get3A_210 = tpu.vector_load %arg16[%get3A_208, %get3A_209] {strides = array<i32>} : memref<128x128xf32, #tpu.memory_space<vmem>>, vector<16xf32>,
        %add3A_211 = arith.addf %get3A_207, %get3A_210 : vector<16xf32>
        %get3A_212 = arith.index_cast %mul3A_94 : i32 to index
        %get3A_213 = arith.constant 48 : index
        %get3A_214 = tpu.vector_load %arg17[%get3A_212, %get3A_213] {strides = array<i32>} : memref<128x128xf32, #tpu.memory_space<vmem>>, vector<16xf32>,
        %add3A_215 = arith.addf %add3A_211, %get3A_214 : vector<16xf32>
        %max3A_216 = arith.constant 0.000000e+00 : f32
        %max3A_217 = vector.broadcast %max3A_216 : f32 to vector<16xf32>
        %max3A_218 = arith.maximumf %add3A_215, %max3A_217 : vector<16xf32>
        %get3A_219 = arith.index_cast %add3A_96 : i32 to index
        %get3A_220 = arith.constant 48 : index
        %get3A_221 = tpu.vector_load %arg15[%get3A_219, %get3A_220] {strides = array<i32>} : memref<128x128xf32, #tpu.memory_space<vmem>>, vector<16xf32>,
        %get3A_222 = arith.index_cast %add3A_96 : i32 to index
        %get3A_223 = arith.constant 48 : index
        %get3A_224 = tpu.vector_load %arg16[%get3A_222, %get3A_223] {strides = array<i32>} : memref<128x128xf32, #tpu.memory_space<vmem>>, vector<16xf32>,
        %add3A_225 = arith.addf %get3A_221, %get3A_224 : vector<16xf32>
        %get3A_226 = arith.index_cast %add3A_96 : i32 to index
        %get3A_227 = arith.constant 48 : index
        %get3A_228 = tpu.vector_load %arg17[%get3A_226, %get3A_227] {strides = array<i32>} : memref<128x128xf32, #tpu.memory_space<vmem>>, vector<16xf32>,
        %add3A_229 = arith.addf %add3A_225, %get3A_228 : vector<16xf32>
        %max3A_230 = arith.constant 0.000000e+00 : f32
        %max3A_231 = vector.broadcast %max3A_230 : f32 to vector<16xf32>
        %max3A_232 = arith.maximumf %add3A_229, %max3A_231 : vector<16xf32>
        %swap3A_233 = arith.index_cast %squeeze3A_100 : i32 to index
        %swap3A_234 = arith.constant 48 : index
        %swap3A_235 = tpu.vector_load %arg18[%swap3A_233, %swap3A_234] {strides = array<i32>} : memref<328x128xf32, #tpu.memory_space<vmem>>, vector<16xf32>,
        tpu.vector_store %arg18[%swap3A_233, %swap3A_234], %max3A_218 {add = true, strides = array<i32>} : memref<328x128xf32, #tpu.memory_space<vmem>>, vector<16xf32>,
        %swap3A_236 = arith.index_cast %squeeze3A_104 : i32 to index
        %swap3A_237 = arith.constant 48 : index
        %swap3A_238 = tpu.vector_load %arg18[%swap3A_236, %swap3A_237] {strides = array<i32>} : memref<328x128xf32, #tpu.memory_space<vmem>>, vector<16xf32>,
        tpu.vector_store %arg18[%swap3A_236, %swap3A_237], %max3A_232 {add = true, strides = array<i32>} : memref<328x128xf32, #tpu.memory_space<vmem>>, vector<16xf32>,
        %get3A_239 = arith.index_cast %mul3A_94 : i32 to index
        %get3A_240 = arith.constant 64 : index
        %get3A_241 = tpu.vector_load %arg15[%get3A_239, %get3A_240] {strides = array<i32>} : memref<128x128xf32, #tpu.memory_space<vmem>>, vector<16xf32>,
        %get3A_242 = arith.index_cast %mul3A_94 : i32 to index
        %get3A_243 = arith.constant 64 : index
        %get3A_244 = tpu.vector_load %arg16[%get3A_242, %get3A_243] {strides = array<i32>} : memref<128x128xf32, #tpu.memory_space<vmem>>, vector<16xf32>,
        %add3A_245 = arith.addf %get3A_241, %get3A_244 : vector<16xf32>
        %get3A_246 = arith.index_cast %mul3A_94 : i32 to index
        %get3A_247 = arith.constant 64 : index
        %get3A_248 = tpu.vector_load %arg17[%get3A_246, %get3A_247] {strides = array<i32>} : memref<128x128xf32, #tpu.memory_space<vmem>>, vector<16xf32>,
        %add3A_249 = arith.addf %add3A_245, %get3A_248 : vector<16xf32>
        %max3A_250 = arith.constant 0.000000e+00 : f32
        %max3A_251 = vector.broadcast %max3A_250 : f32 to vector<16xf32>
        %max3A_252 = arith.maximumf %add3A_249, %max3A_251 : vector<16xf32>
        %get3A_253 = arith.index_cast %add3A_96 : i32 to index
        %get3A_254 = arith.constant 64 : index
        %get3A_255 = tpu.vector_load %arg15[%get3A_253, %get3A_254] {strides = array<i32>} : memref<128x128xf32, #tpu.memory_space<vmem>>, vector<16xf32>,
        %get3A_256 = arith.index_cast %add3A_96 : i32 to index
        %get3A_257 = arith.constant 64 : index
        %get3A_258 = tpu.vector_load %arg16[%get3A_256, %get3A_257] {strides = array<i32>} : memref<128x128xf32, #tpu.memory_space<vmem>>, vector<16xf32>,
        %add3A_259 = arith.addf %get3A_255, %get3A_258 : vector<16xf32>
        %get3A_260 = arith.index_cast %add3A_96 : i32 to index
        %get3A_261 = arith.constant 64 : index
        %get3A_262 = tpu.vector_load %arg17[%get3A_260, %get3A_261] {strides = array<i32>} : memref<128x128xf32, #tpu.memory_space<vmem>>, vector<16xf32>,
        %add3A_263 = arith.addf %add3A_259, %get3A_262 : vector<16xf32>
        %max3A_264 = arith.constant 0.000000e+00 : f32
        %max3A_265 = vector.broadcast %max3A_264 : f32 to vector<16xf32>
        %max3A_266 = arith.maximumf %add3A_263, %max3A_265 : vector<16xf32>
        %swap3A_267 = arith.index_cast %squeeze3A_100 : i32 to index
        %swap3A_268 = arith.constant 64 : index
        %swap3A_269 = tpu.vector_load %arg18[%swap3A_267, %swap3A_268] {strides = array<i32>} : memref<328x128xf32, #tpu.memory_space<vmem>>, vector<16xf32>,
        tpu.vector_store %arg18[%swap3A_267, %swap3A_268], %max3A_252 {add = true, strides = array<i32>} : memref<328x128xf32, #tpu.memory_space<vmem>>, vector<16xf32>,
        %swap3A_270 = arith.index_cast %squeeze3A_104 : i32 to index
        %swap3A_271 = arith.constant 64 : index
        %swap3A_272 = tpu.vector_load %arg18[%swap3A_270, %swap3A_271] {strides = array<i32>} : memref<328x128xf32, #tpu.memory_space<vmem>>, vector<16xf32>,
        tpu.vector_store %arg18[%swap3A_270, %swap3A_271], %max3A_266 {add = true, strides = array<i32>} : memref<328x128xf32, #tpu.memory_space<vmem>>, vector<16xf32>,
        %get3A_273 = arith.index_cast %mul3A_94 : i32 to index
        %get3A_274 = arith.constant 80 : index
        %get3A_275 = tpu.vector_load %arg15[%get3A_273, %get3A_274] {strides = array<i32>} : memref<128x128xf32, #tpu.memory_space<vmem>>, vector<16xf32>,
        %get3A_276 = arith.index_cast %mul3A_94 : i32 to index
        %get3A_277 = arith.constant 80 : index
        %get3A_278 = tpu.vector_load %arg16[%get3A_276, %get3A_277] {strides = array<i32>} : memref<128x128xf32, #tpu.memory_space<vmem>>, vector<16xf32>,
        %add3A_279 = arith.addf %get3A_275, %get3A_278 : vector<16xf32>
        %get3A_280 = arith.index_cast %mul3A_94 : i32 to index
        %get3A_281 = arith.constant 80 : index
        %get3A_282 = tpu.vector_load %arg17[%get3A_280, %get3A_281] {strides = array<i32>} : memref<128x128xf32, #tpu.memory_space<vmem>>, vector<16xf32>,
        %add3A_283 = arith.addf %add3A_279, %get3A_282 : vector<16xf32>
        %max3A_284 = arith.constant 0.000000e+00 : f32
        %max3A_285 = vector.broadcast %max3A_284 : f32 to vector<16xf32>
        %max3A_286 = arith.maximumf %add3A_283, %max3A_285 : vector<16xf32>
        %get3A_287 = arith.index_cast %add3A_96 : i32 to index
        %get3A_288 = arith.constant 80 : index
        %get3A_289 = tpu.vector_load %arg15[%get3A_287, %get3A_288] {strides = array<i32>} : memref<128x128xf32, #tpu.memory_space<vmem>>, vector<16xf32>,
        %get3A_290 = arith.index_cast %add3A_96 : i32 to index
        %get3A_291 = arith.constant 80 : index
        %get3A_292 = tpu.vector_load %arg16[%get3A_290, %get3A_291] {strides = array<i32>} : memref<128x128xf32, #tpu.memory_space<vmem>>, vector<16xf32>,
        %add3A_293 = arith.addf %get3A_289, %get3A_292 : vector<16xf32>
        %get3A_294 = arith.index_cast %add3A_96 : i32 to index
        %get3A_295 = arith.constant 80 : index
        %get3A_296 = tpu.vector_load %arg17[%get3A_294, %get3A_295] {strides = array<i32>} : memref<128x128xf32, #tpu.memory_space<vmem>>, vector<16xf32>,
        %add3A_297 = arith.addf %add3A_293, %get3A_296 : vector<16xf32>
        %max3A_298 = arith.constant 0.000000e+00 : f32
        %max3A_299 = vector.broadcast %max3A_298 : f32 to vector<16xf32>
        %max3A_300 = arith.maximumf %add3A_297, %max3A_299 : vector<16xf32>
        %swap3A_301 = arith.index_cast %squeeze3A_100 : i32 to index
        %swap3A_302 = arith.constant 80 : index
        %swap3A_303 = tpu.vector_load %arg18[%swap3A_301, %swap3A_302] {strides = array<i32>} : memref<328x128xf32, #tpu.memory_space<vmem>>, vector<16xf32>,
        tpu.vector_store %arg18[%swap3A_301, %swap3A_302], %max3A_286 {add = true, strides = array<i32>} : memref<328x128xf32, #tpu.memory_space<vmem>>, vector<16xf32>,
        %swap3A_304 = arith.index_cast %squeeze3A_104 : i32 to index
        %swap3A_305 = arith.constant 80 : index
        %swap3A_306 = tpu.vector_load %arg18[%swap3A_304, %swap3A_305] {strides = array<i32>} : memref<328x128xf32, #tpu.memory_space<vmem>>, vector<16xf32>,
        tpu.vector_store %arg18[%swap3A_304, %swap3A_305], %max3A_300 {add = true, strides = array<i32>} : memref<328x128xf32, #tpu.memory_space<vmem>>, vector<16xf32>,
        %get3A_307 = arith.index_cast %mul3A_94 : i32 to index
        %get3A_308 = arith.constant 96 : index
        %get3A_309 = tpu.vector_load %arg15[%get3A_307, %get3A_308] {strides = array<i32>} : memref<128x128xf32, #tpu.memory_space<vmem>>, vector<16xf32>,
        %get3A_310 = arith.index_cast %mul3A_94 : i32 to index
        %get3A_311 = arith.constant 96 : index
        %get3A_312 = tpu.vector_load %arg16[%get3A_310, %get3A_311] {strides = array<i32>} : memref<128x128xf32, #tpu.memory_space<vmem>>, vector<16xf32>,
        %add3A_313 = arith.addf %get3A_309, %get3A_312 : vector<16xf32>
        %get3A_314 = arith.index_cast %mul3A_94 : i32 to index
        %get3A_315 = arith.constant 96 : index
        %get3A_316 = tpu.vector_load %arg17[%get3A_314, %get3A_315] {strides = array<i32>} : memref<128x128xf32, #tpu.memory_space<vmem>>, vector<16xf32>,
        %add3A_317 = arith.addf %add3A_313, %get3A_316 : vector<16xf32>
        %max3A_318 = arith.constant 0.000000e+00 : f32
        %max3A_319 = vector.broadcast %max3A_318 : f32 to vector<16xf32>
        %max3A_320 = arith.maximumf %add3A_317, %max3A_319 : vector<16xf32>
        %get3A_321 = arith.index_cast %add3A_96 : i32 to index
        %get3A_322 = arith.constant 96 : index
        %get3A_323 = tpu.vector_load %arg15[%get3A_321, %get3A_322] {strides = array<i32>} : memref<128x128xf32, #tpu.memory_space<vmem>>, vector<16xf32>,
        %get3A_324 = arith.index_cast %add3A_96 : i32 to index
        %get3A_325 = arith.constant 96 : index
        %get3A_326 = tpu.vector_load %arg16[%get3A_324, %get3A_325] {strides = array<i32>} : memref<128x128xf32, #tpu.memory_space<vmem>>, vector<16xf32>,
        %add3A_327 = arith.addf %get3A_323, %get3A_326 : vector<16xf32>
        %get3A_328 = arith.index_cast %add3A_96 : i32 to index
        %get3A_329 = arith.constant 96 : index
        %get3A_330 = tpu.vector_load %arg17[%get3A_328, %get3A_329] {strides = array<i32>} : memref<128x128xf32, #tpu.memory_space<vmem>>, vector<16xf32>,
        %add3A_331 = arith.addf %add3A_327, %get3A_330 : vector<16xf32>
        %max3A_332 = arith.constant 0.000000e+00 : f32
        %max3A_333 = vector.broadcast %max3A_332 : f32 to vector<16xf32>
        %max3A_334 = arith.maximumf %add3A_331, %max3A_333 : vector<16xf32>
        %swap3A_335 = arith.index_cast %squeeze3A_100 : i32 to index
        %swap3A_336 = arith.constant 96 : index
        %swap3A_337 = tpu.vector_load %arg18[%swap3A_335, %swap3A_336] {strides = array<i32>} : memref<328x128xf32, #tpu.memory_space<vmem>>, vector<16xf32>,
        tpu.vector_store %arg18[%swap3A_335, %swap3A_336], %max3A_320 {add = true, strides = array<i32>} : memref<328x128xf32, #tpu.memory_space<vmem>>, vector<16xf32>,
        %swap3A_338 = arith.index_cast %squeeze3A_104 : i32 to index
        %swap3A_339 = arith.constant 96 : index
        %swap3A_340 = tpu.vector_load %arg18[%swap3A_338, %swap3A_339] {strides = array<i32>} : memref<328x128xf32, #tpu.memory_space<vmem>>, vector<16xf32>,
        tpu.vector_store %arg18[%swap3A_338, %swap3A_339], %max3A_334 {add = true, strides = array<i32>} : memref<328x128xf32, #tpu.memory_space<vmem>>, vector<16xf32>,
        %get3A_341 = arith.index_cast %mul3A_94 : i32 to index
        %get3A_342 = arith.constant 112 : index
        %get3A_343 = tpu.vector_load %arg15[%get3A_341, %get3A_342] {strides = array<i32>} : memref<128x128xf32, #tpu.memory_space<vmem>>, vector<16xf32>,
        %get3A_344 = arith.index_cast %mul3A_94 : i32 to index
        %get3A_345 = arith.constant 112 : index
        %get3A_346 = tpu.vector_load %arg16[%get3A_344, %get3A_345] {strides = array<i32>} : memref<128x128xf32, #tpu.memory_space<vmem>>, vector<16xf32>,
        %add3A_347 = arith.addf %get3A_343, %get3A_346 : vector<16xf32>
        %get3A_348 = arith.index_cast %mul3A_94 : i32 to index
        %get3A_349 = arith.constant 112 : index
        %get3A_350 = tpu.vector_load %arg17[%get3A_348, %get3A_349] {strides = array<i32>} : memref<128x128xf32, #tpu.memory_space<vmem>>, vector<16xf32>,
        %add3A_351 = arith.addf %add3A_347, %get3A_350 : vector<16xf32>
        %max3A_352 = arith.constant 0.000000e+00 : f32
        %max3A_353 = vector.broadcast %max3A_352 : f32 to vector<16xf32>
        %max3A_354 = arith.maximumf %add3A_351, %max3A_353 : vector<16xf32>
        %get3A_355 = arith.index_cast %add3A_96 : i32 to index
        %get3A_356 = arith.constant 112 : index
        %get3A_357 = tpu.vector_load %arg15[%get3A_355, %get3A_356] {strides = array<i32>} : memref<128x128xf32, #tpu.memory_space<vmem>>, vector<16xf32>,
        %get3A_358 = arith.index_cast %add3A_96 : i32 to index
        %get3A_359 = arith.constant 112 : index
        %get3A_360 = tpu.vector_load %arg16[%get3A_358, %get3A_359] {strides = array<i32>} : memref<128x128xf32, #tpu.memory_space<vmem>>, vector<16xf32>,
        %add3A_361 = arith.addf %get3A_357, %get3A_360 : vector<16xf32>
        %get3A_362 = arith.index_cast %add3A_96 : i32 to index
        %get3A_363 = arith.constant 112 : index
        %get3A_364 = tpu.vector_load %arg17[%get3A_362, %get3A_363] {strides = array<i32>} : memref<128x128xf32, #tpu.memory_space<vmem>>, vector<16xf32>,
        %add3A_365 = arith.addf %add3A_361, %get3A_364 : vector<16xf32>
        %max3A_366 = arith.constant 0.000000e+00 : f32
        %max3A_367 = vector.broadcast %max3A_366 : f32 to vector<16xf32>
        %max3A_368 = arith.maximumf %add3A_365, %max3A_367 : vector<16xf32>
        %swap3A_369 = arith.index_cast %squeeze3A_100 : i32 to index
        %swap3A_370 = arith.constant 112 : index
        %swap3A_371 = tpu.vector_load %arg18[%swap3A_369, %swap3A_370] {strides = array<i32>} : memref<328x128xf32, #tpu.memory_space<vmem>>, vector<16xf32>,
        tpu.vector_store %arg18[%swap3A_369, %swap3A_370], %max3A_354 {add = true, strides = array<i32>} : memref<328x128xf32, #tpu.memory_space<vmem>>, vector<16xf32>,
        %swap3A_372 = arith.index_cast %squeeze3A_104 : i32 to index
        %swap3A_373 = arith.constant 112 : index
        %swap3A_374 = tpu.vector_load %arg18[%swap3A_372, %swap3A_373] {strides = array<i32>} : memref<328x128xf32, #tpu.memory_space<vmem>>, vector<16xf32>,
        tpu.vector_store %arg18[%swap3A_372, %swap3A_373], %max3A_368 {add = true, strides = array<i32>} : memref<328x128xf32, #tpu.memory_space<vmem>>, vector<16xf32>,
      }
      %scan3A_91 = arith.constant 64 : i32
    }
    %while3A_18 = arith.constant 1 : i32
    scf.for %while3A_23 = %while3A_16 to %while3A_12 step %while3A_18  : i32 {
      %mul3A_24 = arith.constant 128 : i32
      %mul3A_25 = arith.muli %while3A_23, %mul3A_24 : i32
      %dma_start3A = arith.constant 0 : i32
      %dma_start3A_26 = tpu.memref_slice %arg5[%add3A, %dma_start3A, %mul3A_25] : memref<32x8x11904xi32, #tpu.memory_space<hbm>> -> memref<1x1x128xi32, #tpu.memory_space<hbm>>
      %dma_start3A_27 = tpu.memref_squeeze %dma_start3A_26 : memref<1x1x128xi32, #tpu.memory_space<hbm>> -> memref<128xi32, #tpu.memory_space<hbm>>
      %dma_start3A_28 = tpu.memref_slice %arg5[%add3A, %dma_start3A, %mul3A_25] : memref<32x8x11904xi32, #tpu.memory_space<hbm>> -> memref<1x1x128xi32, #tpu.memory_space<hbm>>
      %dma_start3A_29 = tpu.memref_squeeze %dma_start3A_28 : memref<1x1x128xi32, #tpu.memory_space<hbm>> -> memref<128xi32, #tpu.memory_space<hbm>>
      tpu.enqueue_dma source(%dma_start3A_29 : memref<128xi32, #tpu.memory_space<hbm>>) target(%arg11 : memref<128xi32, #tpu.memory_space<vmem>>) target_semaphore(%arg19 : memref<!tpu.dma_semaphore, #tpu.memory_space<semaphore_mem>>)
      %dma_start3A_30 = arith.constant 0 : i32
      %dma_start3A_31 = arith.constant 0 : i32
      %dma_start3A_32 = tpu.memref_slice %arg13[%dma_start3A_31] : memref<144xi32, #tpu.memory_space<vmem>> -> memref<128xi32, #tpu.memory_space<vmem>>
      %dma_start3A_33 = tpu.memref_slice %arg6[%add3A, %dma_start3A_30, %mul3A_25] : memref<32x8x11904xi32, #tpu.memory_space<hbm>> -> memref<1x1x128xi32, #tpu.memory_space<hbm>>
      %dma_start3A_34 = tpu.memref_squeeze %dma_start3A_33 : memref<1x1x128xi32, #tpu.memory_space<hbm>> -> memref<128xi32, #tpu.memory_space<hbm>>
      %dma_start3A_35 = arith.constant 0 : i32
      %dma_start3A_36 = tpu.memref_slice %arg13[%dma_start3A_35] : memref<144xi32, #tpu.memory_space<vmem>> -> memref<128xi32, #tpu.memory_space<vmem>>
      %dma_start3A_37 = tpu.memref_slice %arg6[%add3A, %dma_start3A_30, %mul3A_25] : memref<32x8x11904xi32, #tpu.memory_space<hbm>> -> memref<1x1x128xi32, #tpu.memory_space<hbm>>
      %dma_start3A_38 = tpu.memref_squeeze %dma_start3A_37 : memref<1x1x128xi32, #tpu.memory_space<hbm>> -> memref<128xi32, #tpu.memory_space<hbm>>
      tpu.enqueue_dma source(%dma_start3A_38 : memref<128xi32, #tpu.memory_space<hbm>>) target(%dma_start3A_36 : memref<128xi32, #tpu.memory_space<vmem>>) target_semaphore(%arg20 : memref<!tpu.dma_semaphore, #tpu.memory_space<semaphore_mem>>)
      %dma_start3A_39 = arith.constant 0 : i32
      %dma_start3A_40 = tpu.memref_slice %arg7[%add3A, %dma_start3A_39, %mul3A_25] : memref<32x8x11904xi32, #tpu.memory_space<hbm>> -> memref<1x1x128xi32, #tpu.memory_space<hbm>>
      %dma_start3A_41 = tpu.memref_squeeze %dma_start3A_40 : memref<1x1x128xi32, #tpu.memory_space<hbm>> -> memref<128xi32, #tpu.memory_space<hbm>>
      %dma_start3A_42 = tpu.memref_slice %arg7[%add3A, %dma_start3A_39, %mul3A_25] : memref<32x8x11904xi32, #tpu.memory_space<hbm>> -> memref<1x1x128xi32, #tpu.memory_space<hbm>>
      %dma_start3A_43 = tpu.memref_squeeze %dma_start3A_42 : memref<1x1x128xi32, #tpu.memory_space<hbm>> -> memref<128xi32, #tpu.memory_space<hbm>>
      tpu.enqueue_dma source(%dma_start3A_43 : memref<128xi32, #tpu.memory_space<hbm>>) target(%arg14 : memref<128xi32, #tpu.memory_space<vmem>>) target_semaphore(%arg21 : memref<!tpu.dma_semaphore, #tpu.memory_space<semaphore_mem>>)
      %dma_wait3A = arith.constant 0 : i32
      %dma_wait3A_44 = tpu.memref_slice %arg5[%add3A, %dma_wait3A, %mul3A_25] : memref<32x8x11904xi32, #tpu.memory_space<hbm>> -> memref<1x1x128xi32, #tpu.memory_space<hbm>>
      %dma_wait3A_45 = tpu.memref_squeeze %dma_wait3A_44 : memref<1x1x128xi32, #tpu.memory_space<hbm>> -> memref<128xi32, #tpu.memory_space<hbm>>
      %dma_wait3A_46 = tpu.memref_slice %arg5[%add3A, %dma_wait3A, %mul3A_25] : memref<32x8x11904xi32, #tpu.memory_space<hbm>> -> memref<1x1x128xi32, #tpu.memory_space<hbm>>
      %dma_wait3A_47 = tpu.memref_squeeze %dma_wait3A_46 : memref<1x1x128xi32, #tpu.memory_space<hbm>> -> memref<128xi32, #tpu.memory_space<hbm>>
      tpu.wait_dma2 semaphore(%arg19 : memref<!tpu.dma_semaphore, #tpu.memory_space<semaphore_mem>>) src(%dma_wait3A_47 : memref<128xi32, #tpu.memory_space<hbm>>) dst(%arg11 : memref<128xi32, #tpu.memory_space<vmem>>)
      %dma_wait3A_48 = arith.constant 0 : i32
      %dma_wait3A_49 = arith.constant 0 : i32
      %dma_wait3A_50 = tpu.memref_slice %arg13[%dma_wait3A_49] : memref<144xi32, #tpu.memory_space<vmem>> -> memref<128xi32, #tpu.memory_space<vmem>>
      %dma_wait3A_51 = tpu.memref_slice %arg6[%add3A, %dma_wait3A_48, %mul3A_25] : memref<32x8x11904xi32, #tpu.memory_space<hbm>> -> memref<1x1x128xi32, #tpu.memory_space<hbm>>
      %dma_wait3A_52 = tpu.memref_squeeze %dma_wait3A_51 : memref<1x1x128xi32, #tpu.memory_space<hbm>> -> memref<128xi32, #tpu.memory_space<hbm>>
      %dma_wait3A_53 = arith.constant 0 : i32
      %dma_wait3A_54 = tpu.memref_slice %arg13[%dma_wait3A_53] : memref<144xi32, #tpu.memory_space<vmem>> -> memref<128xi32, #tpu.memory_space<vmem>>
      %dma_wait3A_55 = tpu.memref_slice %arg6[%add3A, %dma_wait3A_48, %mul3A_25] : memref<32x8x11904xi32, #tpu.memory_space<hbm>> -> memref<1x1x128xi32, #tpu.memory_space<hbm>>
      %dma_wait3A_56 = tpu.memref_squeeze %dma_wait3A_55 : memref<1x1x128xi32, #tpu.memory_space<hbm>> -> memref<128xi32, #tpu.memory_space<hbm>>
      tpu.wait_dma2 semaphore(%arg20 : memref<!tpu.dma_semaphore, #tpu.memory_space<semaphore_mem>>) src(%dma_wait3A_56 : memref<128xi32, #tpu.memory_space<hbm>>) dst(%dma_wait3A_54 : memref<128xi32, #tpu.memory_space<vmem>>)
      %dma_wait3A_57 = arith.constant 0 : i32
      %dma_wait3A_58 = tpu.memref_slice %arg7[%add3A, %dma_wait3A_57, %mul3A_25] : memref<32x8x11904xi32, #tpu.memory_space<hbm>> -> memref<1x1x128xi32, #tpu.memory_space<hbm>>
      %dma_wait3A_59 = tpu.memref_squeeze %dma_wait3A_58 : memref<1x1x128xi32, #tpu.memory_space<hbm>> -> memref<128xi32, #tpu.memory_space<hbm>>
      %dma_wait3A_60 = tpu.memref_slice %arg7[%add3A, %dma_wait3A_57, %mul3A_25] : memref<32x8x11904xi32, #tpu.memory_space<hbm>> -> memref<1x1x128xi32, #tpu.memory_space<hbm>>
      %dma_wait3A_61 = tpu.memref_squeeze %dma_wait3A_60 : memref<1x1x128xi32, #tpu.memory_space<hbm>> -> memref<128xi32, #tpu.memory_space<hbm>>
      tpu.wait_dma2 semaphore(%arg21 : memref<!tpu.dma_semaphore, #tpu.memory_space<semaphore_mem>>) src(%dma_wait3A_61 : memref<128xi32, #tpu.memory_space<hbm>>) dst(%arg14 : memref<128xi32, #tpu.memory_space<vmem>>)
      %scan3A_62 = arith.constant 0 : i32
      %scan3A_63 = arith.constant 0 : i32
      %scan3A_64 = arith.constant 8 : i32
      %scan3A_65 = arith.addi %scan3A_63, %scan3A_64 : i32
      %scan3A_66 = arith.constant 1 : i32
      scf.for %scan3A_92 = %scan3A_63 to %scan3A_65 step %scan3A_66  : i32 {
        %mul3A_93 = arith.constant 16 : i32
        %mul3A_94 = arith.muli %scan3A_92, %mul3A_93 : i32
        %get3A_95 = arith.index_cast %mul3A_94 : i32 to index
        %get3A_96 = tpu.vector_load %arg13[%get3A_95] {strides = array<i32>} : memref<144xi32, #tpu.memory_space<vmem>>, vector<16xi32>,
        %add3A_97 = vector.broadcast %mul3A_8 : i32 to vector<16xi32>
        %add3A_98 = arith.addi %get3A_96, %add3A_97 : vector<16xi32>
        %min3A = arith.constant 10239 : i32
        %min3A_99 = vector.broadcast %min3A : i32 to vector<16xi32>
        %min3A_100 = arith.minsi %add3A_98, %min3A_99 : vector<16xi32>
        %swap3A = arith.index_cast %mul3A_94 : i32 to index
        %swap3A_101 = tpu.vector_load %arg12[%swap3A] {strides = array<i32>} : memref<128xi32, #tpu.memory_space<vmem>>, vector<16xi32>,
        tpu.vector_store %arg12[%swap3A], %min3A_100 {strides = array<i32>} : memref<128xi32, #tpu.memory_space<vmem>>, vector<16xi32>,
      }
      %scan3A_67 = arith.constant 8 : i32
      %dma_start3A_68 = arith.constant 0 : i32
      %dma_start3A_69 = arith.constant 0 : i32
      %dma_start3A_70 = tpu.memref_slice %arg2[%dma_start3A_68, %dma_start3A_69] : memref<10240x128xf32, #tpu.memory_space<hbm>> -> memref<10240x128xf32, #tpu.memory_space<hbm>>
      tpu.enqueue_indirect_dma source(%dma_start3A_70 : memref<10240x128xf32, #tpu.memory_space<hbm>>) target(%arg15 : memref<128x128xf32, #tpu.memory_space<vmem>>) offsets(%arg11 : memref<128xi32, #tpu.memory_space<vmem>>) semaphore(%arg19 : memref<!tpu.dma_semaphore, #tpu.memory_space<semaphore_mem>>)
      %dma_start3A_71 = arith.constant 0 : i32
      %dma_start3A_72 = arith.constant 0 : i32
      %dma_start3A_73 = tpu.memref_slice %arg3[%dma_start3A_71, %dma_start3A_72] : memref<10240x128xf32, #tpu.memory_space<hbm>> -> memref<10240x128xf32, #tpu.memory_space<hbm>>
      tpu.enqueue_indirect_dma source(%dma_start3A_73 : memref<10240x128xf32, #tpu.memory_space<hbm>>) target(%arg16 : memref<128x128xf32, #tpu.memory_space<vmem>>) offsets(%arg12 : memref<128xi32, #tpu.memory_space<vmem>>) semaphore(%arg20 : memref<!tpu.dma_semaphore, #tpu.memory_space<semaphore_mem>>)
      %dma_start3A_74 = arith.constant 0 : i32
      %dma_start3A_75 = arith.constant 0 : i32
      %dma_start3A_76 = tpu.memref_slice %arg4[%dma_start3A_74, %dma_start3A_75] : memref<321536x128xf32, #tpu.memory_space<hbm>> -> memref<321536x128xf32, #tpu.memory_space<hbm>>
      tpu.enqueue_indirect_dma source(%dma_start3A_76 : memref<321536x128xf32, #tpu.memory_space<hbm>>) target(%arg17 : memref<128x128xf32, #tpu.memory_space<vmem>>) offsets(%arg14 : memref<128xi32, #tpu.memory_space<vmem>>) semaphore(%arg21 : memref<!tpu.dma_semaphore, #tpu.memory_space<semaphore_mem>>)
      %dma_wait3A_77 = arith.constant 0 : i32
      %dma_wait3A_78 = arith.constant 0 : i32
      %dma_wait3A_79 = tpu.memref_slice %arg2[%dma_wait3A_77, %dma_wait3A_78] : memref<10240x128xf32, #tpu.memory_space<hbm>> -> memref<10240x128xf32, #tpu.memory_space<hbm>>
      tpu.wait_indirect_dma semaphore(%arg19 : memref<!tpu.dma_semaphore, #tpu.memory_space<semaphore_mem>>) src(%dma_wait3A_79 : memref<10240x128xf32, #tpu.memory_space<hbm>>) dst(%arg15 : memref<128x128xf32, #tpu.memory_space<vmem>>)
      %dma_wait3A_80 = arith.constant 0 : i32
      %dma_wait3A_81 = arith.constant 0 : i32
      %dma_wait3A_82 = tpu.memref_slice %arg3[%dma_wait3A_80, %dma_wait3A_81] : memref<10240x128xf32, #tpu.memory_space<hbm>> -> memref<10240x128xf32, #tpu.memory_space<hbm>>
      tpu.wait_indirect_dma semaphore(%arg20 : memref<!tpu.dma_semaphore, #tpu.memory_space<semaphore_mem>>) src(%dma_wait3A_82 : memref<10240x128xf32, #tpu.memory_space<hbm>>) dst(%arg16 : memref<128x128xf32, #tpu.memory_space<vmem>>)
      %dma_wait3A_83 = arith.constant 0 : i32
      %dma_wait3A_84 = arith.constant 0 : i32
      %dma_wait3A_85 = tpu.memref_slice %arg4[%dma_wait3A_83, %dma_wait3A_84] : memref<321536x128xf32, #tpu.memory_space<hbm>> -> memref<321536x128xf32, #tpu.memory_space<hbm>>
      tpu.wait_indirect_dma semaphore(%arg21 : memref<!tpu.dma_semaphore, #tpu.memory_space<semaphore_mem>>) src(%dma_wait3A_85 : memref<321536x128xf32, #tpu.memory_space<hbm>>) dst(%arg17 : memref<128x128xf32, #tpu.memory_space<vmem>>)
      %scan3A_86 = arith.constant 0 : i32
      %scan3A_87 = arith.constant 0 : i32
      %scan3A_88 = arith.constant 64 : i32
      %scan3A_89 = arith.addi %scan3A_87, %scan3A_88 : i32
      %scan3A_90 = arith.constant 1 : i32
      scf.for %scan3A_92 = %scan3A_87 to %scan3A_89 step %scan3A_90  : i32 {
        %mul3A_93 = arith.constant 2 : i32
        %mul3A_94 = arith.muli %scan3A_92, %mul3A_93 : i32
        %add3A_95 = arith.constant 1 : i32
        %add3A_96 = arith.addi %mul3A_94, %add3A_95 : i32
        %get3A_97 = arith.index_cast %mul3A_94 : i32 to index
        %get3A_98 = tpu.vector_load %arg13[%get3A_97] {strides = array<i32>} : memref<144xi32, #tpu.memory_space<vmem>>, vector<16xi32>,
        %slice3A_99 = vector.extract_strided_slice %get3A_98 {offsets = [0], sizes = [1], strides = [1]} : vector<16xi32> to vector<1xi32>
        %squeeze3A_100 = vector.extract %slice3A_99[0] : i32 from vector<1xi32>
        %get3A_101 = arith.index_cast %add3A_96 : i32 to index
        %get3A_102 = tpu.vector_load %arg13[%get3A_101] {strides = array<i32>} : memref<144xi32, #tpu.memory_space<vmem>>, vector<16xi32>,
        %slice3A_103 = vector.extract_strided_slice %get3A_102 {offsets = [0], sizes = [1], strides = [1]} : vector<16xi32> to vector<1xi32>
        %squeeze3A_104 = vector.extract %slice3A_103[0] : i32 from vector<1xi32>
        %get3A_105 = arith.index_cast %mul3A_94 : i32 to index
        %get3A_106 = arith.constant 0 : index
        %get3A_107 = tpu.vector_load %arg15[%get3A_105, %get3A_106] {strides = array<i32>} : memref<128x128xf32, #tpu.memory_space<vmem>>, vector<16xf32>,
        %get3A_108 = arith.index_cast %mul3A_94 : i32 to index
        %get3A_109 = arith.constant 0 : index
        %get3A_110 = tpu.vector_load %arg16[%get3A_108, %get3A_109] {strides = array<i32>} : memref<128x128xf32, #tpu.memory_space<vmem>>, vector<16xf32>,
        %add3A_111 = arith.addf %get3A_107, %get3A_110 : vector<16xf32>
        %get3A_112 = arith.index_cast %mul3A_94 : i32 to index
        %get3A_113 = arith.constant 0 : index
        %get3A_114 = tpu.vector_load %arg17[%get3A_112, %get3A_113] {strides = array<i32>} : memref<128x128xf32, #tpu.memory_space<vmem>>, vector<16xf32>,
        %add3A_115 = arith.addf %add3A_111, %get3A_114 : vector<16xf32>
        %max3A = arith.constant 0.000000e+00 : f32
        %max3A_116 = vector.broadcast %max3A : f32 to vector<16xf32>
        %max3A_117 = arith.maximumf %add3A_115, %max3A_116 : vector<16xf32>
        %get3A_118 = arith.index_cast %add3A_96 : i32 to index
        %get3A_119 = arith.constant 0 : index
        %get3A_120 = tpu.vector_load %arg15[%get3A_118, %get3A_119] {strides = array<i32>} : memref<128x128xf32, #tpu.memory_space<vmem>>, vector<16xf32>,
        %get3A_121 = arith.index_cast %add3A_96 : i32 to index
        %get3A_122 = arith.constant 0 : index
        %get3A_123 = tpu.vector_load %arg16[%get3A_121, %get3A_122] {strides = array<i32>} : memref<128x128xf32, #tpu.memory_space<vmem>>, vector<16xf32>,
        %add3A_124 = arith.addf %get3A_120, %get3A_123 : vector<16xf32>
        %get3A_125 = arith.index_cast %add3A_96 : i32 to index
        %get3A_126 = arith.constant 0 : index
        %get3A_127 = tpu.vector_load %arg17[%get3A_125, %get3A_126] {strides = array<i32>} : memref<128x128xf32, #tpu.memory_space<vmem>>, vector<16xf32>,
        %add3A_128 = arith.addf %add3A_124, %get3A_127 : vector<16xf32>
        %max3A_129 = arith.constant 0.000000e+00 : f32
        %max3A_130 = vector.broadcast %max3A_129 : f32 to vector<16xf32>
        %max3A_131 = arith.maximumf %add3A_128, %max3A_130 : vector<16xf32>
        %swap3A = arith.index_cast %squeeze3A_100 : i32 to index
        %swap3A_132 = arith.constant 0 : index
        %swap3A_133 = tpu.vector_load %arg18[%swap3A, %swap3A_132] {strides = array<i32>} : memref<328x128xf32, #tpu.memory_space<vmem>>, vector<16xf32>,
        tpu.vector_store %arg18[%swap3A, %swap3A_132], %max3A_117 {add = true, strides = array<i32>} : memref<328x128xf32, #tpu.memory_space<vmem>>, vector<16xf32>,
        %swap3A_134 = arith.index_cast %squeeze3A_104 : i32 to index
        %swap3A_135 = arith.constant 0 : index
        %swap3A_136 = tpu.vector_load %arg18[%swap3A_134, %swap3A_135] {strides = array<i32>} : memref<328x128xf32, #tpu.memory_space<vmem>>, vector<16xf32>,
        tpu.vector_store %arg18[%swap3A_134, %swap3A_135], %max3A_131 {add = true, strides = array<i32>} : memref<328x128xf32, #tpu.memory_space<vmem>>, vector<16xf32>,
        %get3A_137 = arith.index_cast %mul3A_94 : i32 to index
        %get3A_138 = arith.constant 16 : index
        %get3A_139 = tpu.vector_load %arg15[%get3A_137, %get3A_138] {strides = array<i32>} : memref<128x128xf32, #tpu.memory_space<vmem>>, vector<16xf32>,
        %get3A_140 = arith.index_cast %mul3A_94 : i32 to index
        %get3A_141 = arith.constant 16 : index
        %get3A_142 = tpu.vector_load %arg16[%get3A_140, %get3A_141] {strides = array<i32>} : memref<128x128xf32, #tpu.memory_space<vmem>>, vector<16xf32>,
        %add3A_143 = arith.addf %get3A_139, %get3A_142 : vector<16xf32>
        %get3A_144 = arith.index_cast %mul3A_94 : i32 to index
        %get3A_145 = arith.constant 16 : index
        %get3A_146 = tpu.vector_load %arg17[%get3A_144, %get3A_145] {strides = array<i32>} : memref<128x128xf32, #tpu.memory_space<vmem>>, vector<16xf32>,
        %add3A_147 = arith.addf %add3A_143, %get3A_146 : vector<16xf32>
        %max3A_148 = arith.constant 0.000000e+00 : f32
        %max3A_149 = vector.broadcast %max3A_148 : f32 to vector<16xf32>
        %max3A_150 = arith.maximumf %add3A_147, %max3A_149 : vector<16xf32>
        %get3A_151 = arith.index_cast %add3A_96 : i32 to index
        %get3A_152 = arith.constant 16 : index
        %get3A_153 = tpu.vector_load %arg15[%get3A_151, %get3A_152] {strides = array<i32>} : memref<128x128xf32, #tpu.memory_space<vmem>>, vector<16xf32>,
        %get3A_154 = arith.index_cast %add3A_96 : i32 to index
        %get3A_155 = arith.constant 16 : index
        %get3A_156 = tpu.vector_load %arg16[%get3A_154, %get3A_155] {strides = array<i32>} : memref<128x128xf32, #tpu.memory_space<vmem>>, vector<16xf32>,
        %add3A_157 = arith.addf %get3A_153, %get3A_156 : vector<16xf32>
        %get3A_158 = arith.index_cast %add3A_96 : i32 to index
        %get3A_159 = arith.constant 16 : index
        %get3A_160 = tpu.vector_load %arg17[%get3A_158, %get3A_159] {strides = array<i32>} : memref<128x128xf32, #tpu.memory_space<vmem>>, vector<16xf32>,
        %add3A_161 = arith.addf %add3A_157, %get3A_160 : vector<16xf32>
        %max3A_162 = arith.constant 0.000000e+00 : f32
        %max3A_163 = vector.broadcast %max3A_162 : f32 to vector<16xf32>
        %max3A_164 = arith.maximumf %add3A_161, %max3A_163 : vector<16xf32>
        %swap3A_165 = arith.index_cast %squeeze3A_100 : i32 to index
        %swap3A_166 = arith.constant 16 : index
        %swap3A_167 = tpu.vector_load %arg18[%swap3A_165, %swap3A_166] {strides = array<i32>} : memref<328x128xf32, #tpu.memory_space<vmem>>, vector<16xf32>,
        tpu.vector_store %arg18[%swap3A_165, %swap3A_166], %max3A_150 {add = true, strides = array<i32>} : memref<328x128xf32, #tpu.memory_space<vmem>>, vector<16xf32>,
        %swap3A_168 = arith.index_cast %squeeze3A_104 : i32 to index
        %swap3A_169 = arith.constant 16 : index
        %swap3A_170 = tpu.vector_load %arg18[%swap3A_168, %swap3A_169] {strides = array<i32>} : memref<328x128xf32, #tpu.memory_space<vmem>>, vector<16xf32>,
        tpu.vector_store %arg18[%swap3A_168, %swap3A_169], %max3A_164 {add = true, strides = array<i32>} : memref<328x128xf32, #tpu.memory_space<vmem>>, vector<16xf32>,
        %get3A_171 = arith.index_cast %mul3A_94 : i32 to index
        %get3A_172 = arith.constant 32 : index
        %get3A_173 = tpu.vector_load %arg15[%get3A_171, %get3A_172] {strides = array<i32>} : memref<128x128xf32, #tpu.memory_space<vmem>>, vector<16xf32>,
        %get3A_174 = arith.index_cast %mul3A_94 : i32 to index
        %get3A_175 = arith.constant 32 : index
        %get3A_176 = tpu.vector_load %arg16[%get3A_174, %get3A_175] {strides = array<i32>} : memref<128x128xf32, #tpu.memory_space<vmem>>, vector<16xf32>,
        %add3A_177 = arith.addf %get3A_173, %get3A_176 : vector<16xf32>
        %get3A_178 = arith.index_cast %mul3A_94 : i32 to index
        %get3A_179 = arith.constant 32 : index
        %get3A_180 = tpu.vector_load %arg17[%get3A_178, %get3A_179] {strides = array<i32>} : memref<128x128xf32, #tpu.memory_space<vmem>>, vector<16xf32>,
        %add3A_181 = arith.addf %add3A_177, %get3A_180 : vector<16xf32>
        %max3A_182 = arith.constant 0.000000e+00 : f32
        %max3A_183 = vector.broadcast %max3A_182 : f32 to vector<16xf32>
        %max3A_184 = arith.maximumf %add3A_181, %max3A_183 : vector<16xf32>
        %get3A_185 = arith.index_cast %add3A_96 : i32 to index
        %get3A_186 = arith.constant 32 : index
        %get3A_187 = tpu.vector_load %arg15[%get3A_185, %get3A_186] {strides = array<i32>} : memref<128x128xf32, #tpu.memory_space<vmem>>, vector<16xf32>,
        %get3A_188 = arith.index_cast %add3A_96 : i32 to index
        %get3A_189 = arith.constant 32 : index
        %get3A_190 = tpu.vector_load %arg16[%get3A_188, %get3A_189] {strides = array<i32>} : memref<128x128xf32, #tpu.memory_space<vmem>>, vector<16xf32>,
        %add3A_191 = arith.addf %get3A_187, %get3A_190 : vector<16xf32>
        %get3A_192 = arith.index_cast %add3A_96 : i32 to index
        %get3A_193 = arith.constant 32 : index
        %get3A_194 = tpu.vector_load %arg17[%get3A_192, %get3A_193] {strides = array<i32>} : memref<128x128xf32, #tpu.memory_space<vmem>>, vector<16xf32>,
        %add3A_195 = arith.addf %add3A_191, %get3A_194 : vector<16xf32>
        %max3A_196 = arith.constant 0.000000e+00 : f32
        %max3A_197 = vector.broadcast %max3A_196 : f32 to vector<16xf32>
        %max3A_198 = arith.maximumf %add3A_195, %max3A_197 : vector<16xf32>
        %swap3A_199 = arith.index_cast %squeeze3A_100 : i32 to index
        %swap3A_200 = arith.constant 32 : index
        %swap3A_201 = tpu.vector_load %arg18[%swap3A_199, %swap3A_200] {strides = array<i32>} : memref<328x128xf32, #tpu.memory_space<vmem>>, vector<16xf32>,
        tpu.vector_store %arg18[%swap3A_199, %swap3A_200], %max3A_184 {add = true, strides = array<i32>} : memref<328x128xf32, #tpu.memory_space<vmem>>, vector<16xf32>,
        %swap3A_202 = arith.index_cast %squeeze3A_104 : i32 to index
        %swap3A_203 = arith.constant 32 : index
        %swap3A_204 = tpu.vector_load %arg18[%swap3A_202, %swap3A_203] {strides = array<i32>} : memref<328x128xf32, #tpu.memory_space<vmem>>, vector<16xf32>,
        tpu.vector_store %arg18[%swap3A_202, %swap3A_203], %max3A_198 {add = true, strides = array<i32>} : memref<328x128xf32, #tpu.memory_space<vmem>>, vector<16xf32>,
        %get3A_205 = arith.index_cast %mul3A_94 : i32 to index
        %get3A_206 = arith.constant 48 : index
        %get3A_207 = tpu.vector_load %arg15[%get3A_205, %get3A_206] {strides = array<i32>} : memref<128x128xf32, #tpu.memory_space<vmem>>, vector<16xf32>,
        %get3A_208 = arith.index_cast %mul3A_94 : i32 to index
        %get3A_209 = arith.constant 48 : index
        %get3A_210 = tpu.vector_load %arg16[%get3A_208, %get3A_209] {strides = array<i32>} : memref<128x128xf32, #tpu.memory_space<vmem>>, vector<16xf32>,
        %add3A_211 = arith.addf %get3A_207, %get3A_210 : vector<16xf32>
        %get3A_212 = arith.index_cast %mul3A_94 : i32 to index
        %get3A_213 = arith.constant 48 : index
        %get3A_214 = tpu.vector_load %arg17[%get3A_212, %get3A_213] {strides = array<i32>} : memref<128x128xf32, #tpu.memory_space<vmem>>, vector<16xf32>,
        %add3A_215 = arith.addf %add3A_211, %get3A_214 : vector<16xf32>
        %max3A_216 = arith.constant 0.000000e+00 : f32
        %max3A_217 = vector.broadcast %max3A_216 : f32 to vector<16xf32>
        %max3A_218 = arith.maximumf %add3A_215, %max3A_217 : vector<16xf32>
        %get3A_219 = arith.index_cast %add3A_96 : i32 to index
        %get3A_220 = arith.constant 48 : index
        %get3A_221 = tpu.vector_load %arg15[%get3A_219, %get3A_220] {strides = array<i32>} : memref<128x128xf32, #tpu.memory_space<vmem>>, vector<16xf32>,
        %get3A_222 = arith.index_cast %add3A_96 : i32 to index
        %get3A_223 = arith.constant 48 : index
        %get3A_224 = tpu.vector_load %arg16[%get3A_222, %get3A_223] {strides = array<i32>} : memref<128x128xf32, #tpu.memory_space<vmem>>, vector<16xf32>,
        %add3A_225 = arith.addf %get3A_221, %get3A_224 : vector<16xf32>
        %get3A_226 = arith.index_cast %add3A_96 : i32 to index
        %get3A_227 = arith.constant 48 : index
        %get3A_228 = tpu.vector_load %arg17[%get3A_226, %get3A_227] {strides = array<i32>} : memref<128x128xf32, #tpu.memory_space<vmem>>, vector<16xf32>,
        %add3A_229 = arith.addf %add3A_225, %get3A_228 : vector<16xf32>
        %max3A_230 = arith.constant 0.000000e+00 : f32
        %max3A_231 = vector.broadcast %max3A_230 : f32 to vector<16xf32>
        %max3A_232 = arith.maximumf %add3A_229, %max3A_231 : vector<16xf32>
        %swap3A_233 = arith.index_cast %squeeze3A_100 : i32 to index
        %swap3A_234 = arith.constant 48 : index
        %swap3A_235 = tpu.vector_load %arg18[%swap3A_233, %swap3A_234] {strides = array<i32>} : memref<328x128xf32, #tpu.memory_space<vmem>>, vector<16xf32>,
        tpu.vector_store %arg18[%swap3A_233, %swap3A_234], %max3A_218 {add = true, strides = array<i32>} : memref<328x128xf32, #tpu.memory_space<vmem>>, vector<16xf32>,
        %swap3A_236 = arith.index_cast %squeeze3A_104 : i32 to index
        %swap3A_237 = arith.constant 48 : index
        %swap3A_238 = tpu.vector_load %arg18[%swap3A_236, %swap3A_237] {strides = array<i32>} : memref<328x128xf32, #tpu.memory_space<vmem>>, vector<16xf32>,
        tpu.vector_store %arg18[%swap3A_236, %swap3A_237], %max3A_232 {add = true, strides = array<i32>} : memref<328x128xf32, #tpu.memory_space<vmem>>, vector<16xf32>,
        %get3A_239 = arith.index_cast %mul3A_94 : i32 to index
        %get3A_240 = arith.constant 64 : index
        %get3A_241 = tpu.vector_load %arg15[%get3A_239, %get3A_240] {strides = array<i32>} : memref<128x128xf32, #tpu.memory_space<vmem>>, vector<16xf32>,
        %get3A_242 = arith.index_cast %mul3A_94 : i32 to index
        %get3A_243 = arith.constant 64 : index
        %get3A_244 = tpu.vector_load %arg16[%get3A_242, %get3A_243] {strides = array<i32>} : memref<128x128xf32, #tpu.memory_space<vmem>>, vector<16xf32>,
        %add3A_245 = arith.addf %get3A_241, %get3A_244 : vector<16xf32>
        %get3A_246 = arith.index_cast %mul3A_94 : i32 to index
        %get3A_247 = arith.constant 64 : index
        %get3A_248 = tpu.vector_load %arg17[%get3A_246, %get3A_247] {strides = array<i32>} : memref<128x128xf32, #tpu.memory_space<vmem>>, vector<16xf32>,
        %add3A_249 = arith.addf %add3A_245, %get3A_248 : vector<16xf32>
        %max3A_250 = arith.constant 0.000000e+00 : f32
        %max3A_251 = vector.broadcast %max3A_250 : f32 to vector<16xf32>
        %max3A_252 = arith.maximumf %add3A_249, %max3A_251 : vector<16xf32>
        %get3A_253 = arith.index_cast %add3A_96 : i32 to index
        %get3A_254 = arith.constant 64 : index
        %get3A_255 = tpu.vector_load %arg15[%get3A_253, %get3A_254] {strides = array<i32>} : memref<128x128xf32, #tpu.memory_space<vmem>>, vector<16xf32>,
        %get3A_256 = arith.index_cast %add3A_96 : i32 to index
        %get3A_257 = arith.constant 64 : index
        %get3A_258 = tpu.vector_load %arg16[%get3A_256, %get3A_257] {strides = array<i32>} : memref<128x128xf32, #tpu.memory_space<vmem>>, vector<16xf32>,
        %add3A_259 = arith.addf %get3A_255, %get3A_258 : vector<16xf32>
        %get3A_260 = arith.index_cast %add3A_96 : i32 to index
        %get3A_261 = arith.constant 64 : index
        %get3A_262 = tpu.vector_load %arg17[%get3A_260, %get3A_261] {strides = array<i32>} : memref<128x128xf32, #tpu.memory_space<vmem>>, vector<16xf32>,
        %add3A_263 = arith.addf %add3A_259, %get3A_262 : vector<16xf32>
        %max3A_264 = arith.constant 0.000000e+00 : f32
        %max3A_265 = vector.broadcast %max3A_264 : f32 to vector<16xf32>
        %max3A_266 = arith.maximumf %add3A_263, %max3A_265 : vector<16xf32>
        %swap3A_267 = arith.index_cast %squeeze3A_100 : i32 to index
        %swap3A_268 = arith.constant 64 : index
        %swap3A_269 = tpu.vector_load %arg18[%swap3A_267, %swap3A_268] {strides = array<i32>} : memref<328x128xf32, #tpu.memory_space<vmem>>, vector<16xf32>,
        tpu.vector_store %arg18[%swap3A_267, %swap3A_268], %max3A_252 {add = true, strides = array<i32>} : memref<328x128xf32, #tpu.memory_space<vmem>>, vector<16xf32>,
        %swap3A_270 = arith.index_cast %squeeze3A_104 : i32 to index
        %swap3A_271 = arith.constant 64 : index
        %swap3A_272 = tpu.vector_load %arg18[%swap3A_270, %swap3A_271] {strides = array<i32>} : memref<328x128xf32, #tpu.memory_space<vmem>>, vector<16xf32>,
        tpu.vector_store %arg18[%swap3A_270, %swap3A_271], %max3A_266 {add = true, strides = array<i32>} : memref<328x128xf32, #tpu.memory_space<vmem>>, vector<16xf32>,
        %get3A_273 = arith.index_cast %mul3A_94 : i32 to index
        %get3A_274 = arith.constant 80 : index
        %get3A_275 = tpu.vector_load %arg15[%get3A_273, %get3A_274] {strides = array<i32>} : memref<128x128xf32, #tpu.memory_space<vmem>>, vector<16xf32>,
        %get3A_276 = arith.index_cast %mul3A_94 : i32 to index
        %get3A_277 = arith.constant 80 : index
        %get3A_278 = tpu.vector_load %arg16[%get3A_276, %get3A_277] {strides = array<i32>} : memref<128x128xf32, #tpu.memory_space<vmem>>, vector<16xf32>,
        %add3A_279 = arith.addf %get3A_275, %get3A_278 : vector<16xf32>
        %get3A_280 = arith.index_cast %mul3A_94 : i32 to index
        %get3A_281 = arith.constant 80 : index
        %get3A_282 = tpu.vector_load %arg17[%get3A_280, %get3A_281] {strides = array<i32>} : memref<128x128xf32, #tpu.memory_space<vmem>>, vector<16xf32>,
        %add3A_283 = arith.addf %add3A_279, %get3A_282 : vector<16xf32>
        %max3A_284 = arith.constant 0.000000e+00 : f32
        %max3A_285 = vector.broadcast %max3A_284 : f32 to vector<16xf32>
        %max3A_286 = arith.maximumf %add3A_283, %max3A_285 : vector<16xf32>
        %get3A_287 = arith.index_cast %add3A_96 : i32 to index
        %get3A_288 = arith.constant 80 : index
        %get3A_289 = tpu.vector_load %arg15[%get3A_287, %get3A_288] {strides = array<i32>} : memref<128x128xf32, #tpu.memory_space<vmem>>, vector<16xf32>,
        %get3A_290 = arith.index_cast %add3A_96 : i32 to index
        %get3A_291 = arith.constant 80 : index
        %get3A_292 = tpu.vector_load %arg16[%get3A_290, %get3A_291] {strides = array<i32>} : memref<128x128xf32, #tpu.memory_space<vmem>>, vector<16xf32>,
        %add3A_293 = arith.addf %get3A_289, %get3A_292 : vector<16xf32>
        %get3A_294 = arith.index_cast %add3A_96 : i32 to index
        %get3A_295 = arith.constant 80 : index
        %get3A_296 = tpu.vector_load %arg17[%get3A_294, %get3A_295] {strides = array<i32>} : memref<128x128xf32, #tpu.memory_space<vmem>>, vector<16xf32>,
        %add3A_297 = arith.addf %add3A_293, %get3A_296 : vector<16xf32>
        %max3A_298 = arith.constant 0.000000e+00 : f32
        %max3A_299 = vector.broadcast %max3A_298 : f32 to vector<16xf32>
        %max3A_300 = arith.maximumf %add3A_297, %max3A_299 : vector<16xf32>
        %swap3A_301 = arith.index_cast %squeeze3A_100 : i32 to index
        %swap3A_302 = arith.constant 80 : index
        %swap3A_303 = tpu.vector_load %arg18[%swap3A_301, %swap3A_302] {strides = array<i32>} : memref<328x128xf32, #tpu.memory_space<vmem>>, vector<16xf32>,
        tpu.vector_store %arg18[%swap3A_301, %swap3A_302], %max3A_286 {add = true, strides = array<i32>} : memref<328x128xf32, #tpu.memory_space<vmem>>, vector<16xf32>,
        %swap3A_304 = arith.index_cast %squeeze3A_104 : i32 to index
        %swap3A_305 = arith.constant 80 : index
        %swap3A_306 = tpu.vector_load %arg18[%swap3A_304, %swap3A_305] {strides = array<i32>} : memref<328x128xf32, #tpu.memory_space<vmem>>, vector<16xf32>,
        tpu.vector_store %arg18[%swap3A_304, %swap3A_305], %max3A_300 {add = true, strides = array<i32>} : memref<328x128xf32, #tpu.memory_space<vmem>>, vector<16xf32>,
        %get3A_307 = arith.index_cast %mul3A_94 : i32 to index
        %get3A_308 = arith.constant 96 : index
        %get3A_309 = tpu.vector_load %arg15[%get3A_307, %get3A_308] {strides = array<i32>} : memref<128x128xf32, #tpu.memory_space<vmem>>, vector<16xf32>,
        %get3A_310 = arith.index_cast %mul3A_94 : i32 to index
        %get3A_311 = arith.constant 96 : index
        %get3A_312 = tpu.vector_load %arg16[%get3A_310, %get3A_311] {strides = array<i32>} : memref<128x128xf32, #tpu.memory_space<vmem>>, vector<16xf32>,
        %add3A_313 = arith.addf %get3A_309, %get3A_312 : vector<16xf32>
        %get3A_314 = arith.index_cast %mul3A_94 : i32 to index
        %get3A_315 = arith.constant 96 : index
        %get3A_316 = tpu.vector_load %arg17[%get3A_314, %get3A_315] {strides = array<i32>} : memref<128x128xf32, #tpu.memory_space<vmem>>, vector<16xf32>,
        %add3A_317 = arith.addf %add3A_313, %get3A_316 : vector<16xf32>
        %max3A_318 = arith.constant 0.000000e+00 : f32
        %max3A_319 = vector.broadcast %max3A_318 : f32 to vector<16xf32>
        %max3A_320 = arith.maximumf %add3A_317, %max3A_319 : vector<16xf32>
        %get3A_321 = arith.index_cast %add3A_96 : i32 to index
        %get3A_322 = arith.constant 96 : index
        %get3A_323 = tpu.vector_load %arg15[%get3A_321, %get3A_322] {strides = array<i32>} : memref<128x128xf32, #tpu.memory_space<vmem>>, vector<16xf32>,
        %get3A_324 = arith.index_cast %add3A_96 : i32 to index
        %get3A_325 = arith.constant 96 : index
        %get3A_326 = tpu.vector_load %arg16[%get3A_324, %get3A_325] {strides = array<i32>} : memref<128x128xf32, #tpu.memory_space<vmem>>, vector<16xf32>,
        %add3A_327 = arith.addf %get3A_323, %get3A_326 : vector<16xf32>
        %get3A_328 = arith.index_cast %add3A_96 : i32 to index
        %get3A_329 = arith.constant 96 : index
        %get3A_330 = tpu.vector_load %arg17[%get3A_328, %get3A_329] {strides = array<i32>} : memref<128x128xf32, #tpu.memory_space<vmem>>, vector<16xf32>,
        %add3A_331 = arith.addf %add3A_327, %get3A_330 : vector<16xf32>
        %max3A_332 = arith.constant 0.000000e+00 : f32
        %max3A_333 = vector.broadcast %max3A_332 : f32 to vector<16xf32>
        %max3A_334 = arith.maximumf %add3A_331, %max3A_333 : vector<16xf32>
        %swap3A_335 = arith.index_cast %squeeze3A_100 : i32 to index
        %swap3A_336 = arith.constant 96 : index
        %swap3A_337 = tpu.vector_load %arg18[%swap3A_335, %swap3A_336] {strides = array<i32>} : memref<328x128xf32, #tpu.memory_space<vmem>>, vector<16xf32>,
        tpu.vector_store %arg18[%swap3A_335, %swap3A_336], %max3A_320 {add = true, strides = array<i32>} : memref<328x128xf32, #tpu.memory_space<vmem>>, vector<16xf32>,
        %swap3A_338 = arith.index_cast %squeeze3A_104 : i32 to index
        %swap3A_339 = arith.constant 96 : index
        %swap3A_340 = tpu.vector_load %arg18[%swap3A_338, %swap3A_339] {strides = array<i32>} : memref<328x128xf32, #tpu.memory_space<vmem>>, vector<16xf32>,
        tpu.vector_store %arg18[%swap3A_338, %swap3A_339], %max3A_334 {add = true, strides = array<i32>} : memref<328x128xf32, #tpu.memory_space<vmem>>, vector<16xf32>,
        %get3A_341 = arith.index_cast %mul3A_94 : i32 to index
        %get3A_342 = arith.constant 112 : index
        %get3A_343 = tpu.vector_load %arg15[%get3A_341, %get3A_342] {strides = array<i32>} : memref<128x128xf32, #tpu.memory_space<vmem>>, vector<16xf32>,
        %get3A_344 = arith.index_cast %mul3A_94 : i32 to index
        %get3A_345 = arith.constant 112 : index
        %get3A_346 = tpu.vector_load %arg16[%get3A_344, %get3A_345] {strides = array<i32>} : memref<128x128xf32, #tpu.memory_space<vmem>>, vector<16xf32>,
        %add3A_347 = arith.addf %get3A_343, %get3A_346 : vector<16xf32>
        %get3A_348 = arith.index_cast %mul3A_94 : i32 to index
        %get3A_349 = arith.constant 112 : index
        %get3A_350 = tpu.vector_load %arg17[%get3A_348, %get3A_349] {strides = array<i32>} : memref<128x128xf32, #tpu.memory_space<vmem>>, vector<16xf32>,
        %add3A_351 = arith.addf %add3A_347, %get3A_350 : vector<16xf32>
        %max3A_352 = arith.constant 0.000000e+00 : f32
        %max3A_353 = vector.broadcast %max3A_352 : f32 to vector<16xf32>
        %max3A_354 = arith.maximumf %add3A_351, %max3A_353 : vector<16xf32>
        %get3A_355 = arith.index_cast %add3A_96 : i32 to index
        %get3A_356 = arith.constant 112 : index
        %get3A_357 = tpu.vector_load %arg15[%get3A_355, %get3A_356] {strides = array<i32>} : memref<128x128xf32, #tpu.memory_space<vmem>>, vector<16xf32>,
        %get3A_358 = arith.index_cast %add3A_96 : i32 to index
        %get3A_359 = arith.constant 112 : index
        %get3A_360 = tpu.vector_load %arg16[%get3A_358, %get3A_359] {strides = array<i32>} : memref<128x128xf32, #tpu.memory_space<vmem>>, vector<16xf32>,
        %add3A_361 = arith.addf %get3A_357, %get3A_360 : vector<16xf32>
        %get3A_362 = arith.index_cast %add3A_96 : i32 to index
        %get3A_363 = arith.constant 112 : index
        %get3A_364 = tpu.vector_load %arg17[%get3A_362, %get3A_363] {strides = array<i32>} : memref<128x128xf32, #tpu.memory_space<vmem>>, vector<16xf32>,
        %add3A_365 = arith.addf %add3A_361, %get3A_364 : vector<16xf32>
        %max3A_366 = arith.constant 0.000000e+00 : f32
        %max3A_367 = vector.broadcast %max3A_366 : f32 to vector<16xf32>
        %max3A_368 = arith.maximumf %add3A_365, %max3A_367 : vector<16xf32>
        %swap3A_369 = arith.index_cast %squeeze3A_100 : i32 to index
        %swap3A_370 = arith.constant 112 : index
        %swap3A_371 = tpu.vector_load %arg18[%swap3A_369, %swap3A_370] {strides = array<i32>} : memref<328x128xf32, #tpu.memory_space<vmem>>, vector<16xf32>,
        tpu.vector_store %arg18[%swap3A_369, %swap3A_370], %max3A_354 {add = true, strides = array<i32>} : memref<328x128xf32, #tpu.memory_space<vmem>>, vector<16xf32>,
        %swap3A_372 = arith.index_cast %squeeze3A_104 : i32 to index
        %swap3A_373 = arith.constant 112 : index
        %swap3A_374 = tpu.vector_load %arg18[%swap3A_372, %swap3A_373] {strides = array<i32>} : memref<328x128xf32, #tpu.memory_space<vmem>>, vector<16xf32>,
        tpu.vector_store %arg18[%swap3A_372, %swap3A_373], %max3A_368 {add = true, strides = array<i32>} : memref<328x128xf32, #tpu.memory_space<vmem>>, vector<16xf32>,
      }
      %scan3A_91 = arith.constant 64 : i32
    }
    %add3A_19 = arith.constant 0 : i32
    %add3A_20 = arith.addi %mul3A_8, %add3A_19 : i32
    "tpu.region"() ({
      %run_scoped3A_23 = tpu.sem_alloc : memref<!tpu.dma_semaphore, #tpu.memory_space<semaphore_mem>>
      %dma_start3A = arith.constant 0 : i32
      %dma_start3A_24 = arith.constant 0 : i32
      %dma_start3A_25 = tpu.memref_slice %arg18[%dma_start3A, %dma_start3A_24] : memref<328x128xf32, #tpu.memory_space<vmem>> -> memref<160x128xf32, #tpu.memory_space<vmem>>
      %dma_start3A_26 = arith.constant 0 : i32
      %dma_start3A_27 = tpu.memref_slice %arg9[%add3A_20, %dma_start3A_26] : memref<10240x128xf32, #tpu.memory_space<hbm>> -> memref<160x128xf32, #tpu.memory_space<hbm>>
      %dma_start3A_28 = arith.constant 0 : i32
      %dma_start3A_29 = tpu.memref_slice %arg9[%add3A_20, %dma_start3A_28] : memref<10240x128xf32, #tpu.memory_space<hbm>> -> memref<160x128xf32, #tpu.memory_space<hbm>>
      %dma_start3A_30 = arith.constant 0 : i32
      %dma_start3A_31 = arith.constant 0 : i32
      %dma_start3A_32 = tpu.memref_slice %arg18[%dma_start3A_30, %dma_start3A_31] : memref<328x128xf32, #tpu.memory_space<vmem>> -> memref<160x128xf32, #tpu.memory_space<vmem>>
      tpu.enqueue_dma source(%dma_start3A_32 : memref<160x128xf32, #tpu.memory_space<vmem>>) target(%dma_start3A_29 : memref<160x128xf32, #tpu.memory_space<hbm>>) target_semaphore(%run_scoped3A_23 : memref<!tpu.dma_semaphore, #tpu.memory_space<semaphore_mem>>)
      %dma_wait3A = arith.constant 0 : i32
      %dma_wait3A_33 = arith.constant 0 : i32
      %dma_wait3A_34 = tpu.memref_slice %arg18[%dma_wait3A, %dma_wait3A_33] : memref<328x128xf32, #tpu.memory_space<vmem>> -> memref<160x128xf32, #tpu.memory_space<vmem>>
      %dma_wait3A_35 = arith.constant 0 : i32
      %dma_wait3A_36 = tpu.memref_slice %arg9[%add3A_20, %dma_wait3A_35] : memref<10240x128xf32, #tpu.memory_space<hbm>> -> memref<160x128xf32, #tpu.memory_space<hbm>>
      %dma_wait3A_37 = arith.constant 0 : i32
      %dma_wait3A_38 = tpu.memref_slice %arg9[%add3A_20, %dma_wait3A_37] : memref<10240x128xf32, #tpu.memory_space<hbm>> -> memref<160x128xf32, #tpu.memory_space<hbm>>
      %dma_wait3A_39 = arith.constant 0 : i32
      %dma_wait3A_40 = arith.constant 0 : i32
      %dma_wait3A_41 = tpu.memref_slice %arg18[%dma_wait3A_39, %dma_wait3A_40] : memref<328x128xf32, #tpu.memory_space<vmem>> -> memref<160x128xf32, #tpu.memory_space<vmem>>
      tpu.wait_dma2 semaphore(%run_scoped3A_23 : memref<!tpu.dma_semaphore, #tpu.memory_space<semaphore_mem>>) src(%dma_wait3A_41 : memref<160x128xf32, #tpu.memory_space<vmem>>) dst(%dma_wait3A_38 : memref<160x128xf32, #tpu.memory_space<hbm>>)
      tpu.yield
    }) : () -> ()
    %add3A_21 = arith.constant 160 : i32
    %add3A_22 = arith.addi %mul3A_8, %add3A_21 : i32
    "tpu.region"() ({
      %run_scoped3A_23 = tpu.sem_alloc : memref<!tpu.dma_semaphore, #tpu.memory_space<semaphore_mem>>
      %dma_start3A = arith.constant 160 : i32
      %dma_start3A_24 = arith.constant 0 : i32
      %dma_start3A_25 = tpu.memref_slice %arg18[%dma_start3A, %dma_start3A_24] : memref<328x128xf32, #tpu.memory_space<vmem>> -> memref<160x128xf32, #tpu.memory_space<vmem>>
      %dma_start3A_26 = arith.constant 0 : i32
      %dma_start3A_27 = tpu.memref_slice %arg9[%add3A_22, %dma_start3A_26] : memref<10240x128xf32, #tpu.memory_space<hbm>> -> memref<160x128xf32, #tpu.memory_space<hbm>>
      %dma_start3A_28 = arith.constant 0 : i32
      %dma_start3A_29 = tpu.memref_slice %arg9[%add3A_22, %dma_start3A_28] : memref<10240x128xf32, #tpu.memory_space<hbm>> -> memref<160x128xf32, #tpu.memory_space<hbm>>
      %dma_start3A_30 = arith.constant 160 : i32
      %dma_start3A_31 = arith.constant 0 : i32
      %dma_start3A_32 = tpu.memref_slice %arg18[%dma_start3A_30, %dma_start3A_31] : memref<328x128xf32, #tpu.memory_space<vmem>> -> memref<160x128xf32, #tpu.memory_space<vmem>>
      tpu.enqueue_dma source(%dma_start3A_32 : memref<160x128xf32, #tpu.memory_space<vmem>>) target(%dma_start3A_29 : memref<160x128xf32, #tpu.memory_space<hbm>>) target_semaphore(%run_scoped3A_23 : memref<!tpu.dma_semaphore, #tpu.memory_space<semaphore_mem>>)
      %dma_wait3A = arith.constant 160 : i32
      %dma_wait3A_33 = arith.constant 0 : i32
      %dma_wait3A_34 = tpu.memref_slice %arg18[%dma_wait3A, %dma_wait3A_33] : memref<328x128xf32, #tpu.memory_space<vmem>> -> memref<160x128xf32, #tpu.memory_space<vmem>>
      %dma_wait3A_35 = arith.constant 0 : i32
      %dma_wait3A_36 = tpu.memref_slice %arg9[%add3A_22, %dma_wait3A_35] : memref<10240x128xf32, #tpu.memory_space<hbm>> -> memref<160x128xf32, #tpu.memory_space<hbm>>
      %dma_wait3A_37 = arith.constant 0 : i32
      %dma_wait3A_38 = tpu.memref_slice %arg9[%add3A_22, %dma_wait3A_37] : memref<10240x128xf32, #tpu.memory_space<hbm>> -> memref<160x128xf32, #tpu.memory_space<hbm>>
      %dma_wait3A_39 = arith.constant 160 : i32
      %dma_wait3A_40 = arith.constant 0 : i32
      %dma_wait3A_41 = tpu.memref_slice %arg18[%dma_wait3A_39, %dma_wait3A_40] : memref<328x128xf32, #tpu.memory_space<vmem>> -> memref<160x128xf32, #tpu.memory_space<vmem>>
      tpu.wait_dma2 semaphore(%run_scoped3A_23 : memref<!tpu.dma_semaphore, #tpu.memory_space<semaphore_mem>>) src(%dma_wait3A_41 : memref<160x128xf32, #tpu.memory_space<vmem>>) dst(%dma_wait3A_38 : memref<160x128xf32, #tpu.memory_space<hbm>>)
      tpu.yield
    }) : () -> ()
    return
  }
}

module attributes {stable_mosaic.version = 14 : i64} {
  func.func @_mlp_body(%arg0: i32, %arg1: memref<2048x128xf32, #tpu.memory_space<vmem>>, %arg2: memref<128x128xf32, #tpu.memory_space<vmem>>, %arg3: memref<1x128xf32, #tpu.memory_space<vmem>>, %arg4: memref<128x128xf32, #tpu.memory_space<vmem>>, %arg5: memref<1x128xf32, #tpu.memory_space<vmem>>, %arg6: memref<2048x128xf32, #tpu.memory_space<vmem>>) attributes {dimension_semantics = [#tpu.dimension_semantics<arbitrary>], iteration_bounds = array<i64: 5>, scalar_prefetch = 0 : i64, scratch_operands = 0 : i64, tpu.core_type = #tpu.core_type<tc>, window_params = [{transform_indices = @transform_0, window_bounds = array<i64: 2048, 128>}, {pipeline_mode = #tpu.pipeline_mode<synchronous>, transform_indices = @transform_1, window_bounds = array<i64: 128, 128>}, {pipeline_mode = #tpu.pipeline_mode<synchronous>, transform_indices = @transform_2, window_bounds = array<i64: 1, 128>}, {pipeline_mode = #tpu.pipeline_mode<synchronous>, transform_indices = @transform_3, window_bounds = array<i64: 128, 128>}, {pipeline_mode = #tpu.pipeline_mode<synchronous>, transform_indices = @transform_4, window_bounds = array<i64: 1, 128>}, {transform_indices = @transform_5, window_bounds = array<i64: 2048, 128>}]} {
    %get3A = arith.constant 0 : index
    %get3A_0 = arith.constant 0 : index
    %get3A_1 = vector.load %arg1[%get3A, %get3A_0] : memref<2048x128xf32, #tpu.memory_space<vmem>>, vector<2048x128xf32>
    %get3A_2 = arith.constant 0 : index
    %get3A_3 = arith.constant 0 : index
    %get3A_4 = vector.load %arg2[%get3A_2, %get3A_3] : memref<128x128xf32, #tpu.memory_space<vmem>>, vector<128x128xf32>
    %dot_general3A = arith.constant dense<0.000000e+00> : vector<2048x128xf32>
    %dot_general3A_5 = tpu.matmul %get3A_1, %get3A_4, %dot_general3A {dimension_numbers = #tpu.dot_dimension_numbers<[1], [0], [0], [1], [0, 0, 1, 1], [], []>, transpose_lhs_hint = false} : vector<2048x128xf32>, vector<128x128xf32>, vector<2048x128xf32> -> vector<2048x128xf32>
    %get3A_6 = arith.constant 0 : index
    %get3A_7 = arith.constant 0 : index
    %get3A_8 = vector.load %arg3[%get3A_6, %get3A_7] : memref<1x128xf32, #tpu.memory_space<vmem>>, vector<1x128xf32>
    %add3A = vector.broadcast %get3A_8 : vector<1x128xf32> to vector<2048x128xf32>
    %add3A_9 = arith.addf %dot_general3A_5, %add3A : vector<2048x128xf32>
    %max3A = arith.constant 0.000000e+00 : f32
    %max3A_10 = vector.broadcast %max3A : f32 to vector<2048x128xf32>
    %max3A_11 = arith.maximumf %add3A_9, %max3A_10 : vector<2048x128xf32>
    %get3A_12 = arith.constant 0 : index
    %get3A_13 = arith.constant 0 : index
    %get3A_14 = vector.load %arg4[%get3A_12, %get3A_13] : memref<128x128xf32, #tpu.memory_space<vmem>>, vector<128x128xf32>
    %dot_general3A_15 = arith.constant dense<0.000000e+00> : vector<2048x128xf32>
    %dot_general3A_16 = tpu.matmul %max3A_11, %get3A_14, %dot_general3A_15 {dimension_numbers = #tpu.dot_dimension_numbers<[1], [0], [0], [1], [0, 0, 1, 1], [], []>, transpose_lhs_hint = false} : vector<2048x128xf32>, vector<128x128xf32>, vector<2048x128xf32> -> vector<2048x128xf32>
    %get3A_17 = arith.constant 0 : index
    %get3A_18 = arith.constant 0 : index
    %get3A_19 = vector.load %arg5[%get3A_17, %get3A_18] : memref<1x128xf32, #tpu.memory_space<vmem>>, vector<1x128xf32>
    %add3A_20 = vector.broadcast %get3A_19 : vector<1x128xf32> to vector<2048x128xf32>
    %add3A_21 = arith.addf %dot_general3A_16, %add3A_20 : vector<2048x128xf32>
    %swap3A = arith.constant 0 : index
    %swap3A_22 = arith.constant 0 : index
    %swap3A_23 = vector.load %arg6[%swap3A, %swap3A_22] : memref<2048x128xf32, #tpu.memory_space<vmem>>, vector<2048x128xf32>
    tpu.vector_store %arg6[%swap3A, %swap3A_22], %add3A_21 {strides = array<i32>} : memref<2048x128xf32, #tpu.memory_space<vmem>>, vector<2048x128xf32>,
    return
  }
  func.func @transform_0(%arg0: i32) -> (i32, i32) {
    %c0_i32 = arith.constant 0 : i32
    %c0_i32_0 = arith.constant 0 : i32
    return %arg0, %c0_i32 : i32, i32
  }
  func.func @transform_1(%arg0: i32) -> (i32, i32) {
    %c0_i32 = arith.constant 0 : i32
    %c0_i32_0 = arith.constant 0 : i32
    %c0_i32_1 = arith.constant 0 : i32
    return %c0_i32, %c0_i32_0 : i32, i32
  }
  func.func @transform_2(%arg0: i32) -> (i32, i32) {
    %c0_i32 = arith.constant 0 : i32
    %c0_i32_0 = arith.constant 0 : i32
    %c0_i32_1 = arith.constant 0 : i32
    return %c0_i32, %c0_i32_0 : i32, i32
  }
  func.func @transform_3(%arg0: i32) -> (i32, i32) {
    %c0_i32 = arith.constant 0 : i32
    %c0_i32_0 = arith.constant 0 : i32
    %c0_i32_1 = arith.constant 0 : i32
    return %c0_i32, %c0_i32_0 : i32, i32
  }
  func.func @transform_4(%arg0: i32) -> (i32, i32) {
    %c0_i32 = arith.constant 0 : i32
    %c0_i32_0 = arith.constant 0 : i32
    %c0_i32_1 = arith.constant 0 : i32
    return %c0_i32, %c0_i32_0 : i32, i32
  }
  func.func @transform_5(%arg0: i32) -> (i32, i32) {
    %c0_i32 = arith.constant 0 : i32
    %c0_i32_0 = arith.constant 0 : i32
    return %arg0, %c0_i32 : i32, i32
  }
}

module attributes {stable_mosaic.version = 14 : i64} {
  func.func @_pre_body(%arg0: i32, %arg1: memref<2048x128xf32, #tpu.memory_space<vmem>>, %arg2: memref<128x128xf32, #tpu.memory_space<vmem>>, %arg3: memref<128x128xf32, #tpu.memory_space<vmem>>, %arg4: memref<2048x128xf32, #tpu.memory_space<vmem>>, %arg5: memref<2048x128xf32, #tpu.memory_space<vmem>>) attributes {dimension_semantics = [#tpu.dimension_semantics<arbitrary>], iteration_bounds = array<i64: 5>, scalar_prefetch = 0 : i64, scratch_operands = 0 : i64, tpu.core_type = #tpu.core_type<tc>, window_params = [{transform_indices = @transform_0, window_bounds = array<i64: 2048, 128>}, {pipeline_mode = #tpu.pipeline_mode<synchronous>, transform_indices = @transform_1, window_bounds = array<i64: 128, 128>}, {pipeline_mode = #tpu.pipeline_mode<synchronous>, transform_indices = @transform_2, window_bounds = array<i64: 128, 128>}, {transform_indices = @transform_3, window_bounds = array<i64: 2048, 128>}, {transform_indices = @transform_4, window_bounds = array<i64: 2048, 128>}]} {
    %get3A = arith.constant 0 : index
    %get3A_0 = arith.constant 0 : index
    %get3A_1 = vector.load %arg1[%get3A, %get3A_0] : memref<2048x128xf32, #tpu.memory_space<vmem>>, vector<2048x128xf32>
    %get3A_2 = arith.constant 0 : index
    %get3A_3 = arith.constant 0 : index
    %get3A_4 = vector.load %arg2[%get3A_2, %get3A_3] : memref<128x128xf32, #tpu.memory_space<vmem>>, vector<128x128xf32>
    %dot_general3A = arith.constant dense<0.000000e+00> : vector<2048x128xf32>
    %dot_general3A_5 = tpu.matmul %get3A_1, %get3A_4, %dot_general3A {dimension_numbers = #tpu.dot_dimension_numbers<[1], [0], [0], [1], [0, 0, 1, 1], [], []>, transpose_lhs_hint = false} : vector<2048x128xf32>, vector<128x128xf32>, vector<2048x128xf32> -> vector<2048x128xf32>
    %swap3A = arith.constant 0 : index
    %swap3A_6 = arith.constant 0 : index
    %swap3A_7 = vector.load %arg4[%swap3A, %swap3A_6] : memref<2048x128xf32, #tpu.memory_space<vmem>>, vector<2048x128xf32>
    tpu.vector_store %arg4[%swap3A, %swap3A_6], %dot_general3A_5 {strides = array<i32>} : memref<2048x128xf32, #tpu.memory_space<vmem>>, vector<2048x128xf32>,
    %get3A_8 = arith.constant 0 : index
    %get3A_9 = arith.constant 0 : index
    %get3A_10 = vector.load %arg3[%get3A_8, %get3A_9] : memref<128x128xf32, #tpu.memory_space<vmem>>, vector<128x128xf32>
    %dot_general3A_11 = arith.constant dense<0.000000e+00> : vector<2048x128xf32>
    %dot_general3A_12 = tpu.matmul %get3A_1, %get3A_10, %dot_general3A_11 {dimension_numbers = #tpu.dot_dimension_numbers<[1], [0], [0], [1], [0, 0, 1, 1], [], []>, transpose_lhs_hint = false} : vector<2048x128xf32>, vector<128x128xf32>, vector<2048x128xf32> -> vector<2048x128xf32>
    %swap3A_13 = arith.constant 0 : index
    %swap3A_14 = arith.constant 0 : index
    %swap3A_15 = vector.load %arg5[%swap3A_13, %swap3A_14] : memref<2048x128xf32, #tpu.memory_space<vmem>>, vector<2048x128xf32>
    tpu.vector_store %arg5[%swap3A_13, %swap3A_14], %dot_general3A_12 {strides = array<i32>} : memref<2048x128xf32, #tpu.memory_space<vmem>>, vector<2048x128xf32>,
    return
  }
  func.func @transform_0(%arg0: i32) -> (i32, i32) {
    %c0_i32 = arith.constant 0 : i32
    %c0_i32_0 = arith.constant 0 : i32
    return %arg0, %c0_i32 : i32, i32
  }
  func.func @transform_1(%arg0: i32) -> (i32, i32) {
    %c0_i32 = arith.constant 0 : i32
    %c0_i32_0 = arith.constant 0 : i32
    %c0_i32_1 = arith.constant 0 : i32
    return %c0_i32, %c0_i32_0 : i32, i32
  }
  func.func @transform_2(%arg0: i32) -> (i32, i32) {
    %c0_i32 = arith.constant 0 : i32
    %c0_i32_0 = arith.constant 0 : i32
    %c0_i32_1 = arith.constant 0 : i32
    return %c0_i32, %c0_i32_0 : i32, i32
  }
  func.func @transform_3(%arg0: i32) -> (i32, i32) {
    %c0_i32 = arith.constant 0 : i32
    %c0_i32_0 = arith.constant 0 : i32
    return %arg0, %c0_i32 : i32, i32
  }
  func.func @transform_4(%arg0: i32) -> (i32, i32) {
    %c0_i32 = arith.constant 0 : i32
    %c0_i32_0 = arith.constant 0 : i32
    return %arg0, %c0_i32 : i32, i32
  }
}

module attributes {stable_mosaic.version = 14 : i64} {
  func.func @_lin_body(%arg0: i32, %arg1: memref<2048x16xf32, #tpu.memory_space<vmem>>, %arg2: memref<16x128xf32, #tpu.memory_space<vmem>>, %arg3: memref<1x128xf32, #tpu.memory_space<vmem>>, %arg4: memref<2048x128xf32, #tpu.memory_space<vmem>>) attributes {dimension_semantics = [#tpu.dimension_semantics<arbitrary>], iteration_bounds = array<i64: 157>, scalar_prefetch = 0 : i64, scratch_operands = 0 : i64, tpu.core_type = #tpu.core_type<tc>, window_params = [{transform_indices = @transform_0, window_bounds = array<i64: 2048, 16>}, {pipeline_mode = #tpu.pipeline_mode<synchronous>, transform_indices = @transform_1, window_bounds = array<i64: 16, 128>}, {pipeline_mode = #tpu.pipeline_mode<synchronous>, transform_indices = @transform_2, window_bounds = array<i64: 1, 128>}, {transform_indices = @transform_3, window_bounds = array<i64: 2048, 128>}]} {
    %get3A = arith.constant 0 : index
    %get3A_0 = arith.constant 0 : index
    %get3A_1 = vector.load %arg1[%get3A, %get3A_0] : memref<2048x16xf32, #tpu.memory_space<vmem>>, vector<2048x16xf32>
    %get3A_2 = arith.constant 0 : index
    %get3A_3 = arith.constant 0 : index
    %get3A_4 = vector.load %arg2[%get3A_2, %get3A_3] : memref<16x128xf32, #tpu.memory_space<vmem>>, vector<16x128xf32>
    %dot_general3A = arith.constant dense<0.000000e+00> : vector<2048x128xf32>
    %dot_general3A_5 = tpu.matmul %get3A_1, %get3A_4, %dot_general3A {dimension_numbers = #tpu.dot_dimension_numbers<[1], [0], [0], [1], [0, 0, 1, 1], [], []>, transpose_lhs_hint = false} : vector<2048x16xf32>, vector<16x128xf32>, vector<2048x128xf32> -> vector<2048x128xf32>
    %get3A_6 = arith.constant 0 : index
    %get3A_7 = arith.constant 0 : index
    %get3A_8 = vector.load %arg3[%get3A_6, %get3A_7] : memref<1x128xf32, #tpu.memory_space<vmem>>, vector<1x128xf32>
    %add3A = vector.broadcast %get3A_8 : vector<1x128xf32> to vector<2048x128xf32>
    %add3A_9 = arith.addf %dot_general3A_5, %add3A : vector<2048x128xf32>
    %swap3A = arith.constant 0 : index
    %swap3A_10 = arith.constant 0 : index
    %swap3A_11 = vector.load %arg4[%swap3A, %swap3A_10] : memref<2048x128xf32, #tpu.memory_space<vmem>>, vector<2048x128xf32>
    tpu.vector_store %arg4[%swap3A, %swap3A_10], %add3A_9 {strides = array<i32>} : memref<2048x128xf32, #tpu.memory_space<vmem>>, vector<2048x128xf32>,
    return
  }
  func.func @transform_0(%arg0: i32) -> (i32, i32) {
    %c0_i32 = arith.constant 0 : i32
    %c0_i32_0 = arith.constant 0 : i32
    return %arg0, %c0_i32 : i32, i32
  }
  func.func @transform_1(%arg0: i32) -> (i32, i32) {
    %c0_i32 = arith.constant 0 : i32
    %c0_i32_0 = arith.constant 0 : i32
    %c0_i32_1 = arith.constant 0 : i32
    return %c0_i32, %c0_i32_0 : i32, i32
  }
  func.func @transform_2(%arg0: i32) -> (i32, i32) {
    %c0_i32 = arith.constant 0 : i32
    %c0_i32_0 = arith.constant 0 : i32
    %c0_i32_1 = arith.constant 0 : i32
    return %c0_i32, %c0_i32_0 : i32, i32
  }
  func.func @transform_3(%arg0: i32) -> (i32, i32) {
    %c0_i32 = arith.constant 0 : i32
    %c0_i32_0 = arith.constant 0 : i32
    return %arg0, %c0_i32 : i32, i32
  }
}

module attributes {stable_mosaic.version = 14 : i64} {
  func.func @_post_body(%arg0: i32, %arg1: memref<2048x128xf32, #tpu.memory_space<vmem>>, %arg2: memref<2048x128xf32, #tpu.memory_space<vmem>>, %arg3: memref<128x128xf32, #tpu.memory_space<vmem>>, %arg4: memref<128x128xf32, #tpu.memory_space<vmem>>, %arg5: memref<128x128xf32, #tpu.memory_space<vmem>>, %arg6: memref<1x128xf32, #tpu.memory_space<vmem>>, %arg7: memref<128x128xf32, #tpu.memory_space<vmem>>, %arg8: memref<1x128xf32, #tpu.memory_space<vmem>>, %arg9: memref<1x128xf32, #tpu.memory_space<vmem>>, %arg10: memref<1x128xf32, #tpu.memory_space<vmem>>, %arg11: memref<2048x128xf32, #tpu.memory_space<vmem>>) attributes {dimension_semantics = [#tpu.dimension_semantics<arbitrary>], iteration_bounds = array<i64: 5>, scalar_prefetch = 0 : i64, scratch_operands = 0 : i64, tpu.core_type = #tpu.core_type<tc>, window_params = [{transform_indices = @transform_0, window_bounds = array<i64: 2048, 128>}, {transform_indices = @transform_1, window_bounds = array<i64: 2048, 128>}, {pipeline_mode = #tpu.pipeline_mode<synchronous>, transform_indices = @transform_2, window_bounds = array<i64: 128, 128>}, {pipeline_mode = #tpu.pipeline_mode<synchronous>, transform_indices = @transform_3, window_bounds = array<i64: 128, 128>}, {pipeline_mode = #tpu.pipeline_mode<synchronous>, transform_indices = @transform_4, window_bounds = array<i64: 128, 128>}, {pipeline_mode = #tpu.pipeline_mode<synchronous>, transform_indices = @transform_5, window_bounds = array<i64: 1, 128>}, {pipeline_mode = #tpu.pipeline_mode<synchronous>, transform_indices = @transform_6, window_bounds = array<i64: 128, 128>}, {pipeline_mode = #tpu.pipeline_mode<synchronous>, transform_indices = @transform_7, window_bounds = array<i64: 1, 128>}, {pipeline_mode = #tpu.pipeline_mode<synchronous>, transform_indices = @transform_8, window_bounds = array<i64: 1, 128>}, {pipeline_mode = #tpu.pipeline_mode<synchronous>, transform_indices = @transform_9, window_bounds = array<i64: 1, 128>}, {transform_indices = @transform_10, window_bounds = array<i64: 2048, 128>}]} {
    %get3A = arith.constant 0 : index
    %get3A_0 = arith.constant 0 : index
    %get3A_1 = vector.load %arg2[%get3A, %get3A_0] : memref<2048x128xf32, #tpu.memory_space<vmem>>, vector<2048x128xf32>
    %get3A_2 = arith.constant 0 : index
    %get3A_3 = arith.constant 0 : index
    %get3A_4 = vector.load %arg3[%get3A_2, %get3A_3] : memref<128x128xf32, #tpu.memory_space<vmem>>, vector<128x128xf32>
    %dot_general3A = arith.constant dense<0.000000e+00> : vector<2048x128xf32>
    %dot_general3A_5 = tpu.matmul %get3A_1, %get3A_4, %dot_general3A {dimension_numbers = #tpu.dot_dimension_numbers<[1], [0], [0], [1], [0, 0, 1, 1], [], []>, transpose_lhs_hint = false} : vector<2048x128xf32>, vector<128x128xf32>, vector<2048x128xf32> -> vector<2048x128xf32>
    %get3A_6 = arith.constant 0 : index
    %get3A_7 = arith.constant 0 : index
    %get3A_8 = vector.load %arg1[%get3A_6, %get3A_7] : memref<2048x128xf32, #tpu.memory_space<vmem>>, vector<2048x128xf32>
    %get3A_9 = arith.constant 0 : index
    %get3A_10 = arith.constant 0 : index
    %get3A_11 = vector.load %arg4[%get3A_9, %get3A_10] : memref<128x128xf32, #tpu.memory_space<vmem>>, vector<128x128xf32>
    %dot_general3A_12 = arith.constant dense<0.000000e+00> : vector<2048x128xf32>
    %dot_general3A_13 = tpu.matmul %get3A_8, %get3A_11, %dot_general3A_12 {dimension_numbers = #tpu.dot_dimension_numbers<[1], [0], [0], [1], [0, 0, 1, 1], [], []>, transpose_lhs_hint = false} : vector<2048x128xf32>, vector<128x128xf32>, vector<2048x128xf32> -> vector<2048x128xf32>
    %get3A_14 = arith.constant 0 : index
    %get3A_15 = arith.constant 0 : index
    %get3A_16 = vector.load %arg5[%get3A_14, %get3A_15] : memref<128x128xf32, #tpu.memory_space<vmem>>, vector<128x128xf32>
    %dot_general3A_17 = arith.constant dense<0.000000e+00> : vector<2048x128xf32>
    %dot_general3A_18 = tpu.matmul %dot_general3A_5, %get3A_16, %dot_general3A_17 {dimension_numbers = #tpu.dot_dimension_numbers<[1], [0], [0], [1], [0, 0, 1, 1], [], []>, transpose_lhs_hint = false} : vector<2048x128xf32>, vector<128x128xf32>, vector<2048x128xf32> -> vector<2048x128xf32>
    %add3A = arith.addf %dot_general3A_13, %dot_general3A_18 : vector<2048x128xf32>
    %get3A_19 = arith.constant 0 : index
    %get3A_20 = arith.constant 0 : index
    %get3A_21 = vector.load %arg6[%get3A_19, %get3A_20] : memref<1x128xf32, #tpu.memory_space<vmem>>, vector<1x128xf32>
    %add3A_22 = vector.broadcast %get3A_21 : vector<1x128xf32> to vector<2048x128xf32>
    %add3A_23 = arith.addf %add3A, %add3A_22 : vector<2048x128xf32>
    %max3A = arith.constant 0.000000e+00 : f32
    %max3A_24 = vector.broadcast %max3A : f32 to vector<2048x128xf32>
    %max3A_25 = arith.maximumf %add3A_23, %max3A_24 : vector<2048x128xf32>
    %get3A_26 = arith.constant 0 : index
    %get3A_27 = arith.constant 0 : index
    %get3A_28 = vector.load %arg7[%get3A_26, %get3A_27] : memref<128x128xf32, #tpu.memory_space<vmem>>, vector<128x128xf32>
    %dot_general3A_29 = arith.constant dense<0.000000e+00> : vector<2048x128xf32>
    %dot_general3A_30 = tpu.matmul %max3A_25, %get3A_28, %dot_general3A_29 {dimension_numbers = #tpu.dot_dimension_numbers<[1], [0], [0], [1], [0, 0, 1, 1], [], []>, transpose_lhs_hint = false} : vector<2048x128xf32>, vector<128x128xf32>, vector<2048x128xf32> -> vector<2048x128xf32>
    %add3A_31 = arith.addf %get3A_8, %dot_general3A_30 : vector<2048x128xf32>
    %get3A_32 = arith.constant 0 : index
    %get3A_33 = arith.constant 0 : index
    %get3A_34 = vector.load %arg8[%get3A_32, %get3A_33] : memref<1x128xf32, #tpu.memory_space<vmem>>, vector<1x128xf32>
    %add3A_35 = vector.broadcast %get3A_34 : vector<1x128xf32> to vector<2048x128xf32>
    %add3A_36 = arith.addf %add3A_31, %add3A_35 : vector<2048x128xf32>
    %reduce_sum3A = arith.constant dense<0.000000e+00> : vector<2048xf32>
    %reduce_sum3A_37 = vector.multi_reduction <add>, %add3A_36, %reduce_sum3A [1] : vector<2048x128xf32> to vector<2048xf32>
    %broadcast_in_dim3A = vector.shape_cast %reduce_sum3A_37 : vector<2048xf32> to vector<2048x1xf32>
    %div3A = arith.constant 1.280000e+02 : f32
    %div3A_38 = vector.broadcast %div3A : f32 to vector<2048x1xf32>
    %div3A_39 = arith.divf %broadcast_in_dim3A, %div3A_38 : vector<2048x1xf32>
    %sub3A = vector.broadcast %div3A_39 : vector<2048x1xf32> to vector<2048x128xf32>
    %sub3A_40 = arith.subf %add3A_36, %sub3A : vector<2048x128xf32>
    %integer_pow3A = arith.mulf %sub3A_40, %sub3A_40 : vector<2048x128xf32>
    %reduce_sum3A_41 = arith.constant dense<0.000000e+00> : vector<2048xf32>
    %reduce_sum3A_42 = vector.multi_reduction <add>, %integer_pow3A, %reduce_sum3A_41 [1] : vector<2048x128xf32> to vector<2048xf32>
    %broadcast_in_dim3A_43 = vector.shape_cast %reduce_sum3A_42 : vector<2048xf32> to vector<2048x1xf32>
    %div3A_44 = arith.constant 1.280000e+02 : f32
    %div3A_45 = vector.broadcast %div3A_44 : f32 to vector<2048x1xf32>
    %div3A_46 = arith.divf %broadcast_in_dim3A_43, %div3A_45 : vector<2048x1xf32>
    %sub3A_47 = vector.broadcast %div3A_39 : vector<2048x1xf32> to vector<2048x128xf32>
    %sub3A_48 = arith.subf %add3A_36, %sub3A_47 : vector<2048x128xf32>
    %add3A_49 = arith.constant 9.99999974E-6 : f32
    %add3A_50 = vector.broadcast %add3A_49 : f32 to vector<2048x1xf32>
    %add3A_51 = arith.addf %div3A_46, %add3A_50 : vector<2048x1xf32>
    %rsqrt3A = math.rsqrt %add3A_51 : vector<2048x1xf32>
    %mul3A = vector.broadcast %rsqrt3A : vector<2048x1xf32> to vector<2048x128xf32>
    %mul3A_52 = arith.mulf %sub3A_48, %mul3A : vector<2048x128xf32>
    %get3A_53 = arith.constant 0 : index
    %get3A_54 = arith.constant 0 : index
    %get3A_55 = vector.load %arg9[%get3A_53, %get3A_54] : memref<1x128xf32, #tpu.memory_space<vmem>>, vector<1x128xf32>
    %mul3A_56 = vector.broadcast %get3A_55 : vector<1x128xf32> to vector<2048x128xf32>
    %mul3A_57 = arith.mulf %mul3A_52, %mul3A_56 : vector<2048x128xf32>
    %get3A_58 = arith.constant 0 : index
    %get3A_59 = arith.constant 0 : index
    %get3A_60 = vector.load %arg10[%get3A_58, %get3A_59] : memref<1x128xf32, #tpu.memory_space<vmem>>, vector<1x128xf32>
    %add3A_61 = vector.broadcast %get3A_60 : vector<1x128xf32> to vector<2048x128xf32>
    %add3A_62 = arith.addf %mul3A_57, %add3A_61 : vector<2048x128xf32>
    %swap3A = arith.constant 0 : index
    %swap3A_63 = arith.constant 0 : index
    %swap3A_64 = vector.load %arg11[%swap3A, %swap3A_63] : memref<2048x128xf32, #tpu.memory_space<vmem>>, vector<2048x128xf32>
    tpu.vector_store %arg11[%swap3A, %swap3A_63], %add3A_62 {strides = array<i32>} : memref<2048x128xf32, #tpu.memory_space<vmem>>, vector<2048x128xf32>,
    return
  }
  func.func @transform_0(%arg0: i32) -> (i32, i32) {
    %c0_i32 = arith.constant 0 : i32
    %c0_i32_0 = arith.constant 0 : i32
    return %arg0, %c0_i32 : i32, i32
  }
  func.func @transform_1(%arg0: i32) -> (i32, i32) {
    %c0_i32 = arith.constant 0 : i32
    %c0_i32_0 = arith.constant 0 : i32
    return %arg0, %c0_i32 : i32, i32
  }
  func.func @transform_2(%arg0: i32) -> (i32, i32) {
    %c0_i32 = arith.constant 0 : i32
    %c0_i32_0 = arith.constant 0 : i32
    %c0_i32_1 = arith.constant 0 : i32
    return %c0_i32, %c0_i32_0 : i32, i32
  }
  func.func @transform_3(%arg0: i32) -> (i32, i32) {
    %c0_i32 = arith.constant 0 : i32
    %c0_i32_0 = arith.constant 0 : i32
    %c0_i32_1 = arith.constant 0 : i32
    return %c0_i32, %c0_i32_0 : i32, i32
  }
  func.func @transform_4(%arg0: i32) -> (i32, i32) {
    %c0_i32 = arith.constant 0 : i32
    %c0_i32_0 = arith.constant 0 : i32
    %c0_i32_1 = arith.constant 0 : i32
    return %c0_i32, %c0_i32_0 : i32, i32
  }
  func.func @transform_5(%arg0: i32) -> (i32, i32) {
    %c0_i32 = arith.constant 0 : i32
    %c0_i32_0 = arith.constant 0 : i32
    %c0_i32_1 = arith.constant 0 : i32
    return %c0_i32, %c0_i32_0 : i32, i32
  }
  func.func @transform_6(%arg0: i32) -> (i32, i32) {
    %c0_i32 = arith.constant 0 : i32
    %c0_i32_0 = arith.constant 0 : i32
    %c0_i32_1 = arith.constant 0 : i32
    return %c0_i32, %c0_i32_0 : i32, i32
  }
  func.func @transform_7(%arg0: i32) -> (i32, i32) {
    %c0_i32 = arith.constant 0 : i32
    %c0_i32_0 = arith.constant 0 : i32
    %c0_i32_1 = arith.constant 0 : i32
    return %c0_i32, %c0_i32_0 : i32, i32
  }
  func.func @transform_8(%arg0: i32) -> (i32, i32) {
    %c0_i32 = arith.constant 0 : i32
    %c0_i32_0 = arith.constant 0 : i32
    %c0_i32_1 = arith.constant 0 : i32
    return %c0_i32, %c0_i32_0 : i32, i32
  }
  func.func @transform_9(%arg0: i32) -> (i32, i32) {
    %c0_i32 = arith.constant 0 : i32
    %c0_i32_0 = arith.constant 0 : i32
    %c0_i32_1 = arith.constant 0 : i32
    return %c0_i32, %c0_i32_0 : i32, i32
  }
  func.func @transform_10(%arg0: i32) -> (i32, i32) {
    %c0_i32 = arith.constant 0 : i32
    %c0_i32_0 = arith.constant 0 : i32
    return %arg0, %c0_i32 : i32, i32
  }
}

</mosaic_0001>

<sc_bundles>
// kernel: kernel.17.cloned.1.call-start
scs
__scs_entry_jumppad:
0x0: {  	(pc) =	sbr.rel $0x88, $3  }
0x1: {  	(tag) =	ssettag $0x0;
	lr =	simm.s32 $0x1  }
0x2: {  	[smem:$0x3F7B] =	sst lr;
	_ =	strace $0xD0000000  }
0x3: {  	_ = 	snop  }
0x4: {  	_ = 	snop  }
0x5: {  	_ = 	snop  }
0x6: {  	_ = 	snop  }
0x7: {  	_ = 	snop  }
__scs_overlays_trampoline_lowered:
0x8: {  	[smem:$0x3F8A] =	sst s0  }
0x9: {  	[smem:$0x3F8B] =	sst s1  }
0xa: {  	[smem:$0x3F8C] =	sst s2  }
0xb: {  	[smem:$0x3F8D] =	sst s3  }
0xc: {  	[smem:$0x3F8E] =	sst s4  }
0xd: {  	[smem:$0x3F8F] =	sst s5  }
0xe: {  	[smem:$0x3F90] =	sst s6  }
0xf: {  	[smem:$0x3F91] =	sst s7  }
0x10: {  	[smem:$0x3F92] =	sst s8  }
0x11: {  	[smem:$0x3F93] =	sst s9;
	s0 =	simm.s32 @!p0 $0x0  }
0x12: {  	s1 =	sld [smem:$0x3F79];
	s0 =	simm.s32 @p0 $0x1  }
0x13: {  	[smem:$0x3F94] =	sst s0;
	s0 =	simm.s32 @!p1 $0x0  }
0x14: {  	s2 =	sld [smem:$0x3F78];
	s0 =	simm.s32 @p1 $0x1  }
0x15: {  	[smem:$0x3F95] =	sst s0;
	s0 =	simm.s32 @!p2 $0x0  }
0x16: {  	s3 =	sld [smem:$0x3FDB];
	s0 =	simm.s32 @p2 $0x1  }
0x17: {  	s4 =	simm.s32 $0x1BF5;
	[smem:$0x3F97] =	sst s0  }
0x18: {  	s0 =	sld [smem:$0x3F7A];
	_ =	swait.ge [sflag:s4], $0x0  }
0x19: {  	s7 =	sld [smem:$0x3F7B]  }
0x1a: {  	s8 =	sadd.s32 $0xFFFFE003, lr  }
0x1b: {  	s9 =	sadd.s32 $0xFFFFFEF7, lr;
	s5 =	simm.s32 $0xFFFFFFFF;
	p2 =	slt.u32 s8, $0xFFFFF086  }
0x1c: {  	p1 =	slt.u32 s9, $0xF7A;
	s5 =	simm.s32 @!p2 $0x0  }
0x1d: {  	s5 =	simm.s32 @p1 $0x1;
	p0 =	seq.s32 s7, s2  }
0x1e: {  	s7 =	smul.u32 @!p0 $0xF7A, s2;
	p2 =	seq.s32 @!p0 s5, $0x0  }
0x1f: {  	s9 =	smul.u32 $0xF7A, s1;
	s8 =	simm.s32 @!p0 $0x1BF5;
	p2 =	por !p2, p0  }
0x20: {  	[sflag:s8] =	ssyncset.s32 @!p0 $0xFFFFF086;
	s6 =	sadd.s32 @!p0 s3, s7;
	s7 =	simm.s32 @!p0 $0x108  }
0x21: {  	s3 =	sadd.s32 s3, s9;
	s6 =	sadd.s32 @!p0 $0x88, s6;
	s7 =	simm.s32 @p2 $0x1082  }
0x22: {  	[simem:s7], [sflag:s8] =	dma.local @!p0 [hbm:s6], $0xF7A  }
0x23: {  	s9 =	sor.u32 $0xD0000000, s2;
	s6 =	simm.s32 $0x108;
	_ =	swait.ge @!p0 [sflag:s8], $0x0  }
0x24: {  	s3 =	sadd.s32 $0x88, s3;
	s6 =	simm.s32 @!p1 $0x1082;
	[sflag:s4] =	ssyncset.s32 $0xFFFFF086  }
0x25: {  	[simem:s6], [sflag:s4] =	dma.local [hbm:s3], $0xF7A  }
0x26: {  	[smem:$0x3F7B] =	sst s1;
	(tag) =	ssettag s2;
	_ =	strace s9  }
0x27: {  	s1 =	sld [smem:$0x3F8B]  }
0x28: {  	s2 =	sld [smem:$0x3F8C]  }
0x29: {  	s4 =	sld [smem:$0x3F8E]  }
0x2a: {  	p0 =	seq.s32 s5, $0x0;
	s5 =	sld [smem:$0x3F8F]  }
0x2b: {  	s6 =	sld [smem:$0x3F90]  }
0x2c: {  	s7 =	sld [smem:$0x3F91]  }
0x2d: {  	s3 =	simm.s32 $0x108;
	s8 =	sld [smem:$0x3F92]  }
0x2e: {  	s3 =	simm.s32 @!p0 $0x1082;
	s9 =	sld [smem:$0x3F93]  }
0x2f: {  	lr =	sadd.s32 s0, s3;
	s0 =	sld [smem:$0x3F8A]  }
0x30: {  	s3 =	sld [smem:$0x3F8D]  }
0x31: {  	[smem:$0x3F96] =	sst s10  }
0x32: {  	s10 =	sld [smem:$0x3F94];
	_ =	sdelay $0x3  }
0x33: {  	p0 =	seq.s32 s10, $0x1;
	s10 =	sld [smem:$0x3F96];
	_ =	sdelay $0x3  }
0x34: {  	[smem:$0x3F96] =	sst s10  }
0x35: {  	s10 =	sld [smem:$0x3F95];
	_ =	sdelay $0x3  }
0x36: {  	p1 =	seq.s32 s10, $0x1;
	s10 =	sld [smem:$0x3F96];
	_ =	sdelay $0x3  }
0x37: {  	[smem:$0x3F96] =	sst s10  }
0x38: {  	s10 =	sld [smem:$0x3F97]  }
0x39: {  	_ = 	snop;
	(pc) =	sbr.ind lr, $3  }
0x3a: {  	_ = 	snop  }
0x3b: {  	_ = 	snop  }
0x3c: {  	p2 =	seq.s32 s10, $0x1;
	s10 =	sld [smem:$0x3F96]  }
0x3d: {  	_ =	shalt  }
0x3e: {  	_ =	shalt  }
0x3f: {  	_ =	shalt  }
0x40: {  	_ =	shalt  }
0x41: {  	_ =	shalt  }
0x42: {  	_ =	shalt  }
0x43: {  	_ =	shalt  }
0x44: {  	_ =	shalt  }
0x45: {  	_ =	shalt  }
0x46: {  	_ =	shalt  }
0x47: {  	_ =	shalt  }
0x48: {  	_ =	shalt  }
0x49: {  	_ =	shalt  }
0x4a: {  	_ =	shalt  }
0x4b: {  	_ =	shalt  }
0x4c: {  	_ =	shalt  }
0x4d: {  	_ =	shalt  }
0x4e: {  	_ =	shalt  }
0x4f: {  	_ =	shalt  }
0x50: {  	_ =	shalt  }
0x51: {  	_ =	shalt  }
0x52: {  	_ =	shalt  }
0x53: {  	_ =	shalt  }
0x54: {  	_ =	shalt  }
0x55: {  	_ =	shalt  }
0x56: {  	_ =	shalt  }
0x57: {  	_ =	shalt  }
0x58: {  	_ =	shalt  }
0x59: {  	_ =	shalt  }
0x5a: {  	_ =	shalt  }
0x5b: {  	_ =	shalt  }
0x5c: {  	_ =	shalt  }
0x5d: {  	_ =	shalt  }
0x5e: {  	_ =	shalt  }
0x5f: {  	_ =	shalt  }
0x60: {  	_ =	shalt  }
0x61: {  	_ =	shalt  }
0x62: {  	_ =	shalt  }
0x63: {  	_ =	shalt  }
0x64: {  	_ =	shalt  }
0x65: {  	_ =	shalt  }
0x66: {  	_ =	shalt  }
0x67: {  	_ =	shalt  }
0x68: {  	_ =	shalt  }
0x69: {  	_ =	shalt  }
0x6a: {  	_ =	shalt  }
0x6b: {  	_ =	shalt  }
0x6c: {  	_ =	shalt  }
0x6d: {  	_ =	shalt  }
0x6e: {  	_ =	shalt  }
0x6f: {  	_ =	shalt  }
0x70: {  	_ =	shalt  }
0x71: {  	_ =	shalt  }
0x72: {  	_ =	shalt  }
0x73: {  	_ =	shalt  }
0x74: {  	_ =	shalt  }
0x75: {  	_ =	shalt  }
0x76: {  	_ =	shalt  }
0x77: {  	_ =	shalt  }
0x78: {  	_ =	shalt  }
0x79: {  	_ =	shalt  }
0x7a: {  	_ =	shalt  }
0x7b: {  	_ =	shalt  }
0x7c: {  	_ =	shalt  }
0x7d: {  	_ =	shalt  }
0x7e: {  	_ =	shalt  }
0x7f: {  	_ =	shalt  }
0x80: {  	_ =	shalt  }
0x81: {  	_ =	shalt  }
0x82: {  	_ =	shalt  }
0x83: {  	_ =	shalt  }
0x84: {  	_ =	shalt  }
0x85: {  	_ =	shalt  }
0x86: {  	_ =	shalt  }
0x87: {  	_ =	shalt  }
.Lfunc_end0:
.L_simem_size_0:
called_computation_lowered:
.L_overlay_start_0:
0x88: {  	s2 =	sld [smem:$0x3FD9]  }
0x89: {  	s3 =	sld [smem:$0x3FFE];
	_ =	sdelay $0x1  }
0x8a: {  	s1 =	srdreg.scid  }
0x8b: {  	s0 =	sand.u32 $0x1, s1  }
0x8c: {  	s16 =	sshll.u32 s0, $0xA;
	s2 =	sadd.s32 s3, s2  }
0x8d: {  	s2 =	sadd.s32 s2, s16  }
0x8e: {  	[smem:$0x3FA2] =	sst s2  }
0x8f: {  	_ = 	snop  }
0x90: {  	(tm) =	ssettm $0x1  }
0x91: {  	s17 =	sld [smem:$0x3FFB];
	_ =	sdelay $0x3  }
0x92: {  	_ =	strace s17  }
0x93: {  	s2 =	sld [smem:$0x3FFC];
	_ =	sdelay $0x3  }
0x94: {  	_ =	strace s2  }
0x95: {  	s2 =	sld [smem:$0x3FFD];
	_ =	sdelay $0x3  }
0x96: {  	_ =	strace s2  }
0x97: {  	_ =	strace $0x8FFFFFFF  }
0x98: {  	s18 =	sld [smem:$0x3FDB];
	_ =	sdelay $0x1  }
0x99: {  	s19 =	simm.s32 $_scs_section_size  }
0x9a: {  	s4 =	simm.s32 $_size__tile_overlayer_lowered;
	s5 =	simm.s32 $_tile_overlayer_lowered  }
0x9b: {  	s22 =	simm.s32 $0x1BFF;
	s21 =	sshll.u32 s5, $0x1;
	s2 =	sadd.s32 s19, s18  }
0x9c: {  	s6 =	simm.s32 $0x0;
	s20 =	sshll.u32 s4, $0x1;
	s4 =	sadd.s32 s21, s2  }
0x9d: {  	[timem:s6], [sflag:s22] =	dma.local [hbm:s4], s20  }
0x9e: {  	_ =	swait.ge [sflag:s22], s20  }
0x9f: {  	s3 =	ssub.s32 $0x0, s20;
	[sflag:s22] =	ssyncset.done $0x0  }
0xa0: {  	[sflag:s22] =	ssyncadd.s32 s3;
	_ =	sdelay $0x1  }
0xa1: {  	s23 =	simm.s32 $0x1B8B  }
0xa2: {  	_ =	swait.ge [sflag:s23], $0x1  }
0xa3: {  	[sflag:s23] =	ssyncset.done $0x0  }
0xa4: {  	s25 =	simm.s32 $0x1B8E;
	s24 =	sld [smem:$0x3FFE];
	[sflag:s23] =	ssyncadd.s32 $0xFFFFFFFF  }
0xa5: {  	s26 =	simm.s32 $execute0_lowered;
	[smem:$0x3FD2] =	sst s25  }
0xa6: {  	s4 =	sshll.u32 s26, $0x1;
	_ =	strace $0x80000046;
	[dreg:$0x1] =	wrdreg $0xFFFFFFFF  }
0xa7: {  	s28 =	simm.s32 $_size_execute0_lowered;
	s2 =	sadd.s32 s2, s4;
	[dreg:$0x0] =	wrdreg $0x0  }
0xa8: {  	s4 =	sshll.u32 s28, $0x1;
	[dreg:$0x2] =	wrdreg s2  }
0xa9: {  	[dreg:$0x3] =	wrdreg s4  }
0xaa: {  	[dreg:$0x4] =	wrdreg $0xC0  }
0xab: {  	_ =	task [dreg:s6], $0x5FFFF  }
0xac: {  	[dreg:$0x1] =	wrdreg $0xFFFFFFFF  }
0xad: {  	[dreg:$0x0] =	wrdreg $0x60  }
0xae: {  	[dreg:$0x2] =	wrdreg s24  }
0xaf: {  	[dreg:$0x3] =	wrdreg $0x9  }
0xb0: {  	_ =	task.clear_ibuf [dreg:s6], $0x4FFFF;
	_ =	strace $0x90000046  }
0xb1: {  	s29 =	simm.s32 $0x9;
	_ =	strace $0x80000048  }
0xb2: {  	_ =	swait.ge [sflag:s29], $0x1  }
0xb3: {  	[sflag:s29] =	ssyncadd.s32 $0xFFFFFFFF  }
0xb4: {  	_ =	strace $0x90000048  }
0xb5: {  	_ =	sfence  }
0xb6: {  	s30 =	sld [smem:$0x0];
	_ =	sdelay $0x2  }
0xb7: {  	s31 =	sshll.u32 s1, $0xD;
	s1 =	sshrl.u32 s1, $0x2  }
0xb8: {  	s3 =	sand.u32 $0x4000, s31;
	s1 =	sadd.s32 s1, s30  }
0xb9: {  	s0 =	sor.u32 s3, s0;
	s1 =	sshll.u32 s1, $0x11  }
0xba: {  	s0 =	sor.u32 s1, s0  }
0xbb: {  	s0 =	sadd.s32 $0x8F2B, s0  }
0xbc: {  	[sflag:s0] =	ssyncadd.remote.s32 $0x1  }
0xbd: {  	_ =	sfence.sel $0xFFFF  }
0xbe: {  	[dreg:$0x0] =	wrdreg $0xFFFFFFFF;
	(pc) =	sbr.abs _section_cstart, $3  }
0xbf: {  	[dreg:$0x1] =	wrdreg $0xFFFFFFFF  }
0xc0: {  	_ =	task.clear_ibuf [dreg:s6], $0x2FFFF;
	_ =	strace $0x9FFFFFFF  }
0xc1: {  	(tm) =	ssettm $0x7FFFFFFF  }
tec
execute0_lowered:
.L_overlay_start_1:
0x0: {  	(tag) =	ssettag $0x1  }
0x1: {  	s5 =	rddreg [dreg:$0x0]  }
0x2: {  	s1 =	srdreg.scid;
	s0 =	rddreg [dreg:$0x1]  }
0x3: {  	s2 =	simm.s32 $0x0;
	s11 =	simm.s32 $0x1;
	s12 =	simm.s32 $0x2  }
0x4: {  	s13 =	simm.s32 $0x800;
	s16 =	simm.s32 $0x80;
	s17 =	simm.s32 $0x3  }
0x5: {  	s18 =	simm.s32 $0x9380;
	s19 =	simm.s32 $0x0;
	s6 =	sand.u32 $0x1, s1  }
0x6: {  	s1 =	stileid.u32;
	[smem:$0x7FF] =	sst s2;
	s3 =	sshll.u32 s6, $0x4  }
0x7: {  	s4 =	sadd.s32 $0x12000, s5;
	s6 =	ssub.s32 $0x2, s6;
	s7 =	sor.u32 s1, s3  }
0x8: {  	_ =	strace $0x80000047;
	s9 =	sshrl.u32 s6, $0x1;
	s8 =	smul.u32 $0x2E80, s7  }
0x9: {  	s14 =	smul.u32 $0x140, s7;
	s7 =	sshll.u32 s7, $0x7;
	s9 =	ssub.s32 s6, s9  }
0xa: {  	s3 =	sadd.s32 $0x8200, s5;
	s10 =	sadd.s32 s7, s5;
	s9 =	smax.u32 s9, $0x1  }
0xb: {  	s8 =	sadd.s32 s8, s5;
	s15 =	sadd.s32 $0x140, s14;
	v0 =	vmov s14;
	s14 =	simm.s32 $0x3680  }
0xc: {  	v2 =	vimm.s32 $0x0;
	s5 =	sadd.s32 $0x1BE00, s8;
	s6 =	sadd.s32 $0x78E00, s8;
	s7 =	sadd.s32 $0xD5E00, s8  }
0xd: {  	v3 =	vimm.s32 $0x140;
	v4 =	vlaneseq.u32;
	s8 =	sadd.s32 $0x132E00, s10;
	s10 =	simm.s32 $0x400;
	v1 =	vmov s15;
	s15 =	simm.s32 $0x6500  }
.LBB2_1:
0xe: {  	s20 =	simm.s32 $0x40;
	s21 =	simm.s32 $0x0  }
.LBB2_2:
0xf: {  	p0 =	sne.s32 s20, $0xB9C0;
	[tilespmem:s21+$0x3680] =	vst v3;
	s22 =	smov.u32 s20;
	s20 =	sadd.s32 $0x40, s20  }
.Ltmp0:
0x10: {  	[tilespmem:s21+$0x800] =	vst v2;
	(pc) =	sbr.rel @p0 .LBB2_2-.Ltmp0, $2  }
0x11: {  	[tilespmem:s21+$0x6500] =	vst v2;
	_ =	sdelay $0x2  }
0x12: {  	s21 =	sshra.s32 s22, $0x2  }
0x13: {  	[tilespmem:s21+$0x3680] =	vst v3  }
0x14: {  	s20 =	simm.s32 $0x0;
	[tilespmem:s21+$0x800] =	vst v2  }
0x15: {  	[tilespmem:s21+$0x6500] =	vst v2;
	s21 =	simm.s32 $0x0;
	s23 =	simm.s32 $0x0;
	s22 =	simm.s32 $0x0  }
.LBB2_4:
0x16: {  	s24 =	sshll.u32 s22, $0x7  }
0x17: {  	s25 =	sadd.s32 s3, s24  }
0x18: {  	[tilespmem:s20], [sflag:$0x1] =	stream.linear.gather [hbm4b:s25+s20], $0x400, $0x38;
	[tilespmem:$0x9400] =	vst v63  }
0x19: {  	s24 =	sadd.s32 s4, s24  }
0x1a: {  	[tilespmem:s10], [sflag:$0x2] =	stream.linear.gather [hbm4b:s24+s20], $0x400, $0x38;
	[tilespmem:$0x9400] =	vst v63  }
0x1b: {  	_ =	swait.ge [sflag:s11], $0x400  }
0x1c: {  	[sflag:s11] =	ssyncset.done $0x0  }
0x1d: {  	[sflag:s11] =	ssyncadd.s32 $0xFFFFFC00  }
0x1e: {  	_ =	swait.ge [sflag:s12], $0x400  }
0x1f: {  	[sflag:s12] =	ssyncset.done $0x0  }
0x20: {  	s31 =	simm.s32 $0x0;
	[sflag:s12] =	ssyncadd.s32 $0xFFFFFC00  }
0x21: {  	v5 =	vld [tilespmem:s31+$0x400];
	_ =	sdelay $0x4  }
0x22: {  	vm0 =	vge.s32 v5, v0;
	vm1 =	vlt.s32 v5, v1  }
0x23: {  	vm0 =	vmand vm0, vm1  }
0x24: {  	v6 =	vsel vm0, $0x1, v2  }
0x25: {  	(xrf0) =	vadd.scan.msk.s32 $0xffff, v6;
	_ =	sdelay $0x2  }
0x26: {  	v6 =	vmov s23  }
0x27: {  	v6 =	vadd.s32 $0xFFFFFFFF, v6  }
0x28: {  	v6 =	vbroadcast v6, $0x0  }
0x29: {  	v7, _, _ =	vpop (xrf0)  }
0x2a: {  	v6 =	vadd.s32 v7, v6  }
0x2b: {  	v7 =	vxor.u32 $0x80000000, v7;
	vm15 =	vlt.s32 v6, $0x2E70  }
0x2c: {  	v8 =	vld [tilespmem:s31+$0x0];
	(xrf0) =	vmax.scan.msk.u32 $0xffff, v7;
	v6 =	vnsel vm15, $0x2E70, v6;
	_ =	sdelay $0x2  }
0x2d: {  	v5 =	vsub.s32 v5, v0;
	_ =	sdelay $0x1  }
0x2e: {  	[tilespmem:v6+s13+$0x0] =	vst.idx.msk vm0, v8  }
0x2f: {  	[tilespmem:v6+s14+$0x0] =	vst.idx.msk vm0, v5;
	v5, _, _ =	vpop (xrf0)  }
0x30: {  	(v2sf) =	vpush v5, $0xF;
	_ =	sdelay $0x2  }
0x31: {  	v7 =	vor.u32 s21, v4  }
0x32: {  	s26 =	simm.s32 $0x10;
	[tilespmem:v6+s15+$0x0] =	vst.idx.msk vm0, v7  }
0x33: {  	s25 =	simm.s32 $0x80;
	s24 =	smov.u32 s21;
	v5 =	vld [tilespmem:s26+$0x0]  }
.LBB2_5:
0x34: {  	p0 =	sne.s32 s25, $0xFC0;
	v6 =	vld [tilespmem:s26+$0x400];
	_ =	sdelay $0x4  }
0x35: {  	vm0 =	vge.s32 v6, v0;
	vm1 =	vlt.s32 v6, v1;
	v6 =	vsub.s32 v6, v0  }
0x36: {  	vm0 =	vmand vm0, vm1  }
0x37: {  	v7 =	vsel vm0, $0x1, v2  }
0x38: {  	(xrf0) =	vadd.scan.msk.s32 $0xffff, v7  }
0x39: {  	s26 =	spop (v2sf)  }
0x3a: {  	s23 =	sadd.s32 s26, s23  }
0x3b: {  	s23 =	sadd.s32 $0x80000000, s23  }
0x3c: {  	p1 =	slt.s32 s23, $0x2E70  }
0x3d: {  	s23 =	simm.s32 @!p1 $0x2E70  }
0x3e: {  	v7 =	vmov s23;
	v8, _, _ =	vpop (xrf0)  }
0x3f: {  	v7 =	vadd.s32 $0xFFFFFFFF, v7;
	v9 =	vxor.u32 $0x80000000, v8  }
0x40: {  	v7 =	vbroadcast v7, $0x0;
	(xrf0) =	vmax.scan.msk.u32 $0xffff, v9;
	_ =	sdelay $0x1  }
0x41: {  	v7 =	vadd.s32 v8, v7  }
0x42: {  	vm1 =	vlt.s32 v7, $0x2E70  }
0x43: {  	v7 =	vnsel vm1, $0x2E70, v7;
	_ =	sdelay $0x1  }
0x44: {  	v8, _, _ =	vpop (xrf0)  }
0x45: {  	(v2sf) =	vpush v8, $0xF  }
.Ltmp1:
0x46: {  	(pc) =	sbr.rel @p0 .LBB2_5-.Ltmp1, $4  }
0x47: {  	s24 =	sadd.s32 $0x10, s24;
	[tilespmem:v7+s13+$0x0] =	vst.idx.msk vm0, v5  }
0x48: {  	v5 =	vor.u32 s24, v4;
	[tilespmem:v7+s14+$0x0] =	vst.idx.msk vm0, v6  }
0x49: {  	s26 =	sshra.s32 s25, $0x2;
	[tilespmem:v7+s15+$0x0] =	vst.idx.msk vm0, v5  }
0x4a: {  	s25 =	sadd.s32 $0x40, s25;
	v5 =	vld [tilespmem:s26+$0x0]  }
0x4b: {  	v6 =	vld [tilespmem:s26+$0x400];
	_ =	sdelay $0x4  }
0x4c: {  	vm0 =	vge.s32 v6, v0;
	vm1 =	vlt.s32 v6, v1  }
0x4d: {  	vm0 =	vmand vm0, vm1  }
0x4e: {  	v7 =	vsel vm0, $0x1, v2  }
0x4f: {  	(xrf0) =	vadd.scan.msk.s32 $0xffff, v7;
	_ =	sdelay $0x5  }
0x50: {  	v7, _, _ =	vpop (xrf0)  }
0x51: {  	v8 =	vxor.u32 $0x80000000, v7  }
0x52: {  	(xrf0) =	vmax.scan.msk.u32 $0xffff, v8;
	_ =	sdelay $0x5  }
0x53: {  	v8, _, _ =	vpop (xrf0)  }
0x54: {  	(v2sf) =	vpush v8, $0xF  }
0x55: {  	s25 =	spop (v2sf)  }
0x56: {  	s23 =	sadd.s32 s25, s23  }
0x57: {  	s23 =	sadd.s32 $0x80000000, s23  }
0x58: {  	p0 =	slt.s32 s23, $0x2E70  }
0x59: {  	s23 =	simm.s32 @!p0 $0x2E70  }
0x5a: {  	v63 =	vmov s23  }
0x5b: {  	v8 =	vadd.s32 $0xFFFFFFFF, v63  }
0x5c: {  	v8 =	vbroadcast v8, $0x0;
	_ =	sdelay $0x1  }
0x5d: {  	v7 =	vadd.s32 v7, v8  }
0x5e: {  	vm15 =	vlt.s32 v7, $0x2E70  }
0x5f: {  	v7 =	vnsel vm15, $0x2E70, v7  }
0x60: {  	s22 =	sadd.s32 $0x1, s22  }
0x61: {  	p1 =	sne.s32 s22, $0x13A  }
.Ltmp2:
0x62: {  	s30 =	spop (v2sf);
	(pc) =	sbr.rel @p1 .LBB2_4-.Ltmp2, $4  }
0x63: {  	s23 =	sadd.s32 s30, s23  }
0x64: {  	s31 =	sadd.s32 $0x10, s24;
	v6 =	vsub.s32 v6, v0;
	[tilespmem:v7+s13+$0x0] =	vst.idx.msk vm0, v5;
	s24 =	sadd.s32 $0x80000000, s23  }
0x65: {  	v5 =	vor.u32 s31, v4;
	[tilespmem:v7+s14+$0x0] =	vst.idx.msk vm0, v6;
	p0 =	slt.s32 s24, $0x2E70;
	s23 =	smov.u32 s24  }
0x66: {  	s21 =	sadd.s32 $0x400, s21;
	[tilespmem:v7+s15+$0x0] =	vst.idx.msk vm0, v5;
	s23 =	simm.s32 @!p0 $0x2E70  }
0x67: {  	s20 =	sadd.s32 $0x7F, s23  }
0x68: {  	s21 =	sand.u32 $0x7F, s20  }
0x69: {  	p0 =	slt.s32 s24, $0xFFFFFF82;
	s22 =	sshra.s32 s20, $0x1F;
	p1 =	sne.s32 s21, $0x0  }
0x6a: {  	s31 =	sshrl.u32 s22, $0x19;
	p0 =	por !p0, !p1  }
0x6b: {  	s21 =	simm.s32 $0x1;
	s20 =	sadd.s32 s31, s20;
	p0 =	por !p0, !p0  }
0x6c: {  	s20 =	sshra.s32 s20, $0x7;
	s21 =	simm.s32 @!p0 $0x0  }
0x6d: {  	s20 =	ssub.s32 s20, s21  }
0x6e: {  	v5 =	vmov s20  }
0x6f: {  	[tilespmem:$0x9380] =	vst v5  }
0x70: {  	[hbm4b:s5+s16] =	stream.strided.scatter [tilespmem:s13], [sflag:$0x3], $0x2E80, s10, s16, $0x38;
	[tilespmem:$0x9400] =	vst v63  }
0x71: {  	_ =	swait.ge [sflag:s17], $0x2E80  }
0x72: {  	[sflag:s17] =	ssyncset.done $0x0  }
0x73: {  	[sflag:s17] =	ssyncadd.s32 $0xFFFFD180  }
0x74: {  	[hbm4b:s6+s16] =	stream.strided.scatter [tilespmem:s14], [sflag:$0x3], $0x2E80, s10, s16, $0x38;
	[tilespmem:$0x9400] =	vst v63  }
0x75: {  	_ =	swait.ge [sflag:s17], $0x2E80  }
0x76: {  	[sflag:s17] =	ssyncset.done $0x0  }
0x77: {  	[sflag:s17] =	ssyncadd.s32 $0xFFFFD180  }
0x78: {  	[hbm4b:s7+s16] =	stream.strided.scatter [tilespmem:s15], [sflag:$0x3], $0x2E80, s10, s16, $0x38;
	[tilespmem:$0x9400] =	vst v63  }
0x79: {  	s19 =	sadd.s32 $0x1, s19;
	_ =	swait.ge [sflag:s17], $0x2E80  }
0x7a: {  	p0 =	sne.s32 s19, s9;
	[sflag:s17] =	ssyncset.done $0x0  }
.Ltmp3:
0x7b: {  	[sflag:s17] =	ssyncadd.s32 $0xFFFFD180;
	(pc) =	sbr.rel @p0 .LBB2_1-.Ltmp3, $4  }
0x7c: {  	[hbm4b:s8+s2] =	stream.linear.scatter [tilespmem:s18], [sflag:$0x3], $0x80, $0x38;
	[tilespmem:$0x9400] =	vst v63  }
0x7d: {  	_ =	swait.ge [sflag:s17], $0x80  }
0x7e: {  	[sflag:s17] =	ssyncset.done $0x0  }
0x7f: {  	[sflag:s17] =	ssyncadd.s32 $0xFFFFFF80  }
0x80: {  	_ =	sfence.sel $0x180000  }
0x81: {  	[bflag:$0x0] =	sbarrier.arrive $0xFFFF  }
0x82: {  	p0 =	sne.s32 s1, $0x0;
	_ =	strace $0x90000047  }
0x83: {  	s0 =	sadd.s32 @!p0 $0x100000, s0;
	[bflag:$0x2] =	sbarrier.arrive $0xFFFF  }
0x84: {  	[sflag:s0] =	ssyncadd.tile.s32 @!p0 $0x1;
	_ =	shalt  }
.Lfunc_end2:
_tile_overlayer_lowered:
.L_overlay_start_2:
0x85: {  	(tag) =	ssettag $0x2  }
0x86: {  	s0 =	rddreg [dreg:$0x0];
	s2 =	stileid.u32  }
0x87: {  	s1 =	rddreg [dreg:$0x1];
	p0 =	sne.s32 s2, $0x0  }
0x88: {  	s3 =	rddreg [dreg:$0x2];
	[bflag:$0x3] =	sbarrier.arrive $0xFFFF;
	s2 =	simm.s32 @!p0 $0x1C03  }
0x89: {  	[timem:s3], [sflag:s2] =	dma.local @!p0 [hbm:s0], s1  }
0x8a: {  	s0 =	simm.s32 @!p0 $0x3  }
0x8b: {  	_ =	swait.ge @!p0 [sflag:s0], s1  }
0x8c: {  	s1 =	ssub.s32 @!p0 $0x0, s1;
	[sflag:s0] =	ssyncset.done @!p0 $0x0  }
0x8d: {  	[sflag:s0] =	ssyncadd.s32 @!p0 s1  }
0x8e: {  	[bflag:$0x3] =	sbarrier.arrive $0xFFFF  }
0x8f: {  	_ =	shalt  }

// kernel: kernel.20.cloned.1.call-start
scs
__scs_entry_jumppad:
0x0: {  	(pc) =	sbr.rel $0x88, $3  }
0x1: {  	(tag) =	ssettag $0x0;
	lr =	simm.s32 $0x1  }
0x2: {  	[smem:$0x3F7B] =	sst lr;
	_ =	strace $0xD0000000  }
0x3: {  	_ = 	snop  }
0x4: {  	_ = 	snop  }
0x5: {  	_ = 	snop  }
0x6: {  	_ = 	snop  }
0x7: {  	_ = 	snop  }
__scs_overlays_trampoline_lowered:
0x8: {  	[smem:$0x3F8A] =	sst s0  }
0x9: {  	[smem:$0x3F8B] =	sst s1  }
0xa: {  	[smem:$0x3F8C] =	sst s2  }
0xb: {  	[smem:$0x3F8D] =	sst s3  }
0xc: {  	[smem:$0x3F8E] =	sst s4  }
0xd: {  	[smem:$0x3F8F] =	sst s5  }
0xe: {  	[smem:$0x3F90] =	sst s6  }
0xf: {  	[smem:$0x3F91] =	sst s7  }
0x10: {  	[smem:$0x3F92] =	sst s8  }
0x11: {  	[smem:$0x3F93] =	sst s9;
	s0 =	simm.s32 @!p0 $0x0  }
0x12: {  	s1 =	sld [smem:$0x3F79];
	s0 =	simm.s32 @p0 $0x1  }
0x13: {  	[smem:$0x3F94] =	sst s0;
	s0 =	simm.s32 @!p1 $0x0  }
0x14: {  	s2 =	sld [smem:$0x3F78];
	s0 =	simm.s32 @p1 $0x1  }
0x15: {  	[smem:$0x3F95] =	sst s0;
	s0 =	simm.s32 @!p2 $0x0  }
0x16: {  	s3 =	sld [smem:$0x3FDB];
	s0 =	simm.s32 @p2 $0x1  }
0x17: {  	s4 =	simm.s32 $0x1BF5;
	[smem:$0x3F97] =	sst s0  }
0x18: {  	s0 =	sld [smem:$0x3F7A];
	_ =	swait.ge [sflag:s4], $0x0  }
0x19: {  	s7 =	sld [smem:$0x3F7B]  }
0x1a: {  	s8 =	sadd.s32 $0xFFFFE003, lr  }
0x1b: {  	s9 =	sadd.s32 $0xFFFFFEF7, lr;
	s5 =	simm.s32 $0xFFFFFFFF;
	p2 =	slt.u32 s8, $0xFFFFF086  }
0x1c: {  	p1 =	slt.u32 s9, $0xF7A;
	s5 =	simm.s32 @!p2 $0x0  }
0x1d: {  	s5 =	simm.s32 @p1 $0x1;
	p0 =	seq.s32 s7, s2  }
0x1e: {  	s7 =	smul.u32 @!p0 $0xF7A, s2;
	p2 =	seq.s32 @!p0 s5, $0x0  }
0x1f: {  	s9 =	smul.u32 $0xF7A, s1;
	s8 =	simm.s32 @!p0 $0x1BF5;
	p2 =	por !p2, p0  }
0x20: {  	[sflag:s8] =	ssyncset.s32 @!p0 $0xFFFFF086;
	s6 =	sadd.s32 @!p0 s3, s7;
	s7 =	simm.s32 @!p0 $0x108  }
0x21: {  	s3 =	sadd.s32 s3, s9;
	s6 =	sadd.s32 @!p0 $0x88, s6;
	s7 =	simm.s32 @p2 $0x1082  }
0x22: {  	[simem:s7], [sflag:s8] =	dma.local @!p0 [hbm:s6], $0xF7A  }
0x23: {  	s9 =	sor.u32 $0xD0000000, s2;
	s6 =	simm.s32 $0x108;
	_ =	swait.ge @!p0 [sflag:s8], $0x0  }
0x24: {  	s3 =	sadd.s32 $0x88, s3;
	s6 =	simm.s32 @!p1 $0x1082;
	[sflag:s4] =	ssyncset.s32 $0xFFFFF086  }
0x25: {  	[simem:s6], [sflag:s4] =	dma.local [hbm:s3], $0xF7A  }
0x26: {  	[smem:$0x3F7B] =	sst s1;
	(tag) =	ssettag s2;
	_ =	strace s9  }
0x27: {  	s1 =	sld [smem:$0x3F8B]  }
0x28: {  	s2 =	sld [smem:$0x3F8C]  }
0x29: {  	s4 =	sld [smem:$0x3F8E]  }
0x2a: {  	p0 =	seq.s32 s5, $0x0;
	s5 =	sld [smem:$0x3F8F]  }
0x2b: {  	s6 =	sld [smem:$0x3F90]  }
0x2c: {  	s7 =	sld [smem:$0x3F91]  }
0x2d: {  	s3 =	simm.s32 $0x108;
	s8 =	sld [smem:$0x3F92]  }
0x2e: {  	s3 =	simm.s32 @!p0 $0x1082;
	s9 =	sld [smem:$0x3F93]  }
0x2f: {  	lr =	sadd.s32 s0, s3;
	s0 =	sld [smem:$0x3F8A]  }
0x30: {  	s3 =	sld [smem:$0x3F8D]  }
0x31: {  	[smem:$0x3F96] =	sst s10  }
0x32: {  	s10 =	sld [smem:$0x3F94];
	_ =	sdelay $0x3  }
0x33: {  	p0 =	seq.s32 s10, $0x1;
	s10 =	sld [smem:$0x3F96];
	_ =	sdelay $0x3  }
0x34: {  	[smem:$0x3F96] =	sst s10  }
0x35: {  	s10 =	sld [smem:$0x3F95];
	_ =	sdelay $0x3  }
0x36: {  	p1 =	seq.s32 s10, $0x1;
	s10 =	sld [smem:$0x3F96];
	_ =	sdelay $0x3  }
0x37: {  	[smem:$0x3F96] =	sst s10  }
0x38: {  	s10 =	sld [smem:$0x3F97]  }
0x39: {  	_ = 	snop;
	(pc) =	sbr.ind lr, $3  }
0x3a: {  	_ = 	snop  }
0x3b: {  	_ = 	snop  }
0x3c: {  	p2 =	seq.s32 s10, $0x1;
	s10 =	sld [smem:$0x3F96]  }
0x3d: {  	_ =	shalt  }
0x3e: {  	_ =	shalt  }
0x3f: {  	_ =	shalt  }
0x40: {  	_ =	shalt  }
0x41: {  	_ =	shalt  }
0x42: {  	_ =	shalt  }
0x43: {  	_ =	shalt  }
0x44: {  	_ =	shalt  }
0x45: {  	_ =	shalt  }
0x46: {  	_ =	shalt  }
0x47: {  	_ =	shalt  }
0x48: {  	_ =	shalt  }
0x49: {  	_ =	shalt  }
0x4a: {  	_ =	shalt  }
0x4b: {  	_ =	shalt  }
0x4c: {  	_ =	shalt  }
0x4d: {  	_ =	shalt  }
0x4e: {  	_ =	shalt  }
0x4f: {  	_ =	shalt  }
0x50: {  	_ =	shalt  }
0x51: {  	_ =	shalt  }
0x52: {  	_ =	shalt  }
0x53: {  	_ =	shalt  }
0x54: {  	_ =	shalt  }
0x55: {  	_ =	shalt  }
0x56: {  	_ =	shalt  }
0x57: {  	_ =	shalt  }
0x58: {  	_ =	shalt  }
0x59: {  	_ =	shalt  }
0x5a: {  	_ =	shalt  }
0x5b: {  	_ =	shalt  }
0x5c: {  	_ =	shalt  }
0x5d: {  	_ =	shalt  }
0x5e: {  	_ =	shalt  }
0x5f: {  	_ =	shalt  }
0x60: {  	_ =	shalt  }
0x61: {  	_ =	shalt  }
0x62: {  	_ =	shalt  }
0x63: {  	_ =	shalt  }
0x64: {  	_ =	shalt  }
0x65: {  	_ =	shalt  }
0x66: {  	_ =	shalt  }
0x67: {  	_ =	shalt  }
0x68: {  	_ =	shalt  }
0x69: {  	_ =	shalt  }
0x6a: {  	_ =	shalt  }
0x6b: {  	_ =	shalt  }
0x6c: {  	_ =	shalt  }
0x6d: {  	_ =	shalt  }
0x6e: {  	_ =	shalt  }
0x6f: {  	_ =	shalt  }
0x70: {  	_ =	shalt  }
0x71: {  	_ =	shalt  }
0x72: {  	_ =	shalt  }
0x73: {  	_ =	shalt  }
0x74: {  	_ =	shalt  }
0x75: {  	_ =	shalt  }
0x76: {  	_ =	shalt  }
0x77: {  	_ =	shalt  }
0x78: {  	_ =	shalt  }
0x79: {  	_ =	shalt  }
0x7a: {  	_ =	shalt  }
0x7b: {  	_ =	shalt  }
0x7c: {  	_ =	shalt  }
0x7d: {  	_ =	shalt  }
0x7e: {  	_ =	shalt  }
0x7f: {  	_ =	shalt  }
0x80: {  	_ =	shalt  }
0x81: {  	_ =	shalt  }
0x82: {  	_ =	shalt  }
0x83: {  	_ =	shalt  }
0x84: {  	_ =	shalt  }
0x85: {  	_ =	shalt  }
0x86: {  	_ =	shalt  }
0x87: {  	_ =	shalt  }
.Lfunc_end0:
.L_simem_size_0:
called_computation.1_lowered:
.L_overlay_start_0:
0x88: {  	s2 =	sld [smem:$0x3FD9]  }
0x89: {  	s3 =	sld [smem:$0x3FFE];
	_ =	sdelay $0x1  }
0x8a: {  	s1 =	srdreg.scid  }
0x8b: {  	s0 =	sand.u32 $0x1, s1  }
0x8c: {  	s16 =	sshll.u32 s0, $0xA;
	s2 =	sadd.s32 s3, s2  }
0x8d: {  	s2 =	sadd.s32 s2, s16  }
0x8e: {  	[smem:$0x3FA2] =	sst s2  }
0x8f: {  	_ = 	snop  }
0x90: {  	(tm) =	ssettm $0x1  }
0x91: {  	s17 =	sld [smem:$0x3FFB];
	_ =	sdelay $0x3  }
0x92: {  	_ =	strace s17  }
0x93: {  	s2 =	sld [smem:$0x3FFC];
	_ =	sdelay $0x3  }
0x94: {  	_ =	strace s2  }
0x95: {  	s2 =	sld [smem:$0x3FFD];
	_ =	sdelay $0x3  }
0x96: {  	_ =	strace s2  }
0x97: {  	_ =	strace $0x8FFFFFFF  }
0x98: {  	s18 =	sld [smem:$0x3FDB];
	_ =	sdelay $0x1  }
0x99: {  	s19 =	simm.s32 $_scs_section_size  }
0x9a: {  	s4 =	simm.s32 $_size__tile_overlayer_lowered;
	s5 =	simm.s32 $_tile_overlayer_lowered  }
0x9b: {  	s22 =	simm.s32 $0x1BFF;
	s21 =	sshll.u32 s5, $0x1;
	s2 =	sadd.s32 s19, s18  }
0x9c: {  	s6 =	simm.s32 $0x0;
	s20 =	sshll.u32 s4, $0x1;
	s4 =	sadd.s32 s21, s2  }
0x9d: {  	[timem:s6], [sflag:s22] =	dma.local [hbm:s4], s20  }
0x9e: {  	_ =	swait.ge [sflag:s22], s20  }
0x9f: {  	s3 =	ssub.s32 $0x0, s20;
	[sflag:s22] =	ssyncset.done $0x0  }
0xa0: {  	[sflag:s22] =	ssyncadd.s32 s3;
	_ =	sdelay $0x1  }
0xa1: {  	s23 =	simm.s32 $0x1B8B  }
0xa2: {  	_ =	swait.ge [sflag:s23], $0x1  }
0xa3: {  	[sflag:s23] =	ssyncset.done $0x0  }
0xa4: {  	s25 =	simm.s32 $0x1B8E;
	s24 =	sld [smem:$0x3FFE];
	[sflag:s23] =	ssyncadd.s32 $0xFFFFFFFF  }
0xa5: {  	s26 =	simm.s32 $execute0_lowered;
	[smem:$0x3FD2] =	sst s25  }
0xa6: {  	s4 =	sshll.u32 s26, $0x1;
	_ =	strace $0x80000049;
	[dreg:$0x1] =	wrdreg $0xFFFFFFFF  }
0xa7: {  	s28 =	simm.s32 $_size_execute0_lowered;
	s2 =	sadd.s32 s2, s4;
	[dreg:$0x0] =	wrdreg $0x0  }
0xa8: {  	s4 =	sshll.u32 s28, $0x1;
	[dreg:$0x2] =	wrdreg s2  }
0xa9: {  	[dreg:$0x3] =	wrdreg s4  }
0xaa: {  	[dreg:$0x4] =	wrdreg $0xC0  }
0xab: {  	_ =	task [dreg:s6], $0x5FFFF  }
0xac: {  	[dreg:$0x1] =	wrdreg $0xFFFFFFFF  }
0xad: {  	[dreg:$0x0] =	wrdreg $0x60  }
0xae: {  	[dreg:$0x2] =	wrdreg s24  }
0xaf: {  	[dreg:$0x3] =	wrdreg $0x9  }
0xb0: {  	_ =	task.clear_ibuf [dreg:s6], $0x4FFFF;
	_ =	strace $0x90000049  }
0xb1: {  	s29 =	simm.s32 $0x9;
	_ =	strace $0x8000004B  }
0xb2: {  	_ =	swait.ge [sflag:s29], $0x1  }
0xb3: {  	[sflag:s29] =	ssyncadd.s32 $0xFFFFFFFF  }
0xb4: {  	_ =	strace $0x9000004B  }
0xb5: {  	_ =	sfence  }
0xb6: {  	s30 =	sld [smem:$0x0];
	_ =	sdelay $0x2  }
0xb7: {  	s31 =	sshll.u32 s1, $0xD;
	s1 =	sshrl.u32 s1, $0x2  }
0xb8: {  	s3 =	sand.u32 $0x4000, s31;
	s1 =	sadd.s32 s1, s30  }
0xb9: {  	s0 =	sor.u32 s3, s0;
	s1 =	sshll.u32 s1, $0x11  }
0xba: {  	s0 =	sor.u32 s1, s0  }
0xbb: {  	s0 =	sadd.s32 $0x8F2B, s0  }
0xbc: {  	[sflag:s0] =	ssyncadd.remote.s32 $0x1  }
0xbd: {  	_ =	sfence.sel $0xFFFF  }
0xbe: {  	[dreg:$0x0] =	wrdreg $0xFFFFFFFF;
	(pc) =	sbr.abs _section_cstart, $3  }
0xbf: {  	[dreg:$0x1] =	wrdreg $0xFFFFFFFF  }
0xc0: {  	_ =	task.clear_ibuf [dreg:s6], $0x2FFFF;
	_ =	strace $0x9FFFFFFF  }
0xc1: {  	(tm) =	ssettm $0x7FFFFFFF  }
tec
execute0_lowered:
.L_overlay_start_1:
0x0: {  	(tag) =	ssettag $0x1  }
0x1: {  	s0 =	rddreg [dreg:$0x0]  }
0x2: {  	s1 =	simm.s32 $0x0;
	s30 =	srdreg.scid;
	s9 =	stileid.u32  }
0x3: {  	s14 =	simm.s32 $0x4;
	s15 =	simm.s32 $0x80;
	s16 =	simm.s32 $0x180  }
0x4: {  	s17 =	simm.s32 $0x280;
	s18 =	simm.s32 $0x1;
	s19 =	simm.s32 $0x2  }
0x5: {  	s20 =	simm.s32 $0x3;
	s21 =	simm.s32 $0x300;
	s22 =	simm.s32 $0x100  }
0x6: {  	s23 =	simm.s32 $0x4300;
	s24 =	simm.s32 $0x8300;
	s28 =	simm.s32 $0x0  }
0x7: {  	s29 =	simm.s32 $0x0;
	[smem:$0x7FF] =	sst s1;
	s1 =	sand.u32 $0x1, s30  }
0x8: {  	s2 =	sadd.s32 $0x15BE00, s0;
	s4 =	sadd.s32 $0x183E00, s0;
	s3 =	sshll.u32 s1, $0x4  }
0x9: {  	s5 =	sadd.s32 $0xAFDE00, s0;
	s6 =	sadd.s32 $0x1BE00, s0;
	s3 =	sor.u32 s9, s3  }
0xa: {  	s7 =	sadd.s32 $0x78E00, s0;
	s8 =	sadd.s32 $0xD5E00, s0;
	s10 =	smul.u32 $0xA000, s3  }
0xb: {  	_ =	strace $0x8000004A;
	s1 =	ssub.s32 $0x2, s1;
	s31 =	smul.u32 $0x1400, s3  }
.Ltmp0:
0xc: {  	s11 =	sshrl.u32 s1, $0x1;
	s9 =	sshll.u32 s3, $0x7;
	(pc) =	sbr.rel .LBB2_1-.Ltmp0, $4  }
0xd: {  	s1 =	ssub.s32 s1, s11;
	s25 =	smul.u32 $0x140, s3;
	s9 =	sadd.s32 s9, s0  }
0xe: {  	s0 =	sadd.s32 $0x1ABE00, s0;
	s13 =	smax.u32 s1, $0x1;
	s10 =	sshrl.u32 s10, $0x3  }
0xf: {  	s9 =	sadd.s32 $0x132E00, s9;
	s11 =	sadd.s32 s0, s31;
	s12 =	sadd.s32 s0, s10  }
0x10: {  	v1 =	vimm.f32 $0.0e+00;
	v0 =	vmov s25;
	[dreg:$0x2] =	wrdreg s9;
	s10 =	smul.u32 $0x17400, s3;
	s12 =	sadd.s32 $0xA00, s12  }
.LBB2_7:
0x11: {  	s0 =	simm.s32 $0x0;
	s1 =	simm.s32 $0xC300  }
0x12: {  	[hbm4b:s11+s0] =	stream.linear.scatter [tilespmem:s1], [sflag:$0x4], $0x5000, $0x38;
	[tilespmem:$0x16700] =	vst v63  }
0x13: {  	s28 =	sadd.s32 $0x1, s28;
	_ =	swait.ge [sflag:s14], $0x5000  }
0x14: {  	p0 =	sne.s32 s28, s13;
	[sflag:s14] =	ssyncset.done $0x0  }
.Ltmp1:
0x15: {  	s31 =	simm.s32 $0x11300;
	[sflag:s14] =	ssyncadd.s32 $0xFFFFB000;
	(pc) =	sbr.rel @!p0 .LBB2_8-.Ltmp1, $4  }
0x16: {  	[hbm4b:s12+s0] =	stream.linear.scatter [tilespmem:s31], [sflag:$0x4], $0x5000, $0x38;
	[tilespmem:$0x16700] =	vst v63  }
0x17: {  	_ =	swait.ge [sflag:s14], $0x5000  }
0x18: {  	[sflag:s14] =	ssyncset.done $0x0  }
0x19: {  	[sflag:s14] =	ssyncadd.s32 $0xFFFFB000  }
.LBB2_1:
0x1a: {  	s0 =	simm.s32 $0x0;
	s1 =	simm.s32 $0x200  }
.LBB2_2:
0x1b: {  	p0 =	sne.s32 s1, $0x28E00;
	[tilespmem:s0+$0xC370] =	vst v1  }
0x1c: {  	[tilespmem:s0+$0xC300] =	vst v1  }
0x1d: {  	[tilespmem:s0+$0xC310] =	vst v1  }
.Ltmp2:
0x1e: {  	[tilespmem:s0+$0xC320] =	vst v1;
	(pc) =	sbr.rel @p0 .LBB2_2-.Ltmp2, $4  }
0x1f: {  	[tilespmem:s0+$0xC330] =	vst v1  }
0x20: {  	[tilespmem:s0+$0xC340] =	vst v1  }
0x21: {  	[tilespmem:s0+$0xC350] =	vst v1  }
0x22: {  	[tilespmem:s0+$0xC360] =	vst v1;
	s0 =	sshra.s32 s1, $0x2;
	s1 =	sadd.s32 $0x200, s1  }
0x23: {  	[tilespmem:s0+$0xC370] =	vst v1  }
0x24: {  	[tilespmem:s0+$0xC300] =	vst v1  }
0x25: {  	[tilespmem:s0+$0xC310] =	vst v1  }
0x26: {  	[tilespmem:s0+$0xC320] =	vst v1  }
0x27: {  	[tilespmem:s0+$0xC330] =	vst v1  }
0x28: {  	[tilespmem:s0+$0xC340] =	vst v1  }
0x29: {  	[tilespmem:s0+$0xC350] =	vst v1  }
0x2a: {  	[tilespmem:s0+$0xC360] =	vst v1;
	s26 =	rddreg [dreg:$0x2]  }
0x2b: {  	[tilespmem:s29], [sflag:$0x4] =	stream.linear.gather [hbm4b:s26+s29], $0x80, $0x38;
	[tilespmem:$0x16700] =	vst v63  }
0x2c: {  	_ =	swait.ge [sflag:s14], $0x80  }
0x2d: {  	[sflag:s14] =	ssyncset.done $0x0  }
0x2e: {  	[sflag:s14] =	ssyncadd.s32 $0xFFFFFF80  }
0x2f: {  	v2 =	vld [tilespmem:$0x0];
	_ =	sdelay $0x4  }
0x30: {  	(v2sf) =	vpush v2, $0x0;
	_ =	sdelay $0xe  }
0x31: {  	s30 =	spop (v2sf)  }
0x32: {  	p0 =	slt.s32 s30, $0x1  }
.Ltmp3:
0x33: {  	_ = 	snop;
	(pc) =	sbr.rel @p0 .LBB2_7-.Ltmp3, $2  }
0x34: {  	_ =	sdelay $0x2  }
0x35: {  	s31 =	simm.s32 $0x0  }
.LBB2_4:
0x36: {  	s0 =	sshll.u32 s31, $0xA  }
0x37: {  	s0 =	sadd.s32 s10, s0  }
0x38: {  	s0 =	sshrl.u32 s0, $0x3  }
0x39: {  	s1 =	sadd.s32 s6, s0  }
0x3a: {  	[tilespmem:s15], [sflag:$0x1] =	stream.linear.gather [hbm4b:s1+s29], $0x80, $0x38;
	[tilespmem:$0x16700] =	vst v63  }
0x3b: {  	s9 =	sadd.s32 s7, s0  }
0x3c: {  	[tilespmem:s16], [sflag:$0x2] =	stream.linear.gather [hbm4b:s9+s29], $0x80, $0x38;
	[tilespmem:$0x16700] =	vst v63  }
0x3d: {  	s0 =	sadd.s32 s8, s0  }
0x3e: {  	[tilespmem:s17], [sflag:$0x3] =	stream.linear.gather [hbm4b:s0+s29], $0x80, $0x38;
	[tilespmem:$0x16700] =	vst v63  }
0x3f: {  	_ =	swait.ge [sflag:s18], $0x80  }
0x40: {  	[sflag:s18] =	ssyncset.done $0x0  }
0x41: {  	[sflag:s18] =	ssyncadd.s32 $0xFFFFFF80  }
0x42: {  	_ =	swait.ge [sflag:s19], $0x80  }
0x43: {  	[sflag:s19] =	ssyncset.done $0x0  }
0x44: {  	[sflag:s19] =	ssyncadd.s32 $0xFFFFFF80  }
0x45: {  	_ =	swait.ge [sflag:s20], $0x80  }
0x46: {  	[sflag:s20] =	ssyncset.done $0x0  }
0x47: {  	[sflag:s20] =	ssyncadd.s32 $0xFFFFFF80  }
0x48: {  	v2 =	vld [tilespmem:$0x180]  }
0x49: {  	v3 =	vld [tilespmem:$0x190]  }
0x4a: {  	v4 =	vld [tilespmem:$0x1A0]  }
0x4b: {  	v5 =	vld [tilespmem:$0x1B0]  }
0x4c: {  	v6 =	vld [tilespmem:$0x1C0]  }
0x4d: {  	v7 =	vld [tilespmem:$0x1D0];
	v2 =	vadd.s32 v0, v2  }
0x4e: {  	v8 =	vld [tilespmem:$0x1E0];
	v3 =	vadd.s32 v0, v3;
	vm0 =	vlt.s32 v2, $0x27FF  }
0x4f: {  	v9 =	vld [tilespmem:$0x1F0];
	v4 =	vadd.s32 v0, v4;
	vm9 =	vlt.s32 v3, $0x27FF;
	v2 =	vnsel vm0, $0x27FF, v2  }
0x50: {  	vm10 =	vlt.s32 v4, $0x27FF;
	[tilespmem:$0x100] =	vst v2;
	v2 =	vnsel vm9, $0x27FF, v3;
	v3 =	vadd.s32 v0, v5  }
0x51: {  	[tilespmem:$0x110] =	vst v2;
	v2 =	vnsel vm10, $0x27FF, v4;
	vm11 =	vlt.s32 v3, $0x27FF;
	v4 =	vadd.s32 v0, v6  }
0x52: {  	[tilespmem:$0x120] =	vst v2;
	v2 =	vnsel vm11, $0x27FF, v3;
	vm12 =	vlt.s32 v4, $0x27FF;
	v3 =	vadd.s32 v0, v7  }
0x53: {  	[tilespmem:$0x130] =	vst v2;
	v2 =	vnsel vm12, $0x27FF, v4;
	vm13 =	vlt.s32 v3, $0x27FF;
	v4 =	vadd.s32 v0, v8  }
0x54: {  	[tilespmem:$0x140] =	vst v2;
	v2 =	vnsel vm13, $0x27FF, v3;
	vm14 =	vlt.s32 v4, $0x27FF;
	v3 =	vadd.s32 v0, v9  }
0x55: {  	[tilespmem:$0x150] =	vst v2;
	v2 =	vnsel vm14, $0x27FF, v4;
	vm15 =	vlt.s32 v3, $0x27FF  }
0x56: {  	[tilespmem:$0x160] =	vst v2;
	v2 =	vnsel vm15, $0x27FF, v3  }
0x57: {  	[tilespmem:$0x170] =	vst v2  }
0x58: {  	[tilespmem:s21], [sflag:$0x1] =	stream.indirect.gather [hbm4b:s2+s15], $0x80, s15, s15, $0xb8;
	[tilespmem:$0x16700] =	vst v63  }
0x59: {  	_ = 	snop  }
0x5a: {  	[tilespmem:s23], [sflag:$0x2] =	stream.indirect.gather [hbm4b:s4+s15], $0x80, s22, s15, $0xb8;
	[tilespmem:$0x16700] =	vst v63  }
0x5b: {  	_ = 	snop  }
0x5c: {  	[tilespmem:s24], [sflag:$0x3] =	stream.indirect.gather [hbm4b:s5+s15], $0x80, s17, s15, $0xb8;
	[tilespmem:$0x16700] =	vst v63  }
0x5d: {  	_ =	swait.ge [sflag:s18], $0x4000  }
0x5e: {  	[sflag:s18] =	ssyncset.done $0x0  }
0x5f: {  	[sflag:s18] =	ssyncadd.s32 $0xFFFFC000  }
0x60: {  	_ =	swait.ge [sflag:s19], $0x4000  }
0x61: {  	[sflag:s19] =	ssyncset.done $0x0  }
0x62: {  	[sflag:s19] =	ssyncadd.s32 $0xFFFFC000  }
0x63: {  	_ =	swait.ge [sflag:s20], $0x4000  }
0x64: {  	[sflag:s20] =	ssyncset.done $0x0  }
0x65: {  	s0 =	simm.s32 $0x181;
	[sflag:s20] =	ssyncadd.s32 $0xFFFFC000  }
0x66: {  	v2 =	vld [tilespmem:s0+$0xFFFFFFFF]  }
0x67: {  	v3 =	vld [tilespmem:s0+$0x0];
	_ =	sdelay $0x3  }
0x68: {  	(v2sf) =	vpush v2, $0x0  }
0x69: {  	(v2sf) =	vpush v3, $0x0;
	_ =	sdelay $0x3  }
0x6a: {  	s3 =	simm.s32 $0x0  }
0x6b: {  	v4 =	vld [tilespmem:s3+$0x300]  }
0x6c: {  	v5 =	vld [tilespmem:s3+$0x380]  }
0x6d: {  	v3 =	vld [tilespmem:s3+$0x4300]  }
0x6e: {  	v2 =	vld [tilespmem:s3+$0x4380]  }
0x6f: {  	v6 =	vld [tilespmem:s3+$0x8300]  }
0x70: {  	v7 =	vld [tilespmem:s3+$0x8380];
	_ =	sdelay $0x1  }
0x71: {  	v3 =	vadd.f32 v3, v4  }
0x72: {  	v2 =	vadd.f32 v2, v5  }
0x73: {  	v3 =	vadd.f32 v6, v3;
	s25 =	spop (v2sf)  }
0x74: {  	v2 =	vadd.f32 v7, v2;
	s1 =	sshll.u32 s25, $0x9;
	s26 =	spop (v2sf)  }
0x75: {  	v3 =	vmax.f32 v3, $0.0e+00;
	s25 =	sshra.s32 s1, $0x2;
	s26 =	sshll.u32 s26, $0x9  }
0x76: {  	v2 =	vmax.f32 v2, $0.0e+00;
	[tilespmem:s25+$0xC300] =	vst.add.f32.msk $0xffff, v3;
	s26 =	sshra.s32 s26, $0x2  }
0x77: {  	[tilespmem:s26+$0xC300] =	vst.add.f32.msk $0xffff, v2  }
0x78: {  	v2 =	vld [tilespmem:s3+$0x310]  }
0x79: {  	v3 =	vld [tilespmem:s3+$0x390]  }
0x7a: {  	v4 =	vld [tilespmem:s3+$0x4310]  }
0x7b: {  	v5 =	vld [tilespmem:s3+$0x4390]  }
0x7c: {  	v6 =	vld [tilespmem:s3+$0x8310]  }
0x7d: {  	v7 =	vld [tilespmem:s3+$0x8390];
	_ =	sdelay $0x1  }
0x7e: {  	v2 =	vadd.f32 v4, v2  }
0x7f: {  	v3 =	vadd.f32 v5, v3  }
0x80: {  	v2 =	vadd.f32 v6, v2  }
0x81: {  	v3 =	vadd.f32 v7, v3  }
0x82: {  	v2 =	vmax.f32 v2, $0.0e+00  }
0x83: {  	v3 =	vmax.f32 v3, $0.0e+00;
	[tilespmem:s25+$0xC310] =	vst.add.f32.msk $0xffff, v2  }
0x84: {  	[tilespmem:s26+$0xC310] =	vst.add.f32.msk $0xffff, v3  }
0x85: {  	v2 =	vld [tilespmem:s3+$0x3A0]  }
0x86: {  	v3 =	vld [tilespmem:s3+$0x4320]  }
0x87: {  	v4 =	vld [tilespmem:s3+$0x320]  }
0x88: {  	v5 =	vld [tilespmem:s3+$0x43A0]  }
0x89: {  	v6 =	vld [tilespmem:s3+$0x8320]  }
0x8a: {  	v7 =	vld [tilespmem:s3+$0x83A0];
	_ =	sdelay $0x1  }
0x8b: {  	v3 =	vadd.f32 v3, v4  }
0x8c: {  	v2 =	vadd.f32 v5, v2  }
0x8d: {  	v3 =	vadd.f32 v6, v3  }
0x8e: {  	v2 =	vadd.f32 v7, v2  }
0x8f: {  	v3 =	vmax.f32 v3, $0.0e+00  }
0x90: {  	v2 =	vmax.f32 v2, $0.0e+00;
	[tilespmem:s25+$0xC320] =	vst.add.f32.msk $0xffff, v3  }
0x91: {  	[tilespmem:s26+$0xC320] =	vst.add.f32.msk $0xffff, v2  }
0x92: {  	v2 =	vld [tilespmem:s3+$0x4330]  }
0x93: {  	v3 =	vld [tilespmem:s3+$0x3B0]  }
0x94: {  	v4 =	vld [tilespmem:s3+$0x330]  }
0x95: {  	v5 =	vld [tilespmem:s3+$0x43B0]  }
0x96: {  	v6 =	vld [tilespmem:s3+$0x8330]  }
0x97: {  	v7 =	vld [tilespmem:s3+$0x83B0];
	_ =	sdelay $0x1  }
0x98: {  	v2 =	vadd.f32 v2, v4  }
0x99: {  	v3 =	vadd.f32 v5, v3  }
0x9a: {  	v2 =	vadd.f32 v6, v2  }
0x9b: {  	v3 =	vadd.f32 v7, v3  }
0x9c: {  	v2 =	vmax.f32 v2, $0.0e+00  }
0x9d: {  	v3 =	vmax.f32 v3, $0.0e+00;
	[tilespmem:s25+$0xC330] =	vst.add.f32.msk $0xffff, v2  }
0x9e: {  	[tilespmem:s26+$0xC330] =	vst.add.f32.msk $0xffff, v3  }
0x9f: {  	v2 =	vld [tilespmem:s3+$0x4340]  }
0xa0: {  	v3 =	vld [tilespmem:s3+$0x3C0]  }
0xa1: {  	v4 =	vld [tilespmem:s3+$0x340]  }
0xa2: {  	v5 =	vld [tilespmem:s3+$0x43C0]  }
0xa3: {  	v6 =	vld [tilespmem:s3+$0x8340]  }
0xa4: {  	v7 =	vld [tilespmem:s3+$0x83C0];
	_ =	sdelay $0x1  }
0xa5: {  	v2 =	vadd.f32 v2, v4  }
0xa6: {  	v3 =	vadd.f32 v5, v3  }
0xa7: {  	v2 =	vadd.f32 v6, v2  }
0xa8: {  	v3 =	vadd.f32 v7, v3  }
0xa9: {  	v2 =	vmax.f32 v2, $0.0e+00  }
0xaa: {  	v3 =	vmax.f32 v3, $0.0e+00;
	[tilespmem:s25+$0xC340] =	vst.add.f32.msk $0xffff, v2  }
0xab: {  	[tilespmem:s26+$0xC340] =	vst.add.f32.msk $0xffff, v3  }
0xac: {  	v2 =	vld [tilespmem:s3+$0x3D0]  }
0xad: {  	v3 =	vld [tilespmem:s3+$0x4350]  }
0xae: {  	v4 =	vld [tilespmem:s3+$0x350]  }
0xaf: {  	v5 =	vld [tilespmem:s3+$0x43D0]  }
0xb0: {  	v6 =	vld [tilespmem:s3+$0x8350]  }
0xb1: {  	v7 =	vld [tilespmem:s3+$0x83D0];
	_ =	sdelay $0x1  }
0xb2: {  	v3 =	vadd.f32 v3, v4  }
0xb3: {  	v2 =	vadd.f32 v5, v2  }
0xb4: {  	v3 =	vadd.f32 v6, v3  }
0xb5: {  	v2 =	vadd.f32 v7, v2  }
0xb6: {  	v3 =	vmax.f32 v3, $0.0e+00  }
0xb7: {  	v2 =	vmax.f32 v2, $0.0e+00;
	[tilespmem:s25+$0xC350] =	vst.add.f32.msk $0xffff, v3  }
0xb8: {  	[tilespmem:s26+$0xC350] =	vst.add.f32.msk $0xffff, v2  }
0xb9: {  	v2 =	vld [tilespmem:s3+$0x360]  }
0xba: {  	v3 =	vld [tilespmem:s3+$0x4360];
	_ =	sdelay $0x1  }
0xbb: {  	v4 =	vld [tilespmem:s3+$0x8360];
	_ =	sdelay $0x1  }
0xbc: {  	v5 =	vld [tilespmem:s3+$0x3E0]  }
0xbd: {  	v6 =	vld [tilespmem:s3+$0x43E0];
	v2 =	vadd.f32 v3, v2;
	_ =	sdelay $0x1  }
0xbe: {  	v3 =	vadd.f32 v4, v2;
	v2 =	vld [tilespmem:s3+$0x83E0];
	_ =	sdelay $0x2  }
0xbf: {  	s1 =	simm.s32 $0x400;
	v4 =	vadd.f32 v6, v5;
	v3 =	vmax.f32 v3, $0.0e+00  }
.LBB2_5:
0xc0: {  	p0 =	sne.s32 s1, $0xFC00  }
0xc1: {  	v2 =	vadd.f32 v2, v4;
	s0 =	sadd.s32 $0x2, s0;
	s9 =	smov.u32 s1;
	s1 =	sadd.s32 $0x400, s1  }
0xc2: {  	_ = 	snop  }
0xc3: {  	v2 =	vmax.f32 v2, $0.0e+00;
	[tilespmem:s25+$0xC360] =	vst.add.f32.msk $0xffff, v3  }
0xc4: {  	[tilespmem:s26+$0xC360] =	vst.add.f32.msk $0xffff, v2  }
0xc5: {  	v2 =	vld [tilespmem:s3+$0x83F0]  }
0xc6: {  	v3 =	vld [tilespmem:s3+$0x43F0]  }
0xc7: {  	v4 =	vld [tilespmem:s3+$0x3F0]  }
0xc8: {  	v5 =	vld [tilespmem:s3+$0x370]  }
0xc9: {  	v6 =	vld [tilespmem:s3+$0x4370]  }
0xca: {  	v7 =	vld [tilespmem:s3+$0x8370];
	_ =	sdelay $0x1  }
0xcb: {  	v3 =	vadd.f32 v3, v4;
	_ =	sdelay $0x1  }
0xcc: {  	v4 =	vadd.f32 v6, v5;
	v2 =	vadd.f32 v2, v3;
	_ =	sdelay $0x1  }
0xcd: {  	v3 =	vadd.f32 v7, v4;
	_ =	sdelay $0x1  }
0xce: {  	v2 =	vmax.f32 v2, $0.0e+00;
	v3 =	vmax.f32 v3, $0.0e+00  }
0xcf: {  	[tilespmem:s25+$0xC370] =	vst.add.f32.msk $0xffff, v3  }
0xd0: {  	[tilespmem:s26+$0xC370] =	vst.add.f32.msk $0xffff, v2  }
0xd1: {  	v2 =	vld [tilespmem:s0+$0xFFFFFFFF]  }
0xd2: {  	v3 =	vld [tilespmem:s0+$0x0];
	_ =	sdelay $0x3  }
0xd3: {  	(v2sf) =	vpush v2, $0x0  }
0xd4: {  	(v2sf) =	vpush v3, $0x0;
	_ =	sdelay $0x3  }
0xd5: {  	s3 =	sshra.s32 s9, $0x2  }
0xd6: {  	v2 =	vld [tilespmem:s3+$0x4380]  }
0xd7: {  	v3 =	vld [tilespmem:s3+$0x4300]  }
0xd8: {  	v4 =	vld [tilespmem:s3+$0x300]  }
0xd9: {  	v5 =	vld [tilespmem:s3+$0x380]  }
0xda: {  	v6 =	vld [tilespmem:s3+$0x8300]  }
0xdb: {  	v7 =	vld [tilespmem:s3+$0x8380];
	_ =	sdelay $0x1  }
0xdc: {  	v3 =	vadd.f32 v3, v4  }
0xdd: {  	v2 =	vadd.f32 v2, v5  }
0xde: {  	v3 =	vadd.f32 v6, v3;
	s9 =	spop (v2sf)  }
0xdf: {  	v2 =	vadd.f32 v7, v2;
	s9 =	sshll.u32 s9, $0x9;
	s26 =	spop (v2sf)  }
0xe0: {  	v3 =	vmax.f32 v3, $0.0e+00;
	s25 =	sshra.s32 s9, $0x2;
	s9 =	sshll.u32 s26, $0x9  }
0xe1: {  	v2 =	vmax.f32 v2, $0.0e+00;
	[tilespmem:s25+$0xC300] =	vst.add.f32.msk $0xffff, v3;
	s26 =	sshra.s32 s9, $0x2  }
0xe2: {  	[tilespmem:s26+$0xC300] =	vst.add.f32.msk $0xffff, v2  }
0xe3: {  	v2 =	vld [tilespmem:s3+$0x8390]  }
0xe4: {  	v3 =	vld [tilespmem:s3+$0x310]  }
0xe5: {  	v4 =	vld [tilespmem:s3+$0x390]  }
0xe6: {  	v5 =	vld [tilespmem:s3+$0x4310]  }
0xe7: {  	v6 =	vld [tilespmem:s3+$0x4390]  }
0xe8: {  	v7 =	vld [tilespmem:s3+$0x8310];
	_ =	sdelay $0x2  }
0xe9: {  	v3 =	vadd.f32 v5, v3  }
0xea: {  	v4 =	vadd.f32 v6, v4  }
0xeb: {  	v3 =	vadd.f32 v7, v3  }
0xec: {  	v2 =	vadd.f32 v2, v4  }
0xed: {  	v3 =	vmax.f32 v3, $0.0e+00  }
0xee: {  	v2 =	vmax.f32 v2, $0.0e+00;
	[tilespmem:s25+$0xC310] =	vst.add.f32.msk $0xffff, v3  }
0xef: {  	[tilespmem:s26+$0xC310] =	vst.add.f32.msk $0xffff, v2  }
0xf0: {  	v2 =	vld [tilespmem:s3+$0x3A0]  }
0xf1: {  	v3 =	vld [tilespmem:s3+$0x4320]  }
0xf2: {  	v4 =	vld [tilespmem:s3+$0x320]  }
0xf3: {  	v5 =	vld [tilespmem:s3+$0x43A0]  }
0xf4: {  	v6 =	vld [tilespmem:s3+$0x8320]  }
0xf5: {  	v7 =	vld [tilespmem:s3+$0x83A0];
	_ =	sdelay $0x1  }
0xf6: {  	v3 =	vadd.f32 v3, v4  }
0xf7: {  	v2 =	vadd.f32 v5, v2  }
0xf8: {  	v3 =	vadd.f32 v6, v3  }
0xf9: {  	v2 =	vadd.f32 v7, v2  }
0xfa: {  	v3 =	vmax.f32 v3, $0.0e+00  }
0xfb: {  	v2 =	vmax.f32 v2, $0.0e+00;
	[tilespmem:s25+$0xC320] =	vst.add.f32.msk $0xffff, v3  }
0xfc: {  	[tilespmem:s26+$0xC320] =	vst.add.f32.msk $0xffff, v2  }
0xfd: {  	v2 =	vld [tilespmem:s3+$0x4330]  }
0xfe: {  	v3 =	vld [tilespmem:s3+$0x3B0]  }
0xff: {  	v4 =	vld [tilespmem:s3+$0x330]  }
0x100: {  	v5 =	vld [tilespmem:s3+$0x43B0]  }
0x101: {  	v6 =	vld [tilespmem:s3+$0x8330]  }
0x102: {  	v7 =	vld [tilespmem:s3+$0x83B0];
	_ =	sdelay $0x1  }
0x103: {  	v2 =	vadd.f32 v2, v4  }
0x104: {  	v3 =	vadd.f32 v5, v3  }
0x105: {  	v2 =	vadd.f32 v6, v2  }
0x106: {  	v3 =	vadd.f32 v7, v3  }
0x107: {  	v2 =	vmax.f32 v2, $0.0e+00  }
0x108: {  	v3 =	vmax.f32 v3, $0.0e+00;
	[tilespmem:s25+$0xC330] =	vst.add.f32.msk $0xffff, v2  }
0x109: {  	[tilespmem:s26+$0xC330] =	vst.add.f32.msk $0xffff, v3  }
0x10a: {  	v2 =	vld [tilespmem:s3+$0x4340]  }
0x10b: {  	v3 =	vld [tilespmem:s3+$0x3C0]  }
0x10c: {  	v4 =	vld [tilespmem:s3+$0x43C0]  }
0x10d: {  	v5 =	vld [tilespmem:s3+$0x340]  }
0x10e: {  	v6 =	vld [tilespmem:s3+$0x83C0]  }
0x10f: {  	v7 =	vld [tilespmem:s3+$0x8340];
	_ =	sdelay $0x1  }
0x110: {  	v3 =	vadd.f32 v4, v3  }
0x111: {  	v2 =	vadd.f32 v2, v5  }
0x112: {  	v3 =	vadd.f32 v6, v3  }
0x113: {  	v2 =	vadd.f32 v7, v2;
	_ =	sdelay $0x1  }
0x114: {  	v2 =	vmax.f32 v2, $0.0e+00  }
0x115: {  	v3 =	vmax.f32 v3, $0.0e+00;
	[tilespmem:s25+$0xC340] =	vst.add.f32.msk $0xffff, v2  }
0x116: {  	[tilespmem:s26+$0xC340] =	vst.add.f32.msk $0xffff, v3  }
0x117: {  	v2 =	vld [tilespmem:s3+$0x3D0]  }
0x118: {  	v3 =	vld [tilespmem:s3+$0x4350]  }
0x119: {  	v4 =	vld [tilespmem:s3+$0x350]  }
0x11a: {  	v5 =	vld [tilespmem:s3+$0x43D0]  }
0x11b: {  	v6 =	vld [tilespmem:s3+$0x8350]  }
0x11c: {  	v7 =	vld [tilespmem:s3+$0x83D0];
	_ =	sdelay $0x1  }
0x11d: {  	v3 =	vadd.f32 v3, v4  }
0x11e: {  	v2 =	vadd.f32 v5, v2  }
0x11f: {  	v3 =	vadd.f32 v6, v3  }
0x120: {  	v2 =	vadd.f32 v7, v2  }
0x121: {  	v3 =	vmax.f32 v3, $0.0e+00  }
0x122: {  	v2 =	vmax.f32 v2, $0.0e+00;
	[tilespmem:s25+$0xC350] =	vst.add.f32.msk $0xffff, v3  }
0x123: {  	[tilespmem:s26+$0xC350] =	vst.add.f32.msk $0xffff, v2  }
0x124: {  	v3 =	vld [tilespmem:s3+$0x360]  }
0x125: {  	v4 =	vld [tilespmem:s3+$0x4360]  }
0x126: {  	v5 =	vld [tilespmem:s3+$0x8360]  }
0x127: {  	v6 =	vld [tilespmem:s3+$0x3E0]  }
0x128: {  	v7 =	vld [tilespmem:s3+$0x43E0]  }
0x129: {  	v2 =	vld [tilespmem:s3+$0x83E0]  }
.Ltmp4:
0x12a: {  	v3 =	vadd.f32 v4, v3;
	(pc) =	sbr.rel @p0 .LBB2_5-.Ltmp4, $4  }
0x12b: {  	_ = 	snop  }
0x12c: {  	v3 =	vadd.f32 v5, v3  }
0x12d: {  	v4 =	vadd.f32 v7, v6  }
0x12e: {  	v3 =	vmax.f32 v3, $0.0e+00  }
0x12f: {  	v2 =	vadd.f32 v2, v4;
	_ =	sdelay $0x1  }
0x130: {  	[tilespmem:s25+$0xC360] =	vst.add.f32.msk $0xffff, v3;
	v2 =	vmax.f32 v2, $0.0e+00  }
0x131: {  	[tilespmem:s26+$0xC360] =	vst.add.f32.msk $0xffff, v2  }
0x132: {  	v2 =	vld [tilespmem:s3+$0x43F0]  }
0x133: {  	v3 =	vld [tilespmem:s3+$0x370]  }
0x134: {  	v63 =	vld [tilespmem:s3+$0x4370]  }
0x135: {  	v5 =	vld [tilespmem:s3+$0x3F0]  }
0x136: {  	v6 =	vld [tilespmem:s3+$0x8370]  }
0x137: {  	v7 =	vld [tilespmem:s3+$0x83F0];
	_ =	sdelay $0x1  }
0x138: {  	s31 =	sadd.s32 $0x1, s31;
	v3 =	vadd.f32 v63, v3  }
0x139: {  	p0 =	sne.s32 s31, s30;
	v2 =	vadd.f32 v2, v5  }
.Ltmp5:
0x13a: {  	v3 =	vadd.f32 v6, v3;
	(pc) =	sbr.rel @p0 .LBB2_4-.Ltmp5, $4  }
.Ltmp6:
0x13b: {  	v2 =	vadd.f32 v7, v2;
	(pc) =	sbr.rel @!p0 .LBB2_7-.Ltmp6, $4  }
0x13c: {  	v3 =	vmax.f32 v3, $0.0e+00  }
0x13d: {  	v2 =	vmax.f32 v2, $0.0e+00;
	[tilespmem:s25+$0xC370] =	vst.add.f32.msk $0xffff, v3  }
0x13e: {  	[tilespmem:s26+$0xC370] =	vst.add.f32.msk $0xffff, v2  }
0x13f: {  	_ = 	snop  }
.LBB2_8:
0x140: {  	_ =	sfence.sel $0x180000  }
0x141: {  	[bflag:$0x0] =	sbarrier.arrive $0xFFFF  }
0x142: {  	_ =	strace $0x9000004A  }
0x143: {  	s0 =	stileid.u32;
	[bflag:$0x2] =	sbarrier.arrive $0xFFFF  }
0x144: {  	p0 =	sne.s32 s0, $0x0;
	s0 =	rddreg [dreg:$0x1]  }
0x145: {  	s0 =	sadd.s32 @!p0 $0x100000, s0  }
0x146: {  	[sflag:s0] =	ssyncadd.tile.s32 @!p0 $0x1;
	_ =	shalt  }
.Lfunc_end2:
_tile_overlayer_lowered:
.L_overlay_start_2:
0x147: {  	(tag) =	ssettag $0x2  }
0x148: {  	s0 =	rddreg [dreg:$0x0];
	s2 =	stileid.u32  }
0x149: {  	s1 =	rddreg [dreg:$0x1];
	p0 =	sne.s32 s2, $0x0  }
0x14a: {  	s3 =	rddreg [dreg:$0x2];
	[bflag:$0x3] =	sbarrier.arrive $0xFFFF;
	s2 =	simm.s32 @!p0 $0x1C04  }
0x14b: {  	[timem:s3], [sflag:s2] =	dma.local @!p0 [hbm:s0], s1  }
0x14c: {  	s0 =	simm.s32 @!p0 $0x4  }
0x14d: {  	_ =	swait.ge @!p0 [sflag:s0], s1  }
0x14e: {  	s1 =	ssub.s32 @!p0 $0x0, s1;
	[sflag:s0] =	ssyncset.done @!p0 $0x0  }
0x14f: {  	[sflag:s0] =	ssyncadd.s32 @!p0 s1  }
0x150: {  	[bflag:$0x3] =	sbarrier.arrive $0xFFFF  }
0x151: {  	_ =	shalt  }

// kernel: kernel.23.cloned.1.call-start
scs
__scs_entry_jumppad:
0x0: {  	(pc) =	sbr.rel $0x88, $3  }
0x1: {  	(tag) =	ssettag $0x0;
	lr =	simm.s32 $0x1  }
0x2: {  	[smem:$0x3F7B] =	sst lr;
	_ =	strace $0xD0000000  }
0x3: {  	_ = 	snop  }
0x4: {  	_ = 	snop  }
0x5: {  	_ = 	snop  }
0x6: {  	_ = 	snop  }
0x7: {  	_ = 	snop  }
__scs_overlays_trampoline_lowered:
0x8: {  	[smem:$0x3F8A] =	sst s0  }
0x9: {  	[smem:$0x3F8B] =	sst s1  }
0xa: {  	[smem:$0x3F8C] =	sst s2  }
0xb: {  	[smem:$0x3F8D] =	sst s3  }
0xc: {  	[smem:$0x3F8E] =	sst s4  }
0xd: {  	[smem:$0x3F8F] =	sst s5  }
0xe: {  	[smem:$0x3F90] =	sst s6  }
0xf: {  	[smem:$0x3F91] =	sst s7  }
0x10: {  	[smem:$0x3F92] =	sst s8  }
0x11: {  	[smem:$0x3F93] =	sst s9;
	s0 =	simm.s32 @!p0 $0x0  }
0x12: {  	s1 =	sld [smem:$0x3F79];
	s0 =	simm.s32 @p0 $0x1  }
0x13: {  	[smem:$0x3F94] =	sst s0;
	s0 =	simm.s32 @!p1 $0x0  }
0x14: {  	s2 =	sld [smem:$0x3F78];
	s0 =	simm.s32 @p1 $0x1  }
0x15: {  	[smem:$0x3F95] =	sst s0;
	s0 =	simm.s32 @!p2 $0x0  }
0x16: {  	s3 =	sld [smem:$0x3FDB];
	s0 =	simm.s32 @p2 $0x1  }
0x17: {  	s4 =	simm.s32 $0x1BF5;
	[smem:$0x3F97] =	sst s0  }
0x18: {  	s0 =	sld [smem:$0x3F7A];
	_ =	swait.ge [sflag:s4], $0x0  }
0x19: {  	s7 =	sld [smem:$0x3F7B]  }
0x1a: {  	s8 =	sadd.s32 $0xFFFFE003, lr  }
0x1b: {  	s9 =	sadd.s32 $0xFFFFFEF7, lr;
	s5 =	simm.s32 $0xFFFFFFFF;
	p2 =	slt.u32 s8, $0xFFFFF086  }
0x1c: {  	p1 =	slt.u32 s9, $0xF7A;
	s5 =	simm.s32 @!p2 $0x0  }
0x1d: {  	s5 =	simm.s32 @p1 $0x1;
	p0 =	seq.s32 s7, s2  }
0x1e: {  	s7 =	smul.u32 @!p0 $0xF7A, s2;
	p2 =	seq.s32 @!p0 s5, $0x0  }
0x1f: {  	s9 =	smul.u32 $0xF7A, s1;
	s8 =	simm.s32 @!p0 $0x1BF5;
	p2 =	por !p2, p0  }
0x20: {  	[sflag:s8] =	ssyncset.s32 @!p0 $0xFFFFF086;
	s6 =	sadd.s32 @!p0 s3, s7;
	s7 =	simm.s32 @!p0 $0x108  }
0x21: {  	s3 =	sadd.s32 s3, s9;
	s6 =	sadd.s32 @!p0 $0x88, s6;
	s7 =	simm.s32 @p2 $0x1082  }
0x22: {  	[simem:s7], [sflag:s8] =	dma.local @!p0 [hbm:s6], $0xF7A  }
0x23: {  	s9 =	sor.u32 $0xD0000000, s2;
	s6 =	simm.s32 $0x108;
	_ =	swait.ge @!p0 [sflag:s8], $0x0  }
0x24: {  	s3 =	sadd.s32 $0x88, s3;
	s6 =	simm.s32 @!p1 $0x1082;
	[sflag:s4] =	ssyncset.s32 $0xFFFFF086  }
0x25: {  	[simem:s6], [sflag:s4] =	dma.local [hbm:s3], $0xF7A  }
0x26: {  	[smem:$0x3F7B] =	sst s1;
	(tag) =	ssettag s2;
	_ =	strace s9  }
0x27: {  	s1 =	sld [smem:$0x3F8B]  }
0x28: {  	s2 =	sld [smem:$0x3F8C]  }
0x29: {  	s4 =	sld [smem:$0x3F8E]  }
0x2a: {  	p0 =	seq.s32 s5, $0x0;
	s5 =	sld [smem:$0x3F8F]  }
0x2b: {  	s6 =	sld [smem:$0x3F90]  }
0x2c: {  	s7 =	sld [smem:$0x3F91]  }
0x2d: {  	s3 =	simm.s32 $0x108;
	s8 =	sld [smem:$0x3F92]  }
0x2e: {  	s3 =	simm.s32 @!p0 $0x1082;
	s9 =	sld [smem:$0x3F93]  }
0x2f: {  	lr =	sadd.s32 s0, s3;
	s0 =	sld [smem:$0x3F8A]  }
0x30: {  	s3 =	sld [smem:$0x3F8D]  }
0x31: {  	[smem:$0x3F96] =	sst s10  }
0x32: {  	s10 =	sld [smem:$0x3F94];
	_ =	sdelay $0x3  }
0x33: {  	p0 =	seq.s32 s10, $0x1;
	s10 =	sld [smem:$0x3F96];
	_ =	sdelay $0x3  }
0x34: {  	[smem:$0x3F96] =	sst s10  }
0x35: {  	s10 =	sld [smem:$0x3F95];
	_ =	sdelay $0x3  }
0x36: {  	p1 =	seq.s32 s10, $0x1;
	s10 =	sld [smem:$0x3F96];
	_ =	sdelay $0x3  }
0x37: {  	[smem:$0x3F96] =	sst s10  }
0x38: {  	s10 =	sld [smem:$0x3F97]  }
0x39: {  	_ = 	snop;
	(pc) =	sbr.ind lr, $3  }
0x3a: {  	_ = 	snop  }
0x3b: {  	_ = 	snop  }
0x3c: {  	p2 =	seq.s32 s10, $0x1;
	s10 =	sld [smem:$0x3F96]  }
0x3d: {  	_ =	shalt  }
0x3e: {  	_ =	shalt  }
0x3f: {  	_ =	shalt  }
0x40: {  	_ =	shalt  }
0x41: {  	_ =	shalt  }
0x42: {  	_ =	shalt  }
0x43: {  	_ =	shalt  }
0x44: {  	_ =	shalt  }
0x45: {  	_ =	shalt  }
0x46: {  	_ =	shalt  }
0x47: {  	_ =	shalt  }
0x48: {  	_ =	shalt  }
0x49: {  	_ =	shalt  }
0x4a: {  	_ =	shalt  }
0x4b: {  	_ =	shalt  }
0x4c: {  	_ =	shalt  }
0x4d: {  	_ =	shalt  }
0x4e: {  	_ =	shalt  }
0x4f: {  	_ =	shalt  }
0x50: {  	_ =	shalt  }
0x51: {  	_ =	shalt  }
0x52: {  	_ =	shalt  }
0x53: {  	_ =	shalt  }
0x54: {  	_ =	shalt  }
0x55: {  	_ =	shalt  }
0x56: {  	_ =	shalt  }
0x57: {  	_ =	shalt  }
0x58: {  	_ =	shalt  }
0x59: {  	_ =	shalt  }
0x5a: {  	_ =	shalt  }
0x5b: {  	_ =	shalt  }
0x5c: {  	_ =	shalt  }
0x5d: {  	_ =	shalt  }
0x5e: {  	_ =	shalt  }
0x5f: {  	_ =	shalt  }
0x60: {  	_ =	shalt  }
0x61: {  	_ =	shalt  }
0x62: {  	_ =	shalt  }
0x63: {  	_ =	shalt  }
0x64: {  	_ =	shalt  }
0x65: {  	_ =	shalt  }
0x66: {  	_ =	shalt  }
0x67: {  	_ =	shalt  }
0x68: {  	_ =	shalt  }
0x69: {  	_ =	shalt  }
0x6a: {  	_ =	shalt  }
0x6b: {  	_ =	shalt  }
0x6c: {  	_ =	shalt  }
0x6d: {  	_ =	shalt  }
0x6e: {  	_ =	shalt  }
0x6f: {  	_ =	shalt  }
0x70: {  	_ =	shalt  }
0x71: {  	_ =	shalt  }
0x72: {  	_ =	shalt  }
0x73: {  	_ =	shalt  }
0x74: {  	_ =	shalt  }
0x75: {  	_ =	shalt  }
0x76: {  	_ =	shalt  }
0x77: {  	_ =	shalt  }
0x78: {  	_ =	shalt  }
0x79: {  	_ =	shalt  }
0x7a: {  	_ =	shalt  }
0x7b: {  	_ =	shalt  }
0x7c: {  	_ =	shalt  }
0x7d: {  	_ =	shalt  }
0x7e: {  	_ =	shalt  }
0x7f: {  	_ =	shalt  }
0x80: {  	_ =	shalt  }
0x81: {  	_ =	shalt  }
0x82: {  	_ =	shalt  }
0x83: {  	_ =	shalt  }
0x84: {  	_ =	shalt  }
0x85: {  	_ =	shalt  }
0x86: {  	_ =	shalt  }
0x87: {  	_ =	shalt  }
.Lfunc_end0:
.L_simem_size_0:
called_computation.2_lowered:
.L_overlay_start_0:
0x88: {  	s2 =	sld [smem:$0x3FD9]  }
0x89: {  	s3 =	sld [smem:$0x3FFE];
	_ =	sdelay $0x1  }
0x8a: {  	s1 =	srdreg.scid  }
0x8b: {  	s0 =	sand.u32 $0x1, s1  }
0x8c: {  	s16 =	sshll.u32 s0, $0xA;
	s2 =	sadd.s32 s3, s2  }
0x8d: {  	s2 =	sadd.s32 s2, s16  }
0x8e: {  	[smem:$0x3FA2] =	sst s2  }
0x8f: {  	_ = 	snop  }
0x90: {  	(tm) =	ssettm $0x1  }
0x91: {  	s17 =	sld [smem:$0x3FFB];
	_ =	sdelay $0x3  }
0x92: {  	_ =	strace s17  }
0x93: {  	s2 =	sld [smem:$0x3FFC];
	_ =	sdelay $0x3  }
0x94: {  	_ =	strace s2  }
0x95: {  	s2 =	sld [smem:$0x3FFD];
	_ =	sdelay $0x3  }
0x96: {  	_ =	strace s2  }
0x97: {  	_ =	strace $0x8FFFFFFF  }
0x98: {  	s18 =	sld [smem:$0x3FDB];
	_ =	sdelay $0x1  }
0x99: {  	s19 =	simm.s32 $_scs_section_size  }
0x9a: {  	s4 =	simm.s32 $_size__tile_overlayer_lowered;
	s5 =	simm.s32 $_tile_overlayer_lowered  }
0x9b: {  	s22 =	simm.s32 $0x1BFF;
	s21 =	sshll.u32 s5, $0x1;
	s2 =	sadd.s32 s19, s18  }
0x9c: {  	s6 =	simm.s32 $0x0;
	s20 =	sshll.u32 s4, $0x1;
	s4 =	sadd.s32 s21, s2  }
0x9d: {  	[timem:s6], [sflag:s22] =	dma.local [hbm:s4], s20  }
0x9e: {  	_ =	swait.ge [sflag:s22], s20  }
0x9f: {  	s3 =	ssub.s32 $0x0, s20;
	[sflag:s22] =	ssyncset.done $0x0  }
0xa0: {  	[sflag:s22] =	ssyncadd.s32 s3;
	_ =	sdelay $0x1  }
0xa1: {  	s23 =	simm.s32 $0x1B8B  }
0xa2: {  	_ =	swait.ge [sflag:s23], $0x1  }
0xa3: {  	[sflag:s23] =	ssyncset.done $0x0  }
0xa4: {  	s25 =	simm.s32 $0x1B8E;
	s24 =	sld [smem:$0x3FFE];
	[sflag:s23] =	ssyncadd.s32 $0xFFFFFFFF  }
0xa5: {  	s26 =	simm.s32 $execute0_lowered;
	[smem:$0x3FD2] =	sst s25  }
0xa6: {  	s4 =	sshll.u32 s26, $0x1;
	_ =	strace $0x8000004C;
	[dreg:$0x1] =	wrdreg $0xFFFFFFFF  }
0xa7: {  	s28 =	simm.s32 $_size_execute0_lowered;
	s2 =	sadd.s32 s2, s4;
	[dreg:$0x0] =	wrdreg $0x0  }
0xa8: {  	s4 =	sshll.u32 s28, $0x1;
	[dreg:$0x2] =	wrdreg s2  }
0xa9: {  	[dreg:$0x3] =	wrdreg s4  }
0xaa: {  	[dreg:$0x4] =	wrdreg $0xC0  }
0xab: {  	_ =	task [dreg:s6], $0x5FFFF  }
0xac: {  	[dreg:$0x1] =	wrdreg $0xFFFFFFFF  }
0xad: {  	[dreg:$0x0] =	wrdreg $0x60  }
0xae: {  	[dreg:$0x2] =	wrdreg s24  }
0xaf: {  	[dreg:$0x3] =	wrdreg $0x9  }
0xb0: {  	_ =	task.clear_ibuf [dreg:s6], $0x4FFFF;
	_ =	strace $0x9000004C  }
0xb1: {  	s29 =	simm.s32 $0x9;
	_ =	strace $0x8000004E  }
0xb2: {  	_ =	swait.ge [sflag:s29], $0x1  }
0xb3: {  	[sflag:s29] =	ssyncadd.s32 $0xFFFFFFFF  }
0xb4: {  	_ =	strace $0x9000004E  }
0xb5: {  	_ =	sfence  }
0xb6: {  	s30 =	sld [smem:$0x0];
	_ =	sdelay $0x2  }
0xb7: {  	s31 =	sshll.u32 s1, $0xD;
	s1 =	sshrl.u32 s1, $0x2  }
0xb8: {  	s3 =	sand.u32 $0x4000, s31;
	s1 =	sadd.s32 s1, s30  }
0xb9: {  	s0 =	sor.u32 s3, s0;
	s1 =	sshll.u32 s1, $0x11  }
0xba: {  	s0 =	sor.u32 s1, s0  }
0xbb: {  	s0 =	sadd.s32 $0x8F2B, s0  }
0xbc: {  	[sflag:s0] =	ssyncadd.remote.s32 $0x1  }
0xbd: {  	_ =	sfence.sel $0xFFFF  }
0xbe: {  	[dreg:$0x0] =	wrdreg $0xFFFFFFFF;
	(pc) =	sbr.abs _section_cstart, $3  }
0xbf: {  	[dreg:$0x1] =	wrdreg $0xFFFFFFFF  }
0xc0: {  	_ =	task.clear_ibuf [dreg:s6], $0x2FFFF;
	_ =	strace $0x9FFFFFFF  }
0xc1: {  	(tm) =	ssettm $0x7FFFFFFF  }
tec
execute0_lowered:
.L_overlay_start_1:
0x0: {  	(tag) =	ssettag $0x1  }
0x1: {  	s0 =	rddreg [dreg:$0x0]  }
0x2: {  	s1 =	simm.s32 $0x0;
	s30 =	srdreg.scid;
	s9 =	stileid.u32  }
0x3: {  	s14 =	simm.s32 $0x4;
	s15 =	simm.s32 $0x80;
	s16 =	simm.s32 $0x180  }
0x4: {  	s17 =	simm.s32 $0x280;
	s18 =	simm.s32 $0x1;
	s19 =	simm.s32 $0x2  }
0x5: {  	s20 =	simm.s32 $0x3;
	s21 =	simm.s32 $0x300;
	s22 =	simm.s32 $0x100  }
0x6: {  	s23 =	simm.s32 $0x4300;
	s24 =	simm.s32 $0x8300;
	s28 =	simm.s32 $0x0  }
0x7: {  	s29 =	simm.s32 $0x0;
	[smem:$0x7FF] =	sst s1;
	s1 =	sand.u32 $0x1, s30  }
0x8: {  	s2 =	sadd.s32 $0x15BE00, s0;
	s4 =	sadd.s32 $0x183E00, s0;
	s3 =	sshll.u32 s1, $0x4  }
0x9: {  	s5 =	sadd.s32 $0xFE5E00, s0;
	s6 =	sadd.s32 $0x1BE00, s0;
	s3 =	sor.u32 s9, s3  }
0xa: {  	s7 =	sadd.s32 $0x78E00, s0;
	s8 =	sadd.s32 $0xD5E00, s0;
	s10 =	smul.u32 $0xA000, s3  }
0xb: {  	_ =	strace $0x8000004D;
	s1 =	ssub.s32 $0x2, s1;
	s31 =	smul.u32 $0x1400, s3  }
.Ltmp0:
0xc: {  	s11 =	sshrl.u32 s1, $0x1;
	s9 =	sshll.u32 s3, $0x7;
	(pc) =	sbr.rel .LBB2_1-.Ltmp0, $4  }
0xd: {  	s1 =	ssub.s32 s1, s11;
	s25 =	smul.u32 $0x140, s3;
	s9 =	sadd.s32 s9, s0  }
0xe: {  	s0 =	sadd.s32 $0x1ABE00, s0;
	s13 =	smax.u32 s1, $0x1;
	s10 =	sshrl.u32 s10, $0x3  }
0xf: {  	s9 =	sadd.s32 $0x132E00, s9;
	s11 =	sadd.s32 s0, s31;
	s12 =	sadd.s32 s0, s10  }
0x10: {  	v1 =	vimm.f32 $0.0e+00;
	v0 =	vmov s25;
	[dreg:$0x2] =	wrdreg s9;
	s10 =	smul.u32 $0x17400, s3;
	s12 =	sadd.s32 $0xA00, s12  }
.LBB2_7:
0x11: {  	s0 =	simm.s32 $0x0;
	s1 =	simm.s32 $0xC300  }
0x12: {  	[hbm4b:s11+s0] =	stream.linear.scatter [tilespmem:s1], [sflag:$0x4], $0x5000, $0x38;
	[tilespmem:$0x16700] =	vst v63  }
0x13: {  	s28 =	sadd.s32 $0x1, s28;
	_ =	swait.ge [sflag:s14], $0x5000  }
0x14: {  	p0 =	sne.s32 s28, s13;
	[sflag:s14] =	ssyncset.done $0x0  }
.Ltmp1:
0x15: {  	s31 =	simm.s32 $0x11300;
	[sflag:s14] =	ssyncadd.s32 $0xFFFFB000;
	(pc) =	sbr.rel @!p0 .LBB2_8-.Ltmp1, $4  }
0x16: {  	[hbm4b:s12+s0] =	stream.linear.scatter [tilespmem:s31], [sflag:$0x4], $0x5000, $0x38;
	[tilespmem:$0x16700] =	vst v63  }
0x17: {  	_ =	swait.ge [sflag:s14], $0x5000  }
0x18: {  	[sflag:s14] =	ssyncset.done $0x0  }
0x19: {  	[sflag:s14] =	ssyncadd.s32 $0xFFFFB000  }
.LBB2_1:
0x1a: {  	s0 =	simm.s32 $0x0;
	s1 =	simm.s32 $0x200  }
.LBB2_2:
0x1b: {  	p0 =	sne.s32 s1, $0x28E00;
	[tilespmem:s0+$0xC370] =	vst v1  }
0x1c: {  	[tilespmem:s0+$0xC300] =	vst v1  }
0x1d: {  	[tilespmem:s0+$0xC310] =	vst v1  }
.Ltmp2:
0x1e: {  	[tilespmem:s0+$0xC320] =	vst v1;
	(pc) =	sbr.rel @p0 .LBB2_2-.Ltmp2, $4  }
0x1f: {  	[tilespmem:s0+$0xC330] =	vst v1  }
0x20: {  	[tilespmem:s0+$0xC340] =	vst v1  }
0x21: {  	[tilespmem:s0+$0xC350] =	vst v1  }
0x22: {  	[tilespmem:s0+$0xC360] =	vst v1;
	s0 =	sshra.s32 s1, $0x2;
	s1 =	sadd.s32 $0x200, s1  }
0x23: {  	[tilespmem:s0+$0xC370] =	vst v1  }
0x24: {  	[tilespmem:s0+$0xC300] =	vst v1  }
0x25: {  	[tilespmem:s0+$0xC310] =	vst v1  }
0x26: {  	[tilespmem:s0+$0xC320] =	vst v1  }
0x27: {  	[tilespmem:s0+$0xC330] =	vst v1  }
0x28: {  	[tilespmem:s0+$0xC340] =	vst v1  }
0x29: {  	[tilespmem:s0+$0xC350] =	vst v1  }
0x2a: {  	[tilespmem:s0+$0xC360] =	vst v1;
	s26 =	rddreg [dreg:$0x2]  }
0x2b: {  	[tilespmem:s29], [sflag:$0x4] =	stream.linear.gather [hbm4b:s26+s29], $0x80, $0x38;
	[tilespmem:$0x16700] =	vst v63  }
0x2c: {  	_ =	swait.ge [sflag:s14], $0x80  }
0x2d: {  	[sflag:s14] =	ssyncset.done $0x0  }
0x2e: {  	[sflag:s14] =	ssyncadd.s32 $0xFFFFFF80  }
0x2f: {  	v2 =	vld [tilespmem:$0x0];
	_ =	sdelay $0x4  }
0x30: {  	(v2sf) =	vpush v2, $0x0;
	_ =	sdelay $0xe  }
0x31: {  	s30 =	spop (v2sf)  }
0x32: {  	p0 =	slt.s32 s30, $0x1  }
.Ltmp3:
0x33: {  	_ = 	snop;
	(pc) =	sbr.rel @p0 .LBB2_7-.Ltmp3, $2  }
0x34: {  	_ =	sdelay $0x2  }
0x35: {  	s31 =	simm.s32 $0x0  }
.LBB2_4:
0x36: {  	s0 =	sshll.u32 s31, $0xA  }
0x37: {  	s0 =	sadd.s32 s10, s0  }
0x38: {  	s0 =	sshrl.u32 s0, $0x3  }
0x39: {  	s1 =	sadd.s32 s6, s0  }
0x3a: {  	[tilespmem:s15], [sflag:$0x1] =	stream.linear.gather [hbm4b:s1+s29], $0x80, $0x38;
	[tilespmem:$0x16700] =	vst v63  }
0x3b: {  	s9 =	sadd.s32 s7, s0  }
0x3c: {  	[tilespmem:s16], [sflag:$0x2] =	stream.linear.gather [hbm4b:s9+s29], $0x80, $0x38;
	[tilespmem:$0x16700] =	vst v63  }
0x3d: {  	s0 =	sadd.s32 s8, s0  }
0x3e: {  	[tilespmem:s17], [sflag:$0x3] =	stream.linear.gather [hbm4b:s0+s29], $0x80, $0x38;
	[tilespmem:$0x16700] =	vst v63  }
0x3f: {  	_ =	swait.ge [sflag:s18], $0x80  }
0x40: {  	[sflag:s18] =	ssyncset.done $0x0  }
0x41: {  	[sflag:s18] =	ssyncadd.s32 $0xFFFFFF80  }
0x42: {  	_ =	swait.ge [sflag:s19], $0x80  }
0x43: {  	[sflag:s19] =	ssyncset.done $0x0  }
0x44: {  	[sflag:s19] =	ssyncadd.s32 $0xFFFFFF80  }
0x45: {  	_ =	swait.ge [sflag:s20], $0x80  }
0x46: {  	[sflag:s20] =	ssyncset.done $0x0  }
0x47: {  	[sflag:s20] =	ssyncadd.s32 $0xFFFFFF80  }
0x48: {  	v2 =	vld [tilespmem:$0x180]  }
0x49: {  	v3 =	vld [tilespmem:$0x190]  }
0x4a: {  	v4 =	vld [tilespmem:$0x1A0]  }
0x4b: {  	v5 =	vld [tilespmem:$0x1B0]  }
0x4c: {  	v6 =	vld [tilespmem:$0x1C0]  }
0x4d: {  	v7 =	vld [tilespmem:$0x1D0];
	v2 =	vadd.s32 v0, v2  }
0x4e: {  	v8 =	vld [tilespmem:$0x1E0];
	v3 =	vadd.s32 v0, v3;
	vm0 =	vlt.s32 v2, $0x27FF  }
0x4f: {  	v9 =	vld [tilespmem:$0x1F0];
	v4 =	vadd.s32 v0, v4;
	vm9 =	vlt.s32 v3, $0x27FF;
	v2 =	vnsel vm0, $0x27FF, v2  }
0x50: {  	vm10 =	vlt.s32 v4, $0x27FF;
	[tilespmem:$0x100] =	vst v2;
	v2 =	vnsel vm9, $0x27FF, v3;
	v3 =	vadd.s32 v0, v5  }
0x51: {  	[tilespmem:$0x110] =	vst v2;
	v2 =	vnsel vm10, $0x27FF, v4;
	vm11 =	vlt.s32 v3, $0x27FF;
	v4 =	vadd.s32 v0, v6  }
0x52: {  	[tilespmem:$0x120] =	vst v2;
	v2 =	vnsel vm11, $0x27FF, v3;
	vm12 =	vlt.s32 v4, $0x27FF;
	v3 =	vadd.s32 v0, v7  }
0x53: {  	[tilespmem:$0x130] =	vst v2;
	v2 =	vnsel vm12, $0x27FF, v4;
	vm13 =	vlt.s32 v3, $0x27FF;
	v4 =	vadd.s32 v0, v8  }
0x54: {  	[tilespmem:$0x140] =	vst v2;
	v2 =	vnsel vm13, $0x27FF, v3;
	vm14 =	vlt.s32 v4, $0x27FF;
	v3 =	vadd.s32 v0, v9  }
0x55: {  	[tilespmem:$0x150] =	vst v2;
	v2 =	vnsel vm14, $0x27FF, v4;
	vm15 =	vlt.s32 v3, $0x27FF  }
0x56: {  	[tilespmem:$0x160] =	vst v2;
	v2 =	vnsel vm15, $0x27FF, v3  }
0x57: {  	[tilespmem:$0x170] =	vst v2  }
0x58: {  	[tilespmem:s21], [sflag:$0x1] =	stream.indirect.gather [hbm4b:s2+s15], $0x80, s15, s15, $0xb8;
	[tilespmem:$0x16700] =	vst v63  }
0x59: {  	_ = 	snop  }
0x5a: {  	[tilespmem:s23], [sflag:$0x2] =	stream.indirect.gather [hbm4b:s4+s15], $0x80, s22, s15, $0xb8;
	[tilespmem:$0x16700] =	vst v63  }
0x5b: {  	_ = 	snop  }
0x5c: {  	[tilespmem:s24], [sflag:$0x3] =	stream.indirect.gather [hbm4b:s5+s15], $0x80, s17, s15, $0xb8;
	[tilespmem:$0x16700] =	vst v63  }
0x5d: {  	_ =	swait.ge [sflag:s18], $0x4000  }
0x5e: {  	[sflag:s18] =	ssyncset.done $0x0  }
0x5f: {  	[sflag:s18] =	ssyncadd.s32 $0xFFFFC000  }
0x60: {  	_ =	swait.ge [sflag:s19], $0x4000  }
0x61: {  	[sflag:s19] =	ssyncset.done $0x0  }
0x62: {  	[sflag:s19] =	ssyncadd.s32 $0xFFFFC000  }
0x63: {  	_ =	swait.ge [sflag:s20], $0x4000  }
0x64: {  	[sflag:s20] =	ssyncset.done $0x0  }
0x65: {  	s0 =	simm.s32 $0x181;
	[sflag:s20] =	ssyncadd.s32 $0xFFFFC000  }
0x66: {  	v2 =	vld [tilespmem:s0+$0xFFFFFFFF]  }
0x67: {  	v3 =	vld [tilespmem:s0+$0x0];
	_ =	sdelay $0x3  }
0x68: {  	(v2sf) =	vpush v2, $0x0  }
0x69: {  	(v2sf) =	vpush v3, $0x0;
	_ =	sdelay $0x3  }
0x6a: {  	s3 =	simm.s32 $0x0  }
0x6b: {  	v4 =	vld [tilespmem:s3+$0x300]  }
0x6c: {  	v5 =	vld [tilespmem:s3+$0x380]  }
0x6d: {  	v3 =	vld [tilespmem:s3+$0x4300]  }
0x6e: {  	v2 =	vld [tilespmem:s3+$0x4380]  }
0x6f: {  	v6 =	vld [tilespmem:s3+$0x8300]  }
0x70: {  	v7 =	vld [tilespmem:s3+$0x8380];
	_ =	sdelay $0x1  }
0x71: {  	v3 =	vadd.f32 v3, v4  }
0x72: {  	v2 =	vadd.f32 v2, v5  }
0x73: {  	v3 =	vadd.f32 v6, v3;
	s25 =	spop (v2sf)  }
0x74: {  	v2 =	vadd.f32 v7, v2;
	s1 =	sshll.u32 s25, $0x9;
	s26 =	spop (v2sf)  }
0x75: {  	v3 =	vmax.f32 v3, $0.0e+00;
	s25 =	sshra.s32 s1, $0x2;
	s26 =	sshll.u32 s26, $0x9  }
0x76: {  	v2 =	vmax.f32 v2, $0.0e+00;
	[tilespmem:s25+$0xC300] =	vst.add.f32.msk $0xffff, v3;
	s26 =	sshra.s32 s26, $0x2  }
0x77: {  	[tilespmem:s26+$0xC300] =	vst.add.f32.msk $0xffff, v2  }
0x78: {  	v2 =	vld [tilespmem:s3+$0x310]  }
0x79: {  	v3 =	vld [tilespmem:s3+$0x390]  }
0x7a: {  	v4 =	vld [tilespmem:s3+$0x4310]  }
0x7b: {  	v5 =	vld [tilespmem:s3+$0x4390]  }
0x7c: {  	v6 =	vld [tilespmem:s3+$0x8310]  }
0x7d: {  	v7 =	vld [tilespmem:s3+$0x8390];
	_ =	sdelay $0x1  }
0x7e: {  	v2 =	vadd.f32 v4, v2  }
0x7f: {  	v3 =	vadd.f32 v5, v3  }
0x80: {  	v2 =	vadd.f32 v6, v2  }
0x81: {  	v3 =	vadd.f32 v7, v3  }
0x82: {  	v2 =	vmax.f32 v2, $0.0e+00  }
0x83: {  	v3 =	vmax.f32 v3, $0.0e+00;
	[tilespmem:s25+$0xC310] =	vst.add.f32.msk $0xffff, v2  }
0x84: {  	[tilespmem:s26+$0xC310] =	vst.add.f32.msk $0xffff, v3  }
0x85: {  	v2 =	vld [tilespmem:s3+$0x3A0]  }
0x86: {  	v3 =	vld [tilespmem:s3+$0x4320]  }
0x87: {  	v4 =	vld [tilespmem:s3+$0x320]  }
0x88: {  	v5 =	vld [tilespmem:s3+$0x43A0]  }
0x89: {  	v6 =	vld [tilespmem:s3+$0x8320]  }
0x8a: {  	v7 =	vld [tilespmem:s3+$0x83A0];
	_ =	sdelay $0x1  }
0x8b: {  	v3 =	vadd.f32 v3, v4  }
0x8c: {  	v2 =	vadd.f32 v5, v2  }
0x8d: {  	v3 =	vadd.f32 v6, v3  }
0x8e: {  	v2 =	vadd.f32 v7, v2  }
0x8f: {  	v3 =	vmax.f32 v3, $0.0e+00  }
0x90: {  	v2 =	vmax.f32 v2, $0.0e+00;
	[tilespmem:s25+$0xC320] =	vst.add.f32.msk $0xffff, v3  }
0x91: {  	[tilespmem:s26+$0xC320] =	vst.add.f32.msk $0xffff, v2  }
0x92: {  	v2 =	vld [tilespmem:s3+$0x4330]  }
0x93: {  	v3 =	vld [tilespmem:s3+$0x3B0]  }
0x94: {  	v4 =	vld [tilespmem:s3+$0x330]  }
0x95: {  	v5 =	vld [tilespmem:s3+$0x43B0]  }
0x96: {  	v6 =	vld [tilespmem:s3+$0x8330]  }
0x97: {  	v7 =	vld [tilespmem:s3+$0x83B0];
	_ =	sdelay $0x1  }
0x98: {  	v2 =	vadd.f32 v2, v4  }
0x99: {  	v3 =	vadd.f32 v5, v3  }
0x9a: {  	v2 =	vadd.f32 v6, v2  }
0x9b: {  	v3 =	vadd.f32 v7, v3  }
0x9c: {  	v2 =	vmax.f32 v2, $0.0e+00  }
0x9d: {  	v3 =	vmax.f32 v3, $0.0e+00;
	[tilespmem:s25+$0xC330] =	vst.add.f32.msk $0xffff, v2  }
0x9e: {  	[tilespmem:s26+$0xC330] =	vst.add.f32.msk $0xffff, v3  }
0x9f: {  	v2 =	vld [tilespmem:s3+$0x4340]  }
0xa0: {  	v3 =	vld [tilespmem:s3+$0x3C0]  }
0xa1: {  	v4 =	vld [tilespmem:s3+$0x340]  }
0xa2: {  	v5 =	vld [tilespmem:s3+$0x43C0]  }
0xa3: {  	v6 =	vld [tilespmem:s3+$0x8340]  }
0xa4: {  	v7 =	vld [tilespmem:s3+$0x83C0];
	_ =	sdelay $0x1  }
0xa5: {  	v2 =	vadd.f32 v2, v4  }
0xa6: {  	v3 =	vadd.f32 v5, v3  }
0xa7: {  	v2 =	vadd.f32 v6, v2  }
0xa8: {  	v3 =	vadd.f32 v7, v3  }
0xa9: {  	v2 =	vmax.f32 v2, $0.0e+00  }
0xaa: {  	v3 =	vmax.f32 v3, $0.0e+00;
	[tilespmem:s25+$0xC340] =	vst.add.f32.msk $0xffff, v2  }
0xab: {  	[tilespmem:s26+$0xC340] =	vst.add.f32.msk $0xffff, v3  }
0xac: {  	v2 =	vld [tilespmem:s3+$0x3D0]  }
0xad: {  	v3 =	vld [tilespmem:s3+$0x4350]  }
0xae: {  	v4 =	vld [tilespmem:s3+$0x350]  }
0xaf: {  	v5 =	vld [tilespmem:s3+$0x43D0]  }
0xb0: {  	v6 =	vld [tilespmem:s3+$0x8350]  }
0xb1: {  	v7 =	vld [tilespmem:s3+$0x83D0];
	_ =	sdelay $0x1  }
0xb2: {  	v3 =	vadd.f32 v3, v4  }
0xb3: {  	v2 =	vadd.f32 v5, v2  }
0xb4: {  	v3 =	vadd.f32 v6, v3  }
0xb5: {  	v2 =	vadd.f32 v7, v2  }
0xb6: {  	v3 =	vmax.f32 v3, $0.0e+00  }
0xb7: {  	v2 =	vmax.f32 v2, $0.0e+00;
	[tilespmem:s25+$0xC350] =	vst.add.f32.msk $0xffff, v3  }
0xb8: {  	[tilespmem:s26+$0xC350] =	vst.add.f32.msk $0xffff, v2  }
0xb9: {  	v2 =	vld [tilespmem:s3+$0x360]  }
0xba: {  	v3 =	vld [tilespmem:s3+$0x4360];
	_ =	sdelay $0x1  }
0xbb: {  	v4 =	vld [tilespmem:s3+$0x8360];
	_ =	sdelay $0x1  }
0xbc: {  	v5 =	vld [tilespmem:s3+$0x3E0]  }
0xbd: {  	v6 =	vld [tilespmem:s3+$0x43E0];
	v2 =	vadd.f32 v3, v2;
	_ =	sdelay $0x1  }
0xbe: {  	v3 =	vadd.f32 v4, v2;
	v2 =	vld [tilespmem:s3+$0x83E0];
	_ =	sdelay $0x2  }
0xbf: {  	s1 =	simm.s32 $0x400;
	v4 =	vadd.f32 v6, v5;
	v3 =	vmax.f32 v3, $0.0e+00  }
.LBB2_5:
0xc0: {  	p0 =	sne.s32 s1, $0xFC00  }
0xc1: {  	v2 =	vadd.f32 v2, v4;
	s0 =	sadd.s32 $0x2, s0;
	s9 =	smov.u32 s1;
	s1 =	sadd.s32 $0x400, s1  }
0xc2: {  	_ = 	snop  }
0xc3: {  	v2 =	vmax.f32 v2, $0.0e+00;
	[tilespmem:s25+$0xC360] =	vst.add.f32.msk $0xffff, v3  }
0xc4: {  	[tilespmem:s26+$0xC360] =	vst.add.f32.msk $0xffff, v2  }
0xc5: {  	v2 =	vld [tilespmem:s3+$0x83F0]  }
0xc6: {  	v3 =	vld [tilespmem:s3+$0x43F0]  }
0xc7: {  	v4 =	vld [tilespmem:s3+$0x3F0]  }
0xc8: {  	v5 =	vld [tilespmem:s3+$0x370]  }
0xc9: {  	v6 =	vld [tilespmem:s3+$0x4370]  }
0xca: {  	v7 =	vld [tilespmem:s3+$0x8370];
	_ =	sdelay $0x1  }
0xcb: {  	v3 =	vadd.f32 v3, v4;
	_ =	sdelay $0x1  }
0xcc: {  	v4 =	vadd.f32 v6, v5;
	v2 =	vadd.f32 v2, v3;
	_ =	sdelay $0x1  }
0xcd: {  	v3 =	vadd.f32 v7, v4;
	_ =	sdelay $0x1  }
0xce: {  	v2 =	vmax.f32 v2, $0.0e+00;
	v3 =	vmax.f32 v3, $0.0e+00  }
0xcf: {  	[tilespmem:s25+$0xC370] =	vst.add.f32.msk $0xffff, v3  }
0xd0: {  	[tilespmem:s26+$0xC370] =	vst.add.f32.msk $0xffff, v2  }
0xd1: {  	v2 =	vld [tilespmem:s0+$0xFFFFFFFF]  }
0xd2: {  	v3 =	vld [tilespmem:s0+$0x0];
	_ =	sdelay $0x3  }
0xd3: {  	(v2sf) =	vpush v2, $0x0  }
0xd4: {  	(v2sf) =	vpush v3, $0x0;
	_ =	sdelay $0x3  }
0xd5: {  	s3 =	sshra.s32 s9, $0x2  }
0xd6: {  	v2 =	vld [tilespmem:s3+$0x4380]  }
0xd7: {  	v3 =	vld [tilespmem:s3+$0x4300]  }
0xd8: {  	v4 =	vld [tilespmem:s3+$0x300]  }
0xd9: {  	v5 =	vld [tilespmem:s3+$0x380]  }
0xda: {  	v6 =	vld [tilespmem:s3+$0x8300]  }
0xdb: {  	v7 =	vld [tilespmem:s3+$0x8380];
	_ =	sdelay $0x1  }
0xdc: {  	v3 =	vadd.f32 v3, v4  }
0xdd: {  	v2 =	vadd.f32 v2, v5  }
0xde: {  	v3 =	vadd.f32 v6, v3;
	s9 =	spop (v2sf)  }
0xdf: {  	v2 =	vadd.f32 v7, v2;
	s9 =	sshll.u32 s9, $0x9;
	s26 =	spop (v2sf)  }
0xe0: {  	v3 =	vmax.f32 v3, $0.0e+00;
	s25 =	sshra.s32 s9, $0x2;
	s9 =	sshll.u32 s26, $0x9  }
0xe1: {  	v2 =	vmax.f32 v2, $0.0e+00;
	[tilespmem:s25+$0xC300] =	vst.add.f32.msk $0xffff, v3;
	s26 =	sshra.s32 s9, $0x2  }
0xe2: {  	[tilespmem:s26+$0xC300] =	vst.add.f32.msk $0xffff, v2  }
0xe3: {  	v2 =	vld [tilespmem:s3+$0x8390]  }
0xe4: {  	v3 =	vld [tilespmem:s3+$0x310]  }
0xe5: {  	v4 =	vld [tilespmem:s3+$0x390]  }
0xe6: {  	v5 =	vld [tilespmem:s3+$0x4310]  }
0xe7: {  	v6 =	vld [tilespmem:s3+$0x4390]  }
0xe8: {  	v7 =	vld [tilespmem:s3+$0x8310];
	_ =	sdelay $0x2  }
0xe9: {  	v3 =	vadd.f32 v5, v3  }
0xea: {  	v4 =	vadd.f32 v6, v4  }
0xeb: {  	v3 =	vadd.f32 v7, v3  }
0xec: {  	v2 =	vadd.f32 v2, v4  }
0xed: {  	v3 =	vmax.f32 v3, $0.0e+00  }
0xee: {  	v2 =	vmax.f32 v2, $0.0e+00;
	[tilespmem:s25+$0xC310] =	vst.add.f32.msk $0xffff, v3  }
0xef: {  	[tilespmem:s26+$0xC310] =	vst.add.f32.msk $0xffff, v2  }
0xf0: {  	v2 =	vld [tilespmem:s3+$0x3A0]  }
0xf1: {  	v3 =	vld [tilespmem:s3+$0x4320]  }
0xf2: {  	v4 =	vld [tilespmem:s3+$0x320]  }
0xf3: {  	v5 =	vld [tilespmem:s3+$0x43A0]  }
0xf4: {  	v6 =	vld [tilespmem:s3+$0x8320]  }
0xf5: {  	v7 =	vld [tilespmem:s3+$0x83A0];
	_ =	sdelay $0x1  }
0xf6: {  	v3 =	vadd.f32 v3, v4  }
0xf7: {  	v2 =	vadd.f32 v5, v2  }
0xf8: {  	v3 =	vadd.f32 v6, v3  }
0xf9: {  	v2 =	vadd.f32 v7, v2  }
0xfa: {  	v3 =	vmax.f32 v3, $0.0e+00  }
0xfb: {  	v2 =	vmax.f32 v2, $0.0e+00;
	[tilespmem:s25+$0xC320] =	vst.add.f32.msk $0xffff, v3  }
0xfc: {  	[tilespmem:s26+$0xC320] =	vst.add.f32.msk $0xffff, v2  }
0xfd: {  	v2 =	vld [tilespmem:s3+$0x4330]  }
0xfe: {  	v3 =	vld [tilespmem:s3+$0x3B0]  }
0xff: {  	v4 =	vld [tilespmem:s3+$0x330]  }
0x100: {  	v5 =	vld [tilespmem:s3+$0x43B0]  }
0x101: {  	v6 =	vld [tilespmem:s3+$0x8330]  }
0x102: {  	v7 =	vld [tilespmem:s3+$0x83B0];
	_ =	sdelay $0x1  }
0x103: {  	v2 =	vadd.f32 v2, v4  }
0x104: {  	v3 =	vadd.f32 v5, v3  }
0x105: {  	v2 =	vadd.f32 v6, v2  }
0x106: {  	v3 =	vadd.f32 v7, v3  }
0x107: {  	v2 =	vmax.f32 v2, $0.0e+00  }
0x108: {  	v3 =	vmax.f32 v3, $0.0e+00;
	[tilespmem:s25+$0xC330] =	vst.add.f32.msk $0xffff, v2  }
0x109: {  	[tilespmem:s26+$0xC330] =	vst.add.f32.msk $0xffff, v3  }
0x10a: {  	v2 =	vld [tilespmem:s3+$0x4340]  }
0x10b: {  	v3 =	vld [tilespmem:s3+$0x3C0]  }
0x10c: {  	v4 =	vld [tilespmem:s3+$0x43C0]  }
0x10d: {  	v5 =	vld [tilespmem:s3+$0x340]  }
0x10e: {  	v6 =	vld [tilespmem:s3+$0x83C0]  }
0x10f: {  	v7 =	vld [tilespmem:s3+$0x8340];
	_ =	sdelay $0x1  }
0x110: {  	v3 =	vadd.f32 v4, v3  }
0x111: {  	v2 =	vadd.f32 v2, v5  }
0x112: {  	v3 =	vadd.f32 v6, v3  }
0x113: {  	v2 =	vadd.f32 v7, v2;
	_ =	sdelay $0x1  }
0x114: {  	v2 =	vmax.f32 v2, $0.0e+00  }
0x115: {  	v3 =	vmax.f32 v3, $0.0e+00;
	[tilespmem:s25+$0xC340] =	vst.add.f32.msk $0xffff, v2  }
0x116: {  	[tilespmem:s26+$0xC340] =	vst.add.f32.msk $0xffff, v3  }
0x117: {  	v2 =	vld [tilespmem:s3+$0x3D0]  }
0x118: {  	v3 =	vld [tilespmem:s3+$0x4350]  }
0x119: {  	v4 =	vld [tilespmem:s3+$0x350]  }
0x11a: {  	v5 =	vld [tilespmem:s3+$0x43D0]  }
0x11b: {  	v6 =	vld [tilespmem:s3+$0x8350]  }
0x11c: {  	v7 =	vld [tilespmem:s3+$0x83D0];
	_ =	sdelay $0x1  }
0x11d: {  	v3 =	vadd.f32 v3, v4  }
0x11e: {  	v2 =	vadd.f32 v5, v2  }
0x11f: {  	v3 =	vadd.f32 v6, v3  }
0x120: {  	v2 =	vadd.f32 v7, v2  }
0x121: {  	v3 =	vmax.f32 v3, $0.0e+00  }
0x122: {  	v2 =	vmax.f32 v2, $0.0e+00;
	[tilespmem:s25+$0xC350] =	vst.add.f32.msk $0xffff, v3  }
0x123: {  	[tilespmem:s26+$0xC350] =	vst.add.f32.msk $0xffff, v2  }
0x124: {  	v3 =	vld [tilespmem:s3+$0x360]  }
0x125: {  	v4 =	vld [tilespmem:s3+$0x4360]  }
0x126: {  	v5 =	vld [tilespmem:s3+$0x8360]  }
0x127: {  	v6 =	vld [tilespmem:s3+$0x3E0]  }
0x128: {  	v7 =	vld [tilespmem:s3+$0x43E0]  }
0x129: {  	v2 =	vld [tilespmem:s3+$0x83E0]  }
.Ltmp4:
0x12a: {  	v3 =	vadd.f32 v4, v3;
	(pc) =	sbr.rel @p0 .LBB2_5-.Ltmp4, $4  }
0x12b: {  	_ = 	snop  }
0x12c: {  	v3 =	vadd.f32 v5, v3  }
0x12d: {  	v4 =	vadd.f32 v7, v6  }
0x12e: {  	v3 =	vmax.f32 v3, $0.0e+00  }
0x12f: {  	v2 =	vadd.f32 v2, v4;
	_ =	sdelay $0x1  }
0x130: {  	[tilespmem:s25+$0xC360] =	vst.add.f32.msk $0xffff, v3;
	v2 =	vmax.f32 v2, $0.0e+00  }
0x131: {  	[tilespmem:s26+$0xC360] =	vst.add.f32.msk $0xffff, v2  }
0x132: {  	v2 =	vld [tilespmem:s3+$0x43F0]  }
0x133: {  	v3 =	vld [tilespmem:s3+$0x370]  }
0x134: {  	v63 =	vld [tilespmem:s3+$0x4370]  }
0x135: {  	v5 =	vld [tilespmem:s3+$0x3F0]  }
0x136: {  	v6 =	vld [tilespmem:s3+$0x8370]  }
0x137: {  	v7 =	vld [tilespmem:s3+$0x83F0];
	_ =	sdelay $0x1  }
0x138: {  	s31 =	sadd.s32 $0x1, s31;
	v3 =	vadd.f32 v63, v3  }
0x139: {  	p0 =	sne.s32 s31, s30;
	v2 =	vadd.f32 v2, v5  }
.Ltmp5:
0x13a: {  	v3 =	vadd.f32 v6, v3;
	(pc) =	sbr.rel @p0 .LBB2_4-.Ltmp5, $4  }
.Ltmp6:
0x13b: {  	v2 =	vadd.f32 v7, v2;
	(pc) =	sbr.rel @!p0 .LBB2_7-.Ltmp6, $4  }
0x13c: {  	v3 =	vmax.f32 v3, $0.0e+00  }
0x13d: {  	v2 =	vmax.f32 v2, $0.0e+00;
	[tilespmem:s25+$0xC370] =	vst.add.f32.msk $0xffff, v3  }
0x13e: {  	[tilespmem:s26+$0xC370] =	vst.add.f32.msk $0xffff, v2  }
0x13f: {  	_ = 	snop  }
.LBB2_8:
0x140: {  	_ =	sfence.sel $0x180000  }
0x141: {  	[bflag:$0x0] =	sbarrier.arrive $0xFFFF  }
0x142: {  	_ =	strace $0x9000004D  }
0x143: {  	s0 =	stileid.u32;
	[bflag:$0x2] =	sbarrier.arrive $0xFFFF  }
0x144: {  	p0 =	sne.s32 s0, $0x0;
	s0 =	rddreg [dreg:$0x1]  }
0x145: {  	s0 =	sadd.s32 @!p0 $0x100000, s0  }
0x146: {  	[sflag:s0] =	ssyncadd.tile.s32 @!p0 $0x1;
	_ =	shalt  }
.Lfunc_end2:
_tile_overlayer_lowered:
.L_overlay_start_2:
0x147: {  	(tag) =	ssettag $0x2  }
0x148: {  	s0 =	rddreg [dreg:$0x0];
	s2 =	stileid.u32  }
0x149: {  	s1 =	rddreg [dreg:$0x1];
	p0 =	sne.s32 s2, $0x0  }
0x14a: {  	s3 =	rddreg [dreg:$0x2];
	[bflag:$0x3] =	sbarrier.arrive $0xFFFF;
	s2 =	simm.s32 @!p0 $0x1C04  }
0x14b: {  	[timem:s3], [sflag:s2] =	dma.local @!p0 [hbm:s0], s1  }
0x14c: {  	s0 =	simm.s32 @!p0 $0x4  }
0x14d: {  	_ =	swait.ge @!p0 [sflag:s0], s1  }
0x14e: {  	s1 =	ssub.s32 @!p0 $0x0, s1;
	[sflag:s0] =	ssyncset.done @!p0 $0x0  }
0x14f: {  	[sflag:s0] =	ssyncadd.s32 @!p0 s1  }
0x150: {  	[bflag:$0x3] =	sbarrier.arrive $0xFFFF  }
0x151: {  	_ =	shalt  }

// kernel: kernel.26.cloned.1.call-start
scs
__scs_entry_jumppad:
0x0: {  	(pc) =	sbr.rel $0x88, $3  }
0x1: {  	(tag) =	ssettag $0x0;
	lr =	simm.s32 $0x1  }
0x2: {  	[smem:$0x3F7B] =	sst lr;
	_ =	strace $0xD0000000  }
0x3: {  	_ = 	snop  }
0x4: {  	_ = 	snop  }
0x5: {  	_ = 	snop  }
0x6: {  	_ = 	snop  }
0x7: {  	_ = 	snop  }
__scs_overlays_trampoline_lowered:
0x8: {  	[smem:$0x3F8A] =	sst s0  }
0x9: {  	[smem:$0x3F8B] =	sst s1  }
0xa: {  	[smem:$0x3F8C] =	sst s2  }
0xb: {  	[smem:$0x3F8D] =	sst s3  }
0xc: {  	[smem:$0x3F8E] =	sst s4  }
0xd: {  	[smem:$0x3F8F] =	sst s5  }
0xe: {  	[smem:$0x3F90] =	sst s6  }
0xf: {  	[smem:$0x3F91] =	sst s7  }
0x10: {  	[smem:$0x3F92] =	sst s8  }
0x11: {  	[smem:$0x3F93] =	sst s9;
	s0 =	simm.s32 @!p0 $0x0  }
0x12: {  	s1 =	sld [smem:$0x3F79];
	s0 =	simm.s32 @p0 $0x1  }
0x13: {  	[smem:$0x3F94] =	sst s0;
	s0 =	simm.s32 @!p1 $0x0  }
0x14: {  	s2 =	sld [smem:$0x3F78];
	s0 =	simm.s32 @p1 $0x1  }
0x15: {  	[smem:$0x3F95] =	sst s0;
	s0 =	simm.s32 @!p2 $0x0  }
0x16: {  	s3 =	sld [smem:$0x3FDB];
	s0 =	simm.s32 @p2 $0x1  }
0x17: {  	s4 =	simm.s32 $0x1BF5;
	[smem:$0x3F97] =	sst s0  }
0x18: {  	s0 =	sld [smem:$0x3F7A];
	_ =	swait.ge [sflag:s4], $0x0  }
0x19: {  	s7 =	sld [smem:$0x3F7B]  }
0x1a: {  	s8 =	sadd.s32 $0xFFFFE003, lr  }
0x1b: {  	s9 =	sadd.s32 $0xFFFFFEF7, lr;
	s5 =	simm.s32 $0xFFFFFFFF;
	p2 =	slt.u32 s8, $0xFFFFF086  }
0x1c: {  	p1 =	slt.u32 s9, $0xF7A;
	s5 =	simm.s32 @!p2 $0x0  }
0x1d: {  	s5 =	simm.s32 @p1 $0x1;
	p0 =	seq.s32 s7, s2  }
0x1e: {  	s7 =	smul.u32 @!p0 $0xF7A, s2;
	p2 =	seq.s32 @!p0 s5, $0x0  }
0x1f: {  	s9 =	smul.u32 $0xF7A, s1;
	s8 =	simm.s32 @!p0 $0x1BF5;
	p2 =	por !p2, p0  }
0x20: {  	[sflag:s8] =	ssyncset.s32 @!p0 $0xFFFFF086;
	s6 =	sadd.s32 @!p0 s3, s7;
	s7 =	simm.s32 @!p0 $0x108  }
0x21: {  	s3 =	sadd.s32 s3, s9;
	s6 =	sadd.s32 @!p0 $0x88, s6;
	s7 =	simm.s32 @p2 $0x1082  }
0x22: {  	[simem:s7], [sflag:s8] =	dma.local @!p0 [hbm:s6], $0xF7A  }
0x23: {  	s9 =	sor.u32 $0xD0000000, s2;
	s6 =	simm.s32 $0x108;
	_ =	swait.ge @!p0 [sflag:s8], $0x0  }
0x24: {  	s3 =	sadd.s32 $0x88, s3;
	s6 =	simm.s32 @!p1 $0x1082;
	[sflag:s4] =	ssyncset.s32 $0xFFFFF086  }
0x25: {  	[simem:s6], [sflag:s4] =	dma.local [hbm:s3], $0xF7A  }
0x26: {  	[smem:$0x3F7B] =	sst s1;
	(tag) =	ssettag s2;
	_ =	strace s9  }
0x27: {  	s1 =	sld [smem:$0x3F8B]  }
0x28: {  	s2 =	sld [smem:$0x3F8C]  }
0x29: {  	s4 =	sld [smem:$0x3F8E]  }
0x2a: {  	p0 =	seq.s32 s5, $0x0;
	s5 =	sld [smem:$0x3F8F]  }
0x2b: {  	s6 =	sld [smem:$0x3F90]  }
0x2c: {  	s7 =	sld [smem:$0x3F91]  }
0x2d: {  	s3 =	simm.s32 $0x108;
	s8 =	sld [smem:$0x3F92]  }
0x2e: {  	s3 =	simm.s32 @!p0 $0x1082;
	s9 =	sld [smem:$0x3F93]  }
0x2f: {  	lr =	sadd.s32 s0, s3;
	s0 =	sld [smem:$0x3F8A]  }
0x30: {  	s3 =	sld [smem:$0x3F8D]  }
0x31: {  	[smem:$0x3F96] =	sst s10  }
0x32: {  	s10 =	sld [smem:$0x3F94];
	_ =	sdelay $0x3  }
0x33: {  	p0 =	seq.s32 s10, $0x1;
	s10 =	sld [smem:$0x3F96];
	_ =	sdelay $0x3  }
0x34: {  	[smem:$0x3F96] =	sst s10  }
0x35: {  	s10 =	sld [smem:$0x3F95];
	_ =	sdelay $0x3  }
0x36: {  	p1 =	seq.s32 s10, $0x1;
	s10 =	sld [smem:$0x3F96];
	_ =	sdelay $0x3  }
0x37: {  	[smem:$0x3F96] =	sst s10  }
0x38: {  	s10 =	sld [smem:$0x3F97]  }
0x39: {  	_ = 	snop;
	(pc) =	sbr.ind lr, $3  }
0x3a: {  	_ = 	snop  }
0x3b: {  	_ = 	snop  }
0x3c: {  	p2 =	seq.s32 s10, $0x1;
	s10 =	sld [smem:$0x3F96]  }
0x3d: {  	_ =	shalt  }
0x3e: {  	_ =	shalt  }
0x3f: {  	_ =	shalt  }
0x40: {  	_ =	shalt  }
0x41: {  	_ =	shalt  }
0x42: {  	_ =	shalt  }
0x43: {  	_ =	shalt  }
0x44: {  	_ =	shalt  }
0x45: {  	_ =	shalt  }
0x46: {  	_ =	shalt  }
0x47: {  	_ =	shalt  }
0x48: {  	_ =	shalt  }
0x49: {  	_ =	shalt  }
0x4a: {  	_ =	shalt  }
0x4b: {  	_ =	shalt  }
0x4c: {  	_ =	shalt  }
0x4d: {  	_ =	shalt  }
0x4e: {  	_ =	shalt  }
0x4f: {  	_ =	shalt  }
0x50: {  	_ =	shalt  }
0x51: {  	_ =	shalt  }
0x52: {  	_ =	shalt  }
0x53: {  	_ =	shalt  }
0x54: {  	_ =	shalt  }
0x55: {  	_ =	shalt  }
0x56: {  	_ =	shalt  }
0x57: {  	_ =	shalt  }
0x58: {  	_ =	shalt  }
0x59: {  	_ =	shalt  }
0x5a: {  	_ =	shalt  }
0x5b: {  	_ =	shalt  }
0x5c: {  	_ =	shalt  }
0x5d: {  	_ =	shalt  }
0x5e: {  	_ =	shalt  }
0x5f: {  	_ =	shalt  }
0x60: {  	_ =	shalt  }
0x61: {  	_ =	shalt  }
0x62: {  	_ =	shalt  }
0x63: {  	_ =	shalt  }
0x64: {  	_ =	shalt  }
0x65: {  	_ =	shalt  }
0x66: {  	_ =	shalt  }
0x67: {  	_ =	shalt  }
0x68: {  	_ =	shalt  }
0x69: {  	_ =	shalt  }
0x6a: {  	_ =	shalt  }
0x6b: {  	_ =	shalt  }
0x6c: {  	_ =	shalt  }
0x6d: {  	_ =	shalt  }
0x6e: {  	_ =	shalt  }
0x6f: {  	_ =	shalt  }
0x70: {  	_ =	shalt  }
0x71: {  	_ =	shalt  }
0x72: {  	_ =	shalt  }
0x73: {  	_ =	shalt  }
0x74: {  	_ =	shalt  }
0x75: {  	_ =	shalt  }
0x76: {  	_ =	shalt  }
0x77: {  	_ =	shalt  }
0x78: {  	_ =	shalt  }
0x79: {  	_ =	shalt  }
0x7a: {  	_ =	shalt  }
0x7b: {  	_ =	shalt  }
0x7c: {  	_ =	shalt  }
0x7d: {  	_ =	shalt  }
0x7e: {  	_ =	shalt  }
0x7f: {  	_ =	shalt  }
0x80: {  	_ =	shalt  }
0x81: {  	_ =	shalt  }
0x82: {  	_ =	shalt  }
0x83: {  	_ =	shalt  }
0x84: {  	_ =	shalt  }
0x85: {  	_ =	shalt  }
0x86: {  	_ =	shalt  }
0x87: {  	_ =	shalt  }
.Lfunc_end0:
.L_simem_size_0:
called_computation.3_lowered:
.L_overlay_start_0:
0x88: {  	s2 =	sld [smem:$0x3FD9]  }
0x89: {  	s3 =	sld [smem:$0x3FFE];
	_ =	sdelay $0x1  }
0x8a: {  	s1 =	srdreg.scid  }
0x8b: {  	s0 =	sand.u32 $0x1, s1  }
0x8c: {  	s16 =	sshll.u32 s0, $0xA;
	s2 =	sadd.s32 s3, s2  }
0x8d: {  	s2 =	sadd.s32 s2, s16  }
0x8e: {  	[smem:$0x3FA2] =	sst s2  }
0x8f: {  	_ = 	snop  }
0x90: {  	(tm) =	ssettm $0x1  }
0x91: {  	s17 =	sld [smem:$0x3FFB];
	_ =	sdelay $0x3  }
0x92: {  	_ =	strace s17  }
0x93: {  	s2 =	sld [smem:$0x3FFC];
	_ =	sdelay $0x3  }
0x94: {  	_ =	strace s2  }
0x95: {  	s2 =	sld [smem:$0x3FFD];
	_ =	sdelay $0x3  }
0x96: {  	_ =	strace s2  }
0x97: {  	_ =	strace $0x8FFFFFFF  }
0x98: {  	s18 =	sld [smem:$0x3FDB];
	_ =	sdelay $0x1  }
0x99: {  	s19 =	simm.s32 $_scs_section_size  }
0x9a: {  	s4 =	simm.s32 $_size__tile_overlayer_lowered;
	s5 =	simm.s32 $_tile_overlayer_lowered  }
0x9b: {  	s22 =	simm.s32 $0x1BFF;
	s21 =	sshll.u32 s5, $0x1;
	s2 =	sadd.s32 s19, s18  }
0x9c: {  	s6 =	simm.s32 $0x0;
	s20 =	sshll.u32 s4, $0x1;
	s4 =	sadd.s32 s21, s2  }
0x9d: {  	[timem:s6], [sflag:s22] =	dma.local [hbm:s4], s20  }
0x9e: {  	_ =	swait.ge [sflag:s22], s20  }
0x9f: {  	s3 =	ssub.s32 $0x0, s20;
	[sflag:s22] =	ssyncset.done $0x0  }
0xa0: {  	[sflag:s22] =	ssyncadd.s32 s3;
	_ =	sdelay $0x1  }
0xa1: {  	s23 =	simm.s32 $0x1B8B  }
0xa2: {  	_ =	swait.ge [sflag:s23], $0x1  }
0xa3: {  	[sflag:s23] =	ssyncset.done $0x0  }
0xa4: {  	s25 =	simm.s32 $0x1B8E;
	s24 =	sld [smem:$0x3FFE];
	[sflag:s23] =	ssyncadd.s32 $0xFFFFFFFF  }
0xa5: {  	s26 =	simm.s32 $execute0_lowered;
	[smem:$0x3FD2] =	sst s25  }
0xa6: {  	s4 =	sshll.u32 s26, $0x1;
	_ =	strace $0x8000004F;
	[dreg:$0x1] =	wrdreg $0xFFFFFFFF  }
0xa7: {  	s28 =	simm.s32 $_size_execute0_lowered;
	s2 =	sadd.s32 s2, s4;
	[dreg:$0x0] =	wrdreg $0x0  }
0xa8: {  	s4 =	sshll.u32 s28, $0x1;
	[dreg:$0x2] =	wrdreg s2  }
0xa9: {  	[dreg:$0x3] =	wrdreg s4  }
0xaa: {  	[dreg:$0x4] =	wrdreg $0xC0  }
0xab: {  	_ =	task [dreg:s6], $0x5FFFF  }
0xac: {  	[dreg:$0x1] =	wrdreg $0xFFFFFFFF  }
0xad: {  	[dreg:$0x0] =	wrdreg $0x60  }
0xae: {  	[dreg:$0x2] =	wrdreg s24  }
0xaf: {  	[dreg:$0x3] =	wrdreg $0x9  }
0xb0: {  	_ =	task.clear_ibuf [dreg:s6], $0x4FFFF;
	_ =	strace $0x9000004F  }
0xb1: {  	s29 =	simm.s32 $0x9;
	_ =	strace $0x80000051  }
0xb2: {  	_ =	swait.ge [sflag:s29], $0x1  }
0xb3: {  	[sflag:s29] =	ssyncadd.s32 $0xFFFFFFFF  }
0xb4: {  	_ =	strace $0x90000051  }
0xb5: {  	_ =	sfence  }
0xb6: {  	s30 =	sld [smem:$0x0];
	_ =	sdelay $0x2  }
0xb7: {  	s31 =	sshll.u32 s1, $0xD;
	s1 =	sshrl.u32 s1, $0x2  }
0xb8: {  	s3 =	sand.u32 $0x4000, s31;
	s1 =	sadd.s32 s1, s30  }
0xb9: {  	s0 =	sor.u32 s3, s0;
	s1 =	sshll.u32 s1, $0x11  }
0xba: {  	s0 =	sor.u32 s1, s0  }
0xbb: {  	s0 =	sadd.s32 $0x8F2B, s0  }
0xbc: {  	[sflag:s0] =	ssyncadd.remote.s32 $0x1  }
0xbd: {  	_ =	sfence.sel $0xFFFF  }
0xbe: {  	[dreg:$0x0] =	wrdreg $0xFFFFFFFF;
	(pc) =	sbr.abs _section_cstart, $3  }
0xbf: {  	[dreg:$0x1] =	wrdreg $0xFFFFFFFF  }
0xc0: {  	_ =	task.clear_ibuf [dreg:s6], $0x2FFFF;
	_ =	strace $0x9FFFFFFF  }
0xc1: {  	(tm) =	ssettm $0x7FFFFFFF  }
tec
execute0_lowered:
.L_overlay_start_1:
0x0: {  	(tag) =	ssettag $0x1  }
0x1: {  	s0 =	rddreg [dreg:$0x0]  }
0x2: {  	s1 =	simm.s32 $0x0;
	s30 =	srdreg.scid;
	s9 =	stileid.u32  }
0x3: {  	s14 =	simm.s32 $0x4;
	s15 =	simm.s32 $0x80;
	s16 =	simm.s32 $0x180  }
0x4: {  	s17 =	simm.s32 $0x280;
	s18 =	simm.s32 $0x1;
	s19 =	simm.s32 $0x2  }
0x5: {  	s20 =	simm.s32 $0x3;
	s21 =	simm.s32 $0x300;
	s22 =	simm.s32 $0x100  }
0x6: {  	s23 =	simm.s32 $0x4300;
	s24 =	simm.s32 $0x8300;
	s28 =	simm.s32 $0x0  }
0x7: {  	s29 =	simm.s32 $0x0;
	[smem:$0x7FF] =	sst s1;
	s1 =	sand.u32 $0x1, s30  }
0x8: {  	s2 =	sadd.s32 $0x15BE00, s0;
	s4 =	sadd.s32 $0x183E00, s0;
	s3 =	sshll.u32 s1, $0x4  }
0x9: {  	s5 =	sadd.s32 $0xAFDE00, s0;
	s6 =	sadd.s32 $0x1BE00, s0;
	s3 =	sor.u32 s9, s3  }
0xa: {  	s7 =	sadd.s32 $0x78E00, s0;
	s8 =	sadd.s32 $0xD5E00, s0;
	s10 =	smul.u32 $0xA000, s3  }
0xb: {  	_ =	strace $0x80000050;
	s1 =	ssub.s32 $0x2, s1;
	s31 =	smul.u32 $0x1400, s3  }
.Ltmp0:
0xc: {  	s11 =	sshrl.u32 s1, $0x1;
	s9 =	sshll.u32 s3, $0x7;
	(pc) =	sbr.rel .LBB2_1-.Ltmp0, $4  }
0xd: {  	s1 =	ssub.s32 s1, s11;
	s25 =	smul.u32 $0x140, s3;
	s9 =	sadd.s32 s9, s0  }
0xe: {  	s0 =	sadd.s32 $0x1ABE00, s0;
	s13 =	smax.u32 s1, $0x1;
	s10 =	sshrl.u32 s10, $0x3  }
0xf: {  	s9 =	sadd.s32 $0x132E00, s9;
	s11 =	sadd.s32 s0, s31;
	s12 =	sadd.s32 s0, s10  }
0x10: {  	v1 =	vimm.f32 $0.0e+00;
	v0 =	vmov s25;
	[dreg:$0x2] =	wrdreg s9;
	s10 =	smul.u32 $0x17400, s3;
	s12 =	sadd.s32 $0xA00, s12  }
.LBB2_7:
0x11: {  	s0 =	simm.s32 $0x0;
	s1 =	simm.s32 $0xC300  }
0x12: {  	[hbm4b:s11+s0] =	stream.linear.scatter [tilespmem:s1], [sflag:$0x4], $0x5000, $0x38;
	[tilespmem:$0x16700] =	vst v63  }
0x13: {  	s28 =	sadd.s32 $0x1, s28;
	_ =	swait.ge [sflag:s14], $0x5000  }
0x14: {  	p0 =	sne.s32 s28, s13;
	[sflag:s14] =	ssyncset.done $0x0  }
.Ltmp1:
0x15: {  	s31 =	simm.s32 $0x11300;
	[sflag:s14] =	ssyncadd.s32 $0xFFFFB000;
	(pc) =	sbr.rel @!p0 .LBB2_8-.Ltmp1, $4  }
0x16: {  	[hbm4b:s12+s0] =	stream.linear.scatter [tilespmem:s31], [sflag:$0x4], $0x5000, $0x38;
	[tilespmem:$0x16700] =	vst v63  }
0x17: {  	_ =	swait.ge [sflag:s14], $0x5000  }
0x18: {  	[sflag:s14] =	ssyncset.done $0x0  }
0x19: {  	[sflag:s14] =	ssyncadd.s32 $0xFFFFB000  }
.LBB2_1:
0x1a: {  	s0 =	simm.s32 $0x0;
	s1 =	simm.s32 $0x200  }
.LBB2_2:
0x1b: {  	p0 =	sne.s32 s1, $0x28E00;
	[tilespmem:s0+$0xC370] =	vst v1  }
0x1c: {  	[tilespmem:s0+$0xC300] =	vst v1  }
0x1d: {  	[tilespmem:s0+$0xC310] =	vst v1  }
.Ltmp2:
0x1e: {  	[tilespmem:s0+$0xC320] =	vst v1;
	(pc) =	sbr.rel @p0 .LBB2_2-.Ltmp2, $4  }
0x1f: {  	[tilespmem:s0+$0xC330] =	vst v1  }
0x20: {  	[tilespmem:s0+$0xC340] =	vst v1  }
0x21: {  	[tilespmem:s0+$0xC350] =	vst v1  }
0x22: {  	[tilespmem:s0+$0xC360] =	vst v1;
	s0 =	sshra.s32 s1, $0x2;
	s1 =	sadd.s32 $0x200, s1  }
0x23: {  	[tilespmem:s0+$0xC370] =	vst v1  }
0x24: {  	[tilespmem:s0+$0xC300] =	vst v1  }
0x25: {  	[tilespmem:s0+$0xC310] =	vst v1  }
0x26: {  	[tilespmem:s0+$0xC320] =	vst v1  }
0x27: {  	[tilespmem:s0+$0xC330] =	vst v1  }
0x28: {  	[tilespmem:s0+$0xC340] =	vst v1  }
0x29: {  	[tilespmem:s0+$0xC350] =	vst v1  }
0x2a: {  	[tilespmem:s0+$0xC360] =	vst v1;
	s26 =	rddreg [dreg:$0x2]  }
0x2b: {  	[tilespmem:s29], [sflag:$0x4] =	stream.linear.gather [hbm4b:s26+s29], $0x80, $0x38;
	[tilespmem:$0x16700] =	vst v63  }
0x2c: {  	_ =	swait.ge [sflag:s14], $0x80  }
0x2d: {  	[sflag:s14] =	ssyncset.done $0x0  }
0x2e: {  	[sflag:s14] =	ssyncadd.s32 $0xFFFFFF80  }
0x2f: {  	v2 =	vld [tilespmem:$0x0];
	_ =	sdelay $0x4  }
0x30: {  	(v2sf) =	vpush v2, $0x0;
	_ =	sdelay $0xe  }
0x31: {  	s30 =	spop (v2sf)  }
0x32: {  	p0 =	slt.s32 s30, $0x1  }
.Ltmp3:
0x33: {  	_ = 	snop;
	(pc) =	sbr.rel @p0 .LBB2_7-.Ltmp3, $2  }
0x34: {  	_ =	sdelay $0x2  }
0x35: {  	s31 =	simm.s32 $0x0  }
.LBB2_4:
0x36: {  	s0 =	sshll.u32 s31, $0xA  }
0x37: {  	s0 =	sadd.s32 s10, s0  }
0x38: {  	s0 =	sshrl.u32 s0, $0x3  }
0x39: {  	s1 =	sadd.s32 s6, s0  }
0x3a: {  	[tilespmem:s15], [sflag:$0x1] =	stream.linear.gather [hbm4b:s1+s29], $0x80, $0x38;
	[tilespmem:$0x16700] =	vst v63  }
0x3b: {  	s9 =	sadd.s32 s7, s0  }
0x3c: {  	[tilespmem:s16], [sflag:$0x2] =	stream.linear.gather [hbm4b:s9+s29], $0x80, $0x38;
	[tilespmem:$0x16700] =	vst v63  }
0x3d: {  	s0 =	sadd.s32 s8, s0  }
0x3e: {  	[tilespmem:s17], [sflag:$0x3] =	stream.linear.gather [hbm4b:s0+s29], $0x80, $0x38;
	[tilespmem:$0x16700] =	vst v63  }
0x3f: {  	_ =	swait.ge [sflag:s18], $0x80  }
0x40: {  	[sflag:s18] =	ssyncset.done $0x0  }
0x41: {  	[sflag:s18] =	ssyncadd.s32 $0xFFFFFF80  }
0x42: {  	_ =	swait.ge [sflag:s19], $0x80  }
0x43: {  	[sflag:s19] =	ssyncset.done $0x0  }
0x44: {  	[sflag:s19] =	ssyncadd.s32 $0xFFFFFF80  }
0x45: {  	_ =	swait.ge [sflag:s20], $0x80  }
0x46: {  	[sflag:s20] =	ssyncset.done $0x0  }
0x47: {  	[sflag:s20] =	ssyncadd.s32 $0xFFFFFF80  }
0x48: {  	v2 =	vld [tilespmem:$0x180]  }
0x49: {  	v3 =	vld [tilespmem:$0x190]  }
0x4a: {  	v4 =	vld [tilespmem:$0x1A0]  }
0x4b: {  	v5 =	vld [tilespmem:$0x1B0]  }
0x4c: {  	v6 =	vld [tilespmem:$0x1C0]  }
0x4d: {  	v7 =	vld [tilespmem:$0x1D0];
	v2 =	vadd.s32 v0, v2  }
0x4e: {  	v8 =	vld [tilespmem:$0x1E0];
	v3 =	vadd.s32 v0, v3;
	vm0 =	vlt.s32 v2, $0x27FF  }
0x4f: {  	v9 =	vld [tilespmem:$0x1F0];
	v4 =	vadd.s32 v0, v4;
	vm9 =	vlt.s32 v3, $0x27FF;
	v2 =	vnsel vm0, $0x27FF, v2  }
0x50: {  	vm10 =	vlt.s32 v4, $0x27FF;
	[tilespmem:$0x100] =	vst v2;
	v2 =	vnsel vm9, $0x27FF, v3;
	v3 =	vadd.s32 v0, v5  }
0x51: {  	[tilespmem:$0x110] =	vst v2;
	v2 =	vnsel vm10, $0x27FF, v4;
	vm11 =	vlt.s32 v3, $0x27FF;
	v4 =	vadd.s32 v0, v6  }
0x52: {  	[tilespmem:$0x120] =	vst v2;
	v2 =	vnsel vm11, $0x27FF, v3;
	vm12 =	vlt.s32 v4, $0x27FF;
	v3 =	vadd.s32 v0, v7  }
0x53: {  	[tilespmem:$0x130] =	vst v2;
	v2 =	vnsel vm12, $0x27FF, v4;
	vm13 =	vlt.s32 v3, $0x27FF;
	v4 =	vadd.s32 v0, v8  }
0x54: {  	[tilespmem:$0x140] =	vst v2;
	v2 =	vnsel vm13, $0x27FF, v3;
	vm14 =	vlt.s32 v4, $0x27FF;
	v3 =	vadd.s32 v0, v9  }
0x55: {  	[tilespmem:$0x150] =	vst v2;
	v2 =	vnsel vm14, $0x27FF, v4;
	vm15 =	vlt.s32 v3, $0x27FF  }
0x56: {  	[tilespmem:$0x160] =	vst v2;
	v2 =	vnsel vm15, $0x27FF, v3  }
0x57: {  	[tilespmem:$0x170] =	vst v2  }
0x58: {  	[tilespmem:s21], [sflag:$0x1] =	stream.indirect.gather [hbm4b:s2+s15], $0x80, s15, s15, $0xb8;
	[tilespmem:$0x16700] =	vst v63  }
0x59: {  	_ = 	snop  }
0x5a: {  	[tilespmem:s23], [sflag:$0x2] =	stream.indirect.gather [hbm4b:s4+s15], $0x80, s22, s15, $0xb8;
	[tilespmem:$0x16700] =	vst v63  }
0x5b: {  	_ = 	snop  }
0x5c: {  	[tilespmem:s24], [sflag:$0x3] =	stream.indirect.gather [hbm4b:s5+s15], $0x80, s17, s15, $0xb8;
	[tilespmem:$0x16700] =	vst v63  }
0x5d: {  	_ =	swait.ge [sflag:s18], $0x4000  }
0x5e: {  	[sflag:s18] =	ssyncset.done $0x0  }
0x5f: {  	[sflag:s18] =	ssyncadd.s32 $0xFFFFC000  }
0x60: {  	_ =	swait.ge [sflag:s19], $0x4000  }
0x61: {  	[sflag:s19] =	ssyncset.done $0x0  }
0x62: {  	[sflag:s19] =	ssyncadd.s32 $0xFFFFC000  }
0x63: {  	_ =	swait.ge [sflag:s20], $0x4000  }
0x64: {  	[sflag:s20] =	ssyncset.done $0x0  }
0x65: {  	s0 =	simm.s32 $0x181;
	[sflag:s20] =	ssyncadd.s32 $0xFFFFC000  }
0x66: {  	v2 =	vld [tilespmem:s0+$0xFFFFFFFF]  }
0x67: {  	v3 =	vld [tilespmem:s0+$0x0];
	_ =	sdelay $0x3  }
0x68: {  	(v2sf) =	vpush v2, $0x0  }
0x69: {  	(v2sf) =	vpush v3, $0x0;
	_ =	sdelay $0x3  }
0x6a: {  	s3 =	simm.s32 $0x0  }
0x6b: {  	v4 =	vld [tilespmem:s3+$0x300]  }
0x6c: {  	v5 =	vld [tilespmem:s3+$0x380]  }
0x6d: {  	v3 =	vld [tilespmem:s3+$0x4300]  }
0x6e: {  	v2 =	vld [tilespmem:s3+$0x4380]  }
0x6f: {  	v6 =	vld [tilespmem:s3+$0x8300]  }
0x70: {  	v7 =	vld [tilespmem:s3+$0x8380];
	_ =	sdelay $0x1  }
0x71: {  	v3 =	vadd.f32 v3, v4  }
0x72: {  	v2 =	vadd.f32 v2, v5  }
0x73: {  	v3 =	vadd.f32 v6, v3;
	s25 =	spop (v2sf)  }
0x74: {  	v2 =	vadd.f32 v7, v2;
	s1 =	sshll.u32 s25, $0x9;
	s26 =	spop (v2sf)  }
0x75: {  	v3 =	vmax.f32 v3, $0.0e+00;
	s25 =	sshra.s32 s1, $0x2;
	s26 =	sshll.u32 s26, $0x9  }
0x76: {  	v2 =	vmax.f32 v2, $0.0e+00;
	[tilespmem:s25+$0xC300] =	vst.add.f32.msk $0xffff, v3;
	s26 =	sshra.s32 s26, $0x2  }
0x77: {  	[tilespmem:s26+$0xC300] =	vst.add.f32.msk $0xffff, v2  }
0x78: {  	v2 =	vld [tilespmem:s3+$0x310]  }
0x79: {  	v3 =	vld [tilespmem:s3+$0x390]  }
0x7a: {  	v4 =	vld [tilespmem:s3+$0x4310]  }
0x7b: {  	v5 =	vld [tilespmem:s3+$0x4390]  }
0x7c: {  	v6 =	vld [tilespmem:s3+$0x8310]  }
0x7d: {  	v7 =	vld [tilespmem:s3+$0x8390];
	_ =	sdelay $0x1  }
0x7e: {  	v2 =	vadd.f32 v4, v2  }
0x7f: {  	v3 =	vadd.f32 v5, v3  }
0x80: {  	v2 =	vadd.f32 v6, v2  }
0x81: {  	v3 =	vadd.f32 v7, v3  }
0x82: {  	v2 =	vmax.f32 v2, $0.0e+00  }
0x83: {  	v3 =	vmax.f32 v3, $0.0e+00;
	[tilespmem:s25+$0xC310] =	vst.add.f32.msk $0xffff, v2  }
0x84: {  	[tilespmem:s26+$0xC310] =	vst.add.f32.msk $0xffff, v3  }
0x85: {  	v2 =	vld [tilespmem:s3+$0x3A0]  }
0x86: {  	v3 =	vld [tilespmem:s3+$0x4320]  }
0x87: {  	v4 =	vld [tilespmem:s3+$0x320]  }
0x88: {  	v5 =	vld [tilespmem:s3+$0x43A0]  }
0x89: {  	v6 =	vld [tilespmem:s3+$0x8320]  }
0x8a: {  	v7 =	vld [tilespmem:s3+$0x83A0];
	_ =	sdelay $0x1  }
0x8b: {  	v3 =	vadd.f32 v3, v4  }
0x8c: {  	v2 =	vadd.f32 v5, v2  }
0x8d: {  	v3 =	vadd.f32 v6, v3  }
0x8e: {  	v2 =	vadd.f32 v7, v2  }
0x8f: {  	v3 =	vmax.f32 v3, $0.0e+00  }
0x90: {  	v2 =	vmax.f32 v2, $0.0e+00;
	[tilespmem:s25+$0xC320] =	vst.add.f32.msk $0xffff, v3  }
0x91: {  	[tilespmem:s26+$0xC320] =	vst.add.f32.msk $0xffff, v2  }
0x92: {  	v2 =	vld [tilespmem:s3+$0x4330]  }
0x93: {  	v3 =	vld [tilespmem:s3+$0x3B0]  }
0x94: {  	v4 =	vld [tilespmem:s3+$0x330]  }
0x95: {  	v5 =	vld [tilespmem:s3+$0x43B0]  }
0x96: {  	v6 =	vld [tilespmem:s3+$0x8330]  }
0x97: {  	v7 =	vld [tilespmem:s3+$0x83B0];
	_ =	sdelay $0x1  }
0x98: {  	v2 =	vadd.f32 v2, v4  }
0x99: {  	v3 =	vadd.f32 v5, v3  }
0x9a: {  	v2 =	vadd.f32 v6, v2  }
0x9b: {  	v3 =	vadd.f32 v7, v3  }
0x9c: {  	v2 =	vmax.f32 v2, $0.0e+00  }
0x9d: {  	v3 =	vmax.f32 v3, $0.0e+00;
	[tilespmem:s25+$0xC330] =	vst.add.f32.msk $0xffff, v2  }
0x9e: {  	[tilespmem:s26+$0xC330] =	vst.add.f32.msk $0xffff, v3  }
0x9f: {  	v2 =	vld [tilespmem:s3+$0x4340]  }
0xa0: {  	v3 =	vld [tilespmem:s3+$0x3C0]  }
0xa1: {  	v4 =	vld [tilespmem:s3+$0x340]  }
0xa2: {  	v5 =	vld [tilespmem:s3+$0x43C0]  }
0xa3: {  	v6 =	vld [tilespmem:s3+$0x8340]  }
0xa4: {  	v7 =	vld [tilespmem:s3+$0x83C0];
	_ =	sdelay $0x1  }
0xa5: {  	v2 =	vadd.f32 v2, v4  }
0xa6: {  	v3 =	vadd.f32 v5, v3  }
0xa7: {  	v2 =	vadd.f32 v6, v2  }
0xa8: {  	v3 =	vadd.f32 v7, v3  }
0xa9: {  	v2 =	vmax.f32 v2, $0.0e+00  }
0xaa: {  	v3 =	vmax.f32 v3, $0.0e+00;
	[tilespmem:s25+$0xC340] =	vst.add.f32.msk $0xffff, v2  }
0xab: {  	[tilespmem:s26+$0xC340] =	vst.add.f32.msk $0xffff, v3  }
0xac: {  	v2 =	vld [tilespmem:s3+$0x3D0]  }
0xad: {  	v3 =	vld [tilespmem:s3+$0x4350]  }
0xae: {  	v4 =	vld [tilespmem:s3+$0x350]  }
0xaf: {  	v5 =	vld [tilespmem:s3+$0x43D0]  }
0xb0: {  	v6 =	vld [tilespmem:s3+$0x8350]  }
0xb1: {  	v7 =	vld [tilespmem:s3+$0x83D0];
	_ =	sdelay $0x1  }
0xb2: {  	v3 =	vadd.f32 v3, v4  }
0xb3: {  	v2 =	vadd.f32 v5, v2  }
0xb4: {  	v3 =	vadd.f32 v6, v3  }
0xb5: {  	v2 =	vadd.f32 v7, v2  }
0xb6: {  	v3 =	vmax.f32 v3, $0.0e+00  }
0xb7: {  	v2 =	vmax.f32 v2, $0.0e+00;
	[tilespmem:s25+$0xC350] =	vst.add.f32.msk $0xffff, v3  }
0xb8: {  	[tilespmem:s26+$0xC350] =	vst.add.f32.msk $0xffff, v2  }
0xb9: {  	v2 =	vld [tilespmem:s3+$0x360]  }
0xba: {  	v3 =	vld [tilespmem:s3+$0x4360];
	_ =	sdelay $0x1  }
0xbb: {  	v4 =	vld [tilespmem:s3+$0x8360];
	_ =	sdelay $0x1  }
0xbc: {  	v5 =	vld [tilespmem:s3+$0x3E0]  }
0xbd: {  	v6 =	vld [tilespmem:s3+$0x43E0];
	v2 =	vadd.f32 v3, v2;
	_ =	sdelay $0x1  }
0xbe: {  	v3 =	vadd.f32 v4, v2;
	v2 =	vld [tilespmem:s3+$0x83E0];
	_ =	sdelay $0x2  }
0xbf: {  	s1 =	simm.s32 $0x400;
	v4 =	vadd.f32 v6, v5;
	v3 =	vmax.f32 v3, $0.0e+00  }
.LBB2_5:
0xc0: {  	p0 =	sne.s32 s1, $0xFC00  }
0xc1: {  	v2 =	vadd.f32 v2, v4;
	s0 =	sadd.s32 $0x2, s0;
	s9 =	smov.u32 s1;
	s1 =	sadd.s32 $0x400, s1  }
0xc2: {  	_ = 	snop  }
0xc3: {  	v2 =	vmax.f32 v2, $0.0e+00;
	[tilespmem:s25+$0xC360] =	vst.add.f32.msk $0xffff, v3  }
0xc4: {  	[tilespmem:s26+$0xC360] =	vst.add.f32.msk $0xffff, v2  }
0xc5: {  	v2 =	vld [tilespmem:s3+$0x83F0]  }
0xc6: {  	v3 =	vld [tilespmem:s3+$0x43F0]  }
0xc7: {  	v4 =	vld [tilespmem:s3+$0x3F0]  }
0xc8: {  	v5 =	vld [tilespmem:s3+$0x370]  }
0xc9: {  	v6 =	vld [tilespmem:s3+$0x4370]  }
0xca: {  	v7 =	vld [tilespmem:s3+$0x8370];
	_ =	sdelay $0x1  }
0xcb: {  	v3 =	vadd.f32 v3, v4;
	_ =	sdelay $0x1  }
0xcc: {  	v4 =	vadd.f32 v6, v5;
	v2 =	vadd.f32 v2, v3;
	_ =	sdelay $0x1  }
0xcd: {  	v3 =	vadd.f32 v7, v4;
	_ =	sdelay $0x1  }
0xce: {  	v2 =	vmax.f32 v2, $0.0e+00;
	v3 =	vmax.f32 v3, $0.0e+00  }
0xcf: {  	[tilespmem:s25+$0xC370] =	vst.add.f32.msk $0xffff, v3  }
0xd0: {  	[tilespmem:s26+$0xC370] =	vst.add.f32.msk $0xffff, v2  }
0xd1: {  	v2 =	vld [tilespmem:s0+$0xFFFFFFFF]  }
0xd2: {  	v3 =	vld [tilespmem:s0+$0x0];
	_ =	sdelay $0x3  }
0xd3: {  	(v2sf) =	vpush v2, $0x0  }
0xd4: {  	(v2sf) =	vpush v3, $0x0;
	_ =	sdelay $0x3  }
0xd5: {  	s3 =	sshra.s32 s9, $0x2  }
0xd6: {  	v2 =	vld [tilespmem:s3+$0x4380]  }
0xd7: {  	v3 =	vld [tilespmem:s3+$0x4300]  }
0xd8: {  	v4 =	vld [tilespmem:s3+$0x300]  }
0xd9: {  	v5 =	vld [tilespmem:s3+$0x380]  }
0xda: {  	v6 =	vld [tilespmem:s3+$0x8300]  }
0xdb: {  	v7 =	vld [tilespmem:s3+$0x8380];
	_ =	sdelay $0x1  }
0xdc: {  	v3 =	vadd.f32 v3, v4  }
0xdd: {  	v2 =	vadd.f32 v2, v5  }
0xde: {  	v3 =	vadd.f32 v6, v3;
	s9 =	spop (v2sf)  }
0xdf: {  	v2 =	vadd.f32 v7, v2;
	s9 =	sshll.u32 s9, $0x9;
	s26 =	spop (v2sf)  }
0xe0: {  	v3 =	vmax.f32 v3, $0.0e+00;
	s25 =	sshra.s32 s9, $0x2;
	s9 =	sshll.u32 s26, $0x9  }
0xe1: {  	v2 =	vmax.f32 v2, $0.0e+00;
	[tilespmem:s25+$0xC300] =	vst.add.f32.msk $0xffff, v3;
	s26 =	sshra.s32 s9, $0x2  }
0xe2: {  	[tilespmem:s26+$0xC300] =	vst.add.f32.msk $0xffff, v2  }
0xe3: {  	v2 =	vld [tilespmem:s3+$0x8390]  }
0xe4: {  	v3 =	vld [tilespmem:s3+$0x310]  }
0xe5: {  	v4 =	vld [tilespmem:s3+$0x390]  }
0xe6: {  	v5 =	vld [tilespmem:s3+$0x4310]  }
0xe7: {  	v6 =	vld [tilespmem:s3+$0x4390]  }
0xe8: {  	v7 =	vld [tilespmem:s3+$0x8310];
	_ =	sdelay $0x2  }
0xe9: {  	v3 =	vadd.f32 v5, v3  }
0xea: {  	v4 =	vadd.f32 v6, v4  }
0xeb: {  	v3 =	vadd.f32 v7, v3  }
0xec: {  	v2 =	vadd.f32 v2, v4  }
0xed: {  	v3 =	vmax.f32 v3, $0.0e+00  }
0xee: {  	v2 =	vmax.f32 v2, $0.0e+00;
	[tilespmem:s25+$0xC310] =	vst.add.f32.msk $0xffff, v3  }
0xef: {  	[tilespmem:s26+$0xC310] =	vst.add.f32.msk $0xffff, v2  }
0xf0: {  	v2 =	vld [tilespmem:s3+$0x3A0]  }
0xf1: {  	v3 =	vld [tilespmem:s3+$0x4320]  }
0xf2: {  	v4 =	vld [tilespmem:s3+$0x320]  }
0xf3: {  	v5 =	vld [tilespmem:s3+$0x43A0]  }
0xf4: {  	v6 =	vld [tilespmem:s3+$0x8320]  }
0xf5: {  	v7 =	vld [tilespmem:s3+$0x83A0];
	_ =	sdelay $0x1  }
0xf6: {  	v3 =	vadd.f32 v3, v4  }
0xf7: {  	v2 =	vadd.f32 v5, v2  }
0xf8: {  	v3 =	vadd.f32 v6, v3  }
0xf9: {  	v2 =	vadd.f32 v7, v2  }
0xfa: {  	v3 =	vmax.f32 v3, $0.0e+00  }
0xfb: {  	v2 =	vmax.f32 v2, $0.0e+00;
	[tilespmem:s25+$0xC320] =	vst.add.f32.msk $0xffff, v3  }
0xfc: {  	[tilespmem:s26+$0xC320] =	vst.add.f32.msk $0xffff, v2  }
0xfd: {  	v2 =	vld [tilespmem:s3+$0x4330]  }
0xfe: {  	v3 =	vld [tilespmem:s3+$0x3B0]  }
0xff: {  	v4 =	vld [tilespmem:s3+$0x330]  }
0x100: {  	v5 =	vld [tilespmem:s3+$0x43B0]  }
0x101: {  	v6 =	vld [tilespmem:s3+$0x8330]  }
0x102: {  	v7 =	vld [tilespmem:s3+$0x83B0];
	_ =	sdelay $0x1  }
0x103: {  	v2 =	vadd.f32 v2, v4  }
0x104: {  	v3 =	vadd.f32 v5, v3  }
0x105: {  	v2 =	vadd.f32 v6, v2  }
0x106: {  	v3 =	vadd.f32 v7, v3  }
0x107: {  	v2 =	vmax.f32 v2, $0.0e+00  }
0x108: {  	v3 =	vmax.f32 v3, $0.0e+00;
	[tilespmem:s25+$0xC330] =	vst.add.f32.msk $0xffff, v2  }
0x109: {  	[tilespmem:s26+$0xC330] =	vst.add.f32.msk $0xffff, v3  }
0x10a: {  	v2 =	vld [tilespmem:s3+$0x4340]  }
0x10b: {  	v3 =	vld [tilespmem:s3+$0x3C0]  }
0x10c: {  	v4 =	vld [tilespmem:s3+$0x43C0]  }
0x10d: {  	v5 =	vld [tilespmem:s3+$0x340]  }
0x10e: {  	v6 =	vld [tilespmem:s3+$0x83C0]  }
0x10f: {  	v7 =	vld [tilespmem:s3+$0x8340];
	_ =	sdelay $0x1  }
0x110: {  	v3 =	vadd.f32 v4, v3  }
0x111: {  	v2 =	vadd.f32 v2, v5  }
0x112: {  	v3 =	vadd.f32 v6, v3  }
0x113: {  	v2 =	vadd.f32 v7, v2;
	_ =	sdelay $0x1  }
0x114: {  	v2 =	vmax.f32 v2, $0.0e+00  }
0x115: {  	v3 =	vmax.f32 v3, $0.0e+00;
	[tilespmem:s25+$0xC340] =	vst.add.f32.msk $0xffff, v2  }
0x116: {  	[tilespmem:s26+$0xC340] =	vst.add.f32.msk $0xffff, v3  }
0x117: {  	v2 =	vld [tilespmem:s3+$0x3D0]  }
0x118: {  	v3 =	vld [tilespmem:s3+$0x4350]  }
0x119: {  	v4 =	vld [tilespmem:s3+$0x350]  }
0x11a: {  	v5 =	vld [tilespmem:s3+$0x43D0]  }
0x11b: {  	v6 =	vld [tilespmem:s3+$0x8350]  }
0x11c: {  	v7 =	vld [tilespmem:s3+$0x83D0];
	_ =	sdelay $0x1  }
0x11d: {  	v3 =	vadd.f32 v3, v4  }
0x11e: {  	v2 =	vadd.f32 v5, v2  }
0x11f: {  	v3 =	vadd.f32 v6, v3  }
0x120: {  	v2 =	vadd.f32 v7, v2  }
0x121: {  	v3 =	vmax.f32 v3, $0.0e+00  }
0x122: {  	v2 =	vmax.f32 v2, $0.0e+00;
	[tilespmem:s25+$0xC350] =	vst.add.f32.msk $0xffff, v3  }
0x123: {  	[tilespmem:s26+$0xC350] =	vst.add.f32.msk $0xffff, v2  }
0x124: {  	v3 =	vld [tilespmem:s3+$0x360]  }
0x125: {  	v4 =	vld [tilespmem:s3+$0x4360]  }
0x126: {  	v5 =	vld [tilespmem:s3+$0x8360]  }
0x127: {  	v6 =	vld [tilespmem:s3+$0x3E0]  }
0x128: {  	v7 =	vld [tilespmem:s3+$0x43E0]  }
0x129: {  	v2 =	vld [tilespmem:s3+$0x83E0]  }
.Ltmp4:
0x12a: {  	v3 =	vadd.f32 v4, v3;
	(pc) =	sbr.rel @p0 .LBB2_5-.Ltmp4, $4  }
0x12b: {  	_ = 	snop  }
0x12c: {  	v3 =	vadd.f32 v5, v3  }
0x12d: {  	v4 =	vadd.f32 v7, v6  }
0x12e: {  	v3 =	vmax.f32 v3, $0.0e+00  }
0x12f: {  	v2 =	vadd.f32 v2, v4;
	_ =	sdelay $0x1  }
0x130: {  	[tilespmem:s25+$0xC360] =	vst.add.f32.msk $0xffff, v3;
	v2 =	vmax.f32 v2, $0.0e+00  }
0x131: {  	[tilespmem:s26+$0xC360] =	vst.add.f32.msk $0xffff, v2  }
0x132: {  	v2 =	vld [tilespmem:s3+$0x43F0]  }
0x133: {  	v3 =	vld [tilespmem:s3+$0x370]  }
0x134: {  	v63 =	vld [tilespmem:s3+$0x4370]  }
0x135: {  	v5 =	vld [tilespmem:s3+$0x3F0]  }
0x136: {  	v6 =	vld [tilespmem:s3+$0x8370]  }
0x137: {  	v7 =	vld [tilespmem:s3+$0x83F0];
	_ =	sdelay $0x1  }
0x138: {  	s31 =	sadd.s32 $0x1, s31;
	v3 =	vadd.f32 v63, v3  }
0x139: {  	p0 =	sne.s32 s31, s30;
	v2 =	vadd.f32 v2, v5  }
.Ltmp5:
0x13a: {  	v3 =	vadd.f32 v6, v3;
	(pc) =	sbr.rel @p0 .LBB2_4-.Ltmp5, $4  }
.Ltmp6:
0x13b: {  	v2 =	vadd.f32 v7, v2;
	(pc) =	sbr.rel @!p0 .LBB2_7-.Ltmp6, $4  }
0x13c: {  	v3 =	vmax.f32 v3, $0.0e+00  }
0x13d: {  	v2 =	vmax.f32 v2, $0.0e+00;
	[tilespmem:s25+$0xC370] =	vst.add.f32.msk $0xffff, v3  }
0x13e: {  	[tilespmem:s26+$0xC370] =	vst.add.f32.msk $0xffff, v2  }
0x13f: {  	_ = 	snop  }
.LBB2_8:
0x140: {  	_ =	sfence.sel $0x180000  }
0x141: {  	[bflag:$0x0] =	sbarrier.arrive $0xFFFF  }
0x142: {  	_ =	strace $0x90000050  }
0x143: {  	s0 =	stileid.u32;
	[bflag:$0x2] =	sbarrier.arrive $0xFFFF  }
0x144: {  	p0 =	sne.s32 s0, $0x0;
	s0 =	rddreg [dreg:$0x1]  }
0x145: {  	s0 =	sadd.s32 @!p0 $0x100000, s0  }
0x146: {  	[sflag:s0] =	ssyncadd.tile.s32 @!p0 $0x1;
	_ =	shalt  }
.Lfunc_end2:
_tile_overlayer_lowered:
.L_overlay_start_2:
0x147: {  	(tag) =	ssettag $0x2  }
0x148: {  	s0 =	rddreg [dreg:$0x0];
	s2 =	stileid.u32  }
0x149: {  	s1 =	rddreg [dreg:$0x1];
	p0 =	sne.s32 s2, $0x0  }
0x14a: {  	s3 =	rddreg [dreg:$0x2];
	[bflag:$0x3] =	sbarrier.arrive $0xFFFF;
	s2 =	simm.s32 @!p0 $0x1C04  }
0x14b: {  	[timem:s3], [sflag:s2] =	dma.local @!p0 [hbm:s0], s1  }
0x14c: {  	s0 =	simm.s32 @!p0 $0x4  }
0x14d: {  	_ =	swait.ge @!p0 [sflag:s0], s1  }
0x14e: {  	s1 =	ssub.s32 @!p0 $0x0, s1;
	[sflag:s0] =	ssyncset.done @!p0 $0x0  }
0x14f: {  	[sflag:s0] =	ssyncadd.s32 @!p0 s1  }
0x150: {  	[bflag:$0x3] =	sbarrier.arrive $0xFFFF  }
0x151: {  	_ =	shalt  }

</sc_bundles>
